<compile_context>
chip_gen: v7x
topology: tpu7x:2x2x1
jax: 0.10.2.dev20260603
libtpu: 0.0.44.dev20260713+nightly
codegen_flags: <defaults>
</compile_context>

<pallas_src>
import functools

import jax
import jax.numpy as jnp
from jax import lax
from jax.experimental import pallas as pl
from jax.experimental.pallas import tpu as pltpu
from jax.experimental.pallas import tpu_sc as plsc

B = 4096
DENSE = 13
OTHER = 24
BEH = 2
L = 50
ED = 16
VOCAB_BEH = 1000000
VOCAB_OTHER = 100000

NC, NS = 2, 16
NW = NC * NS
GL = 128
CG = 32

BEH_G = B * (L + 1) // GL
BEH_C = BEH_G // CG
SP_G = B * OTHER // GL
SP_C = SP_G // CG
SP_CPT = SP_C // OTHER


def _sc_gather_kernel(beh_tab, sp_tab, b0_idx, b1_idx, sp_idx,
                      b0_out, b1_out, sp_out, idx_v, rows_v, sem):
    wid = lax.axis_index("s") * NC + lax.axis_index("c")

    def gather_chunk(table, idx_hbm, out_hbm, cid):
        pltpu.sync_copy(idx_hbm.at[cid], idx_v)
        cps = [pltpu.async_copy(table.at[idx_v.at[j]], rows_v.at[j], sem)
               for j in range(CG)]
        for cp in cps:
            cp.wait()
        pltpu.sync_copy(rows_v, out_hbm.at[pl.ds(cid * CG, CG)])

    def run_job(get_table, idx_hbm, out_hbm, nchunk):
        def chunk(c):
            cid = wid + c * NW

            @pl.when(cid < nchunk)
            def _():
                gather_chunk(get_table(cid), idx_hbm, out_hbm, cid)

        trips = (nchunk + NW - 1) // NW
        if trips == 1:
            chunk(0)
        else:
            lax.fori_loop(0, trips, lambda c, _: (chunk(c), 0)[1], 0,
                          unroll=False)

    run_job(lambda cid: beh_tab.at[0], b0_idx, b0_out, BEH_C)
    run_job(lambda cid: beh_tab.at[1], b1_idx, b1_out, BEH_C)
    run_job(lambda cid: sp_tab.at[cid // SP_CPT], sp_idx, sp_out, SP_C)


@jax.jit
def _sc_gather(beh_tab, sp_tab, b0_idx, b1_idx, sp_idx):
    mesh = plsc.VectorSubcoreMesh(core_axis_name="c", subcore_axis_name="s",
                                  num_cores=NC, num_subcores=NS)
    return pl.kernel(
        _sc_gather_kernel,
        out_type=(
            jax.ShapeDtypeStruct((BEH_G, GL, ED), jnp.float32),
            jax.ShapeDtypeStruct((BEH_G, GL, ED), jnp.float32),
            jax.ShapeDtypeStruct((SP_G, GL, ED), jnp.float32),
        ),
        mesh=mesh,
        scratch_types=[
            pltpu.VMEM((CG, GL), jnp.int32),
            pltpu.VMEM((CG, GL, ED), jnp.float32),
            pltpu.SemaphoreType.DMA,
        ],
        compiler_params=pltpu.CompilerParams(use_tc_tiling_on_sc=False),
    )(beh_tab, sp_tab, b0_idx, b1_idx, sp_idx)


def _tc_dense_kernel(s0_ref, s1_ref, i0_ref, i1_ref, seq0_ref, dense_ref,
                     sp_ref,
                     w1_ref, b1_ref, a1_ref, w2_ref, b2_ref, a2_ref,
                     wf_ref, bf_ref,
                     g_u, g_i, g_d, g_s, be_u, be_i, be_d, be_s,
                     mu_u, mu_i, mu_d, mu_s, va_u, va_i, va_d, va_s,
                     f1u_ref, f1i_ref, f1d_ref, f1s_ref, fb1_ref, fa1_ref,
                     f2_ref, fb2_ref, fa2_ref, ow_ref, ob_ref, out_ref):
    bb = i0_ref.shape[1]
    seq = jnp.concatenate([s0_ref[...], s1_ref[...]], axis=-1)
    item = jnp.concatenate([i0_ref[0], i1_ref[0]], axis=-1)

    w1 = w1_ref[...]
    wq = w1[0:32] + w1[64:96]
    wk = w1[32:64] - w1[64:96]
    wqk = w1[96:128]

    def prelu(x, a):
        return jnp.where(x >= 0, x, a * x)

    hq = jnp.dot(item, wq, preferred_element_type=jnp.float32) + b1_ref[...]
    sf = seq.reshape(L * bb, 32)
    xf = (item[None, :, :] * seq).reshape(L * bb, 32)
    h = (jnp.broadcast_to(hq[None], (L, bb, 80)).reshape(L * bb, 80)
         + jnp.dot(sf, wk, preferred_element_type=jnp.float32)
         + jnp.dot(xf, wqk, preferred_element_type=jnp.float32))
    h = prelu(h, a1_ref[...])
    h = prelu(jnp.dot(h, w2_ref[...], preferred_element_type=jnp.float32)
              + b2_ref[...], a2_ref[...])
    scores = (h.reshape(L, bb, 40) * wf_ref[...]).sum(axis=-1) + bf_ref[0, 0]

    neg = jnp.float32(-2.0 ** 32 + 1.0)
    scores = jnp.where(seq0_ref[...] == 0, neg, scores)
    m = jnp.max(scores, axis=0, keepdims=True)
    e = jnp.exp(scores - m)
    w = e / jnp.sum(e, axis=0, keepdims=True)

    user = (w[:, :, None] * seq).sum(axis=0)

    def bn(x, g, be, mu, va):
        return (x - mu[...]) * lax.rsqrt(va[...] + 1e-3) * g[...] + be[...]

    xu = bn(user, g_u, be_u, mu_u, va_u)
    xi = bn(item, g_i, be_i, mu_i, va_i)
    xd = bn(dense_ref[...], g_d, be_d, mu_d, va_d)
    xs = bn(sp_ref[...], g_s, be_s, mu_s, va_s)

    x = (jnp.dot(xu, f1u_ref[...], preferred_element_type=jnp.float32)
         + jnp.dot(xi, f1i_ref[...], preferred_element_type=jnp.float32)
         + jnp.dot(xd, f1d_ref[...], preferred_element_type=jnp.float32)
         + fb1_ref[...])
    for k in range(OTHER):
        x = x + jnp.dot(xs[k], f1s_ref[k],
                        preferred_element_type=jnp.float32)
    x = prelu(x, fa1_ref[...])
    x = prelu(jnp.dot(x, f2_ref[...], preferred_element_type=jnp.float32)
              + fb2_ref[...], fa2_ref[...])
    logit = (x * ow_ref[...]).sum(axis=-1, keepdims=True) + ob_ref[0, 0]
    out_ref[...] = 1.0 / (1.0 + jnp.exp(-logit))


def _tc_dense(bb, b0, b1, seq0, dense, sp, params):
    nblk = B // bb
    full = lambda shape: pl.BlockSpec(shape, lambda i, s=shape: (0,) * len(s))
    in_specs = [
        pl.BlockSpec((L, bb, ED), lambda i: (0, i, 0)),
        pl.BlockSpec((L, bb, ED), lambda i: (0, i, 0)),
        pl.BlockSpec((1, bb, ED), lambda i: (L, i, 0)),
        pl.BlockSpec((1, bb, ED), lambda i: (L, i, 0)),
        pl.BlockSpec((L, bb), lambda i: (0, i)),
        pl.BlockSpec((bb, DENSE), lambda i: (i, 0)),
        pl.BlockSpec((OTHER, bb, ED), lambda i: (0, i, 0)),
    ] + [full(p.shape) for p in params]
    return pl.pallas_call(
        _tc_dense_kernel,
        grid=(nblk,),
        in_specs=in_specs,
        out_specs=pl.BlockSpec((bb, 1), lambda i: (i, 0)),
        out_shape=jax.ShapeDtypeStruct((B, 1), jnp.float32),
        compiler_params=pltpu.CompilerParams(
            dimension_semantics=("arbitrary",)),
    )(b0, b1, b0, b1, seq0, dense, sp, *params)


def kernel(dense_inputs, sparse_inputs, seq_inputs, item_inputs,
           sparse_tables, behavior_tables, att_W1, att_b1, att_a1,
           att_W2, att_b2, att_a2, att_Wf, att_bf, bn_gamma, bn_beta,
           bn_mean, bn_var, ffn_W1, ffn_b1, ffn_a1, ffn_W2, ffn_b2,
           ffn_a2, out_W, out_b):
    b0_idx = jnp.concatenate(
        [seq_inputs[:, :, 0].T.reshape(-1), item_inputs[:, 0]]
    ).reshape(BEH_C, CG, GL)
    b1_idx = jnp.concatenate(
        [seq_inputs[:, :, 1].T.reshape(-1), item_inputs[:, 1]]
    ).reshape(BEH_C, CG, GL)
    sp_idx = sparse_inputs.T.reshape(SP_C, CG, GL)

    b0_rows, b1_rows, sp_rows = _sc_gather(
        behavior_tables, sparse_tables, b0_idx, b1_idx, sp_idx)
    b0 = b0_rows.reshape(L + 1, B, ED)
    b1 = b1_rows.reshape(L + 1, B, ED)
    sp_e = sp_rows.reshape(OTHER, B, ED)

    seq0 = seq_inputs[:, :, 0].T

    r1 = lambda v: v.reshape(1, -1)
    o_u, o_i, o_d = 0, 32, 64
    o_s, o_e = 64 + DENSE, 64 + DENSE + OTHER * ED
    sl = lambda v: (r1(v[o_u:o_i]), r1(v[o_i:o_d]), r1(v[o_d:o_s]),
                    v[o_s:o_e].reshape(OTHER, 1, ED))
    g4, be4, mu4, va4 = sl(bn_gamma), sl(bn_beta), sl(bn_mean), sl(bn_var)

    params = (att_W1, r1(att_b1), r1(att_a1), att_W2, r1(att_b2),
              r1(att_a2), att_Wf.reshape(1, 1, 40), r1(att_bf),
              *g4, *be4, *mu4, *va4,
              ffn_W1[o_u:o_i], ffn_W1[o_i:o_d], ffn_W1[o_d:o_s],
              ffn_W1[o_s:o_e].reshape(OTHER, ED, 80), r1(ffn_b1),
              r1(ffn_a1), ffn_W2, r1(ffn_b2), r1(ffn_a2),
              out_W.reshape(1, 40), r1(out_b))
    return _tc_dense(256, b0, b1, seq0, dense_inputs, sp_e, params)

# --- scband reference (transcript-rebuilt; emitter-appended) ---
"""Pipeline reference for scband-din-42760694399052 (READ-ONLY COPY).

The authoritative reference and input builder live on the scoring server;
editing this copy changes nothing except your own understanding.
"""

import jax, jax.numpy as jnp
import numpy as np

B = 4096
DENSE = 13
OTHER = 24
BEH = 2
L = 50
ED = 16
VOCAB_BEH = 1000000
VOCAB_OTHER = 100000
D_ALL = 2 * BEH * ED + DENSE + OTHER * ED  # 461
ATT_IN = 4 * BEH * ED  # 128


def prelu(x, a):
    return jnp.where(x >= 0, x, a * x)


def setup_inputs(seed: int = 0) -> dict:
    key = jax.random.key(seed)
    ks = jax.random.split(key, 16)
    inp = {}
    inp['dense_inputs'] = jax.random.normal(ks[0], (B, DENSE), dtype=jnp.float32)
    inp['sparse_inputs'] = jax.random.randint(ks[1], (B, OTHER), 0, VOCAB_OTHER, dtype=jnp.int32)
    inp['seq_inputs'] = jax.random.randint(ks[2], (B, L, BEH), 0, VOCAB_BEH, dtype=jnp.int32)
    inp['item_inputs'] = jax.random.randint(ks[3], (B, BEH), 0, VOCAB_BEH, dtype=jnp.int32)
    inp['sparse_tables'] = jax.random.uniform(ks[4], (OTHER, VOCAB_OTHER, ED), jnp.float32, -0.05, 0.05)
    inp['behavior_tables'] = jax.random.uniform(ks[5], (BEH, VOCAB_BEH, ED), jnp.float32, -0.05, 0.05)
    inp['att_W1'] = jax.random.normal(ks[6], (ATT_IN, 80), dtype=jnp.float32) * 0.05
    inp['att_b1'] = jnp.zeros((80,), jnp.float32)
    inp['att_a1'] = jnp.full((80,), 0.25, jnp.float32)
    inp['att_W2'] = jax.random.normal(ks[7], (80, 40), dtype=jnp.float32) * 0.05
    inp['att_b2'] = jnp.zeros((40,), jnp.float32)
    inp['att_a2'] = jnp.full((40,), 0.25, jnp.float32)
    inp['att_Wf'] = jax.random.normal(ks[8], (40, 1), dtype=jnp.float32) * 0.05
    inp['att_bf'] = jnp.zeros((1,), jnp.float32)
    inp['bn_gamma'] = jnp.ones((D_ALL,), jnp.float32)
    inp['bn_beta'] = jnp.zeros((D_ALL,), jnp.float32)
    inp['bn_mean'] = jnp.zeros((D_ALL,), jnp.float32)
    inp['bn_var'] = jnp.ones((D_ALL,), jnp.float32)
    inp['ffn_W1'] = jax.random.normal(ks[9], (D_ALL, 80), dtype=jnp.float32) * 0.05
    inp['ffn_b1'] = jnp.zeros((80,), jnp.float32)
    inp['ffn_a1'] = jnp.full((80,), 0.25, jnp.float32)
    inp['ffn_W2'] = jax.random.normal(ks[10], (80, 40), dtype=jnp.float32) * 0.05
    inp['ffn_b2'] = jnp.zeros((40,), jnp.float32)
    inp['ffn_a2'] = jnp.full((40,), 0.25, jnp.float32)
    inp['out_W'] = jax.random.normal(ks[11], (40, 1), dtype=jnp.float32) * 0.05
    inp['out_b'] = jnp.zeros((1,), jnp.float32)
    return inp


def reference(dense_inputs, sparse_inputs, seq_inputs, item_inputs, sparse_tables, behavior_tables, att_W1, att_b1, att_a1, att_W2, att_b2, att_a2, att_Wf, att_bf, bn_gamma, bn_beta, bn_mean, bn_var, ffn_W1, ffn_b1, ffn_a1, ffn_W2, ffn_b2, ffn_a2, out_W, out_b):
    mask = (seq_inputs[:, :, 0] != 0).astype(jnp.float32)
    other_embeds = [jnp.take(sparse_tables[i], sparse_inputs[:, i], axis=0) for i in range(OTHER)]
    other_info = jnp.concatenate([dense_inputs] + other_embeds, axis=-1)
    seq_embed = jnp.concatenate([jnp.take(behavior_tables[i], seq_inputs[:, :, i], axis=0) for i in range(BEH)], axis=-1)
    item_embed = jnp.concatenate([jnp.take(behavior_tables[i], item_inputs[:, i], axis=0) for i in range(BEH)], axis=-1)
    # DIN local activation unit: q tiled over time, concat [q, k, q-k, q*k]
    q = jnp.tile(item_embed[:, None, :], (1, L, 1))
    info = jnp.concatenate([q, seq_embed, q - seq_embed, q * seq_embed], axis=-1)
    h = prelu(info @ att_W1 + att_b1, att_a1)
    h = prelu(h @ att_W2 + att_b2, att_a2)
    scores = (h @ att_Wf + att_bf)[:, :, 0]
    scores = jnp.where(mask == 0.0, jnp.full_like(scores, -2.0 ** 32 + 1.0), scores)
    weights = jax.nn.softmax(scores, axis=-1)
    user_info = jnp.einsum('bt,btd->bd', weights, seq_embed)
    info_all = jnp.concatenate([user_info, item_embed, other_info], axis=-1)
    info_all = (info_all - bn_mean) / jnp.sqrt(bn_var + 1e-3) * bn_gamma + bn_beta
    x = prelu(info_all @ ffn_W1 + ffn_b1, ffn_a1)
    x = prelu(x @ ffn_W2 + ffn_b2, ffn_a2)
    return jax.nn.sigmoid(x @ out_W + out_b)

if __name__ == "__main__":
    import jax
    _d = setup_inputs()
    print(jax.jit(kernel)(*tuple(_d.values())))

</pallas_src>

<mosaic_0001>
#map = affine_map<(d0, d1) -> (0, 0, 0)>
module attributes {stable_mosaic.version = 14 : i64} {
  func.func @_sc_gather_kernel(%arg0: i32, %arg1: i32, %arg2: memref<2x1000000x16xf32, #tpu.memory_space<hbm>>, %arg3: memref<24x100000x16xf32, #tpu.memory_space<hbm>>, %arg4: memref<51x32x128xi32, #tpu.memory_space<hbm>>, %arg5: memref<51x32x128xi32, #tpu.memory_space<hbm>>, %arg6: memref<24x32x128xi32, #tpu.memory_space<hbm>>, %arg7: memref<1632x128x16xf32, #tpu.memory_space<hbm>>, %arg8: memref<1632x128x16xf32, #tpu.memory_space<hbm>>, %arg9: memref<768x128x16xf32, #tpu.memory_space<hbm>>, %arg10: memref<32x128xi32, #tpu.memory_space<vmem>>, %arg11: memref<32x128x16xf32, #tpu.memory_space<vmem>>, %arg12: memref<!tpu.dma_semaphore, #tpu.memory_space<semaphore_mem>>) attributes {dimension_semantics = [#tpu.dimension_semantics<core_parallel>, #tpu.dimension_semantics<subcore_parallel>], iteration_bounds = array<i64: 2, 16>, scalar_prefetch = 0 : i64, scratch_operands = 3 : i64, tpu.core_type = #tpu.core_type<sc_vector_subcore>, window_params = [{transform_indices = #map}, {transform_indices = #map}, {transform_indices = #map}, {transform_indices = #map}, {transform_indices = #map}, {transform_indices = #map}, {transform_indices = #map}, {transform_indices = #map}]} {
    %mul3A = arith.constant 2 : i32
    %mul3A_0 = arith.muli %arg1, %mul3A : i32
    %add3A = arith.addi %mul3A_0, %arg0 : i32
    %scan3A = arith.constant 0 : i32
    %scan3A_1 = arith.constant 0 : i32
    %scan3A_2 = arith.constant 2 : i32
    %scan3A_3 = arith.addi %scan3A_1, %scan3A_2 : i32
    %scan3A_4 = arith.constant 1 : i32
    %scan3A_5 = scf.for %scan3A_18 = %scan3A_1 to %scan3A_3 step %scan3A_4 iter_args(%scan3A_19 = %scan3A) -> (i32)  : i32 {
      %mul3A_20 = arith.constant 32 : i32
      %mul3A_21 = arith.muli %scan3A_18, %mul3A_20 : i32
      %add3A_22 = arith.addi %add3A, %mul3A_21 : i32
      %lt3A_23 = arith.constant 51 : i32
      %lt3A_24 = arith.cmpi slt, %add3A_22, %lt3A_23 : i32
      %convert_element_type3A_25 = arith.extui %lt3A_24 : i1 to i32
      %cond3A_26 = arith.constant 0 : i32
      %cond3A_27 = arith.cmpi ne, %convert_element_type3A_25, %cond3A_26 : i32
      scf.if %cond3A_27 {
        "tpu.region"() ({
          %run_scoped3A = tpu.sem_alloc : memref<!tpu.dma_semaphore, #tpu.memory_space<semaphore_mem>>
          %dma_start3A_1117 = arith.constant 0 : i32
          %dma_start3A_1118 = arith.constant 0 : i32
          %dma_start3A_1119 = tpu.memref_slice %arg4[%add3A_22, %dma_start3A_1117, %dma_start3A_1118] : memref<51x32x128xi32, #tpu.memory_space<hbm>> -> memref<1x32x128xi32, #tpu.memory_space<hbm>>
          %dma_start3A_1120 = tpu.memref_squeeze %dma_start3A_1119 : memref<1x32x128xi32, #tpu.memory_space<hbm>> -> memref<32x128xi32, #tpu.memory_space<hbm>>
          %dma_start3A_1121 = arith.constant 0 : i32
          %dma_start3A_1122 = arith.constant 0 : i32
          %dma_start3A_1123 = tpu.memref_slice %arg4[%add3A_22, %dma_start3A_1121, %dma_start3A_1122] : memref<51x32x128xi32, #tpu.memory_space<hbm>> -> memref<1x32x128xi32, #tpu.memory_space<hbm>>
          %dma_start3A_1124 = tpu.memref_squeeze %dma_start3A_1123 : memref<1x32x128xi32, #tpu.memory_space<hbm>> -> memref<32x128xi32, #tpu.memory_space<hbm>>
          tpu.enqueue_dma source(%dma_start3A_1124 : memref<32x128xi32, #tpu.memory_space<hbm>>) target(%arg10 : memref<32x128xi32, #tpu.memory_space<vmem>>) target_semaphore(%run_scoped3A : memref<!tpu.dma_semaphore, #tpu.memory_space<semaphore_mem>>)
          %dma_wait3A_1125 = arith.constant 0 : i32
          %dma_wait3A_1126 = arith.constant 0 : i32
          %dma_wait3A_1127 = tpu.memref_slice %arg4[%add3A_22, %dma_wait3A_1125, %dma_wait3A_1126] : memref<51x32x128xi32, #tpu.memory_space<hbm>> -> memref<1x32x128xi32, #tpu.memory_space<hbm>>
          %dma_wait3A_1128 = tpu.memref_squeeze %dma_wait3A_1127 : memref<1x32x128xi32, #tpu.memory_space<hbm>> -> memref<32x128xi32, #tpu.memory_space<hbm>>
          %dma_wait3A_1129 = arith.constant 0 : i32
          %dma_wait3A_1130 = arith.constant 0 : i32
          %dma_wait3A_1131 = tpu.memref_slice %arg4[%add3A_22, %dma_wait3A_1129, %dma_wait3A_1130] : memref<51x32x128xi32, #tpu.memory_space<hbm>> -> memref<1x32x128xi32, #tpu.memory_space<hbm>>
          %dma_wait3A_1132 = tpu.memref_squeeze %dma_wait3A_1131 : memref<1x32x128xi32, #tpu.memory_space<hbm>> -> memref<32x128xi32, #tpu.memory_space<hbm>>
          tpu.wait_dma2 semaphore(%run_scoped3A : memref<!tpu.dma_semaphore, #tpu.memory_space<semaphore_mem>>) src(%dma_wait3A_1132 : memref<32x128xi32, #tpu.memory_space<hbm>>) dst(%arg10 : memref<32x128xi32, #tpu.memory_space<vmem>>)
          tpu.yield
        }) : () -> ()
        %dma_start3A = arith.constant 0 : i32
        %dma_start3A_29 = arith.constant 0 : i32
        %dma_start3A_30 = arith.constant 0 : i32
        %dma_start3A_31 = arith.constant 0 : i32
        %dma_start3A_32 = arith.constant 0 : i32
        %dma_start3A_33 = tpu.memref_slice %arg11[%dma_start3A_30, %dma_start3A_31, %dma_start3A_32] : memref<32x128x16xf32, #tpu.memory_space<vmem>> -> memref<1x128x16xf32, #tpu.memory_space<vmem>>
        %dma_start3A_34 = tpu.memref_squeeze %dma_start3A_33 : memref<1x128x16xf32, #tpu.memory_space<vmem>> -> memref<128x16xf32, #tpu.memory_space<vmem>>
        %dma_start3A_35 = arith.constant 0 : i32
        %dma_start3A_36 = tpu.memref_slice %arg10[%dma_start3A_29, %dma_start3A_35] : memref<32x128xi32, #tpu.memory_space<vmem>> -> memref<1x128xi32, #tpu.memory_space<vmem>>
        %dma_start3A_37 = tpu.memref_squeeze %dma_start3A_36 : memref<1x128xi32, #tpu.memory_space<vmem>> -> memref<128xi32, #tpu.memory_space<vmem>>
        %dma_start3A_38 = arith.constant 0 : i32
        %dma_start3A_39 = arith.constant 0 : i32
        %dma_start3A_40 = tpu.memref_slice %arg2[%dma_start3A, %dma_start3A_38, %dma_start3A_39] : memref<2x1000000x16xf32, #tpu.memory_space<hbm>> -> memref<1x1000000x16xf32, #tpu.memory_space<hbm>>
        %dma_start3A_41 = tpu.memref_squeeze %dma_start3A_40 : memref<1x1000000x16xf32, #tpu.memory_space<hbm>> -> memref<1000000x16xf32, #tpu.memory_space<hbm>>
        %dma_start3A_42 = arith.constant 0 : i32
        %dma_start3A_43 = arith.constant 0 : i32
        %dma_start3A_44 = tpu.memref_slice %dma_start3A_41[%dma_start3A_42, %dma_start3A_43] : memref<1000000x16xf32, #tpu.memory_space<hbm>> -> memref<1000000x16xf32, #tpu.memory_space<hbm>>
        tpu.enqueue_indirect_dma source(%dma_start3A_44 : memref<1000000x16xf32, #tpu.memory_space<hbm>>) target(%dma_start3A_34 : memref<128x16xf32, #tpu.memory_space<vmem>>) offsets(%dma_start3A_37 : memref<128xi32, #tpu.memory_space<vmem>>) semaphore(%arg12 : memref<!tpu.dma_semaphore, #tpu.memory_space<semaphore_mem>>)
        %dma_start3A_45 = arith.constant 0 : i32
        %dma_start3A_46 = arith.constant 1 : i32
        %dma_start3A_47 = arith.constant 1 : i32
        %dma_start3A_48 = arith.constant 0 : i32
        %dma_start3A_49 = arith.constant 0 : i32
        %dma_start3A_50 = tpu.memref_slice %arg11[%dma_start3A_47, %dma_start3A_48, %dma_start3A_49] : memref<32x128x16xf32, #tpu.memory_space<vmem>> -> memref<1x128x16xf32, #tpu.memory_space<vmem>>
        %dma_start3A_51 = tpu.memref_squeeze %dma_start3A_50 : memref<1x128x16xf32, #tpu.memory_space<vmem>> -> memref<128x16xf32, #tpu.memory_space<vmem>>
        %dma_start3A_52 = arith.constant 0 : i32
        %dma_start3A_53 = tpu.memref_slice %arg10[%dma_start3A_46, %dma_start3A_52] : memref<32x128xi32, #tpu.memory_space<vmem>> -> memref<1x128xi32, #tpu.memory_space<vmem>>
        %dma_start3A_54 = tpu.memref_squeeze %dma_start3A_53 : memref<1x128xi32, #tpu.memory_space<vmem>> -> memref<128xi32, #tpu.memory_space<vmem>>
        %dma_start3A_55 = arith.constant 0 : i32
        %dma_start3A_56 = arith.constant 0 : i32
        %dma_start3A_57 = tpu.memref_slice %arg2[%dma_start3A_45, %dma_start3A_55, %dma_start3A_56] : memref<2x1000000x16xf32, #tpu.memory_space<hbm>> -> memref<1x1000000x16xf32, #tpu.memory_space<hbm>>
        %dma_start3A_58 = tpu.memref_squeeze %dma_start3A_57 : memref<1x1000000x16xf32, #tpu.memory_space<hbm>> -> memref<1000000x16xf32, #tpu.memory_space<hbm>>
        %dma_start3A_59 = arith.constant 0 : i32
        %dma_start3A_60 = arith.constant 0 : i32
        %dma_start3A_61 = tpu.memref_slice %dma_start3A_58[%dma_start3A_59, %dma_start3A_60] : memref<1000000x16xf32, #tpu.memory_space<hbm>> -> memref<1000000x16xf32, #tpu.memory_space<hbm>>
        tpu.enqueue_indirect_dma source(%dma_start3A_61 : memref<1000000x16xf32, #tpu.memory_space<hbm>>) target(%dma_start3A_51 : memref<128x16xf32, #tpu.memory_space<vmem>>) offsets(%dma_start3A_54 : memref<128xi32, #tpu.memory_space<vmem>>) semaphore(%arg12 : memref<!tpu.dma_semaphore, #tpu.memory_space<semaphore_mem>>)
        %dma_start3A_62 = arith.constant 0 : i32
        %dma_start3A_63 = arith.constant 2 : i32
        %dma_start3A_64 = arith.constant 2 : i32
        %dma_start3A_65 = arith.constant 0 : i32
        %dma_start3A_66 = arith.constant 0 : i32
        %dma_start3A_67 = tpu.memref_slice %arg11[%dma_start3A_64, %dma_start3A_65, %dma_start3A_66] : memref<32x128x16xf32, #tpu.memory_space<vmem>> -> memref<1x128x16xf32, #tpu.memory_space<vmem>>
        %dma_start3A_68 = tpu.memref_squeeze %dma_start3A_67 : memref<1x128x16xf32, #tpu.memory_space<vmem>> -> memref<128x16xf32, #tpu.memory_space<vmem>>
        %dma_start3A_69 = arith.constant 0 : i32
        %dma_start3A_70 = tpu.memref_slice %arg10[%dma_start3A_63, %dma_start3A_69] : memref<32x128xi32, #tpu.memory_space<vmem>> -> memref<1x128xi32, #tpu.memory_space<vmem>>
        %dma_start3A_71 = tpu.memref_squeeze %dma_start3A_70 : memref<1x128xi32, #tpu.memory_space<vmem>> -> memref<128xi32, #tpu.memory_space<vmem>>
        %dma_start3A_72 = arith.constant 0 : i32
        %dma_start3A_73 = arith.constant 0 : i32
        %dma_start3A_74 = tpu.memref_slice %arg2[%dma_start3A_62, %dma_start3A_72, %dma_start3A_73] : memref<2x1000000x16xf32, #tpu.memory_space<hbm>> -> memref<1x1000000x16xf32, #tpu.memory_space<hbm>>
        %dma_start3A_75 = tpu.memref_squeeze %dma_start3A_74 : memref<1x1000000x16xf32, #tpu.memory_space<hbm>> -> memref<1000000x16xf32, #tpu.memory_space<hbm>>
        %dma_start3A_76 = arith.constant 0 : i32
        %dma_start3A_77 = arith.constant 0 : i32
        %dma_start3A_78 = tpu.memref_slice %dma_start3A_75[%dma_start3A_76, %dma_start3A_77] : memref<1000000x16xf32, #tpu.memory_space<hbm>> -> memref<1000000x16xf32, #tpu.memory_space<hbm>>
        tpu.enqueue_indirect_dma source(%dma_start3A_78 : memref<1000000x16xf32, #tpu.memory_space<hbm>>) target(%dma_start3A_68 : memref<128x16xf32, #tpu.memory_space<vmem>>) offsets(%dma_start3A_71 : memref<128xi32, #tpu.memory_space<vmem>>) semaphore(%arg12 : memref<!tpu.dma_semaphore, #tpu.memory_space<semaphore_mem>>)
        %dma_start3A_79 = arith.constant 0 : i32
        %dma_start3A_80 = arith.constant 3 : i32
        %dma_start3A_81 = arith.constant 3 : i32
        %dma_start3A_82 = arith.constant 0 : i32
        %dma_start3A_83 = arith.constant 0 : i32
        %dma_start3A_84 = tpu.memref_slice %arg11[%dma_start3A_81, %dma_start3A_82, %dma_start3A_83] : memref<32x128x16xf32, #tpu.memory_space<vmem>> -> memref<1x128x16xf32, #tpu.memory_space<vmem>>
        %dma_start3A_85 = tpu.memref_squeeze %dma_start3A_84 : memref<1x128x16xf32, #tpu.memory_space<vmem>> -> memref<128x16xf32, #tpu.memory_space<vmem>>
        %dma_start3A_86 = arith.constant 0 : i32
        %dma_start3A_87 = tpu.memref_slice %arg10[%dma_start3A_80, %dma_start3A_86] : memref<32x128xi32, #tpu.memory_space<vmem>> -> memref<1x128xi32, #tpu.memory_space<vmem>>
        %dma_start3A_88 = tpu.memref_squeeze %dma_start3A_87 : memref<1x128xi32, #tpu.memory_space<vmem>> -> memref<128xi32, #tpu.memory_space<vmem>>
        %dma_start3A_89 = arith.constant 0 : i32
        %dma_start3A_90 = arith.constant 0 : i32
        %dma_start3A_91 = tpu.memref_slice %arg2[%dma_start3A_79, %dma_start3A_89, %dma_start3A_90] : memref<2x1000000x16xf32, #tpu.memory_space<hbm>> -> memref<1x1000000x16xf32, #tpu.memory_space<hbm>>
        %dma_start3A_92 = tpu.memref_squeeze %dma_start3A_91 : memref<1x1000000x16xf32, #tpu.memory_space<hbm>> -> memref<1000000x16xf32, #tpu.memory_space<hbm>>
        %dma_start3A_93 = arith.constant 0 : i32
        %dma_start3A_94 = arith.constant 0 : i32
        %dma_start3A_95 = tpu.memref_slice %dma_start3A_92[%dma_start3A_93, %dma_start3A_94] : memref<1000000x16xf32, #tpu.memory_space<hbm>> -> memref<1000000x16xf32, #tpu.memory_space<hbm>>
        tpu.enqueue_indirect_dma source(%dma_start3A_95 : memref<1000000x16xf32, #tpu.memory_space<hbm>>) target(%dma_start3A_85 : memref<128x16xf32, #tpu.memory_space<vmem>>) offsets(%dma_start3A_88 : memref<128xi32, #tpu.memory_space<vmem>>) semaphore(%arg12 : memref<!tpu.dma_semaphore, #tpu.memory_space<semaphore_mem>>)
        %dma_start3A_96 = arith.constant 0 : i32
        %dma_start3A_97 = arith.constant 4 : i32
        %dma_start3A_98 = arith.constant 4 : i32
        %dma_start3A_99 = arith.constant 0 : i32
        %dma_start3A_100 = arith.constant 0 : i32
        %dma_start3A_101 = tpu.memref_slice %arg11[%dma_start3A_98, %dma_start3A_99, %dma_start3A_100] : memref<32x128x16xf32, #tpu.memory_space<vmem>> -> memref<1x128x16xf32, #tpu.memory_space<vmem>>
        %dma_start3A_102 = tpu.memref_squeeze %dma_start3A_101 : memref<1x128x16xf32, #tpu.memory_space<vmem>> -> memref<128x16xf32, #tpu.memory_space<vmem>>
        %dma_start3A_103 = arith.constant 0 : i32
        %dma_start3A_104 = tpu.memref_slice %arg10[%dma_start3A_97, %dma_start3A_103] : memref<32x128xi32, #tpu.memory_space<vmem>> -> memref<1x128xi32, #tpu.memory_space<vmem>>
        %dma_start3A_105 = tpu.memref_squeeze %dma_start3A_104 : memref<1x128xi32, #tpu.memory_space<vmem>> -> memref<128xi32, #tpu.memory_space<vmem>>
        %dma_start3A_106 = arith.constant 0 : i32
        %dma_start3A_107 = arith.constant 0 : i32
        %dma_start3A_108 = tpu.memref_slice %arg2[%dma_start3A_96, %dma_start3A_106, %dma_start3A_107] : memref<2x1000000x16xf32, #tpu.memory_space<hbm>> -> memref<1x1000000x16xf32, #tpu.memory_space<hbm>>
        %dma_start3A_109 = tpu.memref_squeeze %dma_start3A_108 : memref<1x1000000x16xf32, #tpu.memory_space<hbm>> -> memref<1000000x16xf32, #tpu.memory_space<hbm>>
        %dma_start3A_110 = arith.constant 0 : i32
        %dma_start3A_111 = arith.constant 0 : i32
        %dma_start3A_112 = tpu.memref_slice %dma_start3A_109[%dma_start3A_110, %dma_start3A_111] : memref<1000000x16xf32, #tpu.memory_space<hbm>> -> memref<1000000x16xf32, #tpu.memory_space<hbm>>
        tpu.enqueue_indirect_dma source(%dma_start3A_112 : memref<1000000x16xf32, #tpu.memory_space<hbm>>) target(%dma_start3A_102 : memref<128x16xf32, #tpu.memory_space<vmem>>) offsets(%dma_start3A_105 : memref<128xi32, #tpu.memory_space<vmem>>) semaphore(%arg12 : memref<!tpu.dma_semaphore, #tpu.memory_space<semaphore_mem>>)
        %dma_start3A_113 = arith.constant 0 : i32
        %dma_start3A_114 = arith.constant 5 : i32
        %dma_start3A_115 = arith.constant 5 : i32
        %dma_start3A_116 = arith.constant 0 : i32
        %dma_start3A_117 = arith.constant 0 : i32
        %dma_start3A_118 = tpu.memref_slice %arg11[%dma_start3A_115, %dma_start3A_116, %dma_start3A_117] : memref<32x128x16xf32, #tpu.memory_space<vmem>> -> memref<1x128x16xf32, #tpu.memory_space<vmem>>
        %dma_start3A_119 = tpu.memref_squeeze %dma_start3A_118 : memref<1x128x16xf32, #tpu.memory_space<vmem>> -> memref<128x16xf32, #tpu.memory_space<vmem>>
        %dma_start3A_120 = arith.constant 0 : i32
        %dma_start3A_121 = tpu.memref_slice %arg10[%dma_start3A_114, %dma_start3A_120] : memref<32x128xi32, #tpu.memory_space<vmem>> -> memref<1x128xi32, #tpu.memory_space<vmem>>
        %dma_start3A_122 = tpu.memref_squeeze %dma_start3A_121 : memref<1x128xi32, #tpu.memory_space<vmem>> -> memref<128xi32, #tpu.memory_space<vmem>>
        %dma_start3A_123 = arith.constant 0 : i32
        %dma_start3A_124 = arith.constant 0 : i32
        %dma_start3A_125 = tpu.memref_slice %arg2[%dma_start3A_113, %dma_start3A_123, %dma_start3A_124] : memref<2x1000000x16xf32, #tpu.memory_space<hbm>> -> memref<1x1000000x16xf32, #tpu.memory_space<hbm>>
        %dma_start3A_126 = tpu.memref_squeeze %dma_start3A_125 : memref<1x1000000x16xf32, #tpu.memory_space<hbm>> -> memref<1000000x16xf32, #tpu.memory_space<hbm>>
        %dma_start3A_127 = arith.constant 0 : i32
        %dma_start3A_128 = arith.constant 0 : i32
        %dma_start3A_129 = tpu.memref_slice %dma_start3A_126[%dma_start3A_127, %dma_start3A_128] : memref<1000000x16xf32, #tpu.memory_space<hbm>> -> memref<1000000x16xf32, #tpu.memory_space<hbm>>
        tpu.enqueue_indirect_dma source(%dma_start3A_129 : memref<1000000x16xf32, #tpu.memory_space<hbm>>) target(%dma_start3A_119 : memref<128x16xf32, #tpu.memory_space<vmem>>) offsets(%dma_start3A_122 : memref<128xi32, #tpu.memory_space<vmem>>) semaphore(%arg12 : memref<!tpu.dma_semaphore, #tpu.memory_space<semaphore_mem>>)
        %dma_start3A_130 = arith.constant 0 : i32
        %dma_start3A_131 = arith.constant 6 : i32
        %dma_start3A_132 = arith.constant 6 : i32
        %dma_start3A_133 = arith.constant 0 : i32
        %dma_start3A_134 = arith.constant 0 : i32
        %dma_start3A_135 = tpu.memref_slice %arg11[%dma_start3A_132, %dma_start3A_133, %dma_start3A_134] : memref<32x128x16xf32, #tpu.memory_space<vmem>> -> memref<1x128x16xf32, #tpu.memory_space<vmem>>
        %dma_start3A_136 = tpu.memref_squeeze %dma_start3A_135 : memref<1x128x16xf32, #tpu.memory_space<vmem>> -> memref<128x16xf32, #tpu.memory_space<vmem>>
        %dma_start3A_137 = arith.constant 0 : i32
        %dma_start3A_138 = tpu.memref_slice %arg10[%dma_start3A_131, %dma_start3A_137] : memref<32x128xi32, #tpu.memory_space<vmem>> -> memref<1x128xi32, #tpu.memory_space<vmem>>
        %dma_start3A_139 = tpu.memref_squeeze %dma_start3A_138 : memref<1x128xi32, #tpu.memory_space<vmem>> -> memref<128xi32, #tpu.memory_space<vmem>>
        %dma_start3A_140 = arith.constant 0 : i32
        %dma_start3A_141 = arith.constant 0 : i32
        %dma_start3A_142 = tpu.memref_slice %arg2[%dma_start3A_130, %dma_start3A_140, %dma_start3A_141] : memref<2x1000000x16xf32, #tpu.memory_space<hbm>> -> memref<1x1000000x16xf32, #tpu.memory_space<hbm>>
        %dma_start3A_143 = tpu.memref_squeeze %dma_start3A_142 : memref<1x1000000x16xf32, #tpu.memory_space<hbm>> -> memref<1000000x16xf32, #tpu.memory_space<hbm>>
        %dma_start3A_144 = arith.constant 0 : i32
        %dma_start3A_145 = arith.constant 0 : i32
        %dma_start3A_146 = tpu.memref_slice %dma_start3A_143[%dma_start3A_144, %dma_start3A_145] : memref<1000000x16xf32, #tpu.memory_space<hbm>> -> memref<1000000x16xf32, #tpu.memory_space<hbm>>
        tpu.enqueue_indirect_dma source(%dma_start3A_146 : memref<1000000x16xf32, #tpu.memory_space<hbm>>) target(%dma_start3A_136 : memref<128x16xf32, #tpu.memory_space<vmem>>) offsets(%dma_start3A_139 : memref<128xi32, #tpu.memory_space<vmem>>) semaphore(%arg12 : memref<!tpu.dma_semaphore, #tpu.memory_space<semaphore_mem>>)
        %dma_start3A_147 = arith.constant 0 : i32
        %dma_start3A_148 = arith.constant 7 : i32
        %dma_start3A_149 = arith.constant 7 : i32
        %dma_start3A_150 = arith.constant 0 : i32
        %dma_start3A_151 = arith.constant 0 : i32
        %dma_start3A_152 = tpu.memref_slice %arg11[%dma_start3A_149, %dma_start3A_150, %dma_start3A_151] : memref<32x128x16xf32, #tpu.memory_space<vmem>> -> memref<1x128x16xf32, #tpu.memory_space<vmem>>
        %dma_start3A_153 = tpu.memref_squeeze %dma_start3A_152 : memref<1x128x16xf32, #tpu.memory_space<vmem>> -> memref<128x16xf32, #tpu.memory_space<vmem>>
        %dma_start3A_154 = arith.constant 0 : i32
        %dma_start3A_155 = tpu.memref_slice %arg10[%dma_start3A_148, %dma_start3A_154] : memref<32x128xi32, #tpu.memory_space<vmem>> -> memref<1x128xi32, #tpu.memory_space<vmem>>
        %dma_start3A_156 = tpu.memref_squeeze %dma_start3A_155 : memref<1x128xi32, #tpu.memory_space<vmem>> -> memref<128xi32, #tpu.memory_space<vmem>>
        %dma_start3A_157 = arith.constant 0 : i32
        %dma_start3A_158 = arith.constant 0 : i32
        %dma_start3A_159 = tpu.memref_slice %arg2[%dma_start3A_147, %dma_start3A_157, %dma_start3A_158] : memref<2x1000000x16xf32, #tpu.memory_space<hbm>> -> memref<1x1000000x16xf32, #tpu.memory_space<hbm>>
        %dma_start3A_160 = tpu.memref_squeeze %dma_start3A_159 : memref<1x1000000x16xf32, #tpu.memory_space<hbm>> -> memref<1000000x16xf32, #tpu.memory_space<hbm>>
        %dma_start3A_161 = arith.constant 0 : i32
        %dma_start3A_162 = arith.constant 0 : i32
        %dma_start3A_163 = tpu.memref_slice %dma_start3A_160[%dma_start3A_161, %dma_start3A_162] : memref<1000000x16xf32, #tpu.memory_space<hbm>> -> memref<1000000x16xf32, #tpu.memory_space<hbm>>
        tpu.enqueue_indirect_dma source(%dma_start3A_163 : memref<1000000x16xf32, #tpu.memory_space<hbm>>) target(%dma_start3A_153 : memref<128x16xf32, #tpu.memory_space<vmem>>) offsets(%dma_start3A_156 : memref<128xi32, #tpu.memory_space<vmem>>) semaphore(%arg12 : memref<!tpu.dma_semaphore, #tpu.memory_space<semaphore_mem>>)
        %dma_start3A_164 = arith.constant 0 : i32
        %dma_start3A_165 = arith.constant 8 : i32
        %dma_start3A_166 = arith.constant 8 : i32
        %dma_start3A_167 = arith.constant 0 : i32
        %dma_start3A_168 = arith.constant 0 : i32
        %dma_start3A_169 = tpu.memref_slice %arg11[%dma_start3A_166, %dma_start3A_167, %dma_start3A_168] : memref<32x128x16xf32, #tpu.memory_space<vmem>> -> memref<1x128x16xf32, #tpu.memory_space<vmem>>
        %dma_start3A_170 = tpu.memref_squeeze %dma_start3A_169 : memref<1x128x16xf32, #tpu.memory_space<vmem>> -> memref<128x16xf32, #tpu.memory_space<vmem>>
        %dma_start3A_171 = arith.constant 0 : i32
        %dma_start3A_172 = tpu.memref_slice %arg10[%dma_start3A_165, %dma_start3A_171] : memref<32x128xi32, #tpu.memory_space<vmem>> -> memref<1x128xi32, #tpu.memory_space<vmem>>
        %dma_start3A_173 = tpu.memref_squeeze %dma_start3A_172 : memref<1x128xi32, #tpu.memory_space<vmem>> -> memref<128xi32, #tpu.memory_space<vmem>>
        %dma_start3A_174 = arith.constant 0 : i32
        %dma_start3A_175 = arith.constant 0 : i32
        %dma_start3A_176 = tpu.memref_slice %arg2[%dma_start3A_164, %dma_start3A_174, %dma_start3A_175] : memref<2x1000000x16xf32, #tpu.memory_space<hbm>> -> memref<1x1000000x16xf32, #tpu.memory_space<hbm>>
        %dma_start3A_177 = tpu.memref_squeeze %dma_start3A_176 : memref<1x1000000x16xf32, #tpu.memory_space<hbm>> -> memref<1000000x16xf32, #tpu.memory_space<hbm>>
        %dma_start3A_178 = arith.constant 0 : i32
        %dma_start3A_179 = arith.constant 0 : i32
        %dma_start3A_180 = tpu.memref_slice %dma_start3A_177[%dma_start3A_178, %dma_start3A_179] : memref<1000000x16xf32, #tpu.memory_space<hbm>> -> memref<1000000x16xf32, #tpu.memory_space<hbm>>
        tpu.enqueue_indirect_dma source(%dma_start3A_180 : memref<1000000x16xf32, #tpu.memory_space<hbm>>) target(%dma_start3A_170 : memref<128x16xf32, #tpu.memory_space<vmem>>) offsets(%dma_start3A_173 : memref<128xi32, #tpu.memory_space<vmem>>) semaphore(%arg12 : memref<!tpu.dma_semaphore, #tpu.memory_space<semaphore_mem>>)
        %dma_start3A_181 = arith.constant 0 : i32
        %dma_start3A_182 = arith.constant 9 : i32
        %dma_start3A_183 = arith.constant 9 : i32
        %dma_start3A_184 = arith.constant 0 : i32
        %dma_start3A_185 = arith.constant 0 : i32
        %dma_start3A_186 = tpu.memref_slice %arg11[%dma_start3A_183, %dma_start3A_184, %dma_start3A_185] : memref<32x128x16xf32, #tpu.memory_space<vmem>> -> memref<1x128x16xf32, #tpu.memory_space<vmem>>
        %dma_start3A_187 = tpu.memref_squeeze %dma_start3A_186 : memref<1x128x16xf32, #tpu.memory_space<vmem>> -> memref<128x16xf32, #tpu.memory_space<vmem>>
        %dma_start3A_188 = arith.constant 0 : i32
        %dma_start3A_189 = tpu.memref_slice %arg10[%dma_start3A_182, %dma_start3A_188] : memref<32x128xi32, #tpu.memory_space<vmem>> -> memref<1x128xi32, #tpu.memory_space<vmem>>
        %dma_start3A_190 = tpu.memref_squeeze %dma_start3A_189 : memref<1x128xi32, #tpu.memory_space<vmem>> -> memref<128xi32, #tpu.memory_space<vmem>>
        %dma_start3A_191 = arith.constant 0 : i32
        %dma_start3A_192 = arith.constant 0 : i32
        %dma_start3A_193 = tpu.memref_slice %arg2[%dma_start3A_181, %dma_start3A_191, %dma_start3A_192] : memref<2x1000000x16xf32, #tpu.memory_space<hbm>> -> memref<1x1000000x16xf32, #tpu.memory_space<hbm>>
        %dma_start3A_194 = tpu.memref_squeeze %dma_start3A_193 : memref<1x1000000x16xf32, #tpu.memory_space<hbm>> -> memref<1000000x16xf32, #tpu.memory_space<hbm>>
        %dma_start3A_195 = arith.constant 0 : i32
        %dma_start3A_196 = arith.constant 0 : i32
        %dma_start3A_197 = tpu.memref_slice %dma_start3A_194[%dma_start3A_195, %dma_start3A_196] : memref<1000000x16xf32, #tpu.memory_space<hbm>> -> memref<1000000x16xf32, #tpu.memory_space<hbm>>
        tpu.enqueue_indirect_dma source(%dma_start3A_197 : memref<1000000x16xf32, #tpu.memory_space<hbm>>) target(%dma_start3A_187 : memref<128x16xf32, #tpu.memory_space<vmem>>) offsets(%dma_start3A_190 : memref<128xi32, #tpu.memory_space<vmem>>) semaphore(%arg12 : memref<!tpu.dma_semaphore, #tpu.memory_space<semaphore_mem>>)
        %dma_start3A_198 = arith.constant 0 : i32
        %dma_start3A_199 = arith.constant 10 : i32
        %dma_start3A_200 = arith.constant 10 : i32
        %dma_start3A_201 = arith.constant 0 : i32
        %dma_start3A_202 = arith.constant 0 : i32
        %dma_start3A_203 = tpu.memref_slice %arg11[%dma_start3A_200, %dma_start3A_201, %dma_start3A_202] : memref<32x128x16xf32, #tpu.memory_space<vmem>> -> memref<1x128x16xf32, #tpu.memory_space<vmem>>
        %dma_start3A_204 = tpu.memref_squeeze %dma_start3A_203 : memref<1x128x16xf32, #tpu.memory_space<vmem>> -> memref<128x16xf32, #tpu.memory_space<vmem>>
        %dma_start3A_205 = arith.constant 0 : i32
        %dma_start3A_206 = tpu.memref_slice %arg10[%dma_start3A_199, %dma_start3A_205] : memref<32x128xi32, #tpu.memory_space<vmem>> -> memref<1x128xi32, #tpu.memory_space<vmem>>
        %dma_start3A_207 = tpu.memref_squeeze %dma_start3A_206 : memref<1x128xi32, #tpu.memory_space<vmem>> -> memref<128xi32, #tpu.memory_space<vmem>>
        %dma_start3A_208 = arith.constant 0 : i32
        %dma_start3A_209 = arith.constant 0 : i32
        %dma_start3A_210 = tpu.memref_slice %arg2[%dma_start3A_198, %dma_start3A_208, %dma_start3A_209] : memref<2x1000000x16xf32, #tpu.memory_space<hbm>> -> memref<1x1000000x16xf32, #tpu.memory_space<hbm>>
        %dma_start3A_211 = tpu.memref_squeeze %dma_start3A_210 : memref<1x1000000x16xf32, #tpu.memory_space<hbm>> -> memref<1000000x16xf32, #tpu.memory_space<hbm>>
        %dma_start3A_212 = arith.constant 0 : i32
        %dma_start3A_213 = arith.constant 0 : i32
        %dma_start3A_214 = tpu.memref_slice %dma_start3A_211[%dma_start3A_212, %dma_start3A_213] : memref<1000000x16xf32, #tpu.memory_space<hbm>> -> memref<1000000x16xf32, #tpu.memory_space<hbm>>
        tpu.enqueue_indirect_dma source(%dma_start3A_214 : memref<1000000x16xf32, #tpu.memory_space<hbm>>) target(%dma_start3A_204 : memref<128x16xf32, #tpu.memory_space<vmem>>) offsets(%dma_start3A_207 : memref<128xi32, #tpu.memory_space<vmem>>) semaphore(%arg12 : memref<!tpu.dma_semaphore, #tpu.memory_space<semaphore_mem>>)
        %dma_start3A_215 = arith.constant 0 : i32
        %dma_start3A_216 = arith.constant 11 : i32
        %dma_start3A_217 = arith.constant 11 : i32
        %dma_start3A_218 = arith.constant 0 : i32
        %dma_start3A_219 = arith.constant 0 : i32
        %dma_start3A_220 = tpu.memref_slice %arg11[%dma_start3A_217, %dma_start3A_218, %dma_start3A_219] : memref<32x128x16xf32, #tpu.memory_space<vmem>> -> memref<1x128x16xf32, #tpu.memory_space<vmem>>
        %dma_start3A_221 = tpu.memref_squeeze %dma_start3A_220 : memref<1x128x16xf32, #tpu.memory_space<vmem>> -> memref<128x16xf32, #tpu.memory_space<vmem>>
        %dma_start3A_222 = arith.constant 0 : i32
        %dma_start3A_223 = tpu.memref_slice %arg10[%dma_start3A_216, %dma_start3A_222] : memref<32x128xi32, #tpu.memory_space<vmem>> -> memref<1x128xi32, #tpu.memory_space<vmem>>
        %dma_start3A_224 = tpu.memref_squeeze %dma_start3A_223 : memref<1x128xi32, #tpu.memory_space<vmem>> -> memref<128xi32, #tpu.memory_space<vmem>>
        %dma_start3A_225 = arith.constant 0 : i32
        %dma_start3A_226 = arith.constant 0 : i32
        %dma_start3A_227 = tpu.memref_slice %arg2[%dma_start3A_215, %dma_start3A_225, %dma_start3A_226] : memref<2x1000000x16xf32, #tpu.memory_space<hbm>> -> memref<1x1000000x16xf32, #tpu.memory_space<hbm>>
        %dma_start3A_228 = tpu.memref_squeeze %dma_start3A_227 : memref<1x1000000x16xf32, #tpu.memory_space<hbm>> -> memref<1000000x16xf32, #tpu.memory_space<hbm>>
        %dma_start3A_229 = arith.constant 0 : i32
        %dma_start3A_230 = arith.constant 0 : i32
        %dma_start3A_231 = tpu.memref_slice %dma_start3A_228[%dma_start3A_229, %dma_start3A_230] : memref<1000000x16xf32, #tpu.memory_space<hbm>> -> memref<1000000x16xf32, #tpu.memory_space<hbm>>
        tpu.enqueue_indirect_dma source(%dma_start3A_231 : memref<1000000x16xf32, #tpu.memory_space<hbm>>) target(%dma_start3A_221 : memref<128x16xf32, #tpu.memory_space<vmem>>) offsets(%dma_start3A_224 : memref<128xi32, #tpu.memory_space<vmem>>) semaphore(%arg12 : memref<!tpu.dma_semaphore, #tpu.memory_space<semaphore_mem>>)
        %dma_start3A_232 = arith.constant 0 : i32
        %dma_start3A_233 = arith.constant 12 : i32
        %dma_start3A_234 = arith.constant 12 : i32
        %dma_start3A_235 = arith.constant 0 : i32
        %dma_start3A_236 = arith.constant 0 : i32
        %dma_start3A_237 = tpu.memref_slice %arg11[%dma_start3A_234, %dma_start3A_235, %dma_start3A_236] : memref<32x128x16xf32, #tpu.memory_space<vmem>> -> memref<1x128x16xf32, #tpu.memory_space<vmem>>
        %dma_start3A_238 = tpu.memref_squeeze %dma_start3A_237 : memref<1x128x16xf32, #tpu.memory_space<vmem>> -> memref<128x16xf32, #tpu.memory_space<vmem>>
        %dma_start3A_239 = arith.constant 0 : i32
        %dma_start3A_240 = tpu.memref_slice %arg10[%dma_start3A_233, %dma_start3A_239] : memref<32x128xi32, #tpu.memory_space<vmem>> -> memref<1x128xi32, #tpu.memory_space<vmem>>
        %dma_start3A_241 = tpu.memref_squeeze %dma_start3A_240 : memref<1x128xi32, #tpu.memory_space<vmem>> -> memref<128xi32, #tpu.memory_space<vmem>>
        %dma_start3A_242 = arith.constant 0 : i32
        %dma_start3A_243 = arith.constant 0 : i32
        %dma_start3A_244 = tpu.memref_slice %arg2[%dma_start3A_232, %dma_start3A_242, %dma_start3A_243] : memref<2x1000000x16xf32, #tpu.memory_space<hbm>> -> memref<1x1000000x16xf32, #tpu.memory_space<hbm>>
        %dma_start3A_245 = tpu.memref_squeeze %dma_start3A_244 : memref<1x1000000x16xf32, #tpu.memory_space<hbm>> -> memref<1000000x16xf32, #tpu.memory_space<hbm>>
        %dma_start3A_246 = arith.constant 0 : i32
        %dma_start3A_247 = arith.constant 0 : i32
        %dma_start3A_248 = tpu.memref_slice %dma_start3A_245[%dma_start3A_246, %dma_start3A_247] : memref<1000000x16xf32, #tpu.memory_space<hbm>> -> memref<1000000x16xf32, #tpu.memory_space<hbm>>
        tpu.enqueue_indirect_dma source(%dma_start3A_248 : memref<1000000x16xf32, #tpu.memory_space<hbm>>) target(%dma_start3A_238 : memref<128x16xf32, #tpu.memory_space<vmem>>) offsets(%dma_start3A_241 : memref<128xi32, #tpu.memory_space<vmem>>) semaphore(%arg12 : memref<!tpu.dma_semaphore, #tpu.memory_space<semaphore_mem>>)
        %dma_start3A_249 = arith.constant 0 : i32
        %dma_start3A_250 = arith.constant 13 : i32
        %dma_start3A_251 = arith.constant 13 : i32
        %dma_start3A_252 = arith.constant 0 : i32
        %dma_start3A_253 = arith.constant 0 : i32
        %dma_start3A_254 = tpu.memref_slice %arg11[%dma_start3A_251, %dma_start3A_252, %dma_start3A_253] : memref<32x128x16xf32, #tpu.memory_space<vmem>> -> memref<1x128x16xf32, #tpu.memory_space<vmem>>
        %dma_start3A_255 = tpu.memref_squeeze %dma_start3A_254 : memref<1x128x16xf32, #tpu.memory_space<vmem>> -> memref<128x16xf32, #tpu.memory_space<vmem>>
        %dma_start3A_256 = arith.constant 0 : i32
        %dma_start3A_257 = tpu.memref_slice %arg10[%dma_start3A_250, %dma_start3A_256] : memref<32x128xi32, #tpu.memory_space<vmem>> -> memref<1x128xi32, #tpu.memory_space<vmem>>
        %dma_start3A_258 = tpu.memref_squeeze %dma_start3A_257 : memref<1x128xi32, #tpu.memory_space<vmem>> -> memref<128xi32, #tpu.memory_space<vmem>>
        %dma_start3A_259 = arith.constant 0 : i32
        %dma_start3A_260 = arith.constant 0 : i32
        %dma_start3A_261 = tpu.memref_slice %arg2[%dma_start3A_249, %dma_start3A_259, %dma_start3A_260] : memref<2x1000000x16xf32, #tpu.memory_space<hbm>> -> memref<1x1000000x16xf32, #tpu.memory_space<hbm>>
        %dma_start3A_262 = tpu.memref_squeeze %dma_start3A_261 : memref<1x1000000x16xf32, #tpu.memory_space<hbm>> -> memref<1000000x16xf32, #tpu.memory_space<hbm>>
        %dma_start3A_263 = arith.constant 0 : i32
        %dma_start3A_264 = arith.constant 0 : i32
        %dma_start3A_265 = tpu.memref_slice %dma_start3A_262[%dma_start3A_263, %dma_start3A_264] : memref<1000000x16xf32, #tpu.memory_space<hbm>> -> memref<1000000x16xf32, #tpu.memory_space<hbm>>
        tpu.enqueue_indirect_dma source(%dma_start3A_265 : memref<1000000x16xf32, #tpu.memory_space<hbm>>) target(%dma_start3A_255 : memref<128x16xf32, #tpu.memory_space<vmem>>) offsets(%dma_start3A_258 : memref<128xi32, #tpu.memory_space<vmem>>) semaphore(%arg12 : memref<!tpu.dma_semaphore, #tpu.memory_space<semaphore_mem>>)
        %dma_start3A_266 = arith.constant 0 : i32
        %dma_start3A_267 = arith.constant 14 : i32
        %dma_start3A_268 = arith.constant 14 : i32
        %dma_start3A_269 = arith.constant 0 : i32
        %dma_start3A_270 = arith.constant 0 : i32
        %dma_start3A_271 = tpu.memref_slice %arg11[%dma_start3A_268, %dma_start3A_269, %dma_start3A_270] : memref<32x128x16xf32, #tpu.memory_space<vmem>> -> memref<1x128x16xf32, #tpu.memory_space<vmem>>
        %dma_start3A_272 = tpu.memref_squeeze %dma_start3A_271 : memref<1x128x16xf32, #tpu.memory_space<vmem>> -> memref<128x16xf32, #tpu.memory_space<vmem>>
        %dma_start3A_273 = arith.constant 0 : i32
        %dma_start3A_274 = tpu.memref_slice %arg10[%dma_start3A_267, %dma_start3A_273] : memref<32x128xi32, #tpu.memory_space<vmem>> -> memref<1x128xi32, #tpu.memory_space<vmem>>
        %dma_start3A_275 = tpu.memref_squeeze %dma_start3A_274 : memref<1x128xi32, #tpu.memory_space<vmem>> -> memref<128xi32, #tpu.memory_space<vmem>>
        %dma_start3A_276 = arith.constant 0 : i32
        %dma_start3A_277 = arith.constant 0 : i32
        %dma_start3A_278 = tpu.memref_slice %arg2[%dma_start3A_266, %dma_start3A_276, %dma_start3A_277] : memref<2x1000000x16xf32, #tpu.memory_space<hbm>> -> memref<1x1000000x16xf32, #tpu.memory_space<hbm>>
        %dma_start3A_279 = tpu.memref_squeeze %dma_start3A_278 : memref<1x1000000x16xf32, #tpu.memory_space<hbm>> -> memref<1000000x16xf32, #tpu.memory_space<hbm>>
        %dma_start3A_280 = arith.constant 0 : i32
        %dma_start3A_281 = arith.constant 0 : i32
        %dma_start3A_282 = tpu.memref_slice %dma_start3A_279[%dma_start3A_280, %dma_start3A_281] : memref<1000000x16xf32, #tpu.memory_space<hbm>> -> memref<1000000x16xf32, #tpu.memory_space<hbm>>
        tpu.enqueue_indirect_dma source(%dma_start3A_282 : memref<1000000x16xf32, #tpu.memory_space<hbm>>) target(%dma_start3A_272 : memref<128x16xf32, #tpu.memory_space<vmem>>) offsets(%dma_start3A_275 : memref<128xi32, #tpu.memory_space<vmem>>) semaphore(%arg12 : memref<!tpu.dma_semaphore, #tpu.memory_space<semaphore_mem>>)
        %dma_start3A_283 = arith.constant 0 : i32
        %dma_start3A_284 = arith.constant 15 : i32
        %dma_start3A_285 = arith.constant 15 : i32
        %dma_start3A_286 = arith.constant 0 : i32
        %dma_start3A_287 = arith.constant 0 : i32
        %dma_start3A_288 = tpu.memref_slice %arg11[%dma_start3A_285, %dma_start3A_286, %dma_start3A_287] : memref<32x128x16xf32, #tpu.memory_space<vmem>> -> memref<1x128x16xf32, #tpu.memory_space<vmem>>
        %dma_start3A_289 = tpu.memref_squeeze %dma_start3A_288 : memref<1x128x16xf32, #tpu.memory_space<vmem>> -> memref<128x16xf32, #tpu.memory_space<vmem>>
        %dma_start3A_290 = arith.constant 0 : i32
        %dma_start3A_291 = tpu.memref_slice %arg10[%dma_start3A_284, %dma_start3A_290] : memref<32x128xi32, #tpu.memory_space<vmem>> -> memref<1x128xi32, #tpu.memory_space<vmem>>
        %dma_start3A_292 = tpu.memref_squeeze %dma_start3A_291 : memref<1x128xi32, #tpu.memory_space<vmem>> -> memref<128xi32, #tpu.memory_space<vmem>>
        %dma_start3A_293 = arith.constant 0 : i32
        %dma_start3A_294 = arith.constant 0 : i32
        %dma_start3A_295 = tpu.memref_slice %arg2[%dma_start3A_283, %dma_start3A_293, %dma_start3A_294] : memref<2x1000000x16xf32, #tpu.memory_space<hbm>> -> memref<1x1000000x16xf32, #tpu.memory_space<hbm>>
        %dma_start3A_296 = tpu.memref_squeeze %dma_start3A_295 : memref<1x1000000x16xf32, #tpu.memory_space<hbm>> -> memref<1000000x16xf32, #tpu.memory_space<hbm>>
        %dma_start3A_297 = arith.constant 0 : i32
        %dma_start3A_298 = arith.constant 0 : i32
        %dma_start3A_299 = tpu.memref_slice %dma_start3A_296[%dma_start3A_297, %dma_start3A_298] : memref<1000000x16xf32, #tpu.memory_space<hbm>> -> memref<1000000x16xf32, #tpu.memory_space<hbm>>
        tpu.enqueue_indirect_dma source(%dma_start3A_299 : memref<1000000x16xf32, #tpu.memory_space<hbm>>) target(%dma_start3A_289 : memref<128x16xf32, #tpu.memory_space<vmem>>) offsets(%dma_start3A_292 : memref<128xi32, #tpu.memory_space<vmem>>) semaphore(%arg12 : memref<!tpu.dma_semaphore, #tpu.memory_space<semaphore_mem>>)
        %dma_start3A_300 = arith.constant 0 : i32
        %dma_start3A_301 = arith.constant 16 : i32
        %dma_start3A_302 = arith.constant 16 : i32
        %dma_start3A_303 = arith.constant 0 : i32
        %dma_start3A_304 = arith.constant 0 : i32
        %dma_start3A_305 = tpu.memref_slice %arg11[%dma_start3A_302, %dma_start3A_303, %dma_start3A_304] : memref<32x128x16xf32, #tpu.memory_space<vmem>> -> memref<1x128x16xf32, #tpu.memory_space<vmem>>
        %dma_start3A_306 = tpu.memref_squeeze %dma_start3A_305 : memref<1x128x16xf32, #tpu.memory_space<vmem>> -> memref<128x16xf32, #tpu.memory_space<vmem>>
        %dma_start3A_307 = arith.constant 0 : i32
        %dma_start3A_308 = tpu.memref_slice %arg10[%dma_start3A_301, %dma_start3A_307] : memref<32x128xi32, #tpu.memory_space<vmem>> -> memref<1x128xi32, #tpu.memory_space<vmem>>
        %dma_start3A_309 = tpu.memref_squeeze %dma_start3A_308 : memref<1x128xi32, #tpu.memory_space<vmem>> -> memref<128xi32, #tpu.memory_space<vmem>>
        %dma_start3A_310 = arith.constant 0 : i32
        %dma_start3A_311 = arith.constant 0 : i32
        %dma_start3A_312 = tpu.memref_slice %arg2[%dma_start3A_300, %dma_start3A_310, %dma_start3A_311] : memref<2x1000000x16xf32, #tpu.memory_space<hbm>> -> memref<1x1000000x16xf32, #tpu.memory_space<hbm>>
        %dma_start3A_313 = tpu.memref_squeeze %dma_start3A_312 : memref<1x1000000x16xf32, #tpu.memory_space<hbm>> -> memref<1000000x16xf32, #tpu.memory_space<hbm>>
        %dma_start3A_314 = arith.constant 0 : i32
        %dma_start3A_315 = arith.constant 0 : i32
        %dma_start3A_316 = tpu.memref_slice %dma_start3A_313[%dma_start3A_314, %dma_start3A_315] : memref<1000000x16xf32, #tpu.memory_space<hbm>> -> memref<1000000x16xf32, #tpu.memory_space<hbm>>
        tpu.enqueue_indirect_dma source(%dma_start3A_316 : memref<1000000x16xf32, #tpu.memory_space<hbm>>) target(%dma_start3A_306 : memref<128x16xf32, #tpu.memory_space<vmem>>) offsets(%dma_start3A_309 : memref<128xi32, #tpu.memory_space<vmem>>) semaphore(%arg12 : memref<!tpu.dma_semaphore, #tpu.memory_space<semaphore_mem>>)
        %dma_start3A_317 = arith.constant 0 : i32
        %dma_start3A_318 = arith.constant 17 : i32
        %dma_start3A_319 = arith.constant 17 : i32
        %dma_start3A_320 = arith.constant 0 : i32
        %dma_start3A_321 = arith.constant 0 : i32
        %dma_start3A_322 = tpu.memref_slice %arg11[%dma_start3A_319, %dma_start3A_320, %dma_start3A_321] : memref<32x128x16xf32, #tpu.memory_space<vmem>> -> memref<1x128x16xf32, #tpu.memory_space<vmem>>
        %dma_start3A_323 = tpu.memref_squeeze %dma_start3A_322 : memref<1x128x16xf32, #tpu.memory_space<vmem>> -> memref<128x16xf32, #tpu.memory_space<vmem>>
        %dma_start3A_324 = arith.constant 0 : i32
        %dma_start3A_325 = tpu.memref_slice %arg10[%dma_start3A_318, %dma_start3A_324] : memref<32x128xi32, #tpu.memory_space<vmem>> -> memref<1x128xi32, #tpu.memory_space<vmem>>
        %dma_start3A_326 = tpu.memref_squeeze %dma_start3A_325 : memref<1x128xi32, #tpu.memory_space<vmem>> -> memref<128xi32, #tpu.memory_space<vmem>>
        %dma_start3A_327 = arith.constant 0 : i32
        %dma_start3A_328 = arith.constant 0 : i32
        %dma_start3A_329 = tpu.memref_slice %arg2[%dma_start3A_317, %dma_start3A_327, %dma_start3A_328] : memref<2x1000000x16xf32, #tpu.memory_space<hbm>> -> memref<1x1000000x16xf32, #tpu.memory_space<hbm>>
        %dma_start3A_330 = tpu.memref_squeeze %dma_start3A_329 : memref<1x1000000x16xf32, #tpu.memory_space<hbm>> -> memref<1000000x16xf32, #tpu.memory_space<hbm>>
        %dma_start3A_331 = arith.constant 0 : i32
        %dma_start3A_332 = arith.constant 0 : i32
        %dma_start3A_333 = tpu.memref_slice %dma_start3A_330[%dma_start3A_331, %dma_start3A_332] : memref<1000000x16xf32, #tpu.memory_space<hbm>> -> memref<1000000x16xf32, #tpu.memory_space<hbm>>
        tpu.enqueue_indirect_dma source(%dma_start3A_333 : memref<1000000x16xf32, #tpu.memory_space<hbm>>) target(%dma_start3A_323 : memref<128x16xf32, #tpu.memory_space<vmem>>) offsets(%dma_start3A_326 : memref<128xi32, #tpu.memory_space<vmem>>) semaphore(%arg12 : memref<!tpu.dma_semaphore, #tpu.memory_space<semaphore_mem>>)
        %dma_start3A_334 = arith.constant 0 : i32
        %dma_start3A_335 = arith.constant 18 : i32
        %dma_start3A_336 = arith.constant 18 : i32
        %dma_start3A_337 = arith.constant 0 : i32
        %dma_start3A_338 = arith.constant 0 : i32
        %dma_start3A_339 = tpu.memref_slice %arg11[%dma_start3A_336, %dma_start3A_337, %dma_start3A_338] : memref<32x128x16xf32, #tpu.memory_space<vmem>> -> memref<1x128x16xf32, #tpu.memory_space<vmem>>
        %dma_start3A_340 = tpu.memref_squeeze %dma_start3A_339 : memref<1x128x16xf32, #tpu.memory_space<vmem>> -> memref<128x16xf32, #tpu.memory_space<vmem>>
        %dma_start3A_341 = arith.constant 0 : i32
        %dma_start3A_342 = tpu.memref_slice %arg10[%dma_start3A_335, %dma_start3A_341] : memref<32x128xi32, #tpu.memory_space<vmem>> -> memref<1x128xi32, #tpu.memory_space<vmem>>
        %dma_start3A_343 = tpu.memref_squeeze %dma_start3A_342 : memref<1x128xi32, #tpu.memory_space<vmem>> -> memref<128xi32, #tpu.memory_space<vmem>>
        %dma_start3A_344 = arith.constant 0 : i32
        %dma_start3A_345 = arith.constant 0 : i32
        %dma_start3A_346 = tpu.memref_slice %arg2[%dma_start3A_334, %dma_start3A_344, %dma_start3A_345] : memref<2x1000000x16xf32, #tpu.memory_space<hbm>> -> memref<1x1000000x16xf32, #tpu.memory_space<hbm>>
        %dma_start3A_347 = tpu.memref_squeeze %dma_start3A_346 : memref<1x1000000x16xf32, #tpu.memory_space<hbm>> -> memref<1000000x16xf32, #tpu.memory_space<hbm>>
        %dma_start3A_348 = arith.constant 0 : i32
        %dma_start3A_349 = arith.constant 0 : i32
        %dma_start3A_350 = tpu.memref_slice %dma_start3A_347[%dma_start3A_348, %dma_start3A_349] : memref<1000000x16xf32, #tpu.memory_space<hbm>> -> memref<1000000x16xf32, #tpu.memory_space<hbm>>
        tpu.enqueue_indirect_dma source(%dma_start3A_350 : memref<1000000x16xf32, #tpu.memory_space<hbm>>) target(%dma_start3A_340 : memref<128x16xf32, #tpu.memory_space<vmem>>) offsets(%dma_start3A_343 : memref<128xi32, #tpu.memory_space<vmem>>) semaphore(%arg12 : memref<!tpu.dma_semaphore, #tpu.memory_space<semaphore_mem>>)
        %dma_start3A_351 = arith.constant 0 : i32
        %dma_start3A_352 = arith.constant 19 : i32
        %dma_start3A_353 = arith.constant 19 : i32
        %dma_start3A_354 = arith.constant 0 : i32
        %dma_start3A_355 = arith.constant 0 : i32
        %dma_start3A_356 = tpu.memref_slice %arg11[%dma_start3A_353, %dma_start3A_354, %dma_start3A_355] : memref<32x128x16xf32, #tpu.memory_space<vmem>> -> memref<1x128x16xf32, #tpu.memory_space<vmem>>
        %dma_start3A_357 = tpu.memref_squeeze %dma_start3A_356 : memref<1x128x16xf32, #tpu.memory_space<vmem>> -> memref<128x16xf32, #tpu.memory_space<vmem>>
        %dma_start3A_358 = arith.constant 0 : i32
        %dma_start3A_359 = tpu.memref_slice %arg10[%dma_start3A_352, %dma_start3A_358] : memref<32x128xi32, #tpu.memory_space<vmem>> -> memref<1x128xi32, #tpu.memory_space<vmem>>
        %dma_start3A_360 = tpu.memref_squeeze %dma_start3A_359 : memref<1x128xi32, #tpu.memory_space<vmem>> -> memref<128xi32, #tpu.memory_space<vmem>>
        %dma_start3A_361 = arith.constant 0 : i32
        %dma_start3A_362 = arith.constant 0 : i32
        %dma_start3A_363 = tpu.memref_slice %arg2[%dma_start3A_351, %dma_start3A_361, %dma_start3A_362] : memref<2x1000000x16xf32, #tpu.memory_space<hbm>> -> memref<1x1000000x16xf32, #tpu.memory_space<hbm>>
        %dma_start3A_364 = tpu.memref_squeeze %dma_start3A_363 : memref<1x1000000x16xf32, #tpu.memory_space<hbm>> -> memref<1000000x16xf32, #tpu.memory_space<hbm>>
        %dma_start3A_365 = arith.constant 0 : i32
        %dma_start3A_366 = arith.constant 0 : i32
        %dma_start3A_367 = tpu.memref_slice %dma_start3A_364[%dma_start3A_365, %dma_start3A_366] : memref<1000000x16xf32, #tpu.memory_space<hbm>> -> memref<1000000x16xf32, #tpu.memory_space<hbm>>
        tpu.enqueue_indirect_dma source(%dma_start3A_367 : memref<1000000x16xf32, #tpu.memory_space<hbm>>) target(%dma_start3A_357 : memref<128x16xf32, #tpu.memory_space<vmem>>) offsets(%dma_start3A_360 : memref<128xi32, #tpu.memory_space<vmem>>) semaphore(%arg12 : memref<!tpu.dma_semaphore, #tpu.memory_space<semaphore_mem>>)
        %dma_start3A_368 = arith.constant 0 : i32
        %dma_start3A_369 = arith.constant 20 : i32
        %dma_start3A_370 = arith.constant 20 : i32
        %dma_start3A_371 = arith.constant 0 : i32
        %dma_start3A_372 = arith.constant 0 : i32
        %dma_start3A_373 = tpu.memref_slice %arg11[%dma_start3A_370, %dma_start3A_371, %dma_start3A_372] : memref<32x128x16xf32, #tpu.memory_space<vmem>> -> memref<1x128x16xf32, #tpu.memory_space<vmem>>
        %dma_start3A_374 = tpu.memref_squeeze %dma_start3A_373 : memref<1x128x16xf32, #tpu.memory_space<vmem>> -> memref<128x16xf32, #tpu.memory_space<vmem>>
        %dma_start3A_375 = arith.constant 0 : i32
        %dma_start3A_376 = tpu.memref_slice %arg10[%dma_start3A_369, %dma_start3A_375] : memref<32x128xi32, #tpu.memory_space<vmem>> -> memref<1x128xi32, #tpu.memory_space<vmem>>
        %dma_start3A_377 = tpu.memref_squeeze %dma_start3A_376 : memref<1x128xi32, #tpu.memory_space<vmem>> -> memref<128xi32, #tpu.memory_space<vmem>>
        %dma_start3A_378 = arith.constant 0 : i32
        %dma_start3A_379 = arith.constant 0 : i32
        %dma_start3A_380 = tpu.memref_slice %arg2[%dma_start3A_368, %dma_start3A_378, %dma_start3A_379] : memref<2x1000000x16xf32, #tpu.memory_space<hbm>> -> memref<1x1000000x16xf32, #tpu.memory_space<hbm>>
        %dma_start3A_381 = tpu.memref_squeeze %dma_start3A_380 : memref<1x1000000x16xf32, #tpu.memory_space<hbm>> -> memref<1000000x16xf32, #tpu.memory_space<hbm>>
        %dma_start3A_382 = arith.constant 0 : i32
        %dma_start3A_383 = arith.constant 0 : i32
        %dma_start3A_384 = tpu.memref_slice %dma_start3A_381[%dma_start3A_382, %dma_start3A_383] : memref<1000000x16xf32, #tpu.memory_space<hbm>> -> memref<1000000x16xf32, #tpu.memory_space<hbm>>
        tpu.enqueue_indirect_dma source(%dma_start3A_384 : memref<1000000x16xf32, #tpu.memory_space<hbm>>) target(%dma_start3A_374 : memref<128x16xf32, #tpu.memory_space<vmem>>) offsets(%dma_start3A_377 : memref<128xi32, #tpu.memory_space<vmem>>) semaphore(%arg12 : memref<!tpu.dma_semaphore, #tpu.memory_space<semaphore_mem>>)
        %dma_start3A_385 = arith.constant 0 : i32
        %dma_start3A_386 = arith.constant 21 : i32
        %dma_start3A_387 = arith.constant 21 : i32
        %dma_start3A_388 = arith.constant 0 : i32
        %dma_start3A_389 = arith.constant 0 : i32
        %dma_start3A_390 = tpu.memref_slice %arg11[%dma_start3A_387, %dma_start3A_388, %dma_start3A_389] : memref<32x128x16xf32, #tpu.memory_space<vmem>> -> memref<1x128x16xf32, #tpu.memory_space<vmem>>
        %dma_start3A_391 = tpu.memref_squeeze %dma_start3A_390 : memref<1x128x16xf32, #tpu.memory_space<vmem>> -> memref<128x16xf32, #tpu.memory_space<vmem>>
        %dma_start3A_392 = arith.constant 0 : i32
        %dma_start3A_393 = tpu.memref_slice %arg10[%dma_start3A_386, %dma_start3A_392] : memref<32x128xi32, #tpu.memory_space<vmem>> -> memref<1x128xi32, #tpu.memory_space<vmem>>
        %dma_start3A_394 = tpu.memref_squeeze %dma_start3A_393 : memref<1x128xi32, #tpu.memory_space<vmem>> -> memref<128xi32, #tpu.memory_space<vmem>>
        %dma_start3A_395 = arith.constant 0 : i32
        %dma_start3A_396 = arith.constant 0 : i32
        %dma_start3A_397 = tpu.memref_slice %arg2[%dma_start3A_385, %dma_start3A_395, %dma_start3A_396] : memref<2x1000000x16xf32, #tpu.memory_space<hbm>> -> memref<1x1000000x16xf32, #tpu.memory_space<hbm>>
        %dma_start3A_398 = tpu.memref_squeeze %dma_start3A_397 : memref<1x1000000x16xf32, #tpu.memory_space<hbm>> -> memref<1000000x16xf32, #tpu.memory_space<hbm>>
        %dma_start3A_399 = arith.constant 0 : i32
        %dma_start3A_400 = arith.constant 0 : i32
        %dma_start3A_401 = tpu.memref_slice %dma_start3A_398[%dma_start3A_399, %dma_start3A_400] : memref<1000000x16xf32, #tpu.memory_space<hbm>> -> memref<1000000x16xf32, #tpu.memory_space<hbm>>
        tpu.enqueue_indirect_dma source(%dma_start3A_401 : memref<1000000x16xf32, #tpu.memory_space<hbm>>) target(%dma_start3A_391 : memref<128x16xf32, #tpu.memory_space<vmem>>) offsets(%dma_start3A_394 : memref<128xi32, #tpu.memory_space<vmem>>) semaphore(%arg12 : memref<!tpu.dma_semaphore, #tpu.memory_space<semaphore_mem>>)
        %dma_start3A_402 = arith.constant 0 : i32
        %dma_start3A_403 = arith.constant 22 : i32
        %dma_start3A_404 = arith.constant 22 : i32
        %dma_start3A_405 = arith.constant 0 : i32
        %dma_start3A_406 = arith.constant 0 : i32
        %dma_start3A_407 = tpu.memref_slice %arg11[%dma_start3A_404, %dma_start3A_405, %dma_start3A_406] : memref<32x128x16xf32, #tpu.memory_space<vmem>> -> memref<1x128x16xf32, #tpu.memory_space<vmem>>
        %dma_start3A_408 = tpu.memref_squeeze %dma_start3A_407 : memref<1x128x16xf32, #tpu.memory_space<vmem>> -> memref<128x16xf32, #tpu.memory_space<vmem>>
        %dma_start3A_409 = arith.constant 0 : i32
        %dma_start3A_410 = tpu.memref_slice %arg10[%dma_start3A_403, %dma_start3A_409] : memref<32x128xi32, #tpu.memory_space<vmem>> -> memref<1x128xi32, #tpu.memory_space<vmem>>
        %dma_start3A_411 = tpu.memref_squeeze %dma_start3A_410 : memref<1x128xi32, #tpu.memory_space<vmem>> -> memref<128xi32, #tpu.memory_space<vmem>>
        %dma_start3A_412 = arith.constant 0 : i32
        %dma_start3A_413 = arith.constant 0 : i32
        %dma_start3A_414 = tpu.memref_slice %arg2[%dma_start3A_402, %dma_start3A_412, %dma_start3A_413] : memref<2x1000000x16xf32, #tpu.memory_space<hbm>> -> memref<1x1000000x16xf32, #tpu.memory_space<hbm>>
        %dma_start3A_415 = tpu.memref_squeeze %dma_start3A_414 : memref<1x1000000x16xf32, #tpu.memory_space<hbm>> -> memref<1000000x16xf32, #tpu.memory_space<hbm>>
        %dma_start3A_416 = arith.constant 0 : i32
        %dma_start3A_417 = arith.constant 0 : i32
        %dma_start3A_418 = tpu.memref_slice %dma_start3A_415[%dma_start3A_416, %dma_start3A_417] : memref<1000000x16xf32, #tpu.memory_space<hbm>> -> memref<1000000x16xf32, #tpu.memory_space<hbm>>
        tpu.enqueue_indirect_dma source(%dma_start3A_418 : memref<1000000x16xf32, #tpu.memory_space<hbm>>) target(%dma_start3A_408 : memref<128x16xf32, #tpu.memory_space<vmem>>) offsets(%dma_start3A_411 : memref<128xi32, #tpu.memory_space<vmem>>) semaphore(%arg12 : memref<!tpu.dma_semaphore, #tpu.memory_space<semaphore_mem>>)
        %dma_start3A_419 = arith.constant 0 : i32
        %dma_start3A_420 = arith.constant 23 : i32
        %dma_start3A_421 = arith.constant 23 : i32
        %dma_start3A_422 = arith.constant 0 : i32
        %dma_start3A_423 = arith.constant 0 : i32
        %dma_start3A_424 = tpu.memref_slice %arg11[%dma_start3A_421, %dma_start3A_422, %dma_start3A_423] : memref<32x128x16xf32, #tpu.memory_space<vmem>> -> memref<1x128x16xf32, #tpu.memory_space<vmem>>
        %dma_start3A_425 = tpu.memref_squeeze %dma_start3A_424 : memref<1x128x16xf32, #tpu.memory_space<vmem>> -> memref<128x16xf32, #tpu.memory_space<vmem>>
        %dma_start3A_426 = arith.constant 0 : i32
        %dma_start3A_427 = tpu.memref_slice %arg10[%dma_start3A_420, %dma_start3A_426] : memref<32x128xi32, #tpu.memory_space<vmem>> -> memref<1x128xi32, #tpu.memory_space<vmem>>
        %dma_start3A_428 = tpu.memref_squeeze %dma_start3A_427 : memref<1x128xi32, #tpu.memory_space<vmem>> -> memref<128xi32, #tpu.memory_space<vmem>>
        %dma_start3A_429 = arith.constant 0 : i32
        %dma_start3A_430 = arith.constant 0 : i32
        %dma_start3A_431 = tpu.memref_slice %arg2[%dma_start3A_419, %dma_start3A_429, %dma_start3A_430] : memref<2x1000000x16xf32, #tpu.memory_space<hbm>> -> memref<1x1000000x16xf32, #tpu.memory_space<hbm>>
        %dma_start3A_432 = tpu.memref_squeeze %dma_start3A_431 : memref<1x1000000x16xf32, #tpu.memory_space<hbm>> -> memref<1000000x16xf32, #tpu.memory_space<hbm>>
        %dma_start3A_433 = arith.constant 0 : i32
        %dma_start3A_434 = arith.constant 0 : i32
        %dma_start3A_435 = tpu.memref_slice %dma_start3A_432[%dma_start3A_433, %dma_start3A_434] : memref<1000000x16xf32, #tpu.memory_space<hbm>> -> memref<1000000x16xf32, #tpu.memory_space<hbm>>
        tpu.enqueue_indirect_dma source(%dma_start3A_435 : memref<1000000x16xf32, #tpu.memory_space<hbm>>) target(%dma_start3A_425 : memref<128x16xf32, #tpu.memory_space<vmem>>) offsets(%dma_start3A_428 : memref<128xi32, #tpu.memory_space<vmem>>) semaphore(%arg12 : memref<!tpu.dma_semaphore, #tpu.memory_space<semaphore_mem>>)
        %dma_start3A_436 = arith.constant 0 : i32
        %dma_start3A_437 = arith.constant 24 : i32
        %dma_start3A_438 = arith.constant 24 : i32
        %dma_start3A_439 = arith.constant 0 : i32
        %dma_start3A_440 = arith.constant 0 : i32
        %dma_start3A_441 = tpu.memref_slice %arg11[%dma_start3A_438, %dma_start3A_439, %dma_start3A_440] : memref<32x128x16xf32, #tpu.memory_space<vmem>> -> memref<1x128x16xf32, #tpu.memory_space<vmem>>
        %dma_start3A_442 = tpu.memref_squeeze %dma_start3A_441 : memref<1x128x16xf32, #tpu.memory_space<vmem>> -> memref<128x16xf32, #tpu.memory_space<vmem>>
        %dma_start3A_443 = arith.constant 0 : i32
        %dma_start3A_444 = tpu.memref_slice %arg10[%dma_start3A_437, %dma_start3A_443] : memref<32x128xi32, #tpu.memory_space<vmem>> -> memref<1x128xi32, #tpu.memory_space<vmem>>
        %dma_start3A_445 = tpu.memref_squeeze %dma_start3A_444 : memref<1x128xi32, #tpu.memory_space<vmem>> -> memref<128xi32, #tpu.memory_space<vmem>>
        %dma_start3A_446 = arith.constant 0 : i32
        %dma_start3A_447 = arith.constant 0 : i32
        %dma_start3A_448 = tpu.memref_slice %arg2[%dma_start3A_436, %dma_start3A_446, %dma_start3A_447] : memref<2x1000000x16xf32, #tpu.memory_space<hbm>> -> memref<1x1000000x16xf32, #tpu.memory_space<hbm>>
        %dma_start3A_449 = tpu.memref_squeeze %dma_start3A_448 : memref<1x1000000x16xf32, #tpu.memory_space<hbm>> -> memref<1000000x16xf32, #tpu.memory_space<hbm>>
        %dma_start3A_450 = arith.constant 0 : i32
        %dma_start3A_451 = arith.constant 0 : i32
        %dma_start3A_452 = tpu.memref_slice %dma_start3A_449[%dma_start3A_450, %dma_start3A_451] : memref<1000000x16xf32, #tpu.memory_space<hbm>> -> memref<1000000x16xf32, #tpu.memory_space<hbm>>
        tpu.enqueue_indirect_dma source(%dma_start3A_452 : memref<1000000x16xf32, #tpu.memory_space<hbm>>) target(%dma_start3A_442 : memref<128x16xf32, #tpu.memory_space<vmem>>) offsets(%dma_start3A_445 : memref<128xi32, #tpu.memory_space<vmem>>) semaphore(%arg12 : memref<!tpu.dma_semaphore, #tpu.memory_space<semaphore_mem>>)
        %dma_start3A_453 = arith.constant 0 : i32
        %dma_start3A_454 = arith.constant 25 : i32
        %dma_start3A_455 = arith.constant 25 : i32
        %dma_start3A_456 = arith.constant 0 : i32
        %dma_start3A_457 = arith.constant 0 : i32
        %dma_start3A_458 = tpu.memref_slice %arg11[%dma_start3A_455, %dma_start3A_456, %dma_start3A_457] : memref<32x128x16xf32, #tpu.memory_space<vmem>> -> memref<1x128x16xf32, #tpu.memory_space<vmem>>
        %dma_start3A_459 = tpu.memref_squeeze %dma_start3A_458 : memref<1x128x16xf32, #tpu.memory_space<vmem>> -> memref<128x16xf32, #tpu.memory_space<vmem>>
        %dma_start3A_460 = arith.constant 0 : i32
        %dma_start3A_461 = tpu.memref_slice %arg10[%dma_start3A_454, %dma_start3A_460] : memref<32x128xi32, #tpu.memory_space<vmem>> -> memref<1x128xi32, #tpu.memory_space<vmem>>
        %dma_start3A_462 = tpu.memref_squeeze %dma_start3A_461 : memref<1x128xi32, #tpu.memory_space<vmem>> -> memref<128xi32, #tpu.memory_space<vmem>>
        %dma_start3A_463 = arith.constant 0 : i32
        %dma_start3A_464 = arith.constant 0 : i32
        %dma_start3A_465 = tpu.memref_slice %arg2[%dma_start3A_453, %dma_start3A_463, %dma_start3A_464] : memref<2x1000000x16xf32, #tpu.memory_space<hbm>> -> memref<1x1000000x16xf32, #tpu.memory_space<hbm>>
        %dma_start3A_466 = tpu.memref_squeeze %dma_start3A_465 : memref<1x1000000x16xf32, #tpu.memory_space<hbm>> -> memref<1000000x16xf32, #tpu.memory_space<hbm>>
        %dma_start3A_467 = arith.constant 0 : i32
        %dma_start3A_468 = arith.constant 0 : i32
        %dma_start3A_469 = tpu.memref_slice %dma_start3A_466[%dma_start3A_467, %dma_start3A_468] : memref<1000000x16xf32, #tpu.memory_space<hbm>> -> memref<1000000x16xf32, #tpu.memory_space<hbm>>
        tpu.enqueue_indirect_dma source(%dma_start3A_469 : memref<1000000x16xf32, #tpu.memory_space<hbm>>) target(%dma_start3A_459 : memref<128x16xf32, #tpu.memory_space<vmem>>) offsets(%dma_start3A_462 : memref<128xi32, #tpu.memory_space<vmem>>) semaphore(%arg12 : memref<!tpu.dma_semaphore, #tpu.memory_space<semaphore_mem>>)
        %dma_start3A_470 = arith.constant 0 : i32
        %dma_start3A_471 = arith.constant 26 : i32
        %dma_start3A_472 = arith.constant 26 : i32
        %dma_start3A_473 = arith.constant 0 : i32
        %dma_start3A_474 = arith.constant 0 : i32
        %dma_start3A_475 = tpu.memref_slice %arg11[%dma_start3A_472, %dma_start3A_473, %dma_start3A_474] : memref<32x128x16xf32, #tpu.memory_space<vmem>> -> memref<1x128x16xf32, #tpu.memory_space<vmem>>
        %dma_start3A_476 = tpu.memref_squeeze %dma_start3A_475 : memref<1x128x16xf32, #tpu.memory_space<vmem>> -> memref<128x16xf32, #tpu.memory_space<vmem>>
        %dma_start3A_477 = arith.constant 0 : i32
        %dma_start3A_478 = tpu.memref_slice %arg10[%dma_start3A_471, %dma_start3A_477] : memref<32x128xi32, #tpu.memory_space<vmem>> -> memref<1x128xi32, #tpu.memory_space<vmem>>
        %dma_start3A_479 = tpu.memref_squeeze %dma_start3A_478 : memref<1x128xi32, #tpu.memory_space<vmem>> -> memref<128xi32, #tpu.memory_space<vmem>>
        %dma_start3A_480 = arith.constant 0 : i32
        %dma_start3A_481 = arith.constant 0 : i32
        %dma_start3A_482 = tpu.memref_slice %arg2[%dma_start3A_470, %dma_start3A_480, %dma_start3A_481] : memref<2x1000000x16xf32, #tpu.memory_space<hbm>> -> memref<1x1000000x16xf32, #tpu.memory_space<hbm>>
        %dma_start3A_483 = tpu.memref_squeeze %dma_start3A_482 : memref<1x1000000x16xf32, #tpu.memory_space<hbm>> -> memref<1000000x16xf32, #tpu.memory_space<hbm>>
        %dma_start3A_484 = arith.constant 0 : i32
        %dma_start3A_485 = arith.constant 0 : i32
        %dma_start3A_486 = tpu.memref_slice %dma_start3A_483[%dma_start3A_484, %dma_start3A_485] : memref<1000000x16xf32, #tpu.memory_space<hbm>> -> memref<1000000x16xf32, #tpu.memory_space<hbm>>
        tpu.enqueue_indirect_dma source(%dma_start3A_486 : memref<1000000x16xf32, #tpu.memory_space<hbm>>) target(%dma_start3A_476 : memref<128x16xf32, #tpu.memory_space<vmem>>) offsets(%dma_start3A_479 : memref<128xi32, #tpu.memory_space<vmem>>) semaphore(%arg12 : memref<!tpu.dma_semaphore, #tpu.memory_space<semaphore_mem>>)
        %dma_start3A_487 = arith.constant 0 : i32
        %dma_start3A_488 = arith.constant 27 : i32
        %dma_start3A_489 = arith.constant 27 : i32
        %dma_start3A_490 = arith.constant 0 : i32
        %dma_start3A_491 = arith.constant 0 : i32
        %dma_start3A_492 = tpu.memref_slice %arg11[%dma_start3A_489, %dma_start3A_490, %dma_start3A_491] : memref<32x128x16xf32, #tpu.memory_space<vmem>> -> memref<1x128x16xf32, #tpu.memory_space<vmem>>
        %dma_start3A_493 = tpu.memref_squeeze %dma_start3A_492 : memref<1x128x16xf32, #tpu.memory_space<vmem>> -> memref<128x16xf32, #tpu.memory_space<vmem>>
        %dma_start3A_494 = arith.constant 0 : i32
        %dma_start3A_495 = tpu.memref_slice %arg10[%dma_start3A_488, %dma_start3A_494] : memref<32x128xi32, #tpu.memory_space<vmem>> -> memref<1x128xi32, #tpu.memory_space<vmem>>
        %dma_start3A_496 = tpu.memref_squeeze %dma_start3A_495 : memref<1x128xi32, #tpu.memory_space<vmem>> -> memref<128xi32, #tpu.memory_space<vmem>>
        %dma_start3A_497 = arith.constant 0 : i32
        %dma_start3A_498 = arith.constant 0 : i32
        %dma_start3A_499 = tpu.memref_slice %arg2[%dma_start3A_487, %dma_start3A_497, %dma_start3A_498] : memref<2x1000000x16xf32, #tpu.memory_space<hbm>> -> memref<1x1000000x16xf32, #tpu.memory_space<hbm>>
        %dma_start3A_500 = tpu.memref_squeeze %dma_start3A_499 : memref<1x1000000x16xf32, #tpu.memory_space<hbm>> -> memref<1000000x16xf32, #tpu.memory_space<hbm>>
        %dma_start3A_501 = arith.constant 0 : i32
        %dma_start3A_502 = arith.constant 0 : i32
        %dma_start3A_503 = tpu.memref_slice %dma_start3A_500[%dma_start3A_501, %dma_start3A_502] : memref<1000000x16xf32, #tpu.memory_space<hbm>> -> memref<1000000x16xf32, #tpu.memory_space<hbm>>
        tpu.enqueue_indirect_dma source(%dma_start3A_503 : memref<1000000x16xf32, #tpu.memory_space<hbm>>) target(%dma_start3A_493 : memref<128x16xf32, #tpu.memory_space<vmem>>) offsets(%dma_start3A_496 : memref<128xi32, #tpu.memory_space<vmem>>) semaphore(%arg12 : memref<!tpu.dma_semaphore, #tpu.memory_space<semaphore_mem>>)
        %dma_start3A_504 = arith.constant 0 : i32
        %dma_start3A_505 = arith.constant 28 : i32
        %dma_start3A_506 = arith.constant 28 : i32
        %dma_start3A_507 = arith.constant 0 : i32
        %dma_start3A_508 = arith.constant 0 : i32
        %dma_start3A_509 = tpu.memref_slice %arg11[%dma_start3A_506, %dma_start3A_507, %dma_start3A_508] : memref<32x128x16xf32, #tpu.memory_space<vmem>> -> memref<1x128x16xf32, #tpu.memory_space<vmem>>
        %dma_start3A_510 = tpu.memref_squeeze %dma_start3A_509 : memref<1x128x16xf32, #tpu.memory_space<vmem>> -> memref<128x16xf32, #tpu.memory_space<vmem>>
        %dma_start3A_511 = arith.constant 0 : i32
        %dma_start3A_512 = tpu.memref_slice %arg10[%dma_start3A_505, %dma_start3A_511] : memref<32x128xi32, #tpu.memory_space<vmem>> -> memref<1x128xi32, #tpu.memory_space<vmem>>
        %dma_start3A_513 = tpu.memref_squeeze %dma_start3A_512 : memref<1x128xi32, #tpu.memory_space<vmem>> -> memref<128xi32, #tpu.memory_space<vmem>>
        %dma_start3A_514 = arith.constant 0 : i32
        %dma_start3A_515 = arith.constant 0 : i32
        %dma_start3A_516 = tpu.memref_slice %arg2[%dma_start3A_504, %dma_start3A_514, %dma_start3A_515] : memref<2x1000000x16xf32, #tpu.memory_space<hbm>> -> memref<1x1000000x16xf32, #tpu.memory_space<hbm>>
        %dma_start3A_517 = tpu.memref_squeeze %dma_start3A_516 : memref<1x1000000x16xf32, #tpu.memory_space<hbm>> -> memref<1000000x16xf32, #tpu.memory_space<hbm>>
        %dma_start3A_518 = arith.constant 0 : i32
        %dma_start3A_519 = arith.constant 0 : i32
        %dma_start3A_520 = tpu.memref_slice %dma_start3A_517[%dma_start3A_518, %dma_start3A_519] : memref<1000000x16xf32, #tpu.memory_space<hbm>> -> memref<1000000x16xf32, #tpu.memory_space<hbm>>
        tpu.enqueue_indirect_dma source(%dma_start3A_520 : memref<1000000x16xf32, #tpu.memory_space<hbm>>) target(%dma_start3A_510 : memref<128x16xf32, #tpu.memory_space<vmem>>) offsets(%dma_start3A_513 : memref<128xi32, #tpu.memory_space<vmem>>) semaphore(%arg12 : memref<!tpu.dma_semaphore, #tpu.memory_space<semaphore_mem>>)
        %dma_start3A_521 = arith.constant 0 : i32
        %dma_start3A_522 = arith.constant 29 : i32
        %dma_start3A_523 = arith.constant 29 : i32
        %dma_start3A_524 = arith.constant 0 : i32
        %dma_start3A_525 = arith.constant 0 : i32
        %dma_start3A_526 = tpu.memref_slice %arg11[%dma_start3A_523, %dma_start3A_524, %dma_start3A_525] : memref<32x128x16xf32, #tpu.memory_space<vmem>> -> memref<1x128x16xf32, #tpu.memory_space<vmem>>
        %dma_start3A_527 = tpu.memref_squeeze %dma_start3A_526 : memref<1x128x16xf32, #tpu.memory_space<vmem>> -> memref<128x16xf32, #tpu.memory_space<vmem>>
        %dma_start3A_528 = arith.constant 0 : i32
        %dma_start3A_529 = tpu.memref_slice %arg10[%dma_start3A_522, %dma_start3A_528] : memref<32x128xi32, #tpu.memory_space<vmem>> -> memref<1x128xi32, #tpu.memory_space<vmem>>
        %dma_start3A_530 = tpu.memref_squeeze %dma_start3A_529 : memref<1x128xi32, #tpu.memory_space<vmem>> -> memref<128xi32, #tpu.memory_space<vmem>>
        %dma_start3A_531 = arith.constant 0 : i32
        %dma_start3A_532 = arith.constant 0 : i32
        %dma_start3A_533 = tpu.memref_slice %arg2[%dma_start3A_521, %dma_start3A_531, %dma_start3A_532] : memref<2x1000000x16xf32, #tpu.memory_space<hbm>> -> memref<1x1000000x16xf32, #tpu.memory_space<hbm>>
        %dma_start3A_534 = tpu.memref_squeeze %dma_start3A_533 : memref<1x1000000x16xf32, #tpu.memory_space<hbm>> -> memref<1000000x16xf32, #tpu.memory_space<hbm>>
        %dma_start3A_535 = arith.constant 0 : i32
        %dma_start3A_536 = arith.constant 0 : i32
        %dma_start3A_537 = tpu.memref_slice %dma_start3A_534[%dma_start3A_535, %dma_start3A_536] : memref<1000000x16xf32, #tpu.memory_space<hbm>> -> memref<1000000x16xf32, #tpu.memory_space<hbm>>
        tpu.enqueue_indirect_dma source(%dma_start3A_537 : memref<1000000x16xf32, #tpu.memory_space<hbm>>) target(%dma_start3A_527 : memref<128x16xf32, #tpu.memory_space<vmem>>) offsets(%dma_start3A_530 : memref<128xi32, #tpu.memory_space<vmem>>) semaphore(%arg12 : memref<!tpu.dma_semaphore, #tpu.memory_space<semaphore_mem>>)
        %dma_start3A_538 = arith.constant 0 : i32
        %dma_start3A_539 = arith.constant 30 : i32
        %dma_start3A_540 = arith.constant 30 : i32
        %dma_start3A_541 = arith.constant 0 : i32
        %dma_start3A_542 = arith.constant 0 : i32
        %dma_start3A_543 = tpu.memref_slice %arg11[%dma_start3A_540, %dma_start3A_541, %dma_start3A_542] : memref<32x128x16xf32, #tpu.memory_space<vmem>> -> memref<1x128x16xf32, #tpu.memory_space<vmem>>
        %dma_start3A_544 = tpu.memref_squeeze %dma_start3A_543 : memref<1x128x16xf32, #tpu.memory_space<vmem>> -> memref<128x16xf32, #tpu.memory_space<vmem>>
        %dma_start3A_545 = arith.constant 0 : i32
        %dma_start3A_546 = tpu.memref_slice %arg10[%dma_start3A_539, %dma_start3A_545] : memref<32x128xi32, #tpu.memory_space<vmem>> -> memref<1x128xi32, #tpu.memory_space<vmem>>
        %dma_start3A_547 = tpu.memref_squeeze %dma_start3A_546 : memref<1x128xi32, #tpu.memory_space<vmem>> -> memref<128xi32, #tpu.memory_space<vmem>>
        %dma_start3A_548 = arith.constant 0 : i32
        %dma_start3A_549 = arith.constant 0 : i32
        %dma_start3A_550 = tpu.memref_slice %arg2[%dma_start3A_538, %dma_start3A_548, %dma_start3A_549] : memref<2x1000000x16xf32, #tpu.memory_space<hbm>> -> memref<1x1000000x16xf32, #tpu.memory_space<hbm>>
        %dma_start3A_551 = tpu.memref_squeeze %dma_start3A_550 : memref<1x1000000x16xf32, #tpu.memory_space<hbm>> -> memref<1000000x16xf32, #tpu.memory_space<hbm>>
        %dma_start3A_552 = arith.constant 0 : i32
        %dma_start3A_553 = arith.constant 0 : i32
        %dma_start3A_554 = tpu.memref_slice %dma_start3A_551[%dma_start3A_552, %dma_start3A_553] : memref<1000000x16xf32, #tpu.memory_space<hbm>> -> memref<1000000x16xf32, #tpu.memory_space<hbm>>
        tpu.enqueue_indirect_dma source(%dma_start3A_554 : memref<1000000x16xf32, #tpu.memory_space<hbm>>) target(%dma_start3A_544 : memref<128x16xf32, #tpu.memory_space<vmem>>) offsets(%dma_start3A_547 : memref<128xi32, #tpu.memory_space<vmem>>) semaphore(%arg12 : memref<!tpu.dma_semaphore, #tpu.memory_space<semaphore_mem>>)
        %dma_start3A_555 = arith.constant 0 : i32
        %dma_start3A_556 = arith.constant 31 : i32
        %dma_start3A_557 = arith.constant 31 : i32
        %dma_start3A_558 = arith.constant 0 : i32
        %dma_start3A_559 = arith.constant 0 : i32
        %dma_start3A_560 = tpu.memref_slice %arg11[%dma_start3A_557, %dma_start3A_558, %dma_start3A_559] : memref<32x128x16xf32, #tpu.memory_space<vmem>> -> memref<1x128x16xf32, #tpu.memory_space<vmem>>
        %dma_start3A_561 = tpu.memref_squeeze %dma_start3A_560 : memref<1x128x16xf32, #tpu.memory_space<vmem>> -> memref<128x16xf32, #tpu.memory_space<vmem>>
        %dma_start3A_562 = arith.constant 0 : i32
        %dma_start3A_563 = tpu.memref_slice %arg10[%dma_start3A_556, %dma_start3A_562] : memref<32x128xi32, #tpu.memory_space<vmem>> -> memref<1x128xi32, #tpu.memory_space<vmem>>
        %dma_start3A_564 = tpu.memref_squeeze %dma_start3A_563 : memref<1x128xi32, #tpu.memory_space<vmem>> -> memref<128xi32, #tpu.memory_space<vmem>>
        %dma_start3A_565 = arith.constant 0 : i32
        %dma_start3A_566 = arith.constant 0 : i32
        %dma_start3A_567 = tpu.memref_slice %arg2[%dma_start3A_555, %dma_start3A_565, %dma_start3A_566] : memref<2x1000000x16xf32, #tpu.memory_space<hbm>> -> memref<1x1000000x16xf32, #tpu.memory_space<hbm>>
        %dma_start3A_568 = tpu.memref_squeeze %dma_start3A_567 : memref<1x1000000x16xf32, #tpu.memory_space<hbm>> -> memref<1000000x16xf32, #tpu.memory_space<hbm>>
        %dma_start3A_569 = arith.constant 0 : i32
        %dma_start3A_570 = arith.constant 0 : i32
        %dma_start3A_571 = tpu.memref_slice %dma_start3A_568[%dma_start3A_569, %dma_start3A_570] : memref<1000000x16xf32, #tpu.memory_space<hbm>> -> memref<1000000x16xf32, #tpu.memory_space<hbm>>
        tpu.enqueue_indirect_dma source(%dma_start3A_571 : memref<1000000x16xf32, #tpu.memory_space<hbm>>) target(%dma_start3A_561 : memref<128x16xf32, #tpu.memory_space<vmem>>) offsets(%dma_start3A_564 : memref<128xi32, #tpu.memory_space<vmem>>) semaphore(%arg12 : memref<!tpu.dma_semaphore, #tpu.memory_space<semaphore_mem>>)
        %dma_wait3A = arith.constant 0 : i32
        %dma_wait3A_572 = arith.constant 0 : i32
        %dma_wait3A_573 = arith.constant 0 : i32
        %dma_wait3A_574 = arith.constant 0 : i32
        %dma_wait3A_575 = arith.constant 0 : i32
        %dma_wait3A_576 = tpu.memref_slice %arg11[%dma_wait3A_573, %dma_wait3A_574, %dma_wait3A_575] : memref<32x128x16xf32, #tpu.memory_space<vmem>> -> memref<1x128x16xf32, #tpu.memory_space<vmem>>
        %dma_wait3A_577 = tpu.memref_squeeze %dma_wait3A_576 : memref<1x128x16xf32, #tpu.memory_space<vmem>> -> memref<128x16xf32, #tpu.memory_space<vmem>>
        %dma_wait3A_578 = arith.constant 0 : i32
        %dma_wait3A_579 = tpu.memref_slice %arg10[%dma_wait3A_572, %dma_wait3A_578] : memref<32x128xi32, #tpu.memory_space<vmem>> -> memref<1x128xi32, #tpu.memory_space<vmem>>
        %dma_wait3A_580 = tpu.memref_squeeze %dma_wait3A_579 : memref<1x128xi32, #tpu.memory_space<vmem>> -> memref<128xi32, #tpu.memory_space<vmem>>
        %dma_wait3A_581 = arith.constant 0 : i32
        %dma_wait3A_582 = arith.constant 0 : i32
        %dma_wait3A_583 = tpu.memref_slice %arg2[%dma_wait3A, %dma_wait3A_581, %dma_wait3A_582] : memref<2x1000000x16xf32, #tpu.memory_space<hbm>> -> memref<1x1000000x16xf32, #tpu.memory_space<hbm>>
        %dma_wait3A_584 = tpu.memref_squeeze %dma_wait3A_583 : memref<1x1000000x16xf32, #tpu.memory_space<hbm>> -> memref<1000000x16xf32, #tpu.memory_space<hbm>>
        %dma_wait3A_585 = arith.constant 0 : i32
        %dma_wait3A_586 = arith.constant 0 : i32
        %dma_wait3A_587 = tpu.memref_slice %dma_wait3A_584[%dma_wait3A_585, %dma_wait3A_586] : memref<1000000x16xf32, #tpu.memory_space<hbm>> -> memref<1000000x16xf32, #tpu.memory_space<hbm>>
        tpu.wait_indirect_dma semaphore(%arg12 : memref<!tpu.dma_semaphore, #tpu.memory_space<semaphore_mem>>) src(%dma_wait3A_587 : memref<1000000x16xf32, #tpu.memory_space<hbm>>) dst(%dma_wait3A_577 : memref<128x16xf32, #tpu.memory_space<vmem>>)
        %dma_wait3A_588 = arith.constant 0 : i32
        %dma_wait3A_589 = arith.constant 1 : i32
        %dma_wait3A_590 = arith.constant 1 : i32
        %dma_wait3A_591 = arith.constant 0 : i32
        %dma_wait3A_592 = arith.constant 0 : i32
        %dma_wait3A_593 = tpu.memref_slice %arg11[%dma_wait3A_590, %dma_wait3A_591, %dma_wait3A_592] : memref<32x128x16xf32, #tpu.memory_space<vmem>> -> memref<1x128x16xf32, #tpu.memory_space<vmem>>
        %dma_wait3A_594 = tpu.memref_squeeze %dma_wait3A_593 : memref<1x128x16xf32, #tpu.memory_space<vmem>> -> memref<128x16xf32, #tpu.memory_space<vmem>>
        %dma_wait3A_595 = arith.constant 0 : i32
        %dma_wait3A_596 = tpu.memref_slice %arg10[%dma_wait3A_589, %dma_wait3A_595] : memref<32x128xi32, #tpu.memory_space<vmem>> -> memref<1x128xi32, #tpu.memory_space<vmem>>
        %dma_wait3A_597 = tpu.memref_squeeze %dma_wait3A_596 : memref<1x128xi32, #tpu.memory_space<vmem>> -> memref<128xi32, #tpu.memory_space<vmem>>
        %dma_wait3A_598 = arith.constant 0 : i32
        %dma_wait3A_599 = arith.constant 0 : i32
        %dma_wait3A_600 = tpu.memref_slice %arg2[%dma_wait3A_588, %dma_wait3A_598, %dma_wait3A_599] : memref<2x1000000x16xf32, #tpu.memory_space<hbm>> -> memref<1x1000000x16xf32, #tpu.memory_space<hbm>>
        %dma_wait3A_601 = tpu.memref_squeeze %dma_wait3A_600 : memref<1x1000000x16xf32, #tpu.memory_space<hbm>> -> memref<1000000x16xf32, #tpu.memory_space<hbm>>
        %dma_wait3A_602 = arith.constant 0 : i32
        %dma_wait3A_603 = arith.constant 0 : i32
        %dma_wait3A_604 = tpu.memref_slice %dma_wait3A_601[%dma_wait3A_602, %dma_wait3A_603] : memref<1000000x16xf32, #tpu.memory_space<hbm>> -> memref<1000000x16xf32, #tpu.memory_space<hbm>>
        tpu.wait_indirect_dma semaphore(%arg12 : memref<!tpu.dma_semaphore, #tpu.memory_space<semaphore_mem>>) src(%dma_wait3A_604 : memref<1000000x16xf32, #tpu.memory_space<hbm>>) dst(%dma_wait3A_594 : memref<128x16xf32, #tpu.memory_space<vmem>>)
        %dma_wait3A_605 = arith.constant 0 : i32
        %dma_wait3A_606 = arith.constant 2 : i32
        %dma_wait3A_607 = arith.constant 2 : i32
        %dma_wait3A_608 = arith.constant 0 : i32
        %dma_wait3A_609 = arith.constant 0 : i32
        %dma_wait3A_610 = tpu.memref_slice %arg11[%dma_wait3A_607, %dma_wait3A_608, %dma_wait3A_609] : memref<32x128x16xf32, #tpu.memory_space<vmem>> -> memref<1x128x16xf32, #tpu.memory_space<vmem>>
        %dma_wait3A_611 = tpu.memref_squeeze %dma_wait3A_610 : memref<1x128x16xf32, #tpu.memory_space<vmem>> -> memref<128x16xf32, #tpu.memory_space<vmem>>
        %dma_wait3A_612 = arith.constant 0 : i32
        %dma_wait3A_613 = tpu.memref_slice %arg10[%dma_wait3A_606, %dma_wait3A_612] : memref<32x128xi32, #tpu.memory_space<vmem>> -> memref<1x128xi32, #tpu.memory_space<vmem>>
        %dma_wait3A_614 = tpu.memref_squeeze %dma_wait3A_613 : memref<1x128xi32, #tpu.memory_space<vmem>> -> memref<128xi32, #tpu.memory_space<vmem>>
        %dma_wait3A_615 = arith.constant 0 : i32
        %dma_wait3A_616 = arith.constant 0 : i32
        %dma_wait3A_617 = tpu.memref_slice %arg2[%dma_wait3A_605, %dma_wait3A_615, %dma_wait3A_616] : memref<2x1000000x16xf32, #tpu.memory_space<hbm>> -> memref<1x1000000x16xf32, #tpu.memory_space<hbm>>
        %dma_wait3A_618 = tpu.memref_squeeze %dma_wait3A_617 : memref<1x1000000x16xf32, #tpu.memory_space<hbm>> -> memref<1000000x16xf32, #tpu.memory_space<hbm>>
        %dma_wait3A_619 = arith.constant 0 : i32
        %dma_wait3A_620 = arith.constant 0 : i32
        %dma_wait3A_621 = tpu.memref_slice %dma_wait3A_618[%dma_wait3A_619, %dma_wait3A_620] : memref<1000000x16xf32, #tpu.memory_space<hbm>> -> memref<1000000x16xf32, #tpu.memory_space<hbm>>
        tpu.wait_indirect_dma semaphore(%arg12 : memref<!tpu.dma_semaphore, #tpu.memory_space<semaphore_mem>>) src(%dma_wait3A_621 : memref<1000000x16xf32, #tpu.memory_space<hbm>>) dst(%dma_wait3A_611 : memref<128x16xf32, #tpu.memory_space<vmem>>)
        %dma_wait3A_622 = arith.constant 0 : i32
        %dma_wait3A_623 = arith.constant 3 : i32
        %dma_wait3A_624 = arith.constant 3 : i32
        %dma_wait3A_625 = arith.constant 0 : i32
        %dma_wait3A_626 = arith.constant 0 : i32
        %dma_wait3A_627 = tpu.memref_slice %arg11[%dma_wait3A_624, %dma_wait3A_625, %dma_wait3A_626] : memref<32x128x16xf32, #tpu.memory_space<vmem>> -> memref<1x128x16xf32, #tpu.memory_space<vmem>>
        %dma_wait3A_628 = tpu.memref_squeeze %dma_wait3A_627 : memref<1x128x16xf32, #tpu.memory_space<vmem>> -> memref<128x16xf32, #tpu.memory_space<vmem>>
        %dma_wait3A_629 = arith.constant 0 : i32
        %dma_wait3A_630 = tpu.memref_slice %arg10[%dma_wait3A_623, %dma_wait3A_629] : memref<32x128xi32, #tpu.memory_space<vmem>> -> memref<1x128xi32, #tpu.memory_space<vmem>>
        %dma_wait3A_631 = tpu.memref_squeeze %dma_wait3A_630 : memref<1x128xi32, #tpu.memory_space<vmem>> -> memref<128xi32, #tpu.memory_space<vmem>>
        %dma_wait3A_632 = arith.constant 0 : i32
        %dma_wait3A_633 = arith.constant 0 : i32
        %dma_wait3A_634 = tpu.memref_slice %arg2[%dma_wait3A_622, %dma_wait3A_632, %dma_wait3A_633] : memref<2x1000000x16xf32, #tpu.memory_space<hbm>> -> memref<1x1000000x16xf32, #tpu.memory_space<hbm>>
        %dma_wait3A_635 = tpu.memref_squeeze %dma_wait3A_634 : memref<1x1000000x16xf32, #tpu.memory_space<hbm>> -> memref<1000000x16xf32, #tpu.memory_space<hbm>>
        %dma_wait3A_636 = arith.constant 0 : i32
        %dma_wait3A_637 = arith.constant 0 : i32
        %dma_wait3A_638 = tpu.memref_slice %dma_wait3A_635[%dma_wait3A_636, %dma_wait3A_637] : memref<1000000x16xf32, #tpu.memory_space<hbm>> -> memref<1000000x16xf32, #tpu.memory_space<hbm>>
        tpu.wait_indirect_dma semaphore(%arg12 : memref<!tpu.dma_semaphore, #tpu.memory_space<semaphore_mem>>) src(%dma_wait3A_638 : memref<1000000x16xf32, #tpu.memory_space<hbm>>) dst(%dma_wait3A_628 : memref<128x16xf32, #tpu.memory_space<vmem>>)
        %dma_wait3A_639 = arith.constant 0 : i32
        %dma_wait3A_640 = arith.constant 4 : i32
        %dma_wait3A_641 = arith.constant 4 : i32
        %dma_wait3A_642 = arith.constant 0 : i32
        %dma_wait3A_643 = arith.constant 0 : i32
        %dma_wait3A_644 = tpu.memref_slice %arg11[%dma_wait3A_641, %dma_wait3A_642, %dma_wait3A_643] : memref<32x128x16xf32, #tpu.memory_space<vmem>> -> memref<1x128x16xf32, #tpu.memory_space<vmem>>
        %dma_wait3A_645 = tpu.memref_squeeze %dma_wait3A_644 : memref<1x128x16xf32, #tpu.memory_space<vmem>> -> memref<128x16xf32, #tpu.memory_space<vmem>>
        %dma_wait3A_646 = arith.constant 0 : i32
        %dma_wait3A_647 = tpu.memref_slice %arg10[%dma_wait3A_640, %dma_wait3A_646] : memref<32x128xi32, #tpu.memory_space<vmem>> -> memref<1x128xi32, #tpu.memory_space<vmem>>
        %dma_wait3A_648 = tpu.memref_squeeze %dma_wait3A_647 : memref<1x128xi32, #tpu.memory_space<vmem>> -> memref<128xi32, #tpu.memory_space<vmem>>
        %dma_wait3A_649 = arith.constant 0 : i32
        %dma_wait3A_650 = arith.constant 0 : i32
        %dma_wait3A_651 = tpu.memref_slice %arg2[%dma_wait3A_639, %dma_wait3A_649, %dma_wait3A_650] : memref<2x1000000x16xf32, #tpu.memory_space<hbm>> -> memref<1x1000000x16xf32, #tpu.memory_space<hbm>>
        %dma_wait3A_652 = tpu.memref_squeeze %dma_wait3A_651 : memref<1x1000000x16xf32, #tpu.memory_space<hbm>> -> memref<1000000x16xf32, #tpu.memory_space<hbm>>
        %dma_wait3A_653 = arith.constant 0 : i32
        %dma_wait3A_654 = arith.constant 0 : i32
        %dma_wait3A_655 = tpu.memref_slice %dma_wait3A_652[%dma_wait3A_653, %dma_wait3A_654] : memref<1000000x16xf32, #tpu.memory_space<hbm>> -> memref<1000000x16xf32, #tpu.memory_space<hbm>>
        tpu.wait_indirect_dma semaphore(%arg12 : memref<!tpu.dma_semaphore, #tpu.memory_space<semaphore_mem>>) src(%dma_wait3A_655 : memref<1000000x16xf32, #tpu.memory_space<hbm>>) dst(%dma_wait3A_645 : memref<128x16xf32, #tpu.memory_space<vmem>>)
        %dma_wait3A_656 = arith.constant 0 : i32
        %dma_wait3A_657 = arith.constant 5 : i32
        %dma_wait3A_658 = arith.constant 5 : i32
        %dma_wait3A_659 = arith.constant 0 : i32
        %dma_wait3A_660 = arith.constant 0 : i32
        %dma_wait3A_661 = tpu.memref_slice %arg11[%dma_wait3A_658, %dma_wait3A_659, %dma_wait3A_660] : memref<32x128x16xf32, #tpu.memory_space<vmem>> -> memref<1x128x16xf32, #tpu.memory_space<vmem>>
        %dma_wait3A_662 = tpu.memref_squeeze %dma_wait3A_661 : memref<1x128x16xf32, #tpu.memory_space<vmem>> -> memref<128x16xf32, #tpu.memory_space<vmem>>
        %dma_wait3A_663 = arith.constant 0 : i32
        %dma_wait3A_664 = tpu.memref_slice %arg10[%dma_wait3A_657, %dma_wait3A_663] : memref<32x128xi32, #tpu.memory_space<vmem>> -> memref<1x128xi32, #tpu.memory_space<vmem>>
        %dma_wait3A_665 = tpu.memref_squeeze %dma_wait3A_664 : memref<1x128xi32, #tpu.memory_space<vmem>> -> memref<128xi32, #tpu.memory_space<vmem>>
        %dma_wait3A_666 = arith.constant 0 : i32
        %dma_wait3A_667 = arith.constant 0 : i32
        %dma_wait3A_668 = tpu.memref_slice %arg2[%dma_wait3A_656, %dma_wait3A_666, %dma_wait3A_667] : memref<2x1000000x16xf32, #tpu.memory_space<hbm>> -> memref<1x1000000x16xf32, #tpu.memory_space<hbm>>
        %dma_wait3A_669 = tpu.memref_squeeze %dma_wait3A_668 : memref<1x1000000x16xf32, #tpu.memory_space<hbm>> -> memref<1000000x16xf32, #tpu.memory_space<hbm>>
        %dma_wait3A_670 = arith.constant 0 : i32
        %dma_wait3A_671 = arith.constant 0 : i32
        %dma_wait3A_672 = tpu.memref_slice %dma_wait3A_669[%dma_wait3A_670, %dma_wait3A_671] : memref<1000000x16xf32, #tpu.memory_space<hbm>> -> memref<1000000x16xf32, #tpu.memory_space<hbm>>
        tpu.wait_indirect_dma semaphore(%arg12 : memref<!tpu.dma_semaphore, #tpu.memory_space<semaphore_mem>>) src(%dma_wait3A_672 : memref<1000000x16xf32, #tpu.memory_space<hbm>>) dst(%dma_wait3A_662 : memref<128x16xf32, #tpu.memory_space<vmem>>)
        %dma_wait3A_673 = arith.constant 0 : i32
        %dma_wait3A_674 = arith.constant 6 : i32
        %dma_wait3A_675 = arith.constant 6 : i32
        %dma_wait3A_676 = arith.constant 0 : i32
        %dma_wait3A_677 = arith.constant 0 : i32
        %dma_wait3A_678 = tpu.memref_slice %arg11[%dma_wait3A_675, %dma_wait3A_676, %dma_wait3A_677] : memref<32x128x16xf32, #tpu.memory_space<vmem>> -> memref<1x128x16xf32, #tpu.memory_space<vmem>>
        %dma_wait3A_679 = tpu.memref_squeeze %dma_wait3A_678 : memref<1x128x16xf32, #tpu.memory_space<vmem>> -> memref<128x16xf32, #tpu.memory_space<vmem>>
        %dma_wait3A_680 = arith.constant 0 : i32
        %dma_wait3A_681 = tpu.memref_slice %arg10[%dma_wait3A_674, %dma_wait3A_680] : memref<32x128xi32, #tpu.memory_space<vmem>> -> memref<1x128xi32, #tpu.memory_space<vmem>>
        %dma_wait3A_682 = tpu.memref_squeeze %dma_wait3A_681 : memref<1x128xi32, #tpu.memory_space<vmem>> -> memref<128xi32, #tpu.memory_space<vmem>>
        %dma_wait3A_683 = arith.constant 0 : i32
        %dma_wait3A_684 = arith.constant 0 : i32
        %dma_wait3A_685 = tpu.memref_slice %arg2[%dma_wait3A_673, %dma_wait3A_683, %dma_wait3A_684] : memref<2x1000000x16xf32, #tpu.memory_space<hbm>> -> memref<1x1000000x16xf32, #tpu.memory_space<hbm>>
        %dma_wait3A_686 = tpu.memref_squeeze %dma_wait3A_685 : memref<1x1000000x16xf32, #tpu.memory_space<hbm>> -> memref<1000000x16xf32, #tpu.memory_space<hbm>>
        %dma_wait3A_687 = arith.constant 0 : i32
        %dma_wait3A_688 = arith.constant 0 : i32
        %dma_wait3A_689 = tpu.memref_slice %dma_wait3A_686[%dma_wait3A_687, %dma_wait3A_688] : memref<1000000x16xf32, #tpu.memory_space<hbm>> -> memref<1000000x16xf32, #tpu.memory_space<hbm>>
        tpu.wait_indirect_dma semaphore(%arg12 : memref<!tpu.dma_semaphore, #tpu.memory_space<semaphore_mem>>) src(%dma_wait3A_689 : memref<1000000x16xf32, #tpu.memory_space<hbm>>) dst(%dma_wait3A_679 : memref<128x16xf32, #tpu.memory_space<vmem>>)
        %dma_wait3A_690 = arith.constant 0 : i32
        %dma_wait3A_691 = arith.constant 7 : i32
        %dma_wait3A_692 = arith.constant 7 : i32
        %dma_wait3A_693 = arith.constant 0 : i32
        %dma_wait3A_694 = arith.constant 0 : i32
        %dma_wait3A_695 = tpu.memref_slice %arg11[%dma_wait3A_692, %dma_wait3A_693, %dma_wait3A_694] : memref<32x128x16xf32, #tpu.memory_space<vmem>> -> memref<1x128x16xf32, #tpu.memory_space<vmem>>
        %dma_wait3A_696 = tpu.memref_squeeze %dma_wait3A_695 : memref<1x128x16xf32, #tpu.memory_space<vmem>> -> memref<128x16xf32, #tpu.memory_space<vmem>>
        %dma_wait3A_697 = arith.constant 0 : i32
        %dma_wait3A_698 = tpu.memref_slice %arg10[%dma_wait3A_691, %dma_wait3A_697] : memref<32x128xi32, #tpu.memory_space<vmem>> -> memref<1x128xi32, #tpu.memory_space<vmem>>
        %dma_wait3A_699 = tpu.memref_squeeze %dma_wait3A_698 : memref<1x128xi32, #tpu.memory_space<vmem>> -> memref<128xi32, #tpu.memory_space<vmem>>
        %dma_wait3A_700 = arith.constant 0 : i32
        %dma_wait3A_701 = arith.constant 0 : i32
        %dma_wait3A_702 = tpu.memref_slice %arg2[%dma_wait3A_690, %dma_wait3A_700, %dma_wait3A_701] : memref<2x1000000x16xf32, #tpu.memory_space<hbm>> -> memref<1x1000000x16xf32, #tpu.memory_space<hbm>>
        %dma_wait3A_703 = tpu.memref_squeeze %dma_wait3A_702 : memref<1x1000000x16xf32, #tpu.memory_space<hbm>> -> memref<1000000x16xf32, #tpu.memory_space<hbm>>
        %dma_wait3A_704 = arith.constant 0 : i32
        %dma_wait3A_705 = arith.constant 0 : i32
        %dma_wait3A_706 = tpu.memref_slice %dma_wait3A_703[%dma_wait3A_704, %dma_wait3A_705] : memref<1000000x16xf32, #tpu.memory_space<hbm>> -> memref<1000000x16xf32, #tpu.memory_space<hbm>>
        tpu.wait_indirect_dma semaphore(%arg12 : memref<!tpu.dma_semaphore, #tpu.memory_space<semaphore_mem>>) src(%dma_wait3A_706 : memref<1000000x16xf32, #tpu.memory_space<hbm>>) dst(%dma_wait3A_696 : memref<128x16xf32, #tpu.memory_space<vmem>>)
        %dma_wait3A_707 = arith.constant 0 : i32
        %dma_wait3A_708 = arith.constant 8 : i32
        %dma_wait3A_709 = arith.constant 8 : i32
        %dma_wait3A_710 = arith.constant 0 : i32
        %dma_wait3A_711 = arith.constant 0 : i32
        %dma_wait3A_712 = tpu.memref_slice %arg11[%dma_wait3A_709, %dma_wait3A_710, %dma_wait3A_711] : memref<32x128x16xf32, #tpu.memory_space<vmem>> -> memref<1x128x16xf32, #tpu.memory_space<vmem>>
        %dma_wait3A_713 = tpu.memref_squeeze %dma_wait3A_712 : memref<1x128x16xf32, #tpu.memory_space<vmem>> -> memref<128x16xf32, #tpu.memory_space<vmem>>
        %dma_wait3A_714 = arith.constant 0 : i32
        %dma_wait3A_715 = tpu.memref_slice %arg10[%dma_wait3A_708, %dma_wait3A_714] : memref<32x128xi32, #tpu.memory_space<vmem>> -> memref<1x128xi32, #tpu.memory_space<vmem>>
        %dma_wait3A_716 = tpu.memref_squeeze %dma_wait3A_715 : memref<1x128xi32, #tpu.memory_space<vmem>> -> memref<128xi32, #tpu.memory_space<vmem>>
        %dma_wait3A_717 = arith.constant 0 : i32
        %dma_wait3A_718 = arith.constant 0 : i32
        %dma_wait3A_719 = tpu.memref_slice %arg2[%dma_wait3A_707, %dma_wait3A_717, %dma_wait3A_718] : memref<2x1000000x16xf32, #tpu.memory_space<hbm>> -> memref<1x1000000x16xf32, #tpu.memory_space<hbm>>
        %dma_wait3A_720 = tpu.memref_squeeze %dma_wait3A_719 : memref<1x1000000x16xf32, #tpu.memory_space<hbm>> -> memref<1000000x16xf32, #tpu.memory_space<hbm>>
        %dma_wait3A_721 = arith.constant 0 : i32
        %dma_wait3A_722 = arith.constant 0 : i32
        %dma_wait3A_723 = tpu.memref_slice %dma_wait3A_720[%dma_wait3A_721, %dma_wait3A_722] : memref<1000000x16xf32, #tpu.memory_space<hbm>> -> memref<1000000x16xf32, #tpu.memory_space<hbm>>
        tpu.wait_indirect_dma semaphore(%arg12 : memref<!tpu.dma_semaphore, #tpu.memory_space<semaphore_mem>>) src(%dma_wait3A_723 : memref<1000000x16xf32, #tpu.memory_space<hbm>>) dst(%dma_wait3A_713 : memref<128x16xf32, #tpu.memory_space<vmem>>)
        %dma_wait3A_724 = arith.constant 0 : i32
        %dma_wait3A_725 = arith.constant 9 : i32
        %dma_wait3A_726 = arith.constant 9 : i32
        %dma_wait3A_727 = arith.constant 0 : i32
        %dma_wait3A_728 = arith.constant 0 : i32
        %dma_wait3A_729 = tpu.memref_slice %arg11[%dma_wait3A_726, %dma_wait3A_727, %dma_wait3A_728] : memref<32x128x16xf32, #tpu.memory_space<vmem>> -> memref<1x128x16xf32, #tpu.memory_space<vmem>>
        %dma_wait3A_730 = tpu.memref_squeeze %dma_wait3A_729 : memref<1x128x16xf32, #tpu.memory_space<vmem>> -> memref<128x16xf32, #tpu.memory_space<vmem>>
        %dma_wait3A_731 = arith.constant 0 : i32
        %dma_wait3A_732 = tpu.memref_slice %arg10[%dma_wait3A_725, %dma_wait3A_731] : memref<32x128xi32, #tpu.memory_space<vmem>> -> memref<1x128xi32, #tpu.memory_space<vmem>>
        %dma_wait3A_733 = tpu.memref_squeeze %dma_wait3A_732 : memref<1x128xi32, #tpu.memory_space<vmem>> -> memref<128xi32, #tpu.memory_space<vmem>>
        %dma_wait3A_734 = arith.constant 0 : i32
        %dma_wait3A_735 = arith.constant 0 : i32
        %dma_wait3A_736 = tpu.memref_slice %arg2[%dma_wait3A_724, %dma_wait3A_734, %dma_wait3A_735] : memref<2x1000000x16xf32, #tpu.memory_space<hbm>> -> memref<1x1000000x16xf32, #tpu.memory_space<hbm>>
        %dma_wait3A_737 = tpu.memref_squeeze %dma_wait3A_736 : memref<1x1000000x16xf32, #tpu.memory_space<hbm>> -> memref<1000000x16xf32, #tpu.memory_space<hbm>>
        %dma_wait3A_738 = arith.constant 0 : i32
        %dma_wait3A_739 = arith.constant 0 : i32
        %dma_wait3A_740 = tpu.memref_slice %dma_wait3A_737[%dma_wait3A_738, %dma_wait3A_739] : memref<1000000x16xf32, #tpu.memory_space<hbm>> -> memref<1000000x16xf32, #tpu.memory_space<hbm>>
        tpu.wait_indirect_dma semaphore(%arg12 : memref<!tpu.dma_semaphore, #tpu.memory_space<semaphore_mem>>) src(%dma_wait3A_740 : memref<1000000x16xf32, #tpu.memory_space<hbm>>) dst(%dma_wait3A_730 : memref<128x16xf32, #tpu.memory_space<vmem>>)
        %dma_wait3A_741 = arith.constant 0 : i32
        %dma_wait3A_742 = arith.constant 10 : i32
        %dma_wait3A_743 = arith.constant 10 : i32
        %dma_wait3A_744 = arith.constant 0 : i32
        %dma_wait3A_745 = arith.constant 0 : i32
        %dma_wait3A_746 = tpu.memref_slice %arg11[%dma_wait3A_743, %dma_wait3A_744, %dma_wait3A_745] : memref<32x128x16xf32, #tpu.memory_space<vmem>> -> memref<1x128x16xf32, #tpu.memory_space<vmem>>
        %dma_wait3A_747 = tpu.memref_squeeze %dma_wait3A_746 : memref<1x128x16xf32, #tpu.memory_space<vmem>> -> memref<128x16xf32, #tpu.memory_space<vmem>>
        %dma_wait3A_748 = arith.constant 0 : i32
        %dma_wait3A_749 = tpu.memref_slice %arg10[%dma_wait3A_742, %dma_wait3A_748] : memref<32x128xi32, #tpu.memory_space<vmem>> -> memref<1x128xi32, #tpu.memory_space<vmem>>
        %dma_wait3A_750 = tpu.memref_squeeze %dma_wait3A_749 : memref<1x128xi32, #tpu.memory_space<vmem>> -> memref<128xi32, #tpu.memory_space<vmem>>
        %dma_wait3A_751 = arith.constant 0 : i32
        %dma_wait3A_752 = arith.constant 0 : i32
        %dma_wait3A_753 = tpu.memref_slice %arg2[%dma_wait3A_741, %dma_wait3A_751, %dma_wait3A_752] : memref<2x1000000x16xf32, #tpu.memory_space<hbm>> -> memref<1x1000000x16xf32, #tpu.memory_space<hbm>>
        %dma_wait3A_754 = tpu.memref_squeeze %dma_wait3A_753 : memref<1x1000000x16xf32, #tpu.memory_space<hbm>> -> memref<1000000x16xf32, #tpu.memory_space<hbm>>
        %dma_wait3A_755 = arith.constant 0 : i32
        %dma_wait3A_756 = arith.constant 0 : i32
        %dma_wait3A_757 = tpu.memref_slice %dma_wait3A_754[%dma_wait3A_755, %dma_wait3A_756] : memref<1000000x16xf32, #tpu.memory_space<hbm>> -> memref<1000000x16xf32, #tpu.memory_space<hbm>>
        tpu.wait_indirect_dma semaphore(%arg12 : memref<!tpu.dma_semaphore, #tpu.memory_space<semaphore_mem>>) src(%dma_wait3A_757 : memref<1000000x16xf32, #tpu.memory_space<hbm>>) dst(%dma_wait3A_747 : memref<128x16xf32, #tpu.memory_space<vmem>>)
        %dma_wait3A_758 = arith.constant 0 : i32
        %dma_wait3A_759 = arith.constant 11 : i32
        %dma_wait3A_760 = arith.constant 11 : i32
        %dma_wait3A_761 = arith.constant 0 : i32
        %dma_wait3A_762 = arith.constant 0 : i32
        %dma_wait3A_763 = tpu.memref_slice %arg11[%dma_wait3A_760, %dma_wait3A_761, %dma_wait3A_762] : memref<32x128x16xf32, #tpu.memory_space<vmem>> -> memref<1x128x16xf32, #tpu.memory_space<vmem>>
        %dma_wait3A_764 = tpu.memref_squeeze %dma_wait3A_763 : memref<1x128x16xf32, #tpu.memory_space<vmem>> -> memref<128x16xf32, #tpu.memory_space<vmem>>
        %dma_wait3A_765 = arith.constant 0 : i32
        %dma_wait3A_766 = tpu.memref_slice %arg10[%dma_wait3A_759, %dma_wait3A_765] : memref<32x128xi32, #tpu.memory_space<vmem>> -> memref<1x128xi32, #tpu.memory_space<vmem>>
        %dma_wait3A_767 = tpu.memref_squeeze %dma_wait3A_766 : memref<1x128xi32, #tpu.memory_space<vmem>> -> memref<128xi32, #tpu.memory_space<vmem>>
        %dma_wait3A_768 = arith.constant 0 : i32
        %dma_wait3A_769 = arith.constant 0 : i32
        %dma_wait3A_770 = tpu.memref_slice %arg2[%dma_wait3A_758, %dma_wait3A_768, %dma_wait3A_769] : memref<2x1000000x16xf32, #tpu.memory_space<hbm>> -> memref<1x1000000x16xf32, #tpu.memory_space<hbm>>
        %dma_wait3A_771 = tpu.memref_squeeze %dma_wait3A_770 : memref<1x1000000x16xf32, #tpu.memory_space<hbm>> -> memref<1000000x16xf32, #tpu.memory_space<hbm>>
        %dma_wait3A_772 = arith.constant 0 : i32
        %dma_wait3A_773 = arith.constant 0 : i32
        %dma_wait3A_774 = tpu.memref_slice %dma_wait3A_771[%dma_wait3A_772, %dma_wait3A_773] : memref<1000000x16xf32, #tpu.memory_space<hbm>> -> memref<1000000x16xf32, #tpu.memory_space<hbm>>
        tpu.wait_indirect_dma semaphore(%arg12 : memref<!tpu.dma_semaphore, #tpu.memory_space<semaphore_mem>>) src(%dma_wait3A_774 : memref<1000000x16xf32, #tpu.memory_space<hbm>>) dst(%dma_wait3A_764 : memref<128x16xf32, #tpu.memory_space<vmem>>)
        %dma_wait3A_775 = arith.constant 0 : i32
        %dma_wait3A_776 = arith.constant 12 : i32
        %dma_wait3A_777 = arith.constant 12 : i32
        %dma_wait3A_778 = arith.constant 0 : i32
        %dma_wait3A_779 = arith.constant 0 : i32
        %dma_wait3A_780 = tpu.memref_slice %arg11[%dma_wait3A_777, %dma_wait3A_778, %dma_wait3A_779] : memref<32x128x16xf32, #tpu.memory_space<vmem>> -> memref<1x128x16xf32, #tpu.memory_space<vmem>>
        %dma_wait3A_781 = tpu.memref_squeeze %dma_wait3A_780 : memref<1x128x16xf32, #tpu.memory_space<vmem>> -> memref<128x16xf32, #tpu.memory_space<vmem>>
        %dma_wait3A_782 = arith.constant 0 : i32
        %dma_wait3A_783 = tpu.memref_slice %arg10[%dma_wait3A_776, %dma_wait3A_782] : memref<32x128xi32, #tpu.memory_space<vmem>> -> memref<1x128xi32, #tpu.memory_space<vmem>>
        %dma_wait3A_784 = tpu.memref_squeeze %dma_wait3A_783 : memref<1x128xi32, #tpu.memory_space<vmem>> -> memref<128xi32, #tpu.memory_space<vmem>>
        %dma_wait3A_785 = arith.constant 0 : i32
        %dma_wait3A_786 = arith.constant 0 : i32
        %dma_wait3A_787 = tpu.memref_slice %arg2[%dma_wait3A_775, %dma_wait3A_785, %dma_wait3A_786] : memref<2x1000000x16xf32, #tpu.memory_space<hbm>> -> memref<1x1000000x16xf32, #tpu.memory_space<hbm>>
        %dma_wait3A_788 = tpu.memref_squeeze %dma_wait3A_787 : memref<1x1000000x16xf32, #tpu.memory_space<hbm>> -> memref<1000000x16xf32, #tpu.memory_space<hbm>>
        %dma_wait3A_789 = arith.constant 0 : i32
        %dma_wait3A_790 = arith.constant 0 : i32
        %dma_wait3A_791 = tpu.memref_slice %dma_wait3A_788[%dma_wait3A_789, %dma_wait3A_790] : memref<1000000x16xf32, #tpu.memory_space<hbm>> -> memref<1000000x16xf32, #tpu.memory_space<hbm>>
        tpu.wait_indirect_dma semaphore(%arg12 : memref<!tpu.dma_semaphore, #tpu.memory_space<semaphore_mem>>) src(%dma_wait3A_791 : memref<1000000x16xf32, #tpu.memory_space<hbm>>) dst(%dma_wait3A_781 : memref<128x16xf32, #tpu.memory_space<vmem>>)
        %dma_wait3A_792 = arith.constant 0 : i32
        %dma_wait3A_793 = arith.constant 13 : i32
        %dma_wait3A_794 = arith.constant 13 : i32
        %dma_wait3A_795 = arith.constant 0 : i32
        %dma_wait3A_796 = arith.constant 0 : i32
        %dma_wait3A_797 = tpu.memref_slice %arg11[%dma_wait3A_794, %dma_wait3A_795, %dma_wait3A_796] : memref<32x128x16xf32, #tpu.memory_space<vmem>> -> memref<1x128x16xf32, #tpu.memory_space<vmem>>
        %dma_wait3A_798 = tpu.memref_squeeze %dma_wait3A_797 : memref<1x128x16xf32, #tpu.memory_space<vmem>> -> memref<128x16xf32, #tpu.memory_space<vmem>>
        %dma_wait3A_799 = arith.constant 0 : i32
        %dma_wait3A_800 = tpu.memref_slice %arg10[%dma_wait3A_793, %dma_wait3A_799] : memref<32x128xi32, #tpu.memory_space<vmem>> -> memref<1x128xi32, #tpu.memory_space<vmem>>
        %dma_wait3A_801 = tpu.memref_squeeze %dma_wait3A_800 : memref<1x128xi32, #tpu.memory_space<vmem>> -> memref<128xi32, #tpu.memory_space<vmem>>
        %dma_wait3A_802 = arith.constant 0 : i32
        %dma_wait3A_803 = arith.constant 0 : i32
        %dma_wait3A_804 = tpu.memref_slice %arg2[%dma_wait3A_792, %dma_wait3A_802, %dma_wait3A_803] : memref<2x1000000x16xf32, #tpu.memory_space<hbm>> -> memref<1x1000000x16xf32, #tpu.memory_space<hbm>>
        %dma_wait3A_805 = tpu.memref_squeeze %dma_wait3A_804 : memref<1x1000000x16xf32, #tpu.memory_space<hbm>> -> memref<1000000x16xf32, #tpu.memory_space<hbm>>
        %dma_wait3A_806 = arith.constant 0 : i32
        %dma_wait3A_807 = arith.constant 0 : i32
        %dma_wait3A_808 = tpu.memref_slice %dma_wait3A_805[%dma_wait3A_806, %dma_wait3A_807] : memref<1000000x16xf32, #tpu.memory_space<hbm>> -> memref<1000000x16xf32, #tpu.memory_space<hbm>>
        tpu.wait_indirect_dma semaphore(%arg12 : memref<!tpu.dma_semaphore, #tpu.memory_space<semaphore_mem>>) src(%dma_wait3A_808 : memref<1000000x16xf32, #tpu.memory_space<hbm>>) dst(%dma_wait3A_798 : memref<128x16xf32, #tpu.memory_space<vmem>>)
        %dma_wait3A_809 = arith.constant 0 : i32
        %dma_wait3A_810 = arith.constant 14 : i32
        %dma_wait3A_811 = arith.constant 14 : i32
        %dma_wait3A_812 = arith.constant 0 : i32
        %dma_wait3A_813 = arith.constant 0 : i32
        %dma_wait3A_814 = tpu.memref_slice %arg11[%dma_wait3A_811, %dma_wait3A_812, %dma_wait3A_813] : memref<32x128x16xf32, #tpu.memory_space<vmem>> -> memref<1x128x16xf32, #tpu.memory_space<vmem>>
        %dma_wait3A_815 = tpu.memref_squeeze %dma_wait3A_814 : memref<1x128x16xf32, #tpu.memory_space<vmem>> -> memref<128x16xf32, #tpu.memory_space<vmem>>
        %dma_wait3A_816 = arith.constant 0 : i32
        %dma_wait3A_817 = tpu.memref_slice %arg10[%dma_wait3A_810, %dma_wait3A_816] : memref<32x128xi32, #tpu.memory_space<vmem>> -> memref<1x128xi32, #tpu.memory_space<vmem>>
        %dma_wait3A_818 = tpu.memref_squeeze %dma_wait3A_817 : memref<1x128xi32, #tpu.memory_space<vmem>> -> memref<128xi32, #tpu.memory_space<vmem>>
        %dma_wait3A_819 = arith.constant 0 : i32
        %dma_wait3A_820 = arith.constant 0 : i32
        %dma_wait3A_821 = tpu.memref_slice %arg2[%dma_wait3A_809, %dma_wait3A_819, %dma_wait3A_820] : memref<2x1000000x16xf32, #tpu.memory_space<hbm>> -> memref<1x1000000x16xf32, #tpu.memory_space<hbm>>
        %dma_wait3A_822 = tpu.memref_squeeze %dma_wait3A_821 : memref<1x1000000x16xf32, #tpu.memory_space<hbm>> -> memref<1000000x16xf32, #tpu.memory_space<hbm>>
        %dma_wait3A_823 = arith.constant 0 : i32
        %dma_wait3A_824 = arith.constant 0 : i32
        %dma_wait3A_825 = tpu.memref_slice %dma_wait3A_822[%dma_wait3A_823, %dma_wait3A_824] : memref<1000000x16xf32, #tpu.memory_space<hbm>> -> memref<1000000x16xf32, #tpu.memory_space<hbm>>
        tpu.wait_indirect_dma semaphore(%arg12 : memref<!tpu.dma_semaphore, #tpu.memory_space<semaphore_mem>>) src(%dma_wait3A_825 : memref<1000000x16xf32, #tpu.memory_space<hbm>>) dst(%dma_wait3A_815 : memref<128x16xf32, #tpu.memory_space<vmem>>)
        %dma_wait3A_826 = arith.constant 0 : i32
        %dma_wait3A_827 = arith.constant 15 : i32
        %dma_wait3A_828 = arith.constant 15 : i32
        %dma_wait3A_829 = arith.constant 0 : i32
        %dma_wait3A_830 = arith.constant 0 : i32
        %dma_wait3A_831 = tpu.memref_slice %arg11[%dma_wait3A_828, %dma_wait3A_829, %dma_wait3A_830] : memref<32x128x16xf32, #tpu.memory_space<vmem>> -> memref<1x128x16xf32, #tpu.memory_space<vmem>>
        %dma_wait3A_832 = tpu.memref_squeeze %dma_wait3A_831 : memref<1x128x16xf32, #tpu.memory_space<vmem>> -> memref<128x16xf32, #tpu.memory_space<vmem>>
        %dma_wait3A_833 = arith.constant 0 : i32
        %dma_wait3A_834 = tpu.memref_slice %arg10[%dma_wait3A_827, %dma_wait3A_833] : memref<32x128xi32, #tpu.memory_space<vmem>> -> memref<1x128xi32, #tpu.memory_space<vmem>>
        %dma_wait3A_835 = tpu.memref_squeeze %dma_wait3A_834 : memref<1x128xi32, #tpu.memory_space<vmem>> -> memref<128xi32, #tpu.memory_space<vmem>>
        %dma_wait3A_836 = arith.constant 0 : i32
        %dma_wait3A_837 = arith.constant 0 : i32
        %dma_wait3A_838 = tpu.memref_slice %arg2[%dma_wait3A_826, %dma_wait3A_836, %dma_wait3A_837] : memref<2x1000000x16xf32, #tpu.memory_space<hbm>> -> memref<1x1000000x16xf32, #tpu.memory_space<hbm>>
        %dma_wait3A_839 = tpu.memref_squeeze %dma_wait3A_838 : memref<1x1000000x16xf32, #tpu.memory_space<hbm>> -> memref<1000000x16xf32, #tpu.memory_space<hbm>>
        %dma_wait3A_840 = arith.constant 0 : i32
        %dma_wait3A_841 = arith.constant 0 : i32
        %dma_wait3A_842 = tpu.memref_slice %dma_wait3A_839[%dma_wait3A_840, %dma_wait3A_841] : memref<1000000x16xf32, #tpu.memory_space<hbm>> -> memref<1000000x16xf32, #tpu.memory_space<hbm>>
        tpu.wait_indirect_dma semaphore(%arg12 : memref<!tpu.dma_semaphore, #tpu.memory_space<semaphore_mem>>) src(%dma_wait3A_842 : memref<1000000x16xf32, #tpu.memory_space<hbm>>) dst(%dma_wait3A_832 : memref<128x16xf32, #tpu.memory_space<vmem>>)
        %dma_wait3A_843 = arith.constant 0 : i32
        %dma_wait3A_844 = arith.constant 16 : i32
        %dma_wait3A_845 = arith.constant 16 : i32
        %dma_wait3A_846 = arith.constant 0 : i32
        %dma_wait3A_847 = arith.constant 0 : i32
        %dma_wait3A_848 = tpu.memref_slice %arg11[%dma_wait3A_845, %dma_wait3A_846, %dma_wait3A_847] : memref<32x128x16xf32, #tpu.memory_space<vmem>> -> memref<1x128x16xf32, #tpu.memory_space<vmem>>
        %dma_wait3A_849 = tpu.memref_squeeze %dma_wait3A_848 : memref<1x128x16xf32, #tpu.memory_space<vmem>> -> memref<128x16xf32, #tpu.memory_space<vmem>>
        %dma_wait3A_850 = arith.constant 0 : i32
        %dma_wait3A_851 = tpu.memref_slice %arg10[%dma_wait3A_844, %dma_wait3A_850] : memref<32x128xi32, #tpu.memory_space<vmem>> -> memref<1x128xi32, #tpu.memory_space<vmem>>
        %dma_wait3A_852 = tpu.memref_squeeze %dma_wait3A_851 : memref<1x128xi32, #tpu.memory_space<vmem>> -> memref<128xi32, #tpu.memory_space<vmem>>
        %dma_wait3A_853 = arith.constant 0 : i32
        %dma_wait3A_854 = arith.constant 0 : i32
        %dma_wait3A_855 = tpu.memref_slice %arg2[%dma_wait3A_843, %dma_wait3A_853, %dma_wait3A_854] : memref<2x1000000x16xf32, #tpu.memory_space<hbm>> -> memref<1x1000000x16xf32, #tpu.memory_space<hbm>>
        %dma_wait3A_856 = tpu.memref_squeeze %dma_wait3A_855 : memref<1x1000000x16xf32, #tpu.memory_space<hbm>> -> memref<1000000x16xf32, #tpu.memory_space<hbm>>
        %dma_wait3A_857 = arith.constant 0 : i32
        %dma_wait3A_858 = arith.constant 0 : i32
        %dma_wait3A_859 = tpu.memref_slice %dma_wait3A_856[%dma_wait3A_857, %dma_wait3A_858] : memref<1000000x16xf32, #tpu.memory_space<hbm>> -> memref<1000000x16xf32, #tpu.memory_space<hbm>>
        tpu.wait_indirect_dma semaphore(%arg12 : memref<!tpu.dma_semaphore, #tpu.memory_space<semaphore_mem>>) src(%dma_wait3A_859 : memref<1000000x16xf32, #tpu.memory_space<hbm>>) dst(%dma_wait3A_849 : memref<128x16xf32, #tpu.memory_space<vmem>>)
        %dma_wait3A_860 = arith.constant 0 : i32
        %dma_wait3A_861 = arith.constant 17 : i32
        %dma_wait3A_862 = arith.constant 17 : i32
        %dma_wait3A_863 = arith.constant 0 : i32
        %dma_wait3A_864 = arith.constant 0 : i32
        %dma_wait3A_865 = tpu.memref_slice %arg11[%dma_wait3A_862, %dma_wait3A_863, %dma_wait3A_864] : memref<32x128x16xf32, #tpu.memory_space<vmem>> -> memref<1x128x16xf32, #tpu.memory_space<vmem>>
        %dma_wait3A_866 = tpu.memref_squeeze %dma_wait3A_865 : memref<1x128x16xf32, #tpu.memory_space<vmem>> -> memref<128x16xf32, #tpu.memory_space<vmem>>
        %dma_wait3A_867 = arith.constant 0 : i32
        %dma_wait3A_868 = tpu.memref_slice %arg10[%dma_wait3A_861, %dma_wait3A_867] : memref<32x128xi32, #tpu.memory_space<vmem>> -> memref<1x128xi32, #tpu.memory_space<vmem>>
        %dma_wait3A_869 = tpu.memref_squeeze %dma_wait3A_868 : memref<1x128xi32, #tpu.memory_space<vmem>> -> memref<128xi32, #tpu.memory_space<vmem>>
        %dma_wait3A_870 = arith.constant 0 : i32
        %dma_wait3A_871 = arith.constant 0 : i32
        %dma_wait3A_872 = tpu.memref_slice %arg2[%dma_wait3A_860, %dma_wait3A_870, %dma_wait3A_871] : memref<2x1000000x16xf32, #tpu.memory_space<hbm>> -> memref<1x1000000x16xf32, #tpu.memory_space<hbm>>
        %dma_wait3A_873 = tpu.memref_squeeze %dma_wait3A_872 : memref<1x1000000x16xf32, #tpu.memory_space<hbm>> -> memref<1000000x16xf32, #tpu.memory_space<hbm>>
        %dma_wait3A_874 = arith.constant 0 : i32
        %dma_wait3A_875 = arith.constant 0 : i32
        %dma_wait3A_876 = tpu.memref_slice %dma_wait3A_873[%dma_wait3A_874, %dma_wait3A_875] : memref<1000000x16xf32, #tpu.memory_space<hbm>> -> memref<1000000x16xf32, #tpu.memory_space<hbm>>
        tpu.wait_indirect_dma semaphore(%arg12 : memref<!tpu.dma_semaphore, #tpu.memory_space<semaphore_mem>>) src(%dma_wait3A_876 : memref<1000000x16xf32, #tpu.memory_space<hbm>>) dst(%dma_wait3A_866 : memref<128x16xf32, #tpu.memory_space<vmem>>)
        %dma_wait3A_877 = arith.constant 0 : i32
        %dma_wait3A_878 = arith.constant 18 : i32
        %dma_wait3A_879 = arith.constant 18 : i32
        %dma_wait3A_880 = arith.constant 0 : i32
        %dma_wait3A_881 = arith.constant 0 : i32
        %dma_wait3A_882 = tpu.memref_slice %arg11[%dma_wait3A_879, %dma_wait3A_880, %dma_wait3A_881] : memref<32x128x16xf32, #tpu.memory_space<vmem>> -> memref<1x128x16xf32, #tpu.memory_space<vmem>>
        %dma_wait3A_883 = tpu.memref_squeeze %dma_wait3A_882 : memref<1x128x16xf32, #tpu.memory_space<vmem>> -> memref<128x16xf32, #tpu.memory_space<vmem>>
        %dma_wait3A_884 = arith.constant 0 : i32
        %dma_wait3A_885 = tpu.memref_slice %arg10[%dma_wait3A_878, %dma_wait3A_884] : memref<32x128xi32, #tpu.memory_space<vmem>> -> memref<1x128xi32, #tpu.memory_space<vmem>>
        %dma_wait3A_886 = tpu.memref_squeeze %dma_wait3A_885 : memref<1x128xi32, #tpu.memory_space<vmem>> -> memref<128xi32, #tpu.memory_space<vmem>>
        %dma_wait3A_887 = arith.constant 0 : i32
        %dma_wait3A_888 = arith.constant 0 : i32
        %dma_wait3A_889 = tpu.memref_slice %arg2[%dma_wait3A_877, %dma_wait3A_887, %dma_wait3A_888] : memref<2x1000000x16xf32, #tpu.memory_space<hbm>> -> memref<1x1000000x16xf32, #tpu.memory_space<hbm>>
        %dma_wait3A_890 = tpu.memref_squeeze %dma_wait3A_889 : memref<1x1000000x16xf32, #tpu.memory_space<hbm>> -> memref<1000000x16xf32, #tpu.memory_space<hbm>>
        %dma_wait3A_891 = arith.constant 0 : i32
        %dma_wait3A_892 = arith.constant 0 : i32
        %dma_wait3A_893 = tpu.memref_slice %dma_wait3A_890[%dma_wait3A_891, %dma_wait3A_892] : memref<1000000x16xf32, #tpu.memory_space<hbm>> -> memref<1000000x16xf32, #tpu.memory_space<hbm>>
        tpu.wait_indirect_dma semaphore(%arg12 : memref<!tpu.dma_semaphore, #tpu.memory_space<semaphore_mem>>) src(%dma_wait3A_893 : memref<1000000x16xf32, #tpu.memory_space<hbm>>) dst(%dma_wait3A_883 : memref<128x16xf32, #tpu.memory_space<vmem>>)
        %dma_wait3A_894 = arith.constant 0 : i32
        %dma_wait3A_895 = arith.constant 19 : i32
        %dma_wait3A_896 = arith.constant 19 : i32
        %dma_wait3A_897 = arith.constant 0 : i32
        %dma_wait3A_898 = arith.constant 0 : i32
        %dma_wait3A_899 = tpu.memref_slice %arg11[%dma_wait3A_896, %dma_wait3A_897, %dma_wait3A_898] : memref<32x128x16xf32, #tpu.memory_space<vmem>> -> memref<1x128x16xf32, #tpu.memory_space<vmem>>
        %dma_wait3A_900 = tpu.memref_squeeze %dma_wait3A_899 : memref<1x128x16xf32, #tpu.memory_space<vmem>> -> memref<128x16xf32, #tpu.memory_space<vmem>>
        %dma_wait3A_901 = arith.constant 0 : i32
        %dma_wait3A_902 = tpu.memref_slice %arg10[%dma_wait3A_895, %dma_wait3A_901] : memref<32x128xi32, #tpu.memory_space<vmem>> -> memref<1x128xi32, #tpu.memory_space<vmem>>
        %dma_wait3A_903 = tpu.memref_squeeze %dma_wait3A_902 : memref<1x128xi32, #tpu.memory_space<vmem>> -> memref<128xi32, #tpu.memory_space<vmem>>
        %dma_wait3A_904 = arith.constant 0 : i32
        %dma_wait3A_905 = arith.constant 0 : i32
        %dma_wait3A_906 = tpu.memref_slice %arg2[%dma_wait3A_894, %dma_wait3A_904, %dma_wait3A_905] : memref<2x1000000x16xf32, #tpu.memory_space<hbm>> -> memref<1x1000000x16xf32, #tpu.memory_space<hbm>>
        %dma_wait3A_907 = tpu.memref_squeeze %dma_wait3A_906 : memref<1x1000000x16xf32, #tpu.memory_space<hbm>> -> memref<1000000x16xf32, #tpu.memory_space<hbm>>
        %dma_wait3A_908 = arith.constant 0 : i32
        %dma_wait3A_909 = arith.constant 0 : i32
        %dma_wait3A_910 = tpu.memref_slice %dma_wait3A_907[%dma_wait3A_908, %dma_wait3A_909] : memref<1000000x16xf32, #tpu.memory_space<hbm>> -> memref<1000000x16xf32, #tpu.memory_space<hbm>>
        tpu.wait_indirect_dma semaphore(%arg12 : memref<!tpu.dma_semaphore, #tpu.memory_space<semaphore_mem>>) src(%dma_wait3A_910 : memref<1000000x16xf32, #tpu.memory_space<hbm>>) dst(%dma_wait3A_900 : memref<128x16xf32, #tpu.memory_space<vmem>>)
        %dma_wait3A_911 = arith.constant 0 : i32
        %dma_wait3A_912 = arith.constant 20 : i32
        %dma_wait3A_913 = arith.constant 20 : i32
        %dma_wait3A_914 = arith.constant 0 : i32
        %dma_wait3A_915 = arith.constant 0 : i32
        %dma_wait3A_916 = tpu.memref_slice %arg11[%dma_wait3A_913, %dma_wait3A_914, %dma_wait3A_915] : memref<32x128x16xf32, #tpu.memory_space<vmem>> -> memref<1x128x16xf32, #tpu.memory_space<vmem>>
        %dma_wait3A_917 = tpu.memref_squeeze %dma_wait3A_916 : memref<1x128x16xf32, #tpu.memory_space<vmem>> -> memref<128x16xf32, #tpu.memory_space<vmem>>
        %dma_wait3A_918 = arith.constant 0 : i32
        %dma_wait3A_919 = tpu.memref_slice %arg10[%dma_wait3A_912, %dma_wait3A_918] : memref<32x128xi32, #tpu.memory_space<vmem>> -> memref<1x128xi32, #tpu.memory_space<vmem>>
        %dma_wait3A_920 = tpu.memref_squeeze %dma_wait3A_919 : memref<1x128xi32, #tpu.memory_space<vmem>> -> memref<128xi32, #tpu.memory_space<vmem>>
        %dma_wait3A_921 = arith.constant 0 : i32
        %dma_wait3A_922 = arith.constant 0 : i32
        %dma_wait3A_923 = tpu.memref_slice %arg2[%dma_wait3A_911, %dma_wait3A_921, %dma_wait3A_922] : memref<2x1000000x16xf32, #tpu.memory_space<hbm>> -> memref<1x1000000x16xf32, #tpu.memory_space<hbm>>
        %dma_wait3A_924 = tpu.memref_squeeze %dma_wait3A_923 : memref<1x1000000x16xf32, #tpu.memory_space<hbm>> -> memref<1000000x16xf32, #tpu.memory_space<hbm>>
        %dma_wait3A_925 = arith.constant 0 : i32
        %dma_wait3A_926 = arith.constant 0 : i32
        %dma_wait3A_927 = tpu.memref_slice %dma_wait3A_924[%dma_wait3A_925, %dma_wait3A_926] : memref<1000000x16xf32, #tpu.memory_space<hbm>> -> memref<1000000x16xf32, #tpu.memory_space<hbm>>
        tpu.wait_indirect_dma semaphore(%arg12 : memref<!tpu.dma_semaphore, #tpu.memory_space<semaphore_mem>>) src(%dma_wait3A_927 : memref<1000000x16xf32, #tpu.memory_space<hbm>>) dst(%dma_wait3A_917 : memref<128x16xf32, #tpu.memory_space<vmem>>)
        %dma_wait3A_928 = arith.constant 0 : i32
        %dma_wait3A_929 = arith.constant 21 : i32
        %dma_wait3A_930 = arith.constant 21 : i32
        %dma_wait3A_931 = arith.constant 0 : i32
        %dma_wait3A_932 = arith.constant 0 : i32
        %dma_wait3A_933 = tpu.memref_slice %arg11[%dma_wait3A_930, %dma_wait3A_931, %dma_wait3A_932] : memref<32x128x16xf32, #tpu.memory_space<vmem>> -> memref<1x128x16xf32, #tpu.memory_space<vmem>>
        %dma_wait3A_934 = tpu.memref_squeeze %dma_wait3A_933 : memref<1x128x16xf32, #tpu.memory_space<vmem>> -> memref<128x16xf32, #tpu.memory_space<vmem>>
        %dma_wait3A_935 = arith.constant 0 : i32
        %dma_wait3A_936 = tpu.memref_slice %arg10[%dma_wait3A_929, %dma_wait3A_935] : memref<32x128xi32, #tpu.memory_space<vmem>> -> memref<1x128xi32, #tpu.memory_space<vmem>>
        %dma_wait3A_937 = tpu.memref_squeeze %dma_wait3A_936 : memref<1x128xi32, #tpu.memory_space<vmem>> -> memref<128xi32, #tpu.memory_space<vmem>>
        %dma_wait3A_938 = arith.constant 0 : i32
        %dma_wait3A_939 = arith.constant 0 : i32
        %dma_wait3A_940 = tpu.memref_slice %arg2[%dma_wait3A_928, %dma_wait3A_938, %dma_wait3A_939] : memref<2x1000000x16xf32, #tpu.memory_space<hbm>> -> memref<1x1000000x16xf32, #tpu.memory_space<hbm>>
        %dma_wait3A_941 = tpu.memref_squeeze %dma_wait3A_940 : memref<1x1000000x16xf32, #tpu.memory_space<hbm>> -> memref<1000000x16xf32, #tpu.memory_space<hbm>>
        %dma_wait3A_942 = arith.constant 0 : i32
        %dma_wait3A_943 = arith.constant 0 : i32
        %dma_wait3A_944 = tpu.memref_slice %dma_wait3A_941[%dma_wait3A_942, %dma_wait3A_943] : memref<1000000x16xf32, #tpu.memory_space<hbm>> -> memref<1000000x16xf32, #tpu.memory_space<hbm>>
        tpu.wait_indirect_dma semaphore(%arg12 : memref<!tpu.dma_semaphore, #tpu.memory_space<semaphore_mem>>) src(%dma_wait3A_944 : memref<1000000x16xf32, #tpu.memory_space<hbm>>) dst(%dma_wait3A_934 : memref<128x16xf32, #tpu.memory_space<vmem>>)
        %dma_wait3A_945 = arith.constant 0 : i32
        %dma_wait3A_946 = arith.constant 22 : i32
        %dma_wait3A_947 = arith.constant 22 : i32
        %dma_wait3A_948 = arith.constant 0 : i32
        %dma_wait3A_949 = arith.constant 0 : i32
        %dma_wait3A_950 = tpu.memref_slice %arg11[%dma_wait3A_947, %dma_wait3A_948, %dma_wait3A_949] : memref<32x128x16xf32, #tpu.memory_space<vmem>> -> memref<1x128x16xf32, #tpu.memory_space<vmem>>
        %dma_wait3A_951 = tpu.memref_squeeze %dma_wait3A_950 : memref<1x128x16xf32, #tpu.memory_space<vmem>> -> memref<128x16xf32, #tpu.memory_space<vmem>>
        %dma_wait3A_952 = arith.constant 0 : i32
        %dma_wait3A_953 = tpu.memref_slice %arg10[%dma_wait3A_946, %dma_wait3A_952] : memref<32x128xi32, #tpu.memory_space<vmem>> -> memref<1x128xi32, #tpu.memory_space<vmem>>
        %dma_wait3A_954 = tpu.memref_squeeze %dma_wait3A_953 : memref<1x128xi32, #tpu.memory_space<vmem>> -> memref<128xi32, #tpu.memory_space<vmem>>
        %dma_wait3A_955 = arith.constant 0 : i32
        %dma_wait3A_956 = arith.constant 0 : i32
        %dma_wait3A_957 = tpu.memref_slice %arg2[%dma_wait3A_945, %dma_wait3A_955, %dma_wait3A_956] : memref<2x1000000x16xf32, #tpu.memory_space<hbm>> -> memref<1x1000000x16xf32, #tpu.memory_space<hbm>>
        %dma_wait3A_958 = tpu.memref_squeeze %dma_wait3A_957 : memref<1x1000000x16xf32, #tpu.memory_space<hbm>> -> memref<1000000x16xf32, #tpu.memory_space<hbm>>
        %dma_wait3A_959 = arith.constant 0 : i32
        %dma_wait3A_960 = arith.constant 0 : i32
        %dma_wait3A_961 = tpu.memref_slice %dma_wait3A_958[%dma_wait3A_959, %dma_wait3A_960] : memref<1000000x16xf32, #tpu.memory_space<hbm>> -> memref<1000000x16xf32, #tpu.memory_space<hbm>>
        tpu.wait_indirect_dma semaphore(%arg12 : memref<!tpu.dma_semaphore, #tpu.memory_space<semaphore_mem>>) src(%dma_wait3A_961 : memref<1000000x16xf32, #tpu.memory_space<hbm>>) dst(%dma_wait3A_951 : memref<128x16xf32, #tpu.memory_space<vmem>>)
        %dma_wait3A_962 = arith.constant 0 : i32
        %dma_wait3A_963 = arith.constant 23 : i32
        %dma_wait3A_964 = arith.constant 23 : i32
        %dma_wait3A_965 = arith.constant 0 : i32
        %dma_wait3A_966 = arith.constant 0 : i32
        %dma_wait3A_967 = tpu.memref_slice %arg11[%dma_wait3A_964, %dma_wait3A_965, %dma_wait3A_966] : memref<32x128x16xf32, #tpu.memory_space<vmem>> -> memref<1x128x16xf32, #tpu.memory_space<vmem>>
        %dma_wait3A_968 = tpu.memref_squeeze %dma_wait3A_967 : memref<1x128x16xf32, #tpu.memory_space<vmem>> -> memref<128x16xf32, #tpu.memory_space<vmem>>
        %dma_wait3A_969 = arith.constant 0 : i32
        %dma_wait3A_970 = tpu.memref_slice %arg10[%dma_wait3A_963, %dma_wait3A_969] : memref<32x128xi32, #tpu.memory_space<vmem>> -> memref<1x128xi32, #tpu.memory_space<vmem>>
        %dma_wait3A_971 = tpu.memref_squeeze %dma_wait3A_970 : memref<1x128xi32, #tpu.memory_space<vmem>> -> memref<128xi32, #tpu.memory_space<vmem>>
        %dma_wait3A_972 = arith.constant 0 : i32
        %dma_wait3A_973 = arith.constant 0 : i32
        %dma_wait3A_974 = tpu.memref_slice %arg2[%dma_wait3A_962, %dma_wait3A_972, %dma_wait3A_973] : memref<2x1000000x16xf32, #tpu.memory_space<hbm>> -> memref<1x1000000x16xf32, #tpu.memory_space<hbm>>
        %dma_wait3A_975 = tpu.memref_squeeze %dma_wait3A_974 : memref<1x1000000x16xf32, #tpu.memory_space<hbm>> -> memref<1000000x16xf32, #tpu.memory_space<hbm>>
        %dma_wait3A_976 = arith.constant 0 : i32
        %dma_wait3A_977 = arith.constant 0 : i32
        %dma_wait3A_978 = tpu.memref_slice %dma_wait3A_975[%dma_wait3A_976, %dma_wait3A_977] : memref<1000000x16xf32, #tpu.memory_space<hbm>> -> memref<1000000x16xf32, #tpu.memory_space<hbm>>
        tpu.wait_indirect_dma semaphore(%arg12 : memref<!tpu.dma_semaphore, #tpu.memory_space<semaphore_mem>>) src(%dma_wait3A_978 : memref<1000000x16xf32, #tpu.memory_space<hbm>>) dst(%dma_wait3A_968 : memref<128x16xf32, #tpu.memory_space<vmem>>)
        %dma_wait3A_979 = arith.constant 0 : i32
        %dma_wait3A_980 = arith.constant 24 : i32
        %dma_wait3A_981 = arith.constant 24 : i32
        %dma_wait3A_982 = arith.constant 0 : i32
        %dma_wait3A_983 = arith.constant 0 : i32
        %dma_wait3A_984 = tpu.memref_slice %arg11[%dma_wait3A_981, %dma_wait3A_982, %dma_wait3A_983] : memref<32x128x16xf32, #tpu.memory_space<vmem>> -> memref<1x128x16xf32, #tpu.memory_space<vmem>>
        %dma_wait3A_985 = tpu.memref_squeeze %dma_wait3A_984 : memref<1x128x16xf32, #tpu.memory_space<vmem>> -> memref<128x16xf32, #tpu.memory_space<vmem>>
        %dma_wait3A_986 = arith.constant 0 : i32
        %dma_wait3A_987 = tpu.memref_slice %arg10[%dma_wait3A_980, %dma_wait3A_986] : memref<32x128xi32, #tpu.memory_space<vmem>> -> memref<1x128xi32, #tpu.memory_space<vmem>>
        %dma_wait3A_988 = tpu.memref_squeeze %dma_wait3A_987 : memref<1x128xi32, #tpu.memory_space<vmem>> -> memref<128xi32, #tpu.memory_space<vmem>>
        %dma_wait3A_989 = arith.constant 0 : i32
        %dma_wait3A_990 = arith.constant 0 : i32
        %dma_wait3A_991 = tpu.memref_slice %arg2[%dma_wait3A_979, %dma_wait3A_989, %dma_wait3A_990] : memref<2x1000000x16xf32, #tpu.memory_space<hbm>> -> memref<1x1000000x16xf32, #tpu.memory_space<hbm>>
        %dma_wait3A_992 = tpu.memref_squeeze %dma_wait3A_991 : memref<1x1000000x16xf32, #tpu.memory_space<hbm>> -> memref<1000000x16xf32, #tpu.memory_space<hbm>>
        %dma_wait3A_993 = arith.constant 0 : i32
        %dma_wait3A_994 = arith.constant 0 : i32
        %dma_wait3A_995 = tpu.memref_slice %dma_wait3A_992[%dma_wait3A_993, %dma_wait3A_994] : memref<1000000x16xf32, #tpu.memory_space<hbm>> -> memref<1000000x16xf32, #tpu.memory_space<hbm>>
        tpu.wait_indirect_dma semaphore(%arg12 : memref<!tpu.dma_semaphore, #tpu.memory_space<semaphore_mem>>) src(%dma_wait3A_995 : memref<1000000x16xf32, #tpu.memory_space<hbm>>) dst(%dma_wait3A_985 : memref<128x16xf32, #tpu.memory_space<vmem>>)
        %dma_wait3A_996 = arith.constant 0 : i32
        %dma_wait3A_997 = arith.constant 25 : i32
        %dma_wait3A_998 = arith.constant 25 : i32
        %dma_wait3A_999 = arith.constant 0 : i32
        %dma_wait3A_1000 = arith.constant 0 : i32
        %dma_wait3A_1001 = tpu.memref_slice %arg11[%dma_wait3A_998, %dma_wait3A_999, %dma_wait3A_1000] : memref<32x128x16xf32, #tpu.memory_space<vmem>> -> memref<1x128x16xf32, #tpu.memory_space<vmem>>
        %dma_wait3A_1002 = tpu.memref_squeeze %dma_wait3A_1001 : memref<1x128x16xf32, #tpu.memory_space<vmem>> -> memref<128x16xf32, #tpu.memory_space<vmem>>
        %dma_wait3A_1003 = arith.constant 0 : i32
        %dma_wait3A_1004 = tpu.memref_slice %arg10[%dma_wait3A_997, %dma_wait3A_1003] : memref<32x128xi32, #tpu.memory_space<vmem>> -> memref<1x128xi32, #tpu.memory_space<vmem>>
        %dma_wait3A_1005 = tpu.memref_squeeze %dma_wait3A_1004 : memref<1x128xi32, #tpu.memory_space<vmem>> -> memref<128xi32, #tpu.memory_space<vmem>>
        %dma_wait3A_1006 = arith.constant 0 : i32
        %dma_wait3A_1007 = arith.constant 0 : i32
        %dma_wait3A_1008 = tpu.memref_slice %arg2[%dma_wait3A_996, %dma_wait3A_1006, %dma_wait3A_1007] : memref<2x1000000x16xf32, #tpu.memory_space<hbm>> -> memref<1x1000000x16xf32, #tpu.memory_space<hbm>>
        %dma_wait3A_1009 = tpu.memref_squeeze %dma_wait3A_1008 : memref<1x1000000x16xf32, #tpu.memory_space<hbm>> -> memref<1000000x16xf32, #tpu.memory_space<hbm>>
        %dma_wait3A_1010 = arith.constant 0 : i32
        %dma_wait3A_1011 = arith.constant 0 : i32
        %dma_wait3A_1012 = tpu.memref_slice %dma_wait3A_1009[%dma_wait3A_1010, %dma_wait3A_1011] : memref<1000000x16xf32, #tpu.memory_space<hbm>> -> memref<1000000x16xf32, #tpu.memory_space<hbm>>
        tpu.wait_indirect_dma semaphore(%arg12 : memref<!tpu.dma_semaphore, #tpu.memory_space<semaphore_mem>>) src(%dma_wait3A_1012 : memref<1000000x16xf32, #tpu.memory_space<hbm>>) dst(%dma_wait3A_1002 : memref<128x16xf32, #tpu.memory_space<vmem>>)
        %dma_wait3A_1013 = arith.constant 0 : i32
        %dma_wait3A_1014 = arith.constant 26 : i32
        %dma_wait3A_1015 = arith.constant 26 : i32
        %dma_wait3A_1016 = arith.constant 0 : i32
        %dma_wait3A_1017 = arith.constant 0 : i32
        %dma_wait3A_1018 = tpu.memref_slice %arg11[%dma_wait3A_1015, %dma_wait3A_1016, %dma_wait3A_1017] : memref<32x128x16xf32, #tpu.memory_space<vmem>> -> memref<1x128x16xf32, #tpu.memory_space<vmem>>
        %dma_wait3A_1019 = tpu.memref_squeeze %dma_wait3A_1018 : memref<1x128x16xf32, #tpu.memory_space<vmem>> -> memref<128x16xf32, #tpu.memory_space<vmem>>
        %dma_wait3A_1020 = arith.constant 0 : i32
        %dma_wait3A_1021 = tpu.memref_slice %arg10[%dma_wait3A_1014, %dma_wait3A_1020] : memref<32x128xi32, #tpu.memory_space<vmem>> -> memref<1x128xi32, #tpu.memory_space<vmem>>
        %dma_wait3A_1022 = tpu.memref_squeeze %dma_wait3A_1021 : memref<1x128xi32, #tpu.memory_space<vmem>> -> memref<128xi32, #tpu.memory_space<vmem>>
        %dma_wait3A_1023 = arith.constant 0 : i32
        %dma_wait3A_1024 = arith.constant 0 : i32
        %dma_wait3A_1025 = tpu.memref_slice %arg2[%dma_wait3A_1013, %dma_wait3A_1023, %dma_wait3A_1024] : memref<2x1000000x16xf32, #tpu.memory_space<hbm>> -> memref<1x1000000x16xf32, #tpu.memory_space<hbm>>
        %dma_wait3A_1026 = tpu.memref_squeeze %dma_wait3A_1025 : memref<1x1000000x16xf32, #tpu.memory_space<hbm>> -> memref<1000000x16xf32, #tpu.memory_space<hbm>>
        %dma_wait3A_1027 = arith.constant 0 : i32
        %dma_wait3A_1028 = arith.constant 0 : i32
        %dma_wait3A_1029 = tpu.memref_slice %dma_wait3A_1026[%dma_wait3A_1027, %dma_wait3A_1028] : memref<1000000x16xf32, #tpu.memory_space<hbm>> -> memref<1000000x16xf32, #tpu.memory_space<hbm>>
        tpu.wait_indirect_dma semaphore(%arg12 : memref<!tpu.dma_semaphore, #tpu.memory_space<semaphore_mem>>) src(%dma_wait3A_1029 : memref<1000000x16xf32, #tpu.memory_space<hbm>>) dst(%dma_wait3A_1019 : memref<128x16xf32, #tpu.memory_space<vmem>>)
        %dma_wait3A_1030 = arith.constant 0 : i32
        %dma_wait3A_1031 = arith.constant 27 : i32
        %dma_wait3A_1032 = arith.constant 27 : i32
        %dma_wait3A_1033 = arith.constant 0 : i32
        %dma_wait3A_1034 = arith.constant 0 : i32
        %dma_wait3A_1035 = tpu.memref_slice %arg11[%dma_wait3A_1032, %dma_wait3A_1033, %dma_wait3A_1034] : memref<32x128x16xf32, #tpu.memory_space<vmem>> -> memref<1x128x16xf32, #tpu.memory_space<vmem>>
        %dma_wait3A_1036 = tpu.memref_squeeze %dma_wait3A_1035 : memref<1x128x16xf32, #tpu.memory_space<vmem>> -> memref<128x16xf32, #tpu.memory_space<vmem>>
        %dma_wait3A_1037 = arith.constant 0 : i32
        %dma_wait3A_1038 = tpu.memref_slice %arg10[%dma_wait3A_1031, %dma_wait3A_1037] : memref<32x128xi32, #tpu.memory_space<vmem>> -> memref<1x128xi32, #tpu.memory_space<vmem>>
        %dma_wait3A_1039 = tpu.memref_squeeze %dma_wait3A_1038 : memref<1x128xi32, #tpu.memory_space<vmem>> -> memref<128xi32, #tpu.memory_space<vmem>>
        %dma_wait3A_1040 = arith.constant 0 : i32
        %dma_wait3A_1041 = arith.constant 0 : i32
        %dma_wait3A_1042 = tpu.memref_slice %arg2[%dma_wait3A_1030, %dma_wait3A_1040, %dma_wait3A_1041] : memref<2x1000000x16xf32, #tpu.memory_space<hbm>> -> memref<1x1000000x16xf32, #tpu.memory_space<hbm>>
        %dma_wait3A_1043 = tpu.memref_squeeze %dma_wait3A_1042 : memref<1x1000000x16xf32, #tpu.memory_space<hbm>> -> memref<1000000x16xf32, #tpu.memory_space<hbm>>
        %dma_wait3A_1044 = arith.constant 0 : i32
        %dma_wait3A_1045 = arith.constant 0 : i32
        %dma_wait3A_1046 = tpu.memref_slice %dma_wait3A_1043[%dma_wait3A_1044, %dma_wait3A_1045] : memref<1000000x16xf32, #tpu.memory_space<hbm>> -> memref<1000000x16xf32, #tpu.memory_space<hbm>>
        tpu.wait_indirect_dma semaphore(%arg12 : memref<!tpu.dma_semaphore, #tpu.memory_space<semaphore_mem>>) src(%dma_wait3A_1046 : memref<1000000x16xf32, #tpu.memory_space<hbm>>) dst(%dma_wait3A_1036 : memref<128x16xf32, #tpu.memory_space<vmem>>)
        %dma_wait3A_1047 = arith.constant 0 : i32
        %dma_wait3A_1048 = arith.constant 28 : i32
        %dma_wait3A_1049 = arith.constant 28 : i32
        %dma_wait3A_1050 = arith.constant 0 : i32
        %dma_wait3A_1051 = arith.constant 0 : i32
        %dma_wait3A_1052 = tpu.memref_slice %arg11[%dma_wait3A_1049, %dma_wait3A_1050, %dma_wait3A_1051] : memref<32x128x16xf32, #tpu.memory_space<vmem>> -> memref<1x128x16xf32, #tpu.memory_space<vmem>>
        %dma_wait3A_1053 = tpu.memref_squeeze %dma_wait3A_1052 : memref<1x128x16xf32, #tpu.memory_space<vmem>> -> memref<128x16xf32, #tpu.memory_space<vmem>>
        %dma_wait3A_1054 = arith.constant 0 : i32
        %dma_wait3A_1055 = tpu.memref_slice %arg10[%dma_wait3A_1048, %dma_wait3A_1054] : memref<32x128xi32, #tpu.memory_space<vmem>> -> memref<1x128xi32, #tpu.memory_space<vmem>>
        %dma_wait3A_1056 = tpu.memref_squeeze %dma_wait3A_1055 : memref<1x128xi32, #tpu.memory_space<vmem>> -> memref<128xi32, #tpu.memory_space<vmem>>
        %dma_wait3A_1057 = arith.constant 0 : i32
        %dma_wait3A_1058 = arith.constant 0 : i32
        %dma_wait3A_1059 = tpu.memref_slice %arg2[%dma_wait3A_1047, %dma_wait3A_1057, %dma_wait3A_1058] : memref<2x1000000x16xf32, #tpu.memory_space<hbm>> -> memref<1x1000000x16xf32, #tpu.memory_space<hbm>>
        %dma_wait3A_1060 = tpu.memref_squeeze %dma_wait3A_1059 : memref<1x1000000x16xf32, #tpu.memory_space<hbm>> -> memref<1000000x16xf32, #tpu.memory_space<hbm>>
        %dma_wait3A_1061 = arith.constant 0 : i32
        %dma_wait3A_1062 = arith.constant 0 : i32
        %dma_wait3A_1063 = tpu.memref_slice %dma_wait3A_1060[%dma_wait3A_1061, %dma_wait3A_1062] : memref<1000000x16xf32, #tpu.memory_space<hbm>> -> memref<1000000x16xf32, #tpu.memory_space<hbm>>
        tpu.wait_indirect_dma semaphore(%arg12 : memref<!tpu.dma_semaphore, #tpu.memory_space<semaphore_mem>>) src(%dma_wait3A_1063 : memref<1000000x16xf32, #tpu.memory_space<hbm>>) dst(%dma_wait3A_1053 : memref<128x16xf32, #tpu.memory_space<vmem>>)
        %dma_wait3A_1064 = arith.constant 0 : i32
        %dma_wait3A_1065 = arith.constant 29 : i32
        %dma_wait3A_1066 = arith.constant 29 : i32
        %dma_wait3A_1067 = arith.constant 0 : i32
        %dma_wait3A_1068 = arith.constant 0 : i32
        %dma_wait3A_1069 = tpu.memref_slice %arg11[%dma_wait3A_1066, %dma_wait3A_1067, %dma_wait3A_1068] : memref<32x128x16xf32, #tpu.memory_space<vmem>> -> memref<1x128x16xf32, #tpu.memory_space<vmem>>
        %dma_wait3A_1070 = tpu.memref_squeeze %dma_wait3A_1069 : memref<1x128x16xf32, #tpu.memory_space<vmem>> -> memref<128x16xf32, #tpu.memory_space<vmem>>
        %dma_wait3A_1071 = arith.constant 0 : i32
        %dma_wait3A_1072 = tpu.memref_slice %arg10[%dma_wait3A_1065, %dma_wait3A_1071] : memref<32x128xi32, #tpu.memory_space<vmem>> -> memref<1x128xi32, #tpu.memory_space<vmem>>
        %dma_wait3A_1073 = tpu.memref_squeeze %dma_wait3A_1072 : memref<1x128xi32, #tpu.memory_space<vmem>> -> memref<128xi32, #tpu.memory_space<vmem>>
        %dma_wait3A_1074 = arith.constant 0 : i32
        %dma_wait3A_1075 = arith.constant 0 : i32
        %dma_wait3A_1076 = tpu.memref_slice %arg2[%dma_wait3A_1064, %dma_wait3A_1074, %dma_wait3A_1075] : memref<2x1000000x16xf32, #tpu.memory_space<hbm>> -> memref<1x1000000x16xf32, #tpu.memory_space<hbm>>
        %dma_wait3A_1077 = tpu.memref_squeeze %dma_wait3A_1076 : memref<1x1000000x16xf32, #tpu.memory_space<hbm>> -> memref<1000000x16xf32, #tpu.memory_space<hbm>>
        %dma_wait3A_1078 = arith.constant 0 : i32
        %dma_wait3A_1079 = arith.constant 0 : i32
        %dma_wait3A_1080 = tpu.memref_slice %dma_wait3A_1077[%dma_wait3A_1078, %dma_wait3A_1079] : memref<1000000x16xf32, #tpu.memory_space<hbm>> -> memref<1000000x16xf32, #tpu.memory_space<hbm>>
        tpu.wait_indirect_dma semaphore(%arg12 : memref<!tpu.dma_semaphore, #tpu.memory_space<semaphore_mem>>) src(%dma_wait3A_1080 : memref<1000000x16xf32, #tpu.memory_space<hbm>>) dst(%dma_wait3A_1070 : memref<128x16xf32, #tpu.memory_space<vmem>>)
        %dma_wait3A_1081 = arith.constant 0 : i32
        %dma_wait3A_1082 = arith.constant 30 : i32
        %dma_wait3A_1083 = arith.constant 30 : i32
        %dma_wait3A_1084 = arith.constant 0 : i32
        %dma_wait3A_1085 = arith.constant 0 : i32
        %dma_wait3A_1086 = tpu.memref_slice %arg11[%dma_wait3A_1083, %dma_wait3A_1084, %dma_wait3A_1085] : memref<32x128x16xf32, #tpu.memory_space<vmem>> -> memref<1x128x16xf32, #tpu.memory_space<vmem>>
        %dma_wait3A_1087 = tpu.memref_squeeze %dma_wait3A_1086 : memref<1x128x16xf32, #tpu.memory_space<vmem>> -> memref<128x16xf32, #tpu.memory_space<vmem>>
        %dma_wait3A_1088 = arith.constant 0 : i32
        %dma_wait3A_1089 = tpu.memref_slice %arg10[%dma_wait3A_1082, %dma_wait3A_1088] : memref<32x128xi32, #tpu.memory_space<vmem>> -> memref<1x128xi32, #tpu.memory_space<vmem>>
        %dma_wait3A_1090 = tpu.memref_squeeze %dma_wait3A_1089 : memref<1x128xi32, #tpu.memory_space<vmem>> -> memref<128xi32, #tpu.memory_space<vmem>>
        %dma_wait3A_1091 = arith.constant 0 : i32
        %dma_wait3A_1092 = arith.constant 0 : i32
        %dma_wait3A_1093 = tpu.memref_slice %arg2[%dma_wait3A_1081, %dma_wait3A_1091, %dma_wait3A_1092] : memref<2x1000000x16xf32, #tpu.memory_space<hbm>> -> memref<1x1000000x16xf32, #tpu.memory_space<hbm>>
        %dma_wait3A_1094 = tpu.memref_squeeze %dma_wait3A_1093 : memref<1x1000000x16xf32, #tpu.memory_space<hbm>> -> memref<1000000x16xf32, #tpu.memory_space<hbm>>
        %dma_wait3A_1095 = arith.constant 0 : i32
        %dma_wait3A_1096 = arith.constant 0 : i32
        %dma_wait3A_1097 = tpu.memref_slice %dma_wait3A_1094[%dma_wait3A_1095, %dma_wait3A_1096] : memref<1000000x16xf32, #tpu.memory_space<hbm>> -> memref<1000000x16xf32, #tpu.memory_space<hbm>>
        tpu.wait_indirect_dma semaphore(%arg12 : memref<!tpu.dma_semaphore, #tpu.memory_space<semaphore_mem>>) src(%dma_wait3A_1097 : memref<1000000x16xf32, #tpu.memory_space<hbm>>) dst(%dma_wait3A_1087 : memref<128x16xf32, #tpu.memory_space<vmem>>)
        %dma_wait3A_1098 = arith.constant 0 : i32
        %dma_wait3A_1099 = arith.constant 31 : i32
        %dma_wait3A_1100 = arith.constant 31 : i32
        %dma_wait3A_1101 = arith.constant 0 : i32
        %dma_wait3A_1102 = arith.constant 0 : i32
        %dma_wait3A_1103 = tpu.memref_slice %arg11[%dma_wait3A_1100, %dma_wait3A_1101, %dma_wait3A_1102] : memref<32x128x16xf32, #tpu.memory_space<vmem>> -> memref<1x128x16xf32, #tpu.memory_space<vmem>>
        %dma_wait3A_1104 = tpu.memref_squeeze %dma_wait3A_1103 : memref<1x128x16xf32, #tpu.memory_space<vmem>> -> memref<128x16xf32, #tpu.memory_space<vmem>>
        %dma_wait3A_1105 = arith.constant 0 : i32
        %dma_wait3A_1106 = tpu.memref_slice %arg10[%dma_wait3A_1099, %dma_wait3A_1105] : memref<32x128xi32, #tpu.memory_space<vmem>> -> memref<1x128xi32, #tpu.memory_space<vmem>>
        %dma_wait3A_1107 = tpu.memref_squeeze %dma_wait3A_1106 : memref<1x128xi32, #tpu.memory_space<vmem>> -> memref<128xi32, #tpu.memory_space<vmem>>
        %dma_wait3A_1108 = arith.constant 0 : i32
        %dma_wait3A_1109 = arith.constant 0 : i32
        %dma_wait3A_1110 = tpu.memref_slice %arg2[%dma_wait3A_1098, %dma_wait3A_1108, %dma_wait3A_1109] : memref<2x1000000x16xf32, #tpu.memory_space<hbm>> -> memref<1x1000000x16xf32, #tpu.memory_space<hbm>>
        %dma_wait3A_1111 = tpu.memref_squeeze %dma_wait3A_1110 : memref<1x1000000x16xf32, #tpu.memory_space<hbm>> -> memref<1000000x16xf32, #tpu.memory_space<hbm>>
        %dma_wait3A_1112 = arith.constant 0 : i32
        %dma_wait3A_1113 = arith.constant 0 : i32
        %dma_wait3A_1114 = tpu.memref_slice %dma_wait3A_1111[%dma_wait3A_1112, %dma_wait3A_1113] : memref<1000000x16xf32, #tpu.memory_space<hbm>> -> memref<1000000x16xf32, #tpu.memory_space<hbm>>
        tpu.wait_indirect_dma semaphore(%arg12 : memref<!tpu.dma_semaphore, #tpu.memory_space<semaphore_mem>>) src(%dma_wait3A_1114 : memref<1000000x16xf32, #tpu.memory_space<hbm>>) dst(%dma_wait3A_1104 : memref<128x16xf32, #tpu.memory_space<vmem>>)
        %mul3A_1115 = arith.constant 32 : i32
        %mul3A_1116 = arith.muli %add3A_22, %mul3A_1115 : i32
        "tpu.region"() ({
          %run_scoped3A = tpu.sem_alloc : memref<!tpu.dma_semaphore, #tpu.memory_space<semaphore_mem>>
          %dma_start3A_1117 = arith.constant 0 : i32
          %dma_start3A_1118 = arith.constant 0 : i32
          %dma_start3A_1119 = tpu.memref_slice %arg7[%mul3A_1116, %dma_start3A_1117, %dma_start3A_1118] : memref<1632x128x16xf32, #tpu.memory_space<hbm>> -> memref<32x128x16xf32, #tpu.memory_space<hbm>>
          %dma_start3A_1120 = arith.constant 0 : i32
          %dma_start3A_1121 = arith.constant 0 : i32
          %dma_start3A_1122 = tpu.memref_slice %arg7[%mul3A_1116, %dma_start3A_1120, %dma_start3A_1121] : memref<1632x128x16xf32, #tpu.memory_space<hbm>> -> memref<32x128x16xf32, #tpu.memory_space<hbm>>
          tpu.enqueue_dma source(%arg11 : memref<32x128x16xf32, #tpu.memory_space<vmem>>) target(%dma_start3A_1122 : memref<32x128x16xf32, #tpu.memory_space<hbm>>) target_semaphore(%run_scoped3A : memref<!tpu.dma_semaphore, #tpu.memory_space<semaphore_mem>>)
          %dma_wait3A_1123 = arith.constant 0 : i32
          %dma_wait3A_1124 = arith.constant 0 : i32
          %dma_wait3A_1125 = tpu.memref_slice %arg7[%mul3A_1116, %dma_wait3A_1123, %dma_wait3A_1124] : memref<1632x128x16xf32, #tpu.memory_space<hbm>> -> memref<32x128x16xf32, #tpu.memory_space<hbm>>
          %dma_wait3A_1126 = arith.constant 0 : i32
          %dma_wait3A_1127 = arith.constant 0 : i32
          %dma_wait3A_1128 = tpu.memref_slice %arg7[%mul3A_1116, %dma_wait3A_1126, %dma_wait3A_1127] : memref<1632x128x16xf32, #tpu.memory_space<hbm>> -> memref<32x128x16xf32, #tpu.memory_space<hbm>>
          tpu.wait_dma2 semaphore(%run_scoped3A : memref<!tpu.dma_semaphore, #tpu.memory_space<semaphore_mem>>) src(%arg11 : memref<32x128x16xf32, #tpu.memory_space<vmem>>) dst(%dma_wait3A_1128 : memref<32x128x16xf32, #tpu.memory_space<hbm>>)
          tpu.yield
        }) : () -> ()
      } else {
      }
      %scan3A_28 = arith.constant 0 : i32
      scf.yield %scan3A_28 : i32
    }
    %scan3A_6 = arith.constant 2 : i32
    %scan3A_7 = arith.constant 0 : i32
    %scan3A_8 = arith.constant 0 : i32
    %scan3A_9 = arith.constant 2 : i32
    %scan3A_10 = arith.addi %scan3A_8, %scan3A_9 : i32
    %scan3A_11 = arith.constant 1 : i32
    %scan3A_12 = scf.for %scan3A_18 = %scan3A_8 to %scan3A_10 step %scan3A_11 iter_args(%scan3A_19 = %scan3A_7) -> (i32)  : i32 {
      %mul3A_20 = arith.constant 32 : i32
      %mul3A_21 = arith.muli %scan3A_18, %mul3A_20 : i32
      %add3A_22 = arith.addi %add3A, %mul3A_21 : i32
      %lt3A_23 = arith.constant 51 : i32
      %lt3A_24 = arith.cmpi slt, %add3A_22, %lt3A_23 : i32
      %convert_element_type3A_25 = arith.extui %lt3A_24 : i1 to i32
      %cond3A_26 = arith.constant 0 : i32
      %cond3A_27 = arith.cmpi ne, %convert_element_type3A_25, %cond3A_26 : i32
      scf.if %cond3A_27 {
        "tpu.region"() ({
          %run_scoped3A = tpu.sem_alloc : memref<!tpu.dma_semaphore, #tpu.memory_space<semaphore_mem>>
          %dma_start3A_1117 = arith.constant 0 : i32
          %dma_start3A_1118 = arith.constant 0 : i32
          %dma_start3A_1119 = tpu.memref_slice %arg5[%add3A_22, %dma_start3A_1117, %dma_start3A_1118] : memref<51x32x128xi32, #tpu.memory_space<hbm>> -> memref<1x32x128xi32, #tpu.memory_space<hbm>>
          %dma_start3A_1120 = tpu.memref_squeeze %dma_start3A_1119 : memref<1x32x128xi32, #tpu.memory_space<hbm>> -> memref<32x128xi32, #tpu.memory_space<hbm>>
          %dma_start3A_1121 = arith.constant 0 : i32
          %dma_start3A_1122 = arith.constant 0 : i32
          %dma_start3A_1123 = tpu.memref_slice %arg5[%add3A_22, %dma_start3A_1121, %dma_start3A_1122] : memref<51x32x128xi32, #tpu.memory_space<hbm>> -> memref<1x32x128xi32, #tpu.memory_space<hbm>>
          %dma_start3A_1124 = tpu.memref_squeeze %dma_start3A_1123 : memref<1x32x128xi32, #tpu.memory_space<hbm>> -> memref<32x128xi32, #tpu.memory_space<hbm>>
          tpu.enqueue_dma source(%dma_start3A_1124 : memref<32x128xi32, #tpu.memory_space<hbm>>) target(%arg10 : memref<32x128xi32, #tpu.memory_space<vmem>>) target_semaphore(%run_scoped3A : memref<!tpu.dma_semaphore, #tpu.memory_space<semaphore_mem>>)
          %dma_wait3A_1125 = arith.constant 0 : i32
          %dma_wait3A_1126 = arith.constant 0 : i32
          %dma_wait3A_1127 = tpu.memref_slice %arg5[%add3A_22, %dma_wait3A_1125, %dma_wait3A_1126] : memref<51x32x128xi32, #tpu.memory_space<hbm>> -> memref<1x32x128xi32, #tpu.memory_space<hbm>>
          %dma_wait3A_1128 = tpu.memref_squeeze %dma_wait3A_1127 : memref<1x32x128xi32, #tpu.memory_space<hbm>> -> memref<32x128xi32, #tpu.memory_space<hbm>>
          %dma_wait3A_1129 = arith.constant 0 : i32
          %dma_wait3A_1130 = arith.constant 0 : i32
          %dma_wait3A_1131 = tpu.memref_slice %arg5[%add3A_22, %dma_wait3A_1129, %dma_wait3A_1130] : memref<51x32x128xi32, #tpu.memory_space<hbm>> -> memref<1x32x128xi32, #tpu.memory_space<hbm>>
          %dma_wait3A_1132 = tpu.memref_squeeze %dma_wait3A_1131 : memref<1x32x128xi32, #tpu.memory_space<hbm>> -> memref<32x128xi32, #tpu.memory_space<hbm>>
          tpu.wait_dma2 semaphore(%run_scoped3A : memref<!tpu.dma_semaphore, #tpu.memory_space<semaphore_mem>>) src(%dma_wait3A_1132 : memref<32x128xi32, #tpu.memory_space<hbm>>) dst(%arg10 : memref<32x128xi32, #tpu.memory_space<vmem>>)
          tpu.yield
        }) : () -> ()
        %dma_start3A = arith.constant 1 : i32
        %dma_start3A_29 = arith.constant 0 : i32
        %dma_start3A_30 = arith.constant 0 : i32
        %dma_start3A_31 = arith.constant 0 : i32
        %dma_start3A_32 = arith.constant 0 : i32
        %dma_start3A_33 = tpu.memref_slice %arg11[%dma_start3A_30, %dma_start3A_31, %dma_start3A_32] : memref<32x128x16xf32, #tpu.memory_space<vmem>> -> memref<1x128x16xf32, #tpu.memory_space<vmem>>
        %dma_start3A_34 = tpu.memref_squeeze %dma_start3A_33 : memref<1x128x16xf32, #tpu.memory_space<vmem>> -> memref<128x16xf32, #tpu.memory_space<vmem>>
        %dma_start3A_35 = arith.constant 0 : i32
        %dma_start3A_36 = tpu.memref_slice %arg10[%dma_start3A_29, %dma_start3A_35] : memref<32x128xi32, #tpu.memory_space<vmem>> -> memref<1x128xi32, #tpu.memory_space<vmem>>
        %dma_start3A_37 = tpu.memref_squeeze %dma_start3A_36 : memref<1x128xi32, #tpu.memory_space<vmem>> -> memref<128xi32, #tpu.memory_space<vmem>>
        %dma_start3A_38 = arith.constant 0 : i32
        %dma_start3A_39 = arith.constant 0 : i32
        %dma_start3A_40 = tpu.memref_slice %arg2[%dma_start3A, %dma_start3A_38, %dma_start3A_39] : memref<2x1000000x16xf32, #tpu.memory_space<hbm>> -> memref<1x1000000x16xf32, #tpu.memory_space<hbm>>
        %dma_start3A_41 = tpu.memref_squeeze %dma_start3A_40 : memref<1x1000000x16xf32, #tpu.memory_space<hbm>> -> memref<1000000x16xf32, #tpu.memory_space<hbm>>
        %dma_start3A_42 = arith.constant 0 : i32
        %dma_start3A_43 = arith.constant 0 : i32
        %dma_start3A_44 = tpu.memref_slice %dma_start3A_41[%dma_start3A_42, %dma_start3A_43] : memref<1000000x16xf32, #tpu.memory_space<hbm>> -> memref<1000000x16xf32, #tpu.memory_space<hbm>>
        tpu.enqueue_indirect_dma source(%dma_start3A_44 : memref<1000000x16xf32, #tpu.memory_space<hbm>>) target(%dma_start3A_34 : memref<128x16xf32, #tpu.memory_space<vmem>>) offsets(%dma_start3A_37 : memref<128xi32, #tpu.memory_space<vmem>>) semaphore(%arg12 : memref<!tpu.dma_semaphore, #tpu.memory_space<semaphore_mem>>)
        %dma_start3A_45 = arith.constant 1 : i32
        %dma_start3A_46 = arith.constant 1 : i32
        %dma_start3A_47 = arith.constant 1 : i32
        %dma_start3A_48 = arith.constant 0 : i32
        %dma_start3A_49 = arith.constant 0 : i32
        %dma_start3A_50 = tpu.memref_slice %arg11[%dma_start3A_47, %dma_start3A_48, %dma_start3A_49] : memref<32x128x16xf32, #tpu.memory_space<vmem>> -> memref<1x128x16xf32, #tpu.memory_space<vmem>>
        %dma_start3A_51 = tpu.memref_squeeze %dma_start3A_50 : memref<1x128x16xf32, #tpu.memory_space<vmem>> -> memref<128x16xf32, #tpu.memory_space<vmem>>
        %dma_start3A_52 = arith.constant 0 : i32
        %dma_start3A_53 = tpu.memref_slice %arg10[%dma_start3A_46, %dma_start3A_52] : memref<32x128xi32, #tpu.memory_space<vmem>> -> memref<1x128xi32, #tpu.memory_space<vmem>>
        %dma_start3A_54 = tpu.memref_squeeze %dma_start3A_53 : memref<1x128xi32, #tpu.memory_space<vmem>> -> memref<128xi32, #tpu.memory_space<vmem>>
        %dma_start3A_55 = arith.constant 0 : i32
        %dma_start3A_56 = arith.constant 0 : i32
        %dma_start3A_57 = tpu.memref_slice %arg2[%dma_start3A_45, %dma_start3A_55, %dma_start3A_56] : memref<2x1000000x16xf32, #tpu.memory_space<hbm>> -> memref<1x1000000x16xf32, #tpu.memory_space<hbm>>
        %dma_start3A_58 = tpu.memref_squeeze %dma_start3A_57 : memref<1x1000000x16xf32, #tpu.memory_space<hbm>> -> memref<1000000x16xf32, #tpu.memory_space<hbm>>
        %dma_start3A_59 = arith.constant 0 : i32
        %dma_start3A_60 = arith.constant 0 : i32
        %dma_start3A_61 = tpu.memref_slice %dma_start3A_58[%dma_start3A_59, %dma_start3A_60] : memref<1000000x16xf32, #tpu.memory_space<hbm>> -> memref<1000000x16xf32, #tpu.memory_space<hbm>>
        tpu.enqueue_indirect_dma source(%dma_start3A_61 : memref<1000000x16xf32, #tpu.memory_space<hbm>>) target(%dma_start3A_51 : memref<128x16xf32, #tpu.memory_space<vmem>>) offsets(%dma_start3A_54 : memref<128xi32, #tpu.memory_space<vmem>>) semaphore(%arg12 : memref<!tpu.dma_semaphore, #tpu.memory_space<semaphore_mem>>)
        %dma_start3A_62 = arith.constant 1 : i32
        %dma_start3A_63 = arith.constant 2 : i32
        %dma_start3A_64 = arith.constant 2 : i32
        %dma_start3A_65 = arith.constant 0 : i32
        %dma_start3A_66 = arith.constant 0 : i32
        %dma_start3A_67 = tpu.memref_slice %arg11[%dma_start3A_64, %dma_start3A_65, %dma_start3A_66] : memref<32x128x16xf32, #tpu.memory_space<vmem>> -> memref<1x128x16xf32, #tpu.memory_space<vmem>>
        %dma_start3A_68 = tpu.memref_squeeze %dma_start3A_67 : memref<1x128x16xf32, #tpu.memory_space<vmem>> -> memref<128x16xf32, #tpu.memory_space<vmem>>
        %dma_start3A_69 = arith.constant 0 : i32
        %dma_start3A_70 = tpu.memref_slice %arg10[%dma_start3A_63, %dma_start3A_69] : memref<32x128xi32, #tpu.memory_space<vmem>> -> memref<1x128xi32, #tpu.memory_space<vmem>>
        %dma_start3A_71 = tpu.memref_squeeze %dma_start3A_70 : memref<1x128xi32, #tpu.memory_space<vmem>> -> memref<128xi32, #tpu.memory_space<vmem>>
        %dma_start3A_72 = arith.constant 0 : i32
        %dma_start3A_73 = arith.constant 0 : i32
        %dma_start3A_74 = tpu.memref_slice %arg2[%dma_start3A_62, %dma_start3A_72, %dma_start3A_73] : memref<2x1000000x16xf32, #tpu.memory_space<hbm>> -> memref<1x1000000x16xf32, #tpu.memory_space<hbm>>
        %dma_start3A_75 = tpu.memref_squeeze %dma_start3A_74 : memref<1x1000000x16xf32, #tpu.memory_space<hbm>> -> memref<1000000x16xf32, #tpu.memory_space<hbm>>
        %dma_start3A_76 = arith.constant 0 : i32
        %dma_start3A_77 = arith.constant 0 : i32
        %dma_start3A_78 = tpu.memref_slice %dma_start3A_75[%dma_start3A_76, %dma_start3A_77] : memref<1000000x16xf32, #tpu.memory_space<hbm>> -> memref<1000000x16xf32, #tpu.memory_space<hbm>>
        tpu.enqueue_indirect_dma source(%dma_start3A_78 : memref<1000000x16xf32, #tpu.memory_space<hbm>>) target(%dma_start3A_68 : memref<128x16xf32, #tpu.memory_space<vmem>>) offsets(%dma_start3A_71 : memref<128xi32, #tpu.memory_space<vmem>>) semaphore(%arg12 : memref<!tpu.dma_semaphore, #tpu.memory_space<semaphore_mem>>)
        %dma_start3A_79 = arith.constant 1 : i32
        %dma_start3A_80 = arith.constant 3 : i32
        %dma_start3A_81 = arith.constant 3 : i32
        %dma_start3A_82 = arith.constant 0 : i32
        %dma_start3A_83 = arith.constant 0 : i32
        %dma_start3A_84 = tpu.memref_slice %arg11[%dma_start3A_81, %dma_start3A_82, %dma_start3A_83] : memref<32x128x16xf32, #tpu.memory_space<vmem>> -> memref<1x128x16xf32, #tpu.memory_space<vmem>>
        %dma_start3A_85 = tpu.memref_squeeze %dma_start3A_84 : memref<1x128x16xf32, #tpu.memory_space<vmem>> -> memref<128x16xf32, #tpu.memory_space<vmem>>
        %dma_start3A_86 = arith.constant 0 : i32
        %dma_start3A_87 = tpu.memref_slice %arg10[%dma_start3A_80, %dma_start3A_86] : memref<32x128xi32, #tpu.memory_space<vmem>> -> memref<1x128xi32, #tpu.memory_space<vmem>>
        %dma_start3A_88 = tpu.memref_squeeze %dma_start3A_87 : memref<1x128xi32, #tpu.memory_space<vmem>> -> memref<128xi32, #tpu.memory_space<vmem>>
        %dma_start3A_89 = arith.constant 0 : i32
        %dma_start3A_90 = arith.constant 0 : i32
        %dma_start3A_91 = tpu.memref_slice %arg2[%dma_start3A_79, %dma_start3A_89, %dma_start3A_90] : memref<2x1000000x16xf32, #tpu.memory_space<hbm>> -> memref<1x1000000x16xf32, #tpu.memory_space<hbm>>
        %dma_start3A_92 = tpu.memref_squeeze %dma_start3A_91 : memref<1x1000000x16xf32, #tpu.memory_space<hbm>> -> memref<1000000x16xf32, #tpu.memory_space<hbm>>
        %dma_start3A_93 = arith.constant 0 : i32
        %dma_start3A_94 = arith.constant 0 : i32
        %dma_start3A_95 = tpu.memref_slice %dma_start3A_92[%dma_start3A_93, %dma_start3A_94] : memref<1000000x16xf32, #tpu.memory_space<hbm>> -> memref<1000000x16xf32, #tpu.memory_space<hbm>>
        tpu.enqueue_indirect_dma source(%dma_start3A_95 : memref<1000000x16xf32, #tpu.memory_space<hbm>>) target(%dma_start3A_85 : memref<128x16xf32, #tpu.memory_space<vmem>>) offsets(%dma_start3A_88 : memref<128xi32, #tpu.memory_space<vmem>>) semaphore(%arg12 : memref<!tpu.dma_semaphore, #tpu.memory_space<semaphore_mem>>)
        %dma_start3A_96 = arith.constant 1 : i32
        %dma_start3A_97 = arith.constant 4 : i32
        %dma_start3A_98 = arith.constant 4 : i32
        %dma_start3A_99 = arith.constant 0 : i32
        %dma_start3A_100 = arith.constant 0 : i32
        %dma_start3A_101 = tpu.memref_slice %arg11[%dma_start3A_98, %dma_start3A_99, %dma_start3A_100] : memref<32x128x16xf32, #tpu.memory_space<vmem>> -> memref<1x128x16xf32, #tpu.memory_space<vmem>>
        %dma_start3A_102 = tpu.memref_squeeze %dma_start3A_101 : memref<1x128x16xf32, #tpu.memory_space<vmem>> -> memref<128x16xf32, #tpu.memory_space<vmem>>
        %dma_start3A_103 = arith.constant 0 : i32
        %dma_start3A_104 = tpu.memref_slice %arg10[%dma_start3A_97, %dma_start3A_103] : memref<32x128xi32, #tpu.memory_space<vmem>> -> memref<1x128xi32, #tpu.memory_space<vmem>>
        %dma_start3A_105 = tpu.memref_squeeze %dma_start3A_104 : memref<1x128xi32, #tpu.memory_space<vmem>> -> memref<128xi32, #tpu.memory_space<vmem>>
        %dma_start3A_106 = arith.constant 0 : i32
        %dma_start3A_107 = arith.constant 0 : i32
        %dma_start3A_108 = tpu.memref_slice %arg2[%dma_start3A_96, %dma_start3A_106, %dma_start3A_107] : memref<2x1000000x16xf32, #tpu.memory_space<hbm>> -> memref<1x1000000x16xf32, #tpu.memory_space<hbm>>
        %dma_start3A_109 = tpu.memref_squeeze %dma_start3A_108 : memref<1x1000000x16xf32, #tpu.memory_space<hbm>> -> memref<1000000x16xf32, #tpu.memory_space<hbm>>
        %dma_start3A_110 = arith.constant 0 : i32
        %dma_start3A_111 = arith.constant 0 : i32
        %dma_start3A_112 = tpu.memref_slice %dma_start3A_109[%dma_start3A_110, %dma_start3A_111] : memref<1000000x16xf32, #tpu.memory_space<hbm>> -> memref<1000000x16xf32, #tpu.memory_space<hbm>>
        tpu.enqueue_indirect_dma source(%dma_start3A_112 : memref<1000000x16xf32, #tpu.memory_space<hbm>>) target(%dma_start3A_102 : memref<128x16xf32, #tpu.memory_space<vmem>>) offsets(%dma_start3A_105 : memref<128xi32, #tpu.memory_space<vmem>>) semaphore(%arg12 : memref<!tpu.dma_semaphore, #tpu.memory_space<semaphore_mem>>)
        %dma_start3A_113 = arith.constant 1 : i32
        %dma_start3A_114 = arith.constant 5 : i32
        %dma_start3A_115 = arith.constant 5 : i32
        %dma_start3A_116 = arith.constant 0 : i32
        %dma_start3A_117 = arith.constant 0 : i32
        %dma_start3A_118 = tpu.memref_slice %arg11[%dma_start3A_115, %dma_start3A_116, %dma_start3A_117] : memref<32x128x16xf32, #tpu.memory_space<vmem>> -> memref<1x128x16xf32, #tpu.memory_space<vmem>>
        %dma_start3A_119 = tpu.memref_squeeze %dma_start3A_118 : memref<1x128x16xf32, #tpu.memory_space<vmem>> -> memref<128x16xf32, #tpu.memory_space<vmem>>
        %dma_start3A_120 = arith.constant 0 : i32
        %dma_start3A_121 = tpu.memref_slice %arg10[%dma_start3A_114, %dma_start3A_120] : memref<32x128xi32, #tpu.memory_space<vmem>> -> memref<1x128xi32, #tpu.memory_space<vmem>>
        %dma_start3A_122 = tpu.memref_squeeze %dma_start3A_121 : memref<1x128xi32, #tpu.memory_space<vmem>> -> memref<128xi32, #tpu.memory_space<vmem>>
        %dma_start3A_123 = arith.constant 0 : i32
        %dma_start3A_124 = arith.constant 0 : i32
        %dma_start3A_125 = tpu.memref_slice %arg2[%dma_start3A_113, %dma_start3A_123, %dma_start3A_124] : memref<2x1000000x16xf32, #tpu.memory_space<hbm>> -> memref<1x1000000x16xf32, #tpu.memory_space<hbm>>
        %dma_start3A_126 = tpu.memref_squeeze %dma_start3A_125 : memref<1x1000000x16xf32, #tpu.memory_space<hbm>> -> memref<1000000x16xf32, #tpu.memory_space<hbm>>
        %dma_start3A_127 = arith.constant 0 : i32
        %dma_start3A_128 = arith.constant 0 : i32
        %dma_start3A_129 = tpu.memref_slice %dma_start3A_126[%dma_start3A_127, %dma_start3A_128] : memref<1000000x16xf32, #tpu.memory_space<hbm>> -> memref<1000000x16xf32, #tpu.memory_space<hbm>>
        tpu.enqueue_indirect_dma source(%dma_start3A_129 : memref<1000000x16xf32, #tpu.memory_space<hbm>>) target(%dma_start3A_119 : memref<128x16xf32, #tpu.memory_space<vmem>>) offsets(%dma_start3A_122 : memref<128xi32, #tpu.memory_space<vmem>>) semaphore(%arg12 : memref<!tpu.dma_semaphore, #tpu.memory_space<semaphore_mem>>)
        %dma_start3A_130 = arith.constant 1 : i32
        %dma_start3A_131 = arith.constant 6 : i32
        %dma_start3A_132 = arith.constant 6 : i32
        %dma_start3A_133 = arith.constant 0 : i32
        %dma_start3A_134 = arith.constant 0 : i32
        %dma_start3A_135 = tpu.memref_slice %arg11[%dma_start3A_132, %dma_start3A_133, %dma_start3A_134] : memref<32x128x16xf32, #tpu.memory_space<vmem>> -> memref<1x128x16xf32, #tpu.memory_space<vmem>>
        %dma_start3A_136 = tpu.memref_squeeze %dma_start3A_135 : memref<1x128x16xf32, #tpu.memory_space<vmem>> -> memref<128x16xf32, #tpu.memory_space<vmem>>
        %dma_start3A_137 = arith.constant 0 : i32
        %dma_start3A_138 = tpu.memref_slice %arg10[%dma_start3A_131, %dma_start3A_137] : memref<32x128xi32, #tpu.memory_space<vmem>> -> memref<1x128xi32, #tpu.memory_space<vmem>>
        %dma_start3A_139 = tpu.memref_squeeze %dma_start3A_138 : memref<1x128xi32, #tpu.memory_space<vmem>> -> memref<128xi32, #tpu.memory_space<vmem>>
        %dma_start3A_140 = arith.constant 0 : i32
        %dma_start3A_141 = arith.constant 0 : i32
        %dma_start3A_142 = tpu.memref_slice %arg2[%dma_start3A_130, %dma_start3A_140, %dma_start3A_141] : memref<2x1000000x16xf32, #tpu.memory_space<hbm>> -> memref<1x1000000x16xf32, #tpu.memory_space<hbm>>
        %dma_start3A_143 = tpu.memref_squeeze %dma_start3A_142 : memref<1x1000000x16xf32, #tpu.memory_space<hbm>> -> memref<1000000x16xf32, #tpu.memory_space<hbm>>
        %dma_start3A_144 = arith.constant 0 : i32
        %dma_start3A_145 = arith.constant 0 : i32
        %dma_start3A_146 = tpu.memref_slice %dma_start3A_143[%dma_start3A_144, %dma_start3A_145] : memref<1000000x16xf32, #tpu.memory_space<hbm>> -> memref<1000000x16xf32, #tpu.memory_space<hbm>>
        tpu.enqueue_indirect_dma source(%dma_start3A_146 : memref<1000000x16xf32, #tpu.memory_space<hbm>>) target(%dma_start3A_136 : memref<128x16xf32, #tpu.memory_space<vmem>>) offsets(%dma_start3A_139 : memref<128xi32, #tpu.memory_space<vmem>>) semaphore(%arg12 : memref<!tpu.dma_semaphore, #tpu.memory_space<semaphore_mem>>)
        %dma_start3A_147 = arith.constant 1 : i32
        %dma_start3A_148 = arith.constant 7 : i32
        %dma_start3A_149 = arith.constant 7 : i32
        %dma_start3A_150 = arith.constant 0 : i32
        %dma_start3A_151 = arith.constant 0 : i32
        %dma_start3A_152 = tpu.memref_slice %arg11[%dma_start3A_149, %dma_start3A_150, %dma_start3A_151] : memref<32x128x16xf32, #tpu.memory_space<vmem>> -> memref<1x128x16xf32, #tpu.memory_space<vmem>>
        %dma_start3A_153 = tpu.memref_squeeze %dma_start3A_152 : memref<1x128x16xf32, #tpu.memory_space<vmem>> -> memref<128x16xf32, #tpu.memory_space<vmem>>
        %dma_start3A_154 = arith.constant 0 : i32
        %dma_start3A_155 = tpu.memref_slice %arg10[%dma_start3A_148, %dma_start3A_154] : memref<32x128xi32, #tpu.memory_space<vmem>> -> memref<1x128xi32, #tpu.memory_space<vmem>>
        %dma_start3A_156 = tpu.memref_squeeze %dma_start3A_155 : memref<1x128xi32, #tpu.memory_space<vmem>> -> memref<128xi32, #tpu.memory_space<vmem>>
        %dma_start3A_157 = arith.constant 0 : i32
        %dma_start3A_158 = arith.constant 0 : i32
        %dma_start3A_159 = tpu.memref_slice %arg2[%dma_start3A_147, %dma_start3A_157, %dma_start3A_158] : memref<2x1000000x16xf32, #tpu.memory_space<hbm>> -> memref<1x1000000x16xf32, #tpu.memory_space<hbm>>
        %dma_start3A_160 = tpu.memref_squeeze %dma_start3A_159 : memref<1x1000000x16xf32, #tpu.memory_space<hbm>> -> memref<1000000x16xf32, #tpu.memory_space<hbm>>
        %dma_start3A_161 = arith.constant 0 : i32
        %dma_start3A_162 = arith.constant 0 : i32
        %dma_start3A_163 = tpu.memref_slice %dma_start3A_160[%dma_start3A_161, %dma_start3A_162] : memref<1000000x16xf32, #tpu.memory_space<hbm>> -> memref<1000000x16xf32, #tpu.memory_space<hbm>>
        tpu.enqueue_indirect_dma source(%dma_start3A_163 : memref<1000000x16xf32, #tpu.memory_space<hbm>>) target(%dma_start3A_153 : memref<128x16xf32, #tpu.memory_space<vmem>>) offsets(%dma_start3A_156 : memref<128xi32, #tpu.memory_space<vmem>>) semaphore(%arg12 : memref<!tpu.dma_semaphore, #tpu.memory_space<semaphore_mem>>)
        %dma_start3A_164 = arith.constant 1 : i32
        %dma_start3A_165 = arith.constant 8 : i32
        %dma_start3A_166 = arith.constant 8 : i32
        %dma_start3A_167 = arith.constant 0 : i32
        %dma_start3A_168 = arith.constant 0 : i32
        %dma_start3A_169 = tpu.memref_slice %arg11[%dma_start3A_166, %dma_start3A_167, %dma_start3A_168] : memref<32x128x16xf32, #tpu.memory_space<vmem>> -> memref<1x128x16xf32, #tpu.memory_space<vmem>>
        %dma_start3A_170 = tpu.memref_squeeze %dma_start3A_169 : memref<1x128x16xf32, #tpu.memory_space<vmem>> -> memref<128x16xf32, #tpu.memory_space<vmem>>
        %dma_start3A_171 = arith.constant 0 : i32
        %dma_start3A_172 = tpu.memref_slice %arg10[%dma_start3A_165, %dma_start3A_171] : memref<32x128xi32, #tpu.memory_space<vmem>> -> memref<1x128xi32, #tpu.memory_space<vmem>>
        %dma_start3A_173 = tpu.memref_squeeze %dma_start3A_172 : memref<1x128xi32, #tpu.memory_space<vmem>> -> memref<128xi32, #tpu.memory_space<vmem>>
        %dma_start3A_174 = arith.constant 0 : i32
        %dma_start3A_175 = arith.constant 0 : i32
        %dma_start3A_176 = tpu.memref_slice %arg2[%dma_start3A_164, %dma_start3A_174, %dma_start3A_175] : memref<2x1000000x16xf32, #tpu.memory_space<hbm>> -> memref<1x1000000x16xf32, #tpu.memory_space<hbm>>
        %dma_start3A_177 = tpu.memref_squeeze %dma_start3A_176 : memref<1x1000000x16xf32, #tpu.memory_space<hbm>> -> memref<1000000x16xf32, #tpu.memory_space<hbm>>
        %dma_start3A_178 = arith.constant 0 : i32
        %dma_start3A_179 = arith.constant 0 : i32
        %dma_start3A_180 = tpu.memref_slice %dma_start3A_177[%dma_start3A_178, %dma_start3A_179] : memref<1000000x16xf32, #tpu.memory_space<hbm>> -> memref<1000000x16xf32, #tpu.memory_space<hbm>>
        tpu.enqueue_indirect_dma source(%dma_start3A_180 : memref<1000000x16xf32, #tpu.memory_space<hbm>>) target(%dma_start3A_170 : memref<128x16xf32, #tpu.memory_space<vmem>>) offsets(%dma_start3A_173 : memref<128xi32, #tpu.memory_space<vmem>>) semaphore(%arg12 : memref<!tpu.dma_semaphore, #tpu.memory_space<semaphore_mem>>)
        %dma_start3A_181 = arith.constant 1 : i32
        %dma_start3A_182 = arith.constant 9 : i32
        %dma_start3A_183 = arith.constant 9 : i32
        %dma_start3A_184 = arith.constant 0 : i32
        %dma_start3A_185 = arith.constant 0 : i32
        %dma_start3A_186 = tpu.memref_slice %arg11[%dma_start3A_183, %dma_start3A_184, %dma_start3A_185] : memref<32x128x16xf32, #tpu.memory_space<vmem>> -> memref<1x128x16xf32, #tpu.memory_space<vmem>>
        %dma_start3A_187 = tpu.memref_squeeze %dma_start3A_186 : memref<1x128x16xf32, #tpu.memory_space<vmem>> -> memref<128x16xf32, #tpu.memory_space<vmem>>
        %dma_start3A_188 = arith.constant 0 : i32
        %dma_start3A_189 = tpu.memref_slice %arg10[%dma_start3A_182, %dma_start3A_188] : memref<32x128xi32, #tpu.memory_space<vmem>> -> memref<1x128xi32, #tpu.memory_space<vmem>>
        %dma_start3A_190 = tpu.memref_squeeze %dma_start3A_189 : memref<1x128xi32, #tpu.memory_space<vmem>> -> memref<128xi32, #tpu.memory_space<vmem>>
        %dma_start3A_191 = arith.constant 0 : i32
        %dma_start3A_192 = arith.constant 0 : i32
        %dma_start3A_193 = tpu.memref_slice %arg2[%dma_start3A_181, %dma_start3A_191, %dma_start3A_192] : memref<2x1000000x16xf32, #tpu.memory_space<hbm>> -> memref<1x1000000x16xf32, #tpu.memory_space<hbm>>
        %dma_start3A_194 = tpu.memref_squeeze %dma_start3A_193 : memref<1x1000000x16xf32, #tpu.memory_space<hbm>> -> memref<1000000x16xf32, #tpu.memory_space<hbm>>
        %dma_start3A_195 = arith.constant 0 : i32
        %dma_start3A_196 = arith.constant 0 : i32
        %dma_start3A_197 = tpu.memref_slice %dma_start3A_194[%dma_start3A_195, %dma_start3A_196] : memref<1000000x16xf32, #tpu.memory_space<hbm>> -> memref<1000000x16xf32, #tpu.memory_space<hbm>>
        tpu.enqueue_indirect_dma source(%dma_start3A_197 : memref<1000000x16xf32, #tpu.memory_space<hbm>>) target(%dma_start3A_187 : memref<128x16xf32, #tpu.memory_space<vmem>>) offsets(%dma_start3A_190 : memref<128xi32, #tpu.memory_space<vmem>>) semaphore(%arg12 : memref<!tpu.dma_semaphore, #tpu.memory_space<semaphore_mem>>)
        %dma_start3A_198 = arith.constant 1 : i32
        %dma_start3A_199 = arith.constant 10 : i32
        %dma_start3A_200 = arith.constant 10 : i32
        %dma_start3A_201 = arith.constant 0 : i32
        %dma_start3A_202 = arith.constant 0 : i32
        %dma_start3A_203 = tpu.memref_slice %arg11[%dma_start3A_200, %dma_start3A_201, %dma_start3A_202] : memref<32x128x16xf32, #tpu.memory_space<vmem>> -> memref<1x128x16xf32, #tpu.memory_space<vmem>>
        %dma_start3A_204 = tpu.memref_squeeze %dma_start3A_203 : memref<1x128x16xf32, #tpu.memory_space<vmem>> -> memref<128x16xf32, #tpu.memory_space<vmem>>
        %dma_start3A_205 = arith.constant 0 : i32
        %dma_start3A_206 = tpu.memref_slice %arg10[%dma_start3A_199, %dma_start3A_205] : memref<32x128xi32, #tpu.memory_space<vmem>> -> memref<1x128xi32, #tpu.memory_space<vmem>>
        %dma_start3A_207 = tpu.memref_squeeze %dma_start3A_206 : memref<1x128xi32, #tpu.memory_space<vmem>> -> memref<128xi32, #tpu.memory_space<vmem>>
        %dma_start3A_208 = arith.constant 0 : i32
        %dma_start3A_209 = arith.constant 0 : i32
        %dma_start3A_210 = tpu.memref_slice %arg2[%dma_start3A_198, %dma_start3A_208, %dma_start3A_209] : memref<2x1000000x16xf32, #tpu.memory_space<hbm>> -> memref<1x1000000x16xf32, #tpu.memory_space<hbm>>
        %dma_start3A_211 = tpu.memref_squeeze %dma_start3A_210 : memref<1x1000000x16xf32, #tpu.memory_space<hbm>> -> memref<1000000x16xf32, #tpu.memory_space<hbm>>
        %dma_start3A_212 = arith.constant 0 : i32
        %dma_start3A_213 = arith.constant 0 : i32
        %dma_start3A_214 = tpu.memref_slice %dma_start3A_211[%dma_start3A_212, %dma_start3A_213] : memref<1000000x16xf32, #tpu.memory_space<hbm>> -> memref<1000000x16xf32, #tpu.memory_space<hbm>>
        tpu.enqueue_indirect_dma source(%dma_start3A_214 : memref<1000000x16xf32, #tpu.memory_space<hbm>>) target(%dma_start3A_204 : memref<128x16xf32, #tpu.memory_space<vmem>>) offsets(%dma_start3A_207 : memref<128xi32, #tpu.memory_space<vmem>>) semaphore(%arg12 : memref<!tpu.dma_semaphore, #tpu.memory_space<semaphore_mem>>)
        %dma_start3A_215 = arith.constant 1 : i32
        %dma_start3A_216 = arith.constant 11 : i32
        %dma_start3A_217 = arith.constant 11 : i32
        %dma_start3A_218 = arith.constant 0 : i32
        %dma_start3A_219 = arith.constant 0 : i32
        %dma_start3A_220 = tpu.memref_slice %arg11[%dma_start3A_217, %dma_start3A_218, %dma_start3A_219] : memref<32x128x16xf32, #tpu.memory_space<vmem>> -> memref<1x128x16xf32, #tpu.memory_space<vmem>>
        %dma_start3A_221 = tpu.memref_squeeze %dma_start3A_220 : memref<1x128x16xf32, #tpu.memory_space<vmem>> -> memref<128x16xf32, #tpu.memory_space<vmem>>
        %dma_start3A_222 = arith.constant 0 : i32
        %dma_start3A_223 = tpu.memref_slice %arg10[%dma_start3A_216, %dma_start3A_222] : memref<32x128xi32, #tpu.memory_space<vmem>> -> memref<1x128xi32, #tpu.memory_space<vmem>>
        %dma_start3A_224 = tpu.memref_squeeze %dma_start3A_223 : memref<1x128xi32, #tpu.memory_space<vmem>> -> memref<128xi32, #tpu.memory_space<vmem>>
        %dma_start3A_225 = arith.constant 0 : i32
        %dma_start3A_226 = arith.constant 0 : i32
        %dma_start3A_227 = tpu.memref_slice %arg2[%dma_start3A_215, %dma_start3A_225, %dma_start3A_226] : memref<2x1000000x16xf32, #tpu.memory_space<hbm>> -> memref<1x1000000x16xf32, #tpu.memory_space<hbm>>
        %dma_start3A_228 = tpu.memref_squeeze %dma_start3A_227 : memref<1x1000000x16xf32, #tpu.memory_space<hbm>> -> memref<1000000x16xf32, #tpu.memory_space<hbm>>
        %dma_start3A_229 = arith.constant 0 : i32
        %dma_start3A_230 = arith.constant 0 : i32
        %dma_start3A_231 = tpu.memref_slice %dma_start3A_228[%dma_start3A_229, %dma_start3A_230] : memref<1000000x16xf32, #tpu.memory_space<hbm>> -> memref<1000000x16xf32, #tpu.memory_space<hbm>>
        tpu.enqueue_indirect_dma source(%dma_start3A_231 : memref<1000000x16xf32, #tpu.memory_space<hbm>>) target(%dma_start3A_221 : memref<128x16xf32, #tpu.memory_space<vmem>>) offsets(%dma_start3A_224 : memref<128xi32, #tpu.memory_space<vmem>>) semaphore(%arg12 : memref<!tpu.dma_semaphore, #tpu.memory_space<semaphore_mem>>)
        %dma_start3A_232 = arith.constant 1 : i32
        %dma_start3A_233 = arith.constant 12 : i32
        %dma_start3A_234 = arith.constant 12 : i32
        %dma_start3A_235 = arith.constant 0 : i32
        %dma_start3A_236 = arith.constant 0 : i32
        %dma_start3A_237 = tpu.memref_slice %arg11[%dma_start3A_234, %dma_start3A_235, %dma_start3A_236] : memref<32x128x16xf32, #tpu.memory_space<vmem>> -> memref<1x128x16xf32, #tpu.memory_space<vmem>>
        %dma_start3A_238 = tpu.memref_squeeze %dma_start3A_237 : memref<1x128x16xf32, #tpu.memory_space<vmem>> -> memref<128x16xf32, #tpu.memory_space<vmem>>
        %dma_start3A_239 = arith.constant 0 : i32
        %dma_start3A_240 = tpu.memref_slice %arg10[%dma_start3A_233, %dma_start3A_239] : memref<32x128xi32, #tpu.memory_space<vmem>> -> memref<1x128xi32, #tpu.memory_space<vmem>>
        %dma_start3A_241 = tpu.memref_squeeze %dma_start3A_240 : memref<1x128xi32, #tpu.memory_space<vmem>> -> memref<128xi32, #tpu.memory_space<vmem>>
        %dma_start3A_242 = arith.constant 0 : i32
        %dma_start3A_243 = arith.constant 0 : i32
        %dma_start3A_244 = tpu.memref_slice %arg2[%dma_start3A_232, %dma_start3A_242, %dma_start3A_243] : memref<2x1000000x16xf32, #tpu.memory_space<hbm>> -> memref<1x1000000x16xf32, #tpu.memory_space<hbm>>
        %dma_start3A_245 = tpu.memref_squeeze %dma_start3A_244 : memref<1x1000000x16xf32, #tpu.memory_space<hbm>> -> memref<1000000x16xf32, #tpu.memory_space<hbm>>
        %dma_start3A_246 = arith.constant 0 : i32
        %dma_start3A_247 = arith.constant 0 : i32
        %dma_start3A_248 = tpu.memref_slice %dma_start3A_245[%dma_start3A_246, %dma_start3A_247] : memref<1000000x16xf32, #tpu.memory_space<hbm>> -> memref<1000000x16xf32, #tpu.memory_space<hbm>>
        tpu.enqueue_indirect_dma source(%dma_start3A_248 : memref<1000000x16xf32, #tpu.memory_space<hbm>>) target(%dma_start3A_238 : memref<128x16xf32, #tpu.memory_space<vmem>>) offsets(%dma_start3A_241 : memref<128xi32, #tpu.memory_space<vmem>>) semaphore(%arg12 : memref<!tpu.dma_semaphore, #tpu.memory_space<semaphore_mem>>)
        %dma_start3A_249 = arith.constant 1 : i32
        %dma_start3A_250 = arith.constant 13 : i32
        %dma_start3A_251 = arith.constant 13 : i32
        %dma_start3A_252 = arith.constant 0 : i32
        %dma_start3A_253 = arith.constant 0 : i32
        %dma_start3A_254 = tpu.memref_slice %arg11[%dma_start3A_251, %dma_start3A_252, %dma_start3A_253] : memref<32x128x16xf32, #tpu.memory_space<vmem>> -> memref<1x128x16xf32, #tpu.memory_space<vmem>>
        %dma_start3A_255 = tpu.memref_squeeze %dma_start3A_254 : memref<1x128x16xf32, #tpu.memory_space<vmem>> -> memref<128x16xf32, #tpu.memory_space<vmem>>
        %dma_start3A_256 = arith.constant 0 : i32
        %dma_start3A_257 = tpu.memref_slice %arg10[%dma_start3A_250, %dma_start3A_256] : memref<32x128xi32, #tpu.memory_space<vmem>> -> memref<1x128xi32, #tpu.memory_space<vmem>>
        %dma_start3A_258 = tpu.memref_squeeze %dma_start3A_257 : memref<1x128xi32, #tpu.memory_space<vmem>> -> memref<128xi32, #tpu.memory_space<vmem>>
        %dma_start3A_259 = arith.constant 0 : i32
        %dma_start3A_260 = arith.constant 0 : i32
        %dma_start3A_261 = tpu.memref_slice %arg2[%dma_start3A_249, %dma_start3A_259, %dma_start3A_260] : memref<2x1000000x16xf32, #tpu.memory_space<hbm>> -> memref<1x1000000x16xf32, #tpu.memory_space<hbm>>
        %dma_start3A_262 = tpu.memref_squeeze %dma_start3A_261 : memref<1x1000000x16xf32, #tpu.memory_space<hbm>> -> memref<1000000x16xf32, #tpu.memory_space<hbm>>
        %dma_start3A_263 = arith.constant 0 : i32
        %dma_start3A_264 = arith.constant 0 : i32
        %dma_start3A_265 = tpu.memref_slice %dma_start3A_262[%dma_start3A_263, %dma_start3A_264] : memref<1000000x16xf32, #tpu.memory_space<hbm>> -> memref<1000000x16xf32, #tpu.memory_space<hbm>>
        tpu.enqueue_indirect_dma source(%dma_start3A_265 : memref<1000000x16xf32, #tpu.memory_space<hbm>>) target(%dma_start3A_255 : memref<128x16xf32, #tpu.memory_space<vmem>>) offsets(%dma_start3A_258 : memref<128xi32, #tpu.memory_space<vmem>>) semaphore(%arg12 : memref<!tpu.dma_semaphore, #tpu.memory_space<semaphore_mem>>)
        %dma_start3A_266 = arith.constant 1 : i32
        %dma_start3A_267 = arith.constant 14 : i32
        %dma_start3A_268 = arith.constant 14 : i32
        %dma_start3A_269 = arith.constant 0 : i32
        %dma_start3A_270 = arith.constant 0 : i32
        %dma_start3A_271 = tpu.memref_slice %arg11[%dma_start3A_268, %dma_start3A_269, %dma_start3A_270] : memref<32x128x16xf32, #tpu.memory_space<vmem>> -> memref<1x128x16xf32, #tpu.memory_space<vmem>>
        %dma_start3A_272 = tpu.memref_squeeze %dma_start3A_271 : memref<1x128x16xf32, #tpu.memory_space<vmem>> -> memref<128x16xf32, #tpu.memory_space<vmem>>
        %dma_start3A_273 = arith.constant 0 : i32
        %dma_start3A_274 = tpu.memref_slice %arg10[%dma_start3A_267, %dma_start3A_273] : memref<32x128xi32, #tpu.memory_space<vmem>> -> memref<1x128xi32, #tpu.memory_space<vmem>>
        %dma_start3A_275 = tpu.memref_squeeze %dma_start3A_274 : memref<1x128xi32, #tpu.memory_space<vmem>> -> memref<128xi32, #tpu.memory_space<vmem>>
        %dma_start3A_276 = arith.constant 0 : i32
        %dma_start3A_277 = arith.constant 0 : i32
        %dma_start3A_278 = tpu.memref_slice %arg2[%dma_start3A_266, %dma_start3A_276, %dma_start3A_277] : memref<2x1000000x16xf32, #tpu.memory_space<hbm>> -> memref<1x1000000x16xf32, #tpu.memory_space<hbm>>
        %dma_start3A_279 = tpu.memref_squeeze %dma_start3A_278 : memref<1x1000000x16xf32, #tpu.memory_space<hbm>> -> memref<1000000x16xf32, #tpu.memory_space<hbm>>
        %dma_start3A_280 = arith.constant 0 : i32
        %dma_start3A_281 = arith.constant 0 : i32
        %dma_start3A_282 = tpu.memref_slice %dma_start3A_279[%dma_start3A_280, %dma_start3A_281] : memref<1000000x16xf32, #tpu.memory_space<hbm>> -> memref<1000000x16xf32, #tpu.memory_space<hbm>>
        tpu.enqueue_indirect_dma source(%dma_start3A_282 : memref<1000000x16xf32, #tpu.memory_space<hbm>>) target(%dma_start3A_272 : memref<128x16xf32, #tpu.memory_space<vmem>>) offsets(%dma_start3A_275 : memref<128xi32, #tpu.memory_space<vmem>>) semaphore(%arg12 : memref<!tpu.dma_semaphore, #tpu.memory_space<semaphore_mem>>)
        %dma_start3A_283 = arith.constant 1 : i32
        %dma_start3A_284 = arith.constant 15 : i32
        %dma_start3A_285 = arith.constant 15 : i32
        %dma_start3A_286 = arith.constant 0 : i32
        %dma_start3A_287 = arith.constant 0 : i32
        %dma_start3A_288 = tpu.memref_slice %arg11[%dma_start3A_285, %dma_start3A_286, %dma_start3A_287] : memref<32x128x16xf32, #tpu.memory_space<vmem>> -> memref<1x128x16xf32, #tpu.memory_space<vmem>>
        %dma_start3A_289 = tpu.memref_squeeze %dma_start3A_288 : memref<1x128x16xf32, #tpu.memory_space<vmem>> -> memref<128x16xf32, #tpu.memory_space<vmem>>
        %dma_start3A_290 = arith.constant 0 : i32
        %dma_start3A_291 = tpu.memref_slice %arg10[%dma_start3A_284, %dma_start3A_290] : memref<32x128xi32, #tpu.memory_space<vmem>> -> memref<1x128xi32, #tpu.memory_space<vmem>>
        %dma_start3A_292 = tpu.memref_squeeze %dma_start3A_291 : memref<1x128xi32, #tpu.memory_space<vmem>> -> memref<128xi32, #tpu.memory_space<vmem>>
        %dma_start3A_293 = arith.constant 0 : i32
        %dma_start3A_294 = arith.constant 0 : i32
        %dma_start3A_295 = tpu.memref_slice %arg2[%dma_start3A_283, %dma_start3A_293, %dma_start3A_294] : memref<2x1000000x16xf32, #tpu.memory_space<hbm>> -> memref<1x1000000x16xf32, #tpu.memory_space<hbm>>
        %dma_start3A_296 = tpu.memref_squeeze %dma_start3A_295 : memref<1x1000000x16xf32, #tpu.memory_space<hbm>> -> memref<1000000x16xf32, #tpu.memory_space<hbm>>
        %dma_start3A_297 = arith.constant 0 : i32
        %dma_start3A_298 = arith.constant 0 : i32
        %dma_start3A_299 = tpu.memref_slice %dma_start3A_296[%dma_start3A_297, %dma_start3A_298] : memref<1000000x16xf32, #tpu.memory_space<hbm>> -> memref<1000000x16xf32, #tpu.memory_space<hbm>>
        tpu.enqueue_indirect_dma source(%dma_start3A_299 : memref<1000000x16xf32, #tpu.memory_space<hbm>>) target(%dma_start3A_289 : memref<128x16xf32, #tpu.memory_space<vmem>>) offsets(%dma_start3A_292 : memref<128xi32, #tpu.memory_space<vmem>>) semaphore(%arg12 : memref<!tpu.dma_semaphore, #tpu.memory_space<semaphore_mem>>)
        %dma_start3A_300 = arith.constant 1 : i32
        %dma_start3A_301 = arith.constant 16 : i32
        %dma_start3A_302 = arith.constant 16 : i32
        %dma_start3A_303 = arith.constant 0 : i32
        %dma_start3A_304 = arith.constant 0 : i32
        %dma_start3A_305 = tpu.memref_slice %arg11[%dma_start3A_302, %dma_start3A_303, %dma_start3A_304] : memref<32x128x16xf32, #tpu.memory_space<vmem>> -> memref<1x128x16xf32, #tpu.memory_space<vmem>>
        %dma_start3A_306 = tpu.memref_squeeze %dma_start3A_305 : memref<1x128x16xf32, #tpu.memory_space<vmem>> -> memref<128x16xf32, #tpu.memory_space<vmem>>
        %dma_start3A_307 = arith.constant 0 : i32
        %dma_start3A_308 = tpu.memref_slice %arg10[%dma_start3A_301, %dma_start3A_307] : memref<32x128xi32, #tpu.memory_space<vmem>> -> memref<1x128xi32, #tpu.memory_space<vmem>>
        %dma_start3A_309 = tpu.memref_squeeze %dma_start3A_308 : memref<1x128xi32, #tpu.memory_space<vmem>> -> memref<128xi32, #tpu.memory_space<vmem>>
        %dma_start3A_310 = arith.constant 0 : i32
        %dma_start3A_311 = arith.constant 0 : i32
        %dma_start3A_312 = tpu.memref_slice %arg2[%dma_start3A_300, %dma_start3A_310, %dma_start3A_311] : memref<2x1000000x16xf32, #tpu.memory_space<hbm>> -> memref<1x1000000x16xf32, #tpu.memory_space<hbm>>
        %dma_start3A_313 = tpu.memref_squeeze %dma_start3A_312 : memref<1x1000000x16xf32, #tpu.memory_space<hbm>> -> memref<1000000x16xf32, #tpu.memory_space<hbm>>
        %dma_start3A_314 = arith.constant 0 : i32
        %dma_start3A_315 = arith.constant 0 : i32
        %dma_start3A_316 = tpu.memref_slice %dma_start3A_313[%dma_start3A_314, %dma_start3A_315] : memref<1000000x16xf32, #tpu.memory_space<hbm>> -> memref<1000000x16xf32, #tpu.memory_space<hbm>>
        tpu.enqueue_indirect_dma source(%dma_start3A_316 : memref<1000000x16xf32, #tpu.memory_space<hbm>>) target(%dma_start3A_306 : memref<128x16xf32, #tpu.memory_space<vmem>>) offsets(%dma_start3A_309 : memref<128xi32, #tpu.memory_space<vmem>>) semaphore(%arg12 : memref<!tpu.dma_semaphore, #tpu.memory_space<semaphore_mem>>)
        %dma_start3A_317 = arith.constant 1 : i32
        %dma_start3A_318 = arith.constant 17 : i32
        %dma_start3A_319 = arith.constant 17 : i32
        %dma_start3A_320 = arith.constant 0 : i32
        %dma_start3A_321 = arith.constant 0 : i32
        %dma_start3A_322 = tpu.memref_slice %arg11[%dma_start3A_319, %dma_start3A_320, %dma_start3A_321] : memref<32x128x16xf32, #tpu.memory_space<vmem>> -> memref<1x128x16xf32, #tpu.memory_space<vmem>>
        %dma_start3A_323 = tpu.memref_squeeze %dma_start3A_322 : memref<1x128x16xf32, #tpu.memory_space<vmem>> -> memref<128x16xf32, #tpu.memory_space<vmem>>
        %dma_start3A_324 = arith.constant 0 : i32
        %dma_start3A_325 = tpu.memref_slice %arg10[%dma_start3A_318, %dma_start3A_324] : memref<32x128xi32, #tpu.memory_space<vmem>> -> memref<1x128xi32, #tpu.memory_space<vmem>>
        %dma_start3A_326 = tpu.memref_squeeze %dma_start3A_325 : memref<1x128xi32, #tpu.memory_space<vmem>> -> memref<128xi32, #tpu.memory_space<vmem>>
        %dma_start3A_327 = arith.constant 0 : i32
        %dma_start3A_328 = arith.constant 0 : i32
        %dma_start3A_329 = tpu.memref_slice %arg2[%dma_start3A_317, %dma_start3A_327, %dma_start3A_328] : memref<2x1000000x16xf32, #tpu.memory_space<hbm>> -> memref<1x1000000x16xf32, #tpu.memory_space<hbm>>
        %dma_start3A_330 = tpu.memref_squeeze %dma_start3A_329 : memref<1x1000000x16xf32, #tpu.memory_space<hbm>> -> memref<1000000x16xf32, #tpu.memory_space<hbm>>
        %dma_start3A_331 = arith.constant 0 : i32
        %dma_start3A_332 = arith.constant 0 : i32
        %dma_start3A_333 = tpu.memref_slice %dma_start3A_330[%dma_start3A_331, %dma_start3A_332] : memref<1000000x16xf32, #tpu.memory_space<hbm>> -> memref<1000000x16xf32, #tpu.memory_space<hbm>>
        tpu.enqueue_indirect_dma source(%dma_start3A_333 : memref<1000000x16xf32, #tpu.memory_space<hbm>>) target(%dma_start3A_323 : memref<128x16xf32, #tpu.memory_space<vmem>>) offsets(%dma_start3A_326 : memref<128xi32, #tpu.memory_space<vmem>>) semaphore(%arg12 : memref<!tpu.dma_semaphore, #tpu.memory_space<semaphore_mem>>)
        %dma_start3A_334 = arith.constant 1 : i32
        %dma_start3A_335 = arith.constant 18 : i32
        %dma_start3A_336 = arith.constant 18 : i32
        %dma_start3A_337 = arith.constant 0 : i32
        %dma_start3A_338 = arith.constant 0 : i32
        %dma_start3A_339 = tpu.memref_slice %arg11[%dma_start3A_336, %dma_start3A_337, %dma_start3A_338] : memref<32x128x16xf32, #tpu.memory_space<vmem>> -> memref<1x128x16xf32, #tpu.memory_space<vmem>>
        %dma_start3A_340 = tpu.memref_squeeze %dma_start3A_339 : memref<1x128x16xf32, #tpu.memory_space<vmem>> -> memref<128x16xf32, #tpu.memory_space<vmem>>
        %dma_start3A_341 = arith.constant 0 : i32
        %dma_start3A_342 = tpu.memref_slice %arg10[%dma_start3A_335, %dma_start3A_341] : memref<32x128xi32, #tpu.memory_space<vmem>> -> memref<1x128xi32, #tpu.memory_space<vmem>>
        %dma_start3A_343 = tpu.memref_squeeze %dma_start3A_342 : memref<1x128xi32, #tpu.memory_space<vmem>> -> memref<128xi32, #tpu.memory_space<vmem>>
        %dma_start3A_344 = arith.constant 0 : i32
        %dma_start3A_345 = arith.constant 0 : i32
        %dma_start3A_346 = tpu.memref_slice %arg2[%dma_start3A_334, %dma_start3A_344, %dma_start3A_345] : memref<2x1000000x16xf32, #tpu.memory_space<hbm>> -> memref<1x1000000x16xf32, #tpu.memory_space<hbm>>
        %dma_start3A_347 = tpu.memref_squeeze %dma_start3A_346 : memref<1x1000000x16xf32, #tpu.memory_space<hbm>> -> memref<1000000x16xf32, #tpu.memory_space<hbm>>
        %dma_start3A_348 = arith.constant 0 : i32
        %dma_start3A_349 = arith.constant 0 : i32
        %dma_start3A_350 = tpu.memref_slice %dma_start3A_347[%dma_start3A_348, %dma_start3A_349] : memref<1000000x16xf32, #tpu.memory_space<hbm>> -> memref<1000000x16xf32, #tpu.memory_space<hbm>>
        tpu.enqueue_indirect_dma source(%dma_start3A_350 : memref<1000000x16xf32, #tpu.memory_space<hbm>>) target(%dma_start3A_340 : memref<128x16xf32, #tpu.memory_space<vmem>>) offsets(%dma_start3A_343 : memref<128xi32, #tpu.memory_space<vmem>>) semaphore(%arg12 : memref<!tpu.dma_semaphore, #tpu.memory_space<semaphore_mem>>)
        %dma_start3A_351 = arith.constant 1 : i32
        %dma_start3A_352 = arith.constant 19 : i32
        %dma_start3A_353 = arith.constant 19 : i32
        %dma_start3A_354 = arith.constant 0 : i32
        %dma_start3A_355 = arith.constant 0 : i32
        %dma_start3A_356 = tpu.memref_slice %arg11[%dma_start3A_353, %dma_start3A_354, %dma_start3A_355] : memref<32x128x16xf32, #tpu.memory_space<vmem>> -> memref<1x128x16xf32, #tpu.memory_space<vmem>>
        %dma_start3A_357 = tpu.memref_squeeze %dma_start3A_356 : memref<1x128x16xf32, #tpu.memory_space<vmem>> -> memref<128x16xf32, #tpu.memory_space<vmem>>
        %dma_start3A_358 = arith.constant 0 : i32
        %dma_start3A_359 = tpu.memref_slice %arg10[%dma_start3A_352, %dma_start3A_358] : memref<32x128xi32, #tpu.memory_space<vmem>> -> memref<1x128xi32, #tpu.memory_space<vmem>>
        %dma_start3A_360 = tpu.memref_squeeze %dma_start3A_359 : memref<1x128xi32, #tpu.memory_space<vmem>> -> memref<128xi32, #tpu.memory_space<vmem>>
        %dma_start3A_361 = arith.constant 0 : i32
        %dma_start3A_362 = arith.constant 0 : i32
        %dma_start3A_363 = tpu.memref_slice %arg2[%dma_start3A_351, %dma_start3A_361, %dma_start3A_362] : memref<2x1000000x16xf32, #tpu.memory_space<hbm>> -> memref<1x1000000x16xf32, #tpu.memory_space<hbm>>
        %dma_start3A_364 = tpu.memref_squeeze %dma_start3A_363 : memref<1x1000000x16xf32, #tpu.memory_space<hbm>> -> memref<1000000x16xf32, #tpu.memory_space<hbm>>
        %dma_start3A_365 = arith.constant 0 : i32
        %dma_start3A_366 = arith.constant 0 : i32
        %dma_start3A_367 = tpu.memref_slice %dma_start3A_364[%dma_start3A_365, %dma_start3A_366] : memref<1000000x16xf32, #tpu.memory_space<hbm>> -> memref<1000000x16xf32, #tpu.memory_space<hbm>>
        tpu.enqueue_indirect_dma source(%dma_start3A_367 : memref<1000000x16xf32, #tpu.memory_space<hbm>>) target(%dma_start3A_357 : memref<128x16xf32, #tpu.memory_space<vmem>>) offsets(%dma_start3A_360 : memref<128xi32, #tpu.memory_space<vmem>>) semaphore(%arg12 : memref<!tpu.dma_semaphore, #tpu.memory_space<semaphore_mem>>)
        %dma_start3A_368 = arith.constant 1 : i32
        %dma_start3A_369 = arith.constant 20 : i32
        %dma_start3A_370 = arith.constant 20 : i32
        %dma_start3A_371 = arith.constant 0 : i32
        %dma_start3A_372 = arith.constant 0 : i32
        %dma_start3A_373 = tpu.memref_slice %arg11[%dma_start3A_370, %dma_start3A_371, %dma_start3A_372] : memref<32x128x16xf32, #tpu.memory_space<vmem>> -> memref<1x128x16xf32, #tpu.memory_space<vmem>>
        %dma_start3A_374 = tpu.memref_squeeze %dma_start3A_373 : memref<1x128x16xf32, #tpu.memory_space<vmem>> -> memref<128x16xf32, #tpu.memory_space<vmem>>
        %dma_start3A_375 = arith.constant 0 : i32
        %dma_start3A_376 = tpu.memref_slice %arg10[%dma_start3A_369, %dma_start3A_375] : memref<32x128xi32, #tpu.memory_space<vmem>> -> memref<1x128xi32, #tpu.memory_space<vmem>>
        %dma_start3A_377 = tpu.memref_squeeze %dma_start3A_376 : memref<1x128xi32, #tpu.memory_space<vmem>> -> memref<128xi32, #tpu.memory_space<vmem>>
        %dma_start3A_378 = arith.constant 0 : i32
        %dma_start3A_379 = arith.constant 0 : i32
        %dma_start3A_380 = tpu.memref_slice %arg2[%dma_start3A_368, %dma_start3A_378, %dma_start3A_379] : memref<2x1000000x16xf32, #tpu.memory_space<hbm>> -> memref<1x1000000x16xf32, #tpu.memory_space<hbm>>
        %dma_start3A_381 = tpu.memref_squeeze %dma_start3A_380 : memref<1x1000000x16xf32, #tpu.memory_space<hbm>> -> memref<1000000x16xf32, #tpu.memory_space<hbm>>
        %dma_start3A_382 = arith.constant 0 : i32
        %dma_start3A_383 = arith.constant 0 : i32
        %dma_start3A_384 = tpu.memref_slice %dma_start3A_381[%dma_start3A_382, %dma_start3A_383] : memref<1000000x16xf32, #tpu.memory_space<hbm>> -> memref<1000000x16xf32, #tpu.memory_space<hbm>>
        tpu.enqueue_indirect_dma source(%dma_start3A_384 : memref<1000000x16xf32, #tpu.memory_space<hbm>>) target(%dma_start3A_374 : memref<128x16xf32, #tpu.memory_space<vmem>>) offsets(%dma_start3A_377 : memref<128xi32, #tpu.memory_space<vmem>>) semaphore(%arg12 : memref<!tpu.dma_semaphore, #tpu.memory_space<semaphore_mem>>)
        %dma_start3A_385 = arith.constant 1 : i32
        %dma_start3A_386 = arith.constant 21 : i32
        %dma_start3A_387 = arith.constant 21 : i32
        %dma_start3A_388 = arith.constant 0 : i32
        %dma_start3A_389 = arith.constant 0 : i32
        %dma_start3A_390 = tpu.memref_slice %arg11[%dma_start3A_387, %dma_start3A_388, %dma_start3A_389] : memref<32x128x16xf32, #tpu.memory_space<vmem>> -> memref<1x128x16xf32, #tpu.memory_space<vmem>>
        %dma_start3A_391 = tpu.memref_squeeze %dma_start3A_390 : memref<1x128x16xf32, #tpu.memory_space<vmem>> -> memref<128x16xf32, #tpu.memory_space<vmem>>
        %dma_start3A_392 = arith.constant 0 : i32
        %dma_start3A_393 = tpu.memref_slice %arg10[%dma_start3A_386, %dma_start3A_392] : memref<32x128xi32, #tpu.memory_space<vmem>> -> memref<1x128xi32, #tpu.memory_space<vmem>>
        %dma_start3A_394 = tpu.memref_squeeze %dma_start3A_393 : memref<1x128xi32, #tpu.memory_space<vmem>> -> memref<128xi32, #tpu.memory_space<vmem>>
        %dma_start3A_395 = arith.constant 0 : i32
        %dma_start3A_396 = arith.constant 0 : i32
        %dma_start3A_397 = tpu.memref_slice %arg2[%dma_start3A_385, %dma_start3A_395, %dma_start3A_396] : memref<2x1000000x16xf32, #tpu.memory_space<hbm>> -> memref<1x1000000x16xf32, #tpu.memory_space<hbm>>
        %dma_start3A_398 = tpu.memref_squeeze %dma_start3A_397 : memref<1x1000000x16xf32, #tpu.memory_space<hbm>> -> memref<1000000x16xf32, #tpu.memory_space<hbm>>
        %dma_start3A_399 = arith.constant 0 : i32
        %dma_start3A_400 = arith.constant 0 : i32
        %dma_start3A_401 = tpu.memref_slice %dma_start3A_398[%dma_start3A_399, %dma_start3A_400] : memref<1000000x16xf32, #tpu.memory_space<hbm>> -> memref<1000000x16xf32, #tpu.memory_space<hbm>>
        tpu.enqueue_indirect_dma source(%dma_start3A_401 : memref<1000000x16xf32, #tpu.memory_space<hbm>>) target(%dma_start3A_391 : memref<128x16xf32, #tpu.memory_space<vmem>>) offsets(%dma_start3A_394 : memref<128xi32, #tpu.memory_space<vmem>>) semaphore(%arg12 : memref<!tpu.dma_semaphore, #tpu.memory_space<semaphore_mem>>)
        %dma_start3A_402 = arith.constant 1 : i32
        %dma_start3A_403 = arith.constant 22 : i32
        %dma_start3A_404 = arith.constant 22 : i32
        %dma_start3A_405 = arith.constant 0 : i32
        %dma_start3A_406 = arith.constant 0 : i32
        %dma_start3A_407 = tpu.memref_slice %arg11[%dma_start3A_404, %dma_start3A_405, %dma_start3A_406] : memref<32x128x16xf32, #tpu.memory_space<vmem>> -> memref<1x128x16xf32, #tpu.memory_space<vmem>>
        %dma_start3A_408 = tpu.memref_squeeze %dma_start3A_407 : memref<1x128x16xf32, #tpu.memory_space<vmem>> -> memref<128x16xf32, #tpu.memory_space<vmem>>
        %dma_start3A_409 = arith.constant 0 : i32
        %dma_start3A_410 = tpu.memref_slice %arg10[%dma_start3A_403, %dma_start3A_409] : memref<32x128xi32, #tpu.memory_space<vmem>> -> memref<1x128xi32, #tpu.memory_space<vmem>>
        %dma_start3A_411 = tpu.memref_squeeze %dma_start3A_410 : memref<1x128xi32, #tpu.memory_space<vmem>> -> memref<128xi32, #tpu.memory_space<vmem>>
        %dma_start3A_412 = arith.constant 0 : i32
        %dma_start3A_413 = arith.constant 0 : i32
        %dma_start3A_414 = tpu.memref_slice %arg2[%dma_start3A_402, %dma_start3A_412, %dma_start3A_413] : memref<2x1000000x16xf32, #tpu.memory_space<hbm>> -> memref<1x1000000x16xf32, #tpu.memory_space<hbm>>
        %dma_start3A_415 = tpu.memref_squeeze %dma_start3A_414 : memref<1x1000000x16xf32, #tpu.memory_space<hbm>> -> memref<1000000x16xf32, #tpu.memory_space<hbm>>
        %dma_start3A_416 = arith.constant 0 : i32
        %dma_start3A_417 = arith.constant 0 : i32
        %dma_start3A_418 = tpu.memref_slice %dma_start3A_415[%dma_start3A_416, %dma_start3A_417] : memref<1000000x16xf32, #tpu.memory_space<hbm>> -> memref<1000000x16xf32, #tpu.memory_space<hbm>>
        tpu.enqueue_indirect_dma source(%dma_start3A_418 : memref<1000000x16xf32, #tpu.memory_space<hbm>>) target(%dma_start3A_408 : memref<128x16xf32, #tpu.memory_space<vmem>>) offsets(%dma_start3A_411 : memref<128xi32, #tpu.memory_space<vmem>>) semaphore(%arg12 : memref<!tpu.dma_semaphore, #tpu.memory_space<semaphore_mem>>)
        %dma_start3A_419 = arith.constant 1 : i32
        %dma_start3A_420 = arith.constant 23 : i32
        %dma_start3A_421 = arith.constant 23 : i32
        %dma_start3A_422 = arith.constant 0 : i32
        %dma_start3A_423 = arith.constant 0 : i32
        %dma_start3A_424 = tpu.memref_slice %arg11[%dma_start3A_421, %dma_start3A_422, %dma_start3A_423] : memref<32x128x16xf32, #tpu.memory_space<vmem>> -> memref<1x128x16xf32, #tpu.memory_space<vmem>>
        %dma_start3A_425 = tpu.memref_squeeze %dma_start3A_424 : memref<1x128x16xf32, #tpu.memory_space<vmem>> -> memref<128x16xf32, #tpu.memory_space<vmem>>
        %dma_start3A_426 = arith.constant 0 : i32
        %dma_start3A_427 = tpu.memref_slice %arg10[%dma_start3A_420, %dma_start3A_426] : memref<32x128xi32, #tpu.memory_space<vmem>> -> memref<1x128xi32, #tpu.memory_space<vmem>>
        %dma_start3A_428 = tpu.memref_squeeze %dma_start3A_427 : memref<1x128xi32, #tpu.memory_space<vmem>> -> memref<128xi32, #tpu.memory_space<vmem>>
        %dma_start3A_429 = arith.constant 0 : i32
        %dma_start3A_430 = arith.constant 0 : i32
        %dma_start3A_431 = tpu.memref_slice %arg2[%dma_start3A_419, %dma_start3A_429, %dma_start3A_430] : memref<2x1000000x16xf32, #tpu.memory_space<hbm>> -> memref<1x1000000x16xf32, #tpu.memory_space<hbm>>
        %dma_start3A_432 = tpu.memref_squeeze %dma_start3A_431 : memref<1x1000000x16xf32, #tpu.memory_space<hbm>> -> memref<1000000x16xf32, #tpu.memory_space<hbm>>
        %dma_start3A_433 = arith.constant 0 : i32
        %dma_start3A_434 = arith.constant 0 : i32
        %dma_start3A_435 = tpu.memref_slice %dma_start3A_432[%dma_start3A_433, %dma_start3A_434] : memref<1000000x16xf32, #tpu.memory_space<hbm>> -> memref<1000000x16xf32, #tpu.memory_space<hbm>>
        tpu.enqueue_indirect_dma source(%dma_start3A_435 : memref<1000000x16xf32, #tpu.memory_space<hbm>>) target(%dma_start3A_425 : memref<128x16xf32, #tpu.memory_space<vmem>>) offsets(%dma_start3A_428 : memref<128xi32, #tpu.memory_space<vmem>>) semaphore(%arg12 : memref<!tpu.dma_semaphore, #tpu.memory_space<semaphore_mem>>)
        %dma_start3A_436 = arith.constant 1 : i32
        %dma_start3A_437 = arith.constant 24 : i32
        %dma_start3A_438 = arith.constant 24 : i32
        %dma_start3A_439 = arith.constant 0 : i32
        %dma_start3A_440 = arith.constant 0 : i32
        %dma_start3A_441 = tpu.memref_slice %arg11[%dma_start3A_438, %dma_start3A_439, %dma_start3A_440] : memref<32x128x16xf32, #tpu.memory_space<vmem>> -> memref<1x128x16xf32, #tpu.memory_space<vmem>>
        %dma_start3A_442 = tpu.memref_squeeze %dma_start3A_441 : memref<1x128x16xf32, #tpu.memory_space<vmem>> -> memref<128x16xf32, #tpu.memory_space<vmem>>
        %dma_start3A_443 = arith.constant 0 : i32
        %dma_start3A_444 = tpu.memref_slice %arg10[%dma_start3A_437, %dma_start3A_443] : memref<32x128xi32, #tpu.memory_space<vmem>> -> memref<1x128xi32, #tpu.memory_space<vmem>>
        %dma_start3A_445 = tpu.memref_squeeze %dma_start3A_444 : memref<1x128xi32, #tpu.memory_space<vmem>> -> memref<128xi32, #tpu.memory_space<vmem>>
        %dma_start3A_446 = arith.constant 0 : i32
        %dma_start3A_447 = arith.constant 0 : i32
        %dma_start3A_448 = tpu.memref_slice %arg2[%dma_start3A_436, %dma_start3A_446, %dma_start3A_447] : memref<2x1000000x16xf32, #tpu.memory_space<hbm>> -> memref<1x1000000x16xf32, #tpu.memory_space<hbm>>
        %dma_start3A_449 = tpu.memref_squeeze %dma_start3A_448 : memref<1x1000000x16xf32, #tpu.memory_space<hbm>> -> memref<1000000x16xf32, #tpu.memory_space<hbm>>
        %dma_start3A_450 = arith.constant 0 : i32
        %dma_start3A_451 = arith.constant 0 : i32
        %dma_start3A_452 = tpu.memref_slice %dma_start3A_449[%dma_start3A_450, %dma_start3A_451] : memref<1000000x16xf32, #tpu.memory_space<hbm>> -> memref<1000000x16xf32, #tpu.memory_space<hbm>>
        tpu.enqueue_indirect_dma source(%dma_start3A_452 : memref<1000000x16xf32, #tpu.memory_space<hbm>>) target(%dma_start3A_442 : memref<128x16xf32, #tpu.memory_space<vmem>>) offsets(%dma_start3A_445 : memref<128xi32, #tpu.memory_space<vmem>>) semaphore(%arg12 : memref<!tpu.dma_semaphore, #tpu.memory_space<semaphore_mem>>)
        %dma_start3A_453 = arith.constant 1 : i32
        %dma_start3A_454 = arith.constant 25 : i32
        %dma_start3A_455 = arith.constant 25 : i32
        %dma_start3A_456 = arith.constant 0 : i32
        %dma_start3A_457 = arith.constant 0 : i32
        %dma_start3A_458 = tpu.memref_slice %arg11[%dma_start3A_455, %dma_start3A_456, %dma_start3A_457] : memref<32x128x16xf32, #tpu.memory_space<vmem>> -> memref<1x128x16xf32, #tpu.memory_space<vmem>>
        %dma_start3A_459 = tpu.memref_squeeze %dma_start3A_458 : memref<1x128x16xf32, #tpu.memory_space<vmem>> -> memref<128x16xf32, #tpu.memory_space<vmem>>
        %dma_start3A_460 = arith.constant 0 : i32
        %dma_start3A_461 = tpu.memref_slice %arg10[%dma_start3A_454, %dma_start3A_460] : memref<32x128xi32, #tpu.memory_space<vmem>> -> memref<1x128xi32, #tpu.memory_space<vmem>>
        %dma_start3A_462 = tpu.memref_squeeze %dma_start3A_461 : memref<1x128xi32, #tpu.memory_space<vmem>> -> memref<128xi32, #tpu.memory_space<vmem>>
        %dma_start3A_463 = arith.constant 0 : i32
        %dma_start3A_464 = arith.constant 0 : i32
        %dma_start3A_465 = tpu.memref_slice %arg2[%dma_start3A_453, %dma_start3A_463, %dma_start3A_464] : memref<2x1000000x16xf32, #tpu.memory_space<hbm>> -> memref<1x1000000x16xf32, #tpu.memory_space<hbm>>
        %dma_start3A_466 = tpu.memref_squeeze %dma_start3A_465 : memref<1x1000000x16xf32, #tpu.memory_space<hbm>> -> memref<1000000x16xf32, #tpu.memory_space<hbm>>
        %dma_start3A_467 = arith.constant 0 : i32
        %dma_start3A_468 = arith.constant 0 : i32
        %dma_start3A_469 = tpu.memref_slice %dma_start3A_466[%dma_start3A_467, %dma_start3A_468] : memref<1000000x16xf32, #tpu.memory_space<hbm>> -> memref<1000000x16xf32, #tpu.memory_space<hbm>>
        tpu.enqueue_indirect_dma source(%dma_start3A_469 : memref<1000000x16xf32, #tpu.memory_space<hbm>>) target(%dma_start3A_459 : memref<128x16xf32, #tpu.memory_space<vmem>>) offsets(%dma_start3A_462 : memref<128xi32, #tpu.memory_space<vmem>>) semaphore(%arg12 : memref<!tpu.dma_semaphore, #tpu.memory_space<semaphore_mem>>)
        %dma_start3A_470 = arith.constant 1 : i32
        %dma_start3A_471 = arith.constant 26 : i32
        %dma_start3A_472 = arith.constant 26 : i32
        %dma_start3A_473 = arith.constant 0 : i32
        %dma_start3A_474 = arith.constant 0 : i32
        %dma_start3A_475 = tpu.memref_slice %arg11[%dma_start3A_472, %dma_start3A_473, %dma_start3A_474] : memref<32x128x16xf32, #tpu.memory_space<vmem>> -> memref<1x128x16xf32, #tpu.memory_space<vmem>>
        %dma_start3A_476 = tpu.memref_squeeze %dma_start3A_475 : memref<1x128x16xf32, #tpu.memory_space<vmem>> -> memref<128x16xf32, #tpu.memory_space<vmem>>
        %dma_start3A_477 = arith.constant 0 : i32
        %dma_start3A_478 = tpu.memref_slice %arg10[%dma_start3A_471, %dma_start3A_477] : memref<32x128xi32, #tpu.memory_space<vmem>> -> memref<1x128xi32, #tpu.memory_space<vmem>>
        %dma_start3A_479 = tpu.memref_squeeze %dma_start3A_478 : memref<1x128xi32, #tpu.memory_space<vmem>> -> memref<128xi32, #tpu.memory_space<vmem>>
        %dma_start3A_480 = arith.constant 0 : i32
        %dma_start3A_481 = arith.constant 0 : i32
        %dma_start3A_482 = tpu.memref_slice %arg2[%dma_start3A_470, %dma_start3A_480, %dma_start3A_481] : memref<2x1000000x16xf32, #tpu.memory_space<hbm>> -> memref<1x1000000x16xf32, #tpu.memory_space<hbm>>
        %dma_start3A_483 = tpu.memref_squeeze %dma_start3A_482 : memref<1x1000000x16xf32, #tpu.memory_space<hbm>> -> memref<1000000x16xf32, #tpu.memory_space<hbm>>
        %dma_start3A_484 = arith.constant 0 : i32
        %dma_start3A_485 = arith.constant 0 : i32
        %dma_start3A_486 = tpu.memref_slice %dma_start3A_483[%dma_start3A_484, %dma_start3A_485] : memref<1000000x16xf32, #tpu.memory_space<hbm>> -> memref<1000000x16xf32, #tpu.memory_space<hbm>>
        tpu.enqueue_indirect_dma source(%dma_start3A_486 : memref<1000000x16xf32, #tpu.memory_space<hbm>>) target(%dma_start3A_476 : memref<128x16xf32, #tpu.memory_space<vmem>>) offsets(%dma_start3A_479 : memref<128xi32, #tpu.memory_space<vmem>>) semaphore(%arg12 : memref<!tpu.dma_semaphore, #tpu.memory_space<semaphore_mem>>)
        %dma_start3A_487 = arith.constant 1 : i32
        %dma_start3A_488 = arith.constant 27 : i32
        %dma_start3A_489 = arith.constant 27 : i32
        %dma_start3A_490 = arith.constant 0 : i32
        %dma_start3A_491 = arith.constant 0 : i32
        %dma_start3A_492 = tpu.memref_slice %arg11[%dma_start3A_489, %dma_start3A_490, %dma_start3A_491] : memref<32x128x16xf32, #tpu.memory_space<vmem>> -> memref<1x128x16xf32, #tpu.memory_space<vmem>>
        %dma_start3A_493 = tpu.memref_squeeze %dma_start3A_492 : memref<1x128x16xf32, #tpu.memory_space<vmem>> -> memref<128x16xf32, #tpu.memory_space<vmem>>
        %dma_start3A_494 = arith.constant 0 : i32
        %dma_start3A_495 = tpu.memref_slice %arg10[%dma_start3A_488, %dma_start3A_494] : memref<32x128xi32, #tpu.memory_space<vmem>> -> memref<1x128xi32, #tpu.memory_space<vmem>>
        %dma_start3A_496 = tpu.memref_squeeze %dma_start3A_495 : memref<1x128xi32, #tpu.memory_space<vmem>> -> memref<128xi32, #tpu.memory_space<vmem>>
        %dma_start3A_497 = arith.constant 0 : i32
        %dma_start3A_498 = arith.constant 0 : i32
        %dma_start3A_499 = tpu.memref_slice %arg2[%dma_start3A_487, %dma_start3A_497, %dma_start3A_498] : memref<2x1000000x16xf32, #tpu.memory_space<hbm>> -> memref<1x1000000x16xf32, #tpu.memory_space<hbm>>
        %dma_start3A_500 = tpu.memref_squeeze %dma_start3A_499 : memref<1x1000000x16xf32, #tpu.memory_space<hbm>> -> memref<1000000x16xf32, #tpu.memory_space<hbm>>
        %dma_start3A_501 = arith.constant 0 : i32
        %dma_start3A_502 = arith.constant 0 : i32
        %dma_start3A_503 = tpu.memref_slice %dma_start3A_500[%dma_start3A_501, %dma_start3A_502] : memref<1000000x16xf32, #tpu.memory_space<hbm>> -> memref<1000000x16xf32, #tpu.memory_space<hbm>>
        tpu.enqueue_indirect_dma source(%dma_start3A_503 : memref<1000000x16xf32, #tpu.memory_space<hbm>>) target(%dma_start3A_493 : memref<128x16xf32, #tpu.memory_space<vmem>>) offsets(%dma_start3A_496 : memref<128xi32, #tpu.memory_space<vmem>>) semaphore(%arg12 : memref<!tpu.dma_semaphore, #tpu.memory_space<semaphore_mem>>)
        %dma_start3A_504 = arith.constant 1 : i32
        %dma_start3A_505 = arith.constant 28 : i32
        %dma_start3A_506 = arith.constant 28 : i32
        %dma_start3A_507 = arith.constant 0 : i32
        %dma_start3A_508 = arith.constant 0 : i32
        %dma_start3A_509 = tpu.memref_slice %arg11[%dma_start3A_506, %dma_start3A_507, %dma_start3A_508] : memref<32x128x16xf32, #tpu.memory_space<vmem>> -> memref<1x128x16xf32, #tpu.memory_space<vmem>>
        %dma_start3A_510 = tpu.memref_squeeze %dma_start3A_509 : memref<1x128x16xf32, #tpu.memory_space<vmem>> -> memref<128x16xf32, #tpu.memory_space<vmem>>
        %dma_start3A_511 = arith.constant 0 : i32
        %dma_start3A_512 = tpu.memref_slice %arg10[%dma_start3A_505, %dma_start3A_511] : memref<32x128xi32, #tpu.memory_space<vmem>> -> memref<1x128xi32, #tpu.memory_space<vmem>>
        %dma_start3A_513 = tpu.memref_squeeze %dma_start3A_512 : memref<1x128xi32, #tpu.memory_space<vmem>> -> memref<128xi32, #tpu.memory_space<vmem>>
        %dma_start3A_514 = arith.constant 0 : i32
        %dma_start3A_515 = arith.constant 0 : i32
        %dma_start3A_516 = tpu.memref_slice %arg2[%dma_start3A_504, %dma_start3A_514, %dma_start3A_515] : memref<2x1000000x16xf32, #tpu.memory_space<hbm>> -> memref<1x1000000x16xf32, #tpu.memory_space<hbm>>
        %dma_start3A_517 = tpu.memref_squeeze %dma_start3A_516 : memref<1x1000000x16xf32, #tpu.memory_space<hbm>> -> memref<1000000x16xf32, #tpu.memory_space<hbm>>
        %dma_start3A_518 = arith.constant 0 : i32
        %dma_start3A_519 = arith.constant 0 : i32
        %dma_start3A_520 = tpu.memref_slice %dma_start3A_517[%dma_start3A_518, %dma_start3A_519] : memref<1000000x16xf32, #tpu.memory_space<hbm>> -> memref<1000000x16xf32, #tpu.memory_space<hbm>>
        tpu.enqueue_indirect_dma source(%dma_start3A_520 : memref<1000000x16xf32, #tpu.memory_space<hbm>>) target(%dma_start3A_510 : memref<128x16xf32, #tpu.memory_space<vmem>>) offsets(%dma_start3A_513 : memref<128xi32, #tpu.memory_space<vmem>>) semaphore(%arg12 : memref<!tpu.dma_semaphore, #tpu.memory_space<semaphore_mem>>)
        %dma_start3A_521 = arith.constant 1 : i32
        %dma_start3A_522 = arith.constant 29 : i32
        %dma_start3A_523 = arith.constant 29 : i32
        %dma_start3A_524 = arith.constant 0 : i32
        %dma_start3A_525 = arith.constant 0 : i32
        %dma_start3A_526 = tpu.memref_slice %arg11[%dma_start3A_523, %dma_start3A_524, %dma_start3A_525] : memref<32x128x16xf32, #tpu.memory_space<vmem>> -> memref<1x128x16xf32, #tpu.memory_space<vmem>>
        %dma_start3A_527 = tpu.memref_squeeze %dma_start3A_526 : memref<1x128x16xf32, #tpu.memory_space<vmem>> -> memref<128x16xf32, #tpu.memory_space<vmem>>
        %dma_start3A_528 = arith.constant 0 : i32
        %dma_start3A_529 = tpu.memref_slice %arg10[%dma_start3A_522, %dma_start3A_528] : memref<32x128xi32, #tpu.memory_space<vmem>> -> memref<1x128xi32, #tpu.memory_space<vmem>>
        %dma_start3A_530 = tpu.memref_squeeze %dma_start3A_529 : memref<1x128xi32, #tpu.memory_space<vmem>> -> memref<128xi32, #tpu.memory_space<vmem>>
        %dma_start3A_531 = arith.constant 0 : i32
        %dma_start3A_532 = arith.constant 0 : i32
        %dma_start3A_533 = tpu.memref_slice %arg2[%dma_start3A_521, %dma_start3A_531, %dma_start3A_532] : memref<2x1000000x16xf32, #tpu.memory_space<hbm>> -> memref<1x1000000x16xf32, #tpu.memory_space<hbm>>
        %dma_start3A_534 = tpu.memref_squeeze %dma_start3A_533 : memref<1x1000000x16xf32, #tpu.memory_space<hbm>> -> memref<1000000x16xf32, #tpu.memory_space<hbm>>
        %dma_start3A_535 = arith.constant 0 : i32
        %dma_start3A_536 = arith.constant 0 : i32
        %dma_start3A_537 = tpu.memref_slice %dma_start3A_534[%dma_start3A_535, %dma_start3A_536] : memref<1000000x16xf32, #tpu.memory_space<hbm>> -> memref<1000000x16xf32, #tpu.memory_space<hbm>>
        tpu.enqueue_indirect_dma source(%dma_start3A_537 : memref<1000000x16xf32, #tpu.memory_space<hbm>>) target(%dma_start3A_527 : memref<128x16xf32, #tpu.memory_space<vmem>>) offsets(%dma_start3A_530 : memref<128xi32, #tpu.memory_space<vmem>>) semaphore(%arg12 : memref<!tpu.dma_semaphore, #tpu.memory_space<semaphore_mem>>)
        %dma_start3A_538 = arith.constant 1 : i32
        %dma_start3A_539 = arith.constant 30 : i32
        %dma_start3A_540 = arith.constant 30 : i32
        %dma_start3A_541 = arith.constant 0 : i32
        %dma_start3A_542 = arith.constant 0 : i32
        %dma_start3A_543 = tpu.memref_slice %arg11[%dma_start3A_540, %dma_start3A_541, %dma_start3A_542] : memref<32x128x16xf32, #tpu.memory_space<vmem>> -> memref<1x128x16xf32, #tpu.memory_space<vmem>>
        %dma_start3A_544 = tpu.memref_squeeze %dma_start3A_543 : memref<1x128x16xf32, #tpu.memory_space<vmem>> -> memref<128x16xf32, #tpu.memory_space<vmem>>
        %dma_start3A_545 = arith.constant 0 : i32
        %dma_start3A_546 = tpu.memref_slice %arg10[%dma_start3A_539, %dma_start3A_545] : memref<32x128xi32, #tpu.memory_space<vmem>> -> memref<1x128xi32, #tpu.memory_space<vmem>>
        %dma_start3A_547 = tpu.memref_squeeze %dma_start3A_546 : memref<1x128xi32, #tpu.memory_space<vmem>> -> memref<128xi32, #tpu.memory_space<vmem>>
        %dma_start3A_548 = arith.constant 0 : i32
        %dma_start3A_549 = arith.constant 0 : i32
        %dma_start3A_550 = tpu.memref_slice %arg2[%dma_start3A_538, %dma_start3A_548, %dma_start3A_549] : memref<2x1000000x16xf32, #tpu.memory_space<hbm>> -> memref<1x1000000x16xf32, #tpu.memory_space<hbm>>
        %dma_start3A_551 = tpu.memref_squeeze %dma_start3A_550 : memref<1x1000000x16xf32, #tpu.memory_space<hbm>> -> memref<1000000x16xf32, #tpu.memory_space<hbm>>
        %dma_start3A_552 = arith.constant 0 : i32
        %dma_start3A_553 = arith.constant 0 : i32
        %dma_start3A_554 = tpu.memref_slice %dma_start3A_551[%dma_start3A_552, %dma_start3A_553] : memref<1000000x16xf32, #tpu.memory_space<hbm>> -> memref<1000000x16xf32, #tpu.memory_space<hbm>>
        tpu.enqueue_indirect_dma source(%dma_start3A_554 : memref<1000000x16xf32, #tpu.memory_space<hbm>>) target(%dma_start3A_544 : memref<128x16xf32, #tpu.memory_space<vmem>>) offsets(%dma_start3A_547 : memref<128xi32, #tpu.memory_space<vmem>>) semaphore(%arg12 : memref<!tpu.dma_semaphore, #tpu.memory_space<semaphore_mem>>)
        %dma_start3A_555 = arith.constant 1 : i32
        %dma_start3A_556 = arith.constant 31 : i32
        %dma_start3A_557 = arith.constant 31 : i32
        %dma_start3A_558 = arith.constant 0 : i32
        %dma_start3A_559 = arith.constant 0 : i32
        %dma_start3A_560 = tpu.memref_slice %arg11[%dma_start3A_557, %dma_start3A_558, %dma_start3A_559] : memref<32x128x16xf32, #tpu.memory_space<vmem>> -> memref<1x128x16xf32, #tpu.memory_space<vmem>>
        %dma_start3A_561 = tpu.memref_squeeze %dma_start3A_560 : memref<1x128x16xf32, #tpu.memory_space<vmem>> -> memref<128x16xf32, #tpu.memory_space<vmem>>
        %dma_start3A_562 = arith.constant 0 : i32
        %dma_start3A_563 = tpu.memref_slice %arg10[%dma_start3A_556, %dma_start3A_562] : memref<32x128xi32, #tpu.memory_space<vmem>> -> memref<1x128xi32, #tpu.memory_space<vmem>>
        %dma_start3A_564 = tpu.memref_squeeze %dma_start3A_563 : memref<1x128xi32, #tpu.memory_space<vmem>> -> memref<128xi32, #tpu.memory_space<vmem>>
        %dma_start3A_565 = arith.constant 0 : i32
        %dma_start3A_566 = arith.constant 0 : i32
        %dma_start3A_567 = tpu.memref_slice %arg2[%dma_start3A_555, %dma_start3A_565, %dma_start3A_566] : memref<2x1000000x16xf32, #tpu.memory_space<hbm>> -> memref<1x1000000x16xf32, #tpu.memory_space<hbm>>
        %dma_start3A_568 = tpu.memref_squeeze %dma_start3A_567 : memref<1x1000000x16xf32, #tpu.memory_space<hbm>> -> memref<1000000x16xf32, #tpu.memory_space<hbm>>
        %dma_start3A_569 = arith.constant 0 : i32
        %dma_start3A_570 = arith.constant 0 : i32
        %dma_start3A_571 = tpu.memref_slice %dma_start3A_568[%dma_start3A_569, %dma_start3A_570] : memref<1000000x16xf32, #tpu.memory_space<hbm>> -> memref<1000000x16xf32, #tpu.memory_space<hbm>>
        tpu.enqueue_indirect_dma source(%dma_start3A_571 : memref<1000000x16xf32, #tpu.memory_space<hbm>>) target(%dma_start3A_561 : memref<128x16xf32, #tpu.memory_space<vmem>>) offsets(%dma_start3A_564 : memref<128xi32, #tpu.memory_space<vmem>>) semaphore(%arg12 : memref<!tpu.dma_semaphore, #tpu.memory_space<semaphore_mem>>)
        %dma_wait3A = arith.constant 1 : i32
        %dma_wait3A_572 = arith.constant 0 : i32
        %dma_wait3A_573 = arith.constant 0 : i32
        %dma_wait3A_574 = arith.constant 0 : i32
        %dma_wait3A_575 = arith.constant 0 : i32
        %dma_wait3A_576 = tpu.memref_slice %arg11[%dma_wait3A_573, %dma_wait3A_574, %dma_wait3A_575] : memref<32x128x16xf32, #tpu.memory_space<vmem>> -> memref<1x128x16xf32, #tpu.memory_space<vmem>>
        %dma_wait3A_577 = tpu.memref_squeeze %dma_wait3A_576 : memref<1x128x16xf32, #tpu.memory_space<vmem>> -> memref<128x16xf32, #tpu.memory_space<vmem>>
        %dma_wait3A_578 = arith.constant 0 : i32
        %dma_wait3A_579 = tpu.memref_slice %arg10[%dma_wait3A_572, %dma_wait3A_578] : memref<32x128xi32, #tpu.memory_space<vmem>> -> memref<1x128xi32, #tpu.memory_space<vmem>>
        %dma_wait3A_580 = tpu.memref_squeeze %dma_wait3A_579 : memref<1x128xi32, #tpu.memory_space<vmem>> -> memref<128xi32, #tpu.memory_space<vmem>>
        %dma_wait3A_581 = arith.constant 0 : i32
        %dma_wait3A_582 = arith.constant 0 : i32
        %dma_wait3A_583 = tpu.memref_slice %arg2[%dma_wait3A, %dma_wait3A_581, %dma_wait3A_582] : memref<2x1000000x16xf32, #tpu.memory_space<hbm>> -> memref<1x1000000x16xf32, #tpu.memory_space<hbm>>
        %dma_wait3A_584 = tpu.memref_squeeze %dma_wait3A_583 : memref<1x1000000x16xf32, #tpu.memory_space<hbm>> -> memref<1000000x16xf32, #tpu.memory_space<hbm>>
        %dma_wait3A_585 = arith.constant 0 : i32
        %dma_wait3A_586 = arith.constant 0 : i32
        %dma_wait3A_587 = tpu.memref_slice %dma_wait3A_584[%dma_wait3A_585, %dma_wait3A_586] : memref<1000000x16xf32, #tpu.memory_space<hbm>> -> memref<1000000x16xf32, #tpu.memory_space<hbm>>
        tpu.wait_indirect_dma semaphore(%arg12 : memref<!tpu.dma_semaphore, #tpu.memory_space<semaphore_mem>>) src(%dma_wait3A_587 : memref<1000000x16xf32, #tpu.memory_space<hbm>>) dst(%dma_wait3A_577 : memref<128x16xf32, #tpu.memory_space<vmem>>)
        %dma_wait3A_588 = arith.constant 1 : i32
        %dma_wait3A_589 = arith.constant 1 : i32
        %dma_wait3A_590 = arith.constant 1 : i32
        %dma_wait3A_591 = arith.constant 0 : i32
        %dma_wait3A_592 = arith.constant 0 : i32
        %dma_wait3A_593 = tpu.memref_slice %arg11[%dma_wait3A_590, %dma_wait3A_591, %dma_wait3A_592] : memref<32x128x16xf32, #tpu.memory_space<vmem>> -> memref<1x128x16xf32, #tpu.memory_space<vmem>>
        %dma_wait3A_594 = tpu.memref_squeeze %dma_wait3A_593 : memref<1x128x16xf32, #tpu.memory_space<vmem>> -> memref<128x16xf32, #tpu.memory_space<vmem>>
        %dma_wait3A_595 = arith.constant 0 : i32
        %dma_wait3A_596 = tpu.memref_slice %arg10[%dma_wait3A_589, %dma_wait3A_595] : memref<32x128xi32, #tpu.memory_space<vmem>> -> memref<1x128xi32, #tpu.memory_space<vmem>>
        %dma_wait3A_597 = tpu.memref_squeeze %dma_wait3A_596 : memref<1x128xi32, #tpu.memory_space<vmem>> -> memref<128xi32, #tpu.memory_space<vmem>>
        %dma_wait3A_598 = arith.constant 0 : i32
        %dma_wait3A_599 = arith.constant 0 : i32
        %dma_wait3A_600 = tpu.memref_slice %arg2[%dma_wait3A_588, %dma_wait3A_598, %dma_wait3A_599] : memref<2x1000000x16xf32, #tpu.memory_space<hbm>> -> memref<1x1000000x16xf32, #tpu.memory_space<hbm>>
        %dma_wait3A_601 = tpu.memref_squeeze %dma_wait3A_600 : memref<1x1000000x16xf32, #tpu.memory_space<hbm>> -> memref<1000000x16xf32, #tpu.memory_space<hbm>>
        %dma_wait3A_602 = arith.constant 0 : i32
        %dma_wait3A_603 = arith.constant 0 : i32
        %dma_wait3A_604 = tpu.memref_slice %dma_wait3A_601[%dma_wait3A_602, %dma_wait3A_603] : memref<1000000x16xf32, #tpu.memory_space<hbm>> -> memref<1000000x16xf32, #tpu.memory_space<hbm>>
        tpu.wait_indirect_dma semaphore(%arg12 : memref<!tpu.dma_semaphore, #tpu.memory_space<semaphore_mem>>) src(%dma_wait3A_604 : memref<1000000x16xf32, #tpu.memory_space<hbm>>) dst(%dma_wait3A_594 : memref<128x16xf32, #tpu.memory_space<vmem>>)
        %dma_wait3A_605 = arith.constant 1 : i32
        %dma_wait3A_606 = arith.constant 2 : i32
        %dma_wait3A_607 = arith.constant 2 : i32
        %dma_wait3A_608 = arith.constant 0 : i32
        %dma_wait3A_609 = arith.constant 0 : i32
        %dma_wait3A_610 = tpu.memref_slice %arg11[%dma_wait3A_607, %dma_wait3A_608, %dma_wait3A_609] : memref<32x128x16xf32, #tpu.memory_space<vmem>> -> memref<1x128x16xf32, #tpu.memory_space<vmem>>
        %dma_wait3A_611 = tpu.memref_squeeze %dma_wait3A_610 : memref<1x128x16xf32, #tpu.memory_space<vmem>> -> memref<128x16xf32, #tpu.memory_space<vmem>>
        %dma_wait3A_612 = arith.constant 0 : i32
        %dma_wait3A_613 = tpu.memref_slice %arg10[%dma_wait3A_606, %dma_wait3A_612] : memref<32x128xi32, #tpu.memory_space<vmem>> -> memref<1x128xi32, #tpu.memory_space<vmem>>
        %dma_wait3A_614 = tpu.memref_squeeze %dma_wait3A_613 : memref<1x128xi32, #tpu.memory_space<vmem>> -> memref<128xi32, #tpu.memory_space<vmem>>
        %dma_wait3A_615 = arith.constant 0 : i32
        %dma_wait3A_616 = arith.constant 0 : i32
        %dma_wait3A_617 = tpu.memref_slice %arg2[%dma_wait3A_605, %dma_wait3A_615, %dma_wait3A_616] : memref<2x1000000x16xf32, #tpu.memory_space<hbm>> -> memref<1x1000000x16xf32, #tpu.memory_space<hbm>>
        %dma_wait3A_618 = tpu.memref_squeeze %dma_wait3A_617 : memref<1x1000000x16xf32, #tpu.memory_space<hbm>> -> memref<1000000x16xf32, #tpu.memory_space<hbm>>
        %dma_wait3A_619 = arith.constant 0 : i32
        %dma_wait3A_620 = arith.constant 0 : i32
        %dma_wait3A_621 = tpu.memref_slice %dma_wait3A_618[%dma_wait3A_619, %dma_wait3A_620] : memref<1000000x16xf32, #tpu.memory_space<hbm>> -> memref<1000000x16xf32, #tpu.memory_space<hbm>>
        tpu.wait_indirect_dma semaphore(%arg12 : memref<!tpu.dma_semaphore, #tpu.memory_space<semaphore_mem>>) src(%dma_wait3A_621 : memref<1000000x16xf32, #tpu.memory_space<hbm>>) dst(%dma_wait3A_611 : memref<128x16xf32, #tpu.memory_space<vmem>>)
        %dma_wait3A_622 = arith.constant 1 : i32
        %dma_wait3A_623 = arith.constant 3 : i32
        %dma_wait3A_624 = arith.constant 3 : i32
        %dma_wait3A_625 = arith.constant 0 : i32
        %dma_wait3A_626 = arith.constant 0 : i32
        %dma_wait3A_627 = tpu.memref_slice %arg11[%dma_wait3A_624, %dma_wait3A_625, %dma_wait3A_626] : memref<32x128x16xf32, #tpu.memory_space<vmem>> -> memref<1x128x16xf32, #tpu.memory_space<vmem>>
        %dma_wait3A_628 = tpu.memref_squeeze %dma_wait3A_627 : memref<1x128x16xf32, #tpu.memory_space<vmem>> -> memref<128x16xf32, #tpu.memory_space<vmem>>
        %dma_wait3A_629 = arith.constant 0 : i32
        %dma_wait3A_630 = tpu.memref_slice %arg10[%dma_wait3A_623, %dma_wait3A_629] : memref<32x128xi32, #tpu.memory_space<vmem>> -> memref<1x128xi32, #tpu.memory_space<vmem>>
        %dma_wait3A_631 = tpu.memref_squeeze %dma_wait3A_630 : memref<1x128xi32, #tpu.memory_space<vmem>> -> memref<128xi32, #tpu.memory_space<vmem>>
        %dma_wait3A_632 = arith.constant 0 : i32
        %dma_wait3A_633 = arith.constant 0 : i32
        %dma_wait3A_634 = tpu.memref_slice %arg2[%dma_wait3A_622, %dma_wait3A_632, %dma_wait3A_633] : memref<2x1000000x16xf32, #tpu.memory_space<hbm>> -> memref<1x1000000x16xf32, #tpu.memory_space<hbm>>
        %dma_wait3A_635 = tpu.memref_squeeze %dma_wait3A_634 : memref<1x1000000x16xf32, #tpu.memory_space<hbm>> -> memref<1000000x16xf32, #tpu.memory_space<hbm>>
        %dma_wait3A_636 = arith.constant 0 : i32
        %dma_wait3A_637 = arith.constant 0 : i32
        %dma_wait3A_638 = tpu.memref_slice %dma_wait3A_635[%dma_wait3A_636, %dma_wait3A_637] : memref<1000000x16xf32, #tpu.memory_space<hbm>> -> memref<1000000x16xf32, #tpu.memory_space<hbm>>
        tpu.wait_indirect_dma semaphore(%arg12 : memref<!tpu.dma_semaphore, #tpu.memory_space<semaphore_mem>>) src(%dma_wait3A_638 : memref<1000000x16xf32, #tpu.memory_space<hbm>>) dst(%dma_wait3A_628 : memref<128x16xf32, #tpu.memory_space<vmem>>)
        %dma_wait3A_639 = arith.constant 1 : i32
        %dma_wait3A_640 = arith.constant 4 : i32
        %dma_wait3A_641 = arith.constant 4 : i32
        %dma_wait3A_642 = arith.constant 0 : i32
        %dma_wait3A_643 = arith.constant 0 : i32
        %dma_wait3A_644 = tpu.memref_slice %arg11[%dma_wait3A_641, %dma_wait3A_642, %dma_wait3A_643] : memref<32x128x16xf32, #tpu.memory_space<vmem>> -> memref<1x128x16xf32, #tpu.memory_space<vmem>>
        %dma_wait3A_645 = tpu.memref_squeeze %dma_wait3A_644 : memref<1x128x16xf32, #tpu.memory_space<vmem>> -> memref<128x16xf32, #tpu.memory_space<vmem>>
        %dma_wait3A_646 = arith.constant 0 : i32
        %dma_wait3A_647 = tpu.memref_slice %arg10[%dma_wait3A_640, %dma_wait3A_646] : memref<32x128xi32, #tpu.memory_space<vmem>> -> memref<1x128xi32, #tpu.memory_space<vmem>>
        %dma_wait3A_648 = tpu.memref_squeeze %dma_wait3A_647 : memref<1x128xi32, #tpu.memory_space<vmem>> -> memref<128xi32, #tpu.memory_space<vmem>>
        %dma_wait3A_649 = arith.constant 0 : i32
        %dma_wait3A_650 = arith.constant 0 : i32
        %dma_wait3A_651 = tpu.memref_slice %arg2[%dma_wait3A_639, %dma_wait3A_649, %dma_wait3A_650] : memref<2x1000000x16xf32, #tpu.memory_space<hbm>> -> memref<1x1000000x16xf32, #tpu.memory_space<hbm>>
        %dma_wait3A_652 = tpu.memref_squeeze %dma_wait3A_651 : memref<1x1000000x16xf32, #tpu.memory_space<hbm>> -> memref<1000000x16xf32, #tpu.memory_space<hbm>>
        %dma_wait3A_653 = arith.constant 0 : i32
        %dma_wait3A_654 = arith.constant 0 : i32
        %dma_wait3A_655 = tpu.memref_slice %dma_wait3A_652[%dma_wait3A_653, %dma_wait3A_654] : memref<1000000x16xf32, #tpu.memory_space<hbm>> -> memref<1000000x16xf32, #tpu.memory_space<hbm>>
        tpu.wait_indirect_dma semaphore(%arg12 : memref<!tpu.dma_semaphore, #tpu.memory_space<semaphore_mem>>) src(%dma_wait3A_655 : memref<1000000x16xf32, #tpu.memory_space<hbm>>) dst(%dma_wait3A_645 : memref<128x16xf32, #tpu.memory_space<vmem>>)
        %dma_wait3A_656 = arith.constant 1 : i32
        %dma_wait3A_657 = arith.constant 5 : i32
        %dma_wait3A_658 = arith.constant 5 : i32
        %dma_wait3A_659 = arith.constant 0 : i32
        %dma_wait3A_660 = arith.constant 0 : i32
        %dma_wait3A_661 = tpu.memref_slice %arg11[%dma_wait3A_658, %dma_wait3A_659, %dma_wait3A_660] : memref<32x128x16xf32, #tpu.memory_space<vmem>> -> memref<1x128x16xf32, #tpu.memory_space<vmem>>
        %dma_wait3A_662 = tpu.memref_squeeze %dma_wait3A_661 : memref<1x128x16xf32, #tpu.memory_space<vmem>> -> memref<128x16xf32, #tpu.memory_space<vmem>>
        %dma_wait3A_663 = arith.constant 0 : i32
        %dma_wait3A_664 = tpu.memref_slice %arg10[%dma_wait3A_657, %dma_wait3A_663] : memref<32x128xi32, #tpu.memory_space<vmem>> -> memref<1x128xi32, #tpu.memory_space<vmem>>
        %dma_wait3A_665 = tpu.memref_squeeze %dma_wait3A_664 : memref<1x128xi32, #tpu.memory_space<vmem>> -> memref<128xi32, #tpu.memory_space<vmem>>
        %dma_wait3A_666 = arith.constant 0 : i32
        %dma_wait3A_667 = arith.constant 0 : i32
        %dma_wait3A_668 = tpu.memref_slice %arg2[%dma_wait3A_656, %dma_wait3A_666, %dma_wait3A_667] : memref<2x1000000x16xf32, #tpu.memory_space<hbm>> -> memref<1x1000000x16xf32, #tpu.memory_space<hbm>>
        %dma_wait3A_669 = tpu.memref_squeeze %dma_wait3A_668 : memref<1x1000000x16xf32, #tpu.memory_space<hbm>> -> memref<1000000x16xf32, #tpu.memory_space<hbm>>
        %dma_wait3A_670 = arith.constant 0 : i32
        %dma_wait3A_671 = arith.constant 0 : i32
        %dma_wait3A_672 = tpu.memref_slice %dma_wait3A_669[%dma_wait3A_670, %dma_wait3A_671] : memref<1000000x16xf32, #tpu.memory_space<hbm>> -> memref<1000000x16xf32, #tpu.memory_space<hbm>>
        tpu.wait_indirect_dma semaphore(%arg12 : memref<!tpu.dma_semaphore, #tpu.memory_space<semaphore_mem>>) src(%dma_wait3A_672 : memref<1000000x16xf32, #tpu.memory_space<hbm>>) dst(%dma_wait3A_662 : memref<128x16xf32, #tpu.memory_space<vmem>>)
        %dma_wait3A_673 = arith.constant 1 : i32
        %dma_wait3A_674 = arith.constant 6 : i32
        %dma_wait3A_675 = arith.constant 6 : i32
        %dma_wait3A_676 = arith.constant 0 : i32
        %dma_wait3A_677 = arith.constant 0 : i32
        %dma_wait3A_678 = tpu.memref_slice %arg11[%dma_wait3A_675, %dma_wait3A_676, %dma_wait3A_677] : memref<32x128x16xf32, #tpu.memory_space<vmem>> -> memref<1x128x16xf32, #tpu.memory_space<vmem>>
        %dma_wait3A_679 = tpu.memref_squeeze %dma_wait3A_678 : memref<1x128x16xf32, #tpu.memory_space<vmem>> -> memref<128x16xf32, #tpu.memory_space<vmem>>
        %dma_wait3A_680 = arith.constant 0 : i32
        %dma_wait3A_681 = tpu.memref_slice %arg10[%dma_wait3A_674, %dma_wait3A_680] : memref<32x128xi32, #tpu.memory_space<vmem>> -> memref<1x128xi32, #tpu.memory_space<vmem>>
        %dma_wait3A_682 = tpu.memref_squeeze %dma_wait3A_681 : memref<1x128xi32, #tpu.memory_space<vmem>> -> memref<128xi32, #tpu.memory_space<vmem>>
        %dma_wait3A_683 = arith.constant 0 : i32
        %dma_wait3A_684 = arith.constant 0 : i32
        %dma_wait3A_685 = tpu.memref_slice %arg2[%dma_wait3A_673, %dma_wait3A_683, %dma_wait3A_684] : memref<2x1000000x16xf32, #tpu.memory_space<hbm>> -> memref<1x1000000x16xf32, #tpu.memory_space<hbm>>
        %dma_wait3A_686 = tpu.memref_squeeze %dma_wait3A_685 : memref<1x1000000x16xf32, #tpu.memory_space<hbm>> -> memref<1000000x16xf32, #tpu.memory_space<hbm>>
        %dma_wait3A_687 = arith.constant 0 : i32
        %dma_wait3A_688 = arith.constant 0 : i32
        %dma_wait3A_689 = tpu.memref_slice %dma_wait3A_686[%dma_wait3A_687, %dma_wait3A_688] : memref<1000000x16xf32, #tpu.memory_space<hbm>> -> memref<1000000x16xf32, #tpu.memory_space<hbm>>
        tpu.wait_indirect_dma semaphore(%arg12 : memref<!tpu.dma_semaphore, #tpu.memory_space<semaphore_mem>>) src(%dma_wait3A_689 : memref<1000000x16xf32, #tpu.memory_space<hbm>>) dst(%dma_wait3A_679 : memref<128x16xf32, #tpu.memory_space<vmem>>)
        %dma_wait3A_690 = arith.constant 1 : i32
        %dma_wait3A_691 = arith.constant 7 : i32
        %dma_wait3A_692 = arith.constant 7 : i32
        %dma_wait3A_693 = arith.constant 0 : i32
        %dma_wait3A_694 = arith.constant 0 : i32
        %dma_wait3A_695 = tpu.memref_slice %arg11[%dma_wait3A_692, %dma_wait3A_693, %dma_wait3A_694] : memref<32x128x16xf32, #tpu.memory_space<vmem>> -> memref<1x128x16xf32, #tpu.memory_space<vmem>>
        %dma_wait3A_696 = tpu.memref_squeeze %dma_wait3A_695 : memref<1x128x16xf32, #tpu.memory_space<vmem>> -> memref<128x16xf32, #tpu.memory_space<vmem>>
        %dma_wait3A_697 = arith.constant 0 : i32
        %dma_wait3A_698 = tpu.memref_slice %arg10[%dma_wait3A_691, %dma_wait3A_697] : memref<32x128xi32, #tpu.memory_space<vmem>> -> memref<1x128xi32, #tpu.memory_space<vmem>>
        %dma_wait3A_699 = tpu.memref_squeeze %dma_wait3A_698 : memref<1x128xi32, #tpu.memory_space<vmem>> -> memref<128xi32, #tpu.memory_space<vmem>>
        %dma_wait3A_700 = arith.constant 0 : i32
        %dma_wait3A_701 = arith.constant 0 : i32
        %dma_wait3A_702 = tpu.memref_slice %arg2[%dma_wait3A_690, %dma_wait3A_700, %dma_wait3A_701] : memref<2x1000000x16xf32, #tpu.memory_space<hbm>> -> memref<1x1000000x16xf32, #tpu.memory_space<hbm>>
        %dma_wait3A_703 = tpu.memref_squeeze %dma_wait3A_702 : memref<1x1000000x16xf32, #tpu.memory_space<hbm>> -> memref<1000000x16xf32, #tpu.memory_space<hbm>>
        %dma_wait3A_704 = arith.constant 0 : i32
        %dma_wait3A_705 = arith.constant 0 : i32
        %dma_wait3A_706 = tpu.memref_slice %dma_wait3A_703[%dma_wait3A_704, %dma_wait3A_705] : memref<1000000x16xf32, #tpu.memory_space<hbm>> -> memref<1000000x16xf32, #tpu.memory_space<hbm>>
        tpu.wait_indirect_dma semaphore(%arg12 : memref<!tpu.dma_semaphore, #tpu.memory_space<semaphore_mem>>) src(%dma_wait3A_706 : memref<1000000x16xf32, #tpu.memory_space<hbm>>) dst(%dma_wait3A_696 : memref<128x16xf32, #tpu.memory_space<vmem>>)
        %dma_wait3A_707 = arith.constant 1 : i32
        %dma_wait3A_708 = arith.constant 8 : i32
        %dma_wait3A_709 = arith.constant 8 : i32
        %dma_wait3A_710 = arith.constant 0 : i32
        %dma_wait3A_711 = arith.constant 0 : i32
        %dma_wait3A_712 = tpu.memref_slice %arg11[%dma_wait3A_709, %dma_wait3A_710, %dma_wait3A_711] : memref<32x128x16xf32, #tpu.memory_space<vmem>> -> memref<1x128x16xf32, #tpu.memory_space<vmem>>
        %dma_wait3A_713 = tpu.memref_squeeze %dma_wait3A_712 : memref<1x128x16xf32, #tpu.memory_space<vmem>> -> memref<128x16xf32, #tpu.memory_space<vmem>>
        %dma_wait3A_714 = arith.constant 0 : i32
        %dma_wait3A_715 = tpu.memref_slice %arg10[%dma_wait3A_708, %dma_wait3A_714] : memref<32x128xi32, #tpu.memory_space<vmem>> -> memref<1x128xi32, #tpu.memory_space<vmem>>
        %dma_wait3A_716 = tpu.memref_squeeze %dma_wait3A_715 : memref<1x128xi32, #tpu.memory_space<vmem>> -> memref<128xi32, #tpu.memory_space<vmem>>
        %dma_wait3A_717 = arith.constant 0 : i32
        %dma_wait3A_718 = arith.constant 0 : i32
        %dma_wait3A_719 = tpu.memref_slice %arg2[%dma_wait3A_707, %dma_wait3A_717, %dma_wait3A_718] : memref<2x1000000x16xf32, #tpu.memory_space<hbm>> -> memref<1x1000000x16xf32, #tpu.memory_space<hbm>>
        %dma_wait3A_720 = tpu.memref_squeeze %dma_wait3A_719 : memref<1x1000000x16xf32, #tpu.memory_space<hbm>> -> memref<1000000x16xf32, #tpu.memory_space<hbm>>
        %dma_wait3A_721 = arith.constant 0 : i32
        %dma_wait3A_722 = arith.constant 0 : i32
        %dma_wait3A_723 = tpu.memref_slice %dma_wait3A_720[%dma_wait3A_721, %dma_wait3A_722] : memref<1000000x16xf32, #tpu.memory_space<hbm>> -> memref<1000000x16xf32, #tpu.memory_space<hbm>>
        tpu.wait_indirect_dma semaphore(%arg12 : memref<!tpu.dma_semaphore, #tpu.memory_space<semaphore_mem>>) src(%dma_wait3A_723 : memref<1000000x16xf32, #tpu.memory_space<hbm>>) dst(%dma_wait3A_713 : memref<128x16xf32, #tpu.memory_space<vmem>>)
        %dma_wait3A_724 = arith.constant 1 : i32
        %dma_wait3A_725 = arith.constant 9 : i32
        %dma_wait3A_726 = arith.constant 9 : i32
        %dma_wait3A_727 = arith.constant 0 : i32
        %dma_wait3A_728 = arith.constant 0 : i32
        %dma_wait3A_729 = tpu.memref_slice %arg11[%dma_wait3A_726, %dma_wait3A_727, %dma_wait3A_728] : memref<32x128x16xf32, #tpu.memory_space<vmem>> -> memref<1x128x16xf32, #tpu.memory_space<vmem>>
        %dma_wait3A_730 = tpu.memref_squeeze %dma_wait3A_729 : memref<1x128x16xf32, #tpu.memory_space<vmem>> -> memref<128x16xf32, #tpu.memory_space<vmem>>
        %dma_wait3A_731 = arith.constant 0 : i32
        %dma_wait3A_732 = tpu.memref_slice %arg10[%dma_wait3A_725, %dma_wait3A_731] : memref<32x128xi32, #tpu.memory_space<vmem>> -> memref<1x128xi32, #tpu.memory_space<vmem>>
        %dma_wait3A_733 = tpu.memref_squeeze %dma_wait3A_732 : memref<1x128xi32, #tpu.memory_space<vmem>> -> memref<128xi32, #tpu.memory_space<vmem>>
        %dma_wait3A_734 = arith.constant 0 : i32
        %dma_wait3A_735 = arith.constant 0 : i32
        %dma_wait3A_736 = tpu.memref_slice %arg2[%dma_wait3A_724, %dma_wait3A_734, %dma_wait3A_735] : memref<2x1000000x16xf32, #tpu.memory_space<hbm>> -> memref<1x1000000x16xf32, #tpu.memory_space<hbm>>
        %dma_wait3A_737 = tpu.memref_squeeze %dma_wait3A_736 : memref<1x1000000x16xf32, #tpu.memory_space<hbm>> -> memref<1000000x16xf32, #tpu.memory_space<hbm>>
        %dma_wait3A_738 = arith.constant 0 : i32
        %dma_wait3A_739 = arith.constant 0 : i32
        %dma_wait3A_740 = tpu.memref_slice %dma_wait3A_737[%dma_wait3A_738, %dma_wait3A_739] : memref<1000000x16xf32, #tpu.memory_space<hbm>> -> memref<1000000x16xf32, #tpu.memory_space<hbm>>
        tpu.wait_indirect_dma semaphore(%arg12 : memref<!tpu.dma_semaphore, #tpu.memory_space<semaphore_mem>>) src(%dma_wait3A_740 : memref<1000000x16xf32, #tpu.memory_space<hbm>>) dst(%dma_wait3A_730 : memref<128x16xf32, #tpu.memory_space<vmem>>)
        %dma_wait3A_741 = arith.constant 1 : i32
        %dma_wait3A_742 = arith.constant 10 : i32
        %dma_wait3A_743 = arith.constant 10 : i32
        %dma_wait3A_744 = arith.constant 0 : i32
        %dma_wait3A_745 = arith.constant 0 : i32
        %dma_wait3A_746 = tpu.memref_slice %arg11[%dma_wait3A_743, %dma_wait3A_744, %dma_wait3A_745] : memref<32x128x16xf32, #tpu.memory_space<vmem>> -> memref<1x128x16xf32, #tpu.memory_space<vmem>>
        %dma_wait3A_747 = tpu.memref_squeeze %dma_wait3A_746 : memref<1x128x16xf32, #tpu.memory_space<vmem>> -> memref<128x16xf32, #tpu.memory_space<vmem>>
        %dma_wait3A_748 = arith.constant 0 : i32
        %dma_wait3A_749 = tpu.memref_slice %arg10[%dma_wait3A_742, %dma_wait3A_748] : memref<32x128xi32, #tpu.memory_space<vmem>> -> memref<1x128xi32, #tpu.memory_space<vmem>>
        %dma_wait3A_750 = tpu.memref_squeeze %dma_wait3A_749 : memref<1x128xi32, #tpu.memory_space<vmem>> -> memref<128xi32, #tpu.memory_space<vmem>>
        %dma_wait3A_751 = arith.constant 0 : i32
        %dma_wait3A_752 = arith.constant 0 : i32
        %dma_wait3A_753 = tpu.memref_slice %arg2[%dma_wait3A_741, %dma_wait3A_751, %dma_wait3A_752] : memref<2x1000000x16xf32, #tpu.memory_space<hbm>> -> memref<1x1000000x16xf32, #tpu.memory_space<hbm>>
        %dma_wait3A_754 = tpu.memref_squeeze %dma_wait3A_753 : memref<1x1000000x16xf32, #tpu.memory_space<hbm>> -> memref<1000000x16xf32, #tpu.memory_space<hbm>>
        %dma_wait3A_755 = arith.constant 0 : i32
        %dma_wait3A_756 = arith.constant 0 : i32
        %dma_wait3A_757 = tpu.memref_slice %dma_wait3A_754[%dma_wait3A_755, %dma_wait3A_756] : memref<1000000x16xf32, #tpu.memory_space<hbm>> -> memref<1000000x16xf32, #tpu.memory_space<hbm>>
        tpu.wait_indirect_dma semaphore(%arg12 : memref<!tpu.dma_semaphore, #tpu.memory_space<semaphore_mem>>) src(%dma_wait3A_757 : memref<1000000x16xf32, #tpu.memory_space<hbm>>) dst(%dma_wait3A_747 : memref<128x16xf32, #tpu.memory_space<vmem>>)
        %dma_wait3A_758 = arith.constant 1 : i32
        %dma_wait3A_759 = arith.constant 11 : i32
        %dma_wait3A_760 = arith.constant 11 : i32
        %dma_wait3A_761 = arith.constant 0 : i32
        %dma_wait3A_762 = arith.constant 0 : i32
        %dma_wait3A_763 = tpu.memref_slice %arg11[%dma_wait3A_760, %dma_wait3A_761, %dma_wait3A_762] : memref<32x128x16xf32, #tpu.memory_space<vmem>> -> memref<1x128x16xf32, #tpu.memory_space<vmem>>
        %dma_wait3A_764 = tpu.memref_squeeze %dma_wait3A_763 : memref<1x128x16xf32, #tpu.memory_space<vmem>> -> memref<128x16xf32, #tpu.memory_space<vmem>>
        %dma_wait3A_765 = arith.constant 0 : i32
        %dma_wait3A_766 = tpu.memref_slice %arg10[%dma_wait3A_759, %dma_wait3A_765] : memref<32x128xi32, #tpu.memory_space<vmem>> -> memref<1x128xi32, #tpu.memory_space<vmem>>
        %dma_wait3A_767 = tpu.memref_squeeze %dma_wait3A_766 : memref<1x128xi32, #tpu.memory_space<vmem>> -> memref<128xi32, #tpu.memory_space<vmem>>
        %dma_wait3A_768 = arith.constant 0 : i32
        %dma_wait3A_769 = arith.constant 0 : i32
        %dma_wait3A_770 = tpu.memref_slice %arg2[%dma_wait3A_758, %dma_wait3A_768, %dma_wait3A_769] : memref<2x1000000x16xf32, #tpu.memory_space<hbm>> -> memref<1x1000000x16xf32, #tpu.memory_space<hbm>>
        %dma_wait3A_771 = tpu.memref_squeeze %dma_wait3A_770 : memref<1x1000000x16xf32, #tpu.memory_space<hbm>> -> memref<1000000x16xf32, #tpu.memory_space<hbm>>
        %dma_wait3A_772 = arith.constant 0 : i32
        %dma_wait3A_773 = arith.constant 0 : i32
        %dma_wait3A_774 = tpu.memref_slice %dma_wait3A_771[%dma_wait3A_772, %dma_wait3A_773] : memref<1000000x16xf32, #tpu.memory_space<hbm>> -> memref<1000000x16xf32, #tpu.memory_space<hbm>>
        tpu.wait_indirect_dma semaphore(%arg12 : memref<!tpu.dma_semaphore, #tpu.memory_space<semaphore_mem>>) src(%dma_wait3A_774 : memref<1000000x16xf32, #tpu.memory_space<hbm>>) dst(%dma_wait3A_764 : memref<128x16xf32, #tpu.memory_space<vmem>>)
        %dma_wait3A_775 = arith.constant 1 : i32
        %dma_wait3A_776 = arith.constant 12 : i32
        %dma_wait3A_777 = arith.constant 12 : i32
        %dma_wait3A_778 = arith.constant 0 : i32
        %dma_wait3A_779 = arith.constant 0 : i32
        %dma_wait3A_780 = tpu.memref_slice %arg11[%dma_wait3A_777, %dma_wait3A_778, %dma_wait3A_779] : memref<32x128x16xf32, #tpu.memory_space<vmem>> -> memref<1x128x16xf32, #tpu.memory_space<vmem>>
        %dma_wait3A_781 = tpu.memref_squeeze %dma_wait3A_780 : memref<1x128x16xf32, #tpu.memory_space<vmem>> -> memref<128x16xf32, #tpu.memory_space<vmem>>
        %dma_wait3A_782 = arith.constant 0 : i32
        %dma_wait3A_783 = tpu.memref_slice %arg10[%dma_wait3A_776, %dma_wait3A_782] : memref<32x128xi32, #tpu.memory_space<vmem>> -> memref<1x128xi32, #tpu.memory_space<vmem>>
        %dma_wait3A_784 = tpu.memref_squeeze %dma_wait3A_783 : memref<1x128xi32, #tpu.memory_space<vmem>> -> memref<128xi32, #tpu.memory_space<vmem>>
        %dma_wait3A_785 = arith.constant 0 : i32
        %dma_wait3A_786 = arith.constant 0 : i32
        %dma_wait3A_787 = tpu.memref_slice %arg2[%dma_wait3A_775, %dma_wait3A_785, %dma_wait3A_786] : memref<2x1000000x16xf32, #tpu.memory_space<hbm>> -> memref<1x1000000x16xf32, #tpu.memory_space<hbm>>
        %dma_wait3A_788 = tpu.memref_squeeze %dma_wait3A_787 : memref<1x1000000x16xf32, #tpu.memory_space<hbm>> -> memref<1000000x16xf32, #tpu.memory_space<hbm>>
        %dma_wait3A_789 = arith.constant 0 : i32
        %dma_wait3A_790 = arith.constant 0 : i32
        %dma_wait3A_791 = tpu.memref_slice %dma_wait3A_788[%dma_wait3A_789, %dma_wait3A_790] : memref<1000000x16xf32, #tpu.memory_space<hbm>> -> memref<1000000x16xf32, #tpu.memory_space<hbm>>
        tpu.wait_indirect_dma semaphore(%arg12 : memref<!tpu.dma_semaphore, #tpu.memory_space<semaphore_mem>>) src(%dma_wait3A_791 : memref<1000000x16xf32, #tpu.memory_space<hbm>>) dst(%dma_wait3A_781 : memref<128x16xf32, #tpu.memory_space<vmem>>)
        %dma_wait3A_792 = arith.constant 1 : i32
        %dma_wait3A_793 = arith.constant 13 : i32
        %dma_wait3A_794 = arith.constant 13 : i32
        %dma_wait3A_795 = arith.constant 0 : i32
        %dma_wait3A_796 = arith.constant 0 : i32
        %dma_wait3A_797 = tpu.memref_slice %arg11[%dma_wait3A_794, %dma_wait3A_795, %dma_wait3A_796] : memref<32x128x16xf32, #tpu.memory_space<vmem>> -> memref<1x128x16xf32, #tpu.memory_space<vmem>>
        %dma_wait3A_798 = tpu.memref_squeeze %dma_wait3A_797 : memref<1x128x16xf32, #tpu.memory_space<vmem>> -> memref<128x16xf32, #tpu.memory_space<vmem>>
        %dma_wait3A_799 = arith.constant 0 : i32
        %dma_wait3A_800 = tpu.memref_slice %arg10[%dma_wait3A_793, %dma_wait3A_799] : memref<32x128xi32, #tpu.memory_space<vmem>> -> memref<1x128xi32, #tpu.memory_space<vmem>>
        %dma_wait3A_801 = tpu.memref_squeeze %dma_wait3A_800 : memref<1x128xi32, #tpu.memory_space<vmem>> -> memref<128xi32, #tpu.memory_space<vmem>>
        %dma_wait3A_802 = arith.constant 0 : i32
        %dma_wait3A_803 = arith.constant 0 : i32
        %dma_wait3A_804 = tpu.memref_slice %arg2[%dma_wait3A_792, %dma_wait3A_802, %dma_wait3A_803] : memref<2x1000000x16xf32, #tpu.memory_space<hbm>> -> memref<1x1000000x16xf32, #tpu.memory_space<hbm>>
        %dma_wait3A_805 = tpu.memref_squeeze %dma_wait3A_804 : memref<1x1000000x16xf32, #tpu.memory_space<hbm>> -> memref<1000000x16xf32, #tpu.memory_space<hbm>>
        %dma_wait3A_806 = arith.constant 0 : i32
        %dma_wait3A_807 = arith.constant 0 : i32
        %dma_wait3A_808 = tpu.memref_slice %dma_wait3A_805[%dma_wait3A_806, %dma_wait3A_807] : memref<1000000x16xf32, #tpu.memory_space<hbm>> -> memref<1000000x16xf32, #tpu.memory_space<hbm>>
        tpu.wait_indirect_dma semaphore(%arg12 : memref<!tpu.dma_semaphore, #tpu.memory_space<semaphore_mem>>) src(%dma_wait3A_808 : memref<1000000x16xf32, #tpu.memory_space<hbm>>) dst(%dma_wait3A_798 : memref<128x16xf32, #tpu.memory_space<vmem>>)
        %dma_wait3A_809 = arith.constant 1 : i32
        %dma_wait3A_810 = arith.constant 14 : i32
        %dma_wait3A_811 = arith.constant 14 : i32
        %dma_wait3A_812 = arith.constant 0 : i32
        %dma_wait3A_813 = arith.constant 0 : i32
        %dma_wait3A_814 = tpu.memref_slice %arg11[%dma_wait3A_811, %dma_wait3A_812, %dma_wait3A_813] : memref<32x128x16xf32, #tpu.memory_space<vmem>> -> memref<1x128x16xf32, #tpu.memory_space<vmem>>
        %dma_wait3A_815 = tpu.memref_squeeze %dma_wait3A_814 : memref<1x128x16xf32, #tpu.memory_space<vmem>> -> memref<128x16xf32, #tpu.memory_space<vmem>>
        %dma_wait3A_816 = arith.constant 0 : i32
        %dma_wait3A_817 = tpu.memref_slice %arg10[%dma_wait3A_810, %dma_wait3A_816] : memref<32x128xi32, #tpu.memory_space<vmem>> -> memref<1x128xi32, #tpu.memory_space<vmem>>
        %dma_wait3A_818 = tpu.memref_squeeze %dma_wait3A_817 : memref<1x128xi32, #tpu.memory_space<vmem>> -> memref<128xi32, #tpu.memory_space<vmem>>
        %dma_wait3A_819 = arith.constant 0 : i32
        %dma_wait3A_820 = arith.constant 0 : i32
        %dma_wait3A_821 = tpu.memref_slice %arg2[%dma_wait3A_809, %dma_wait3A_819, %dma_wait3A_820] : memref<2x1000000x16xf32, #tpu.memory_space<hbm>> -> memref<1x1000000x16xf32, #tpu.memory_space<hbm>>
        %dma_wait3A_822 = tpu.memref_squeeze %dma_wait3A_821 : memref<1x1000000x16xf32, #tpu.memory_space<hbm>> -> memref<1000000x16xf32, #tpu.memory_space<hbm>>
        %dma_wait3A_823 = arith.constant 0 : i32
        %dma_wait3A_824 = arith.constant 0 : i32
        %dma_wait3A_825 = tpu.memref_slice %dma_wait3A_822[%dma_wait3A_823, %dma_wait3A_824] : memref<1000000x16xf32, #tpu.memory_space<hbm>> -> memref<1000000x16xf32, #tpu.memory_space<hbm>>
        tpu.wait_indirect_dma semaphore(%arg12 : memref<!tpu.dma_semaphore, #tpu.memory_space<semaphore_mem>>) src(%dma_wait3A_825 : memref<1000000x16xf32, #tpu.memory_space<hbm>>) dst(%dma_wait3A_815 : memref<128x16xf32, #tpu.memory_space<vmem>>)
        %dma_wait3A_826 = arith.constant 1 : i32
        %dma_wait3A_827 = arith.constant 15 : i32
        %dma_wait3A_828 = arith.constant 15 : i32
        %dma_wait3A_829 = arith.constant 0 : i32
        %dma_wait3A_830 = arith.constant 0 : i32
        %dma_wait3A_831 = tpu.memref_slice %arg11[%dma_wait3A_828, %dma_wait3A_829, %dma_wait3A_830] : memref<32x128x16xf32, #tpu.memory_space<vmem>> -> memref<1x128x16xf32, #tpu.memory_space<vmem>>
        %dma_wait3A_832 = tpu.memref_squeeze %dma_wait3A_831 : memref<1x128x16xf32, #tpu.memory_space<vmem>> -> memref<128x16xf32, #tpu.memory_space<vmem>>
        %dma_wait3A_833 = arith.constant 0 : i32
        %dma_wait3A_834 = tpu.memref_slice %arg10[%dma_wait3A_827, %dma_wait3A_833] : memref<32x128xi32, #tpu.memory_space<vmem>> -> memref<1x128xi32, #tpu.memory_space<vmem>>
        %dma_wait3A_835 = tpu.memref_squeeze %dma_wait3A_834 : memref<1x128xi32, #tpu.memory_space<vmem>> -> memref<128xi32, #tpu.memory_space<vmem>>
        %dma_wait3A_836 = arith.constant 0 : i32
        %dma_wait3A_837 = arith.constant 0 : i32
        %dma_wait3A_838 = tpu.memref_slice %arg2[%dma_wait3A_826, %dma_wait3A_836, %dma_wait3A_837] : memref<2x1000000x16xf32, #tpu.memory_space<hbm>> -> memref<1x1000000x16xf32, #tpu.memory_space<hbm>>
        %dma_wait3A_839 = tpu.memref_squeeze %dma_wait3A_838 : memref<1x1000000x16xf32, #tpu.memory_space<hbm>> -> memref<1000000x16xf32, #tpu.memory_space<hbm>>
        %dma_wait3A_840 = arith.constant 0 : i32
        %dma_wait3A_841 = arith.constant 0 : i32
        %dma_wait3A_842 = tpu.memref_slice %dma_wait3A_839[%dma_wait3A_840, %dma_wait3A_841] : memref<1000000x16xf32, #tpu.memory_space<hbm>> -> memref<1000000x16xf32, #tpu.memory_space<hbm>>
        tpu.wait_indirect_dma semaphore(%arg12 : memref<!tpu.dma_semaphore, #tpu.memory_space<semaphore_mem>>) src(%dma_wait3A_842 : memref<1000000x16xf32, #tpu.memory_space<hbm>>) dst(%dma_wait3A_832 : memref<128x16xf32, #tpu.memory_space<vmem>>)
        %dma_wait3A_843 = arith.constant 1 : i32
        %dma_wait3A_844 = arith.constant 16 : i32
        %dma_wait3A_845 = arith.constant 16 : i32
        %dma_wait3A_846 = arith.constant 0 : i32
        %dma_wait3A_847 = arith.constant 0 : i32
        %dma_wait3A_848 = tpu.memref_slice %arg11[%dma_wait3A_845, %dma_wait3A_846, %dma_wait3A_847] : memref<32x128x16xf32, #tpu.memory_space<vmem>> -> memref<1x128x16xf32, #tpu.memory_space<vmem>>
        %dma_wait3A_849 = tpu.memref_squeeze %dma_wait3A_848 : memref<1x128x16xf32, #tpu.memory_space<vmem>> -> memref<128x16xf32, #tpu.memory_space<vmem>>
        %dma_wait3A_850 = arith.constant 0 : i32
        %dma_wait3A_851 = tpu.memref_slice %arg10[%dma_wait3A_844, %dma_wait3A_850] : memref<32x128xi32, #tpu.memory_space<vmem>> -> memref<1x128xi32, #tpu.memory_space<vmem>>
        %dma_wait3A_852 = tpu.memref_squeeze %dma_wait3A_851 : memref<1x128xi32, #tpu.memory_space<vmem>> -> memref<128xi32, #tpu.memory_space<vmem>>
        %dma_wait3A_853 = arith.constant 0 : i32
        %dma_wait3A_854 = arith.constant 0 : i32
        %dma_wait3A_855 = tpu.memref_slice %arg2[%dma_wait3A_843, %dma_wait3A_853, %dma_wait3A_854] : memref<2x1000000x16xf32, #tpu.memory_space<hbm>> -> memref<1x1000000x16xf32, #tpu.memory_space<hbm>>
        %dma_wait3A_856 = tpu.memref_squeeze %dma_wait3A_855 : memref<1x1000000x16xf32, #tpu.memory_space<hbm>> -> memref<1000000x16xf32, #tpu.memory_space<hbm>>
        %dma_wait3A_857 = arith.constant 0 : i32
        %dma_wait3A_858 = arith.constant 0 : i32
        %dma_wait3A_859 = tpu.memref_slice %dma_wait3A_856[%dma_wait3A_857, %dma_wait3A_858] : memref<1000000x16xf32, #tpu.memory_space<hbm>> -> memref<1000000x16xf32, #tpu.memory_space<hbm>>
        tpu.wait_indirect_dma semaphore(%arg12 : memref<!tpu.dma_semaphore, #tpu.memory_space<semaphore_mem>>) src(%dma_wait3A_859 : memref<1000000x16xf32, #tpu.memory_space<hbm>>) dst(%dma_wait3A_849 : memref<128x16xf32, #tpu.memory_space<vmem>>)
        %dma_wait3A_860 = arith.constant 1 : i32
        %dma_wait3A_861 = arith.constant 17 : i32
        %dma_wait3A_862 = arith.constant 17 : i32
        %dma_wait3A_863 = arith.constant 0 : i32
        %dma_wait3A_864 = arith.constant 0 : i32
        %dma_wait3A_865 = tpu.memref_slice %arg11[%dma_wait3A_862, %dma_wait3A_863, %dma_wait3A_864] : memref<32x128x16xf32, #tpu.memory_space<vmem>> -> memref<1x128x16xf32, #tpu.memory_space<vmem>>
        %dma_wait3A_866 = tpu.memref_squeeze %dma_wait3A_865 : memref<1x128x16xf32, #tpu.memory_space<vmem>> -> memref<128x16xf32, #tpu.memory_space<vmem>>
        %dma_wait3A_867 = arith.constant 0 : i32
        %dma_wait3A_868 = tpu.memref_slice %arg10[%dma_wait3A_861, %dma_wait3A_867] : memref<32x128xi32, #tpu.memory_space<vmem>> -> memref<1x128xi32, #tpu.memory_space<vmem>>
        %dma_wait3A_869 = tpu.memref_squeeze %dma_wait3A_868 : memref<1x128xi32, #tpu.memory_space<vmem>> -> memref<128xi32, #tpu.memory_space<vmem>>
        %dma_wait3A_870 = arith.constant 0 : i32
        %dma_wait3A_871 = arith.constant 0 : i32
        %dma_wait3A_872 = tpu.memref_slice %arg2[%dma_wait3A_860, %dma_wait3A_870, %dma_wait3A_871] : memref<2x1000000x16xf32, #tpu.memory_space<hbm>> -> memref<1x1000000x16xf32, #tpu.memory_space<hbm>>
        %dma_wait3A_873 = tpu.memref_squeeze %dma_wait3A_872 : memref<1x1000000x16xf32, #tpu.memory_space<hbm>> -> memref<1000000x16xf32, #tpu.memory_space<hbm>>
        %dma_wait3A_874 = arith.constant 0 : i32
        %dma_wait3A_875 = arith.constant 0 : i32
        %dma_wait3A_876 = tpu.memref_slice %dma_wait3A_873[%dma_wait3A_874, %dma_wait3A_875] : memref<1000000x16xf32, #tpu.memory_space<hbm>> -> memref<1000000x16xf32, #tpu.memory_space<hbm>>
        tpu.wait_indirect_dma semaphore(%arg12 : memref<!tpu.dma_semaphore, #tpu.memory_space<semaphore_mem>>) src(%dma_wait3A_876 : memref<1000000x16xf32, #tpu.memory_space<hbm>>) dst(%dma_wait3A_866 : memref<128x16xf32, #tpu.memory_space<vmem>>)
        %dma_wait3A_877 = arith.constant 1 : i32
        %dma_wait3A_878 = arith.constant 18 : i32
        %dma_wait3A_879 = arith.constant 18 : i32
        %dma_wait3A_880 = arith.constant 0 : i32
        %dma_wait3A_881 = arith.constant 0 : i32
        %dma_wait3A_882 = tpu.memref_slice %arg11[%dma_wait3A_879, %dma_wait3A_880, %dma_wait3A_881] : memref<32x128x16xf32, #tpu.memory_space<vmem>> -> memref<1x128x16xf32, #tpu.memory_space<vmem>>
        %dma_wait3A_883 = tpu.memref_squeeze %dma_wait3A_882 : memref<1x128x16xf32, #tpu.memory_space<vmem>> -> memref<128x16xf32, #tpu.memory_space<vmem>>
        %dma_wait3A_884 = arith.constant 0 : i32
        %dma_wait3A_885 = tpu.memref_slice %arg10[%dma_wait3A_878, %dma_wait3A_884] : memref<32x128xi32, #tpu.memory_space<vmem>> -> memref<1x128xi32, #tpu.memory_space<vmem>>
        %dma_wait3A_886 = tpu.memref_squeeze %dma_wait3A_885 : memref<1x128xi32, #tpu.memory_space<vmem>> -> memref<128xi32, #tpu.memory_space<vmem>>
        %dma_wait3A_887 = arith.constant 0 : i32
        %dma_wait3A_888 = arith.constant 0 : i32
        %dma_wait3A_889 = tpu.memref_slice %arg2[%dma_wait3A_877, %dma_wait3A_887, %dma_wait3A_888] : memref<2x1000000x16xf32, #tpu.memory_space<hbm>> -> memref<1x1000000x16xf32, #tpu.memory_space<hbm>>
        %dma_wait3A_890 = tpu.memref_squeeze %dma_wait3A_889 : memref<1x1000000x16xf32, #tpu.memory_space<hbm>> -> memref<1000000x16xf32, #tpu.memory_space<hbm>>
        %dma_wait3A_891 = arith.constant 0 : i32
        %dma_wait3A_892 = arith.constant 0 : i32
        %dma_wait3A_893 = tpu.memref_slice %dma_wait3A_890[%dma_wait3A_891, %dma_wait3A_892] : memref<1000000x16xf32, #tpu.memory_space<hbm>> -> memref<1000000x16xf32, #tpu.memory_space<hbm>>
        tpu.wait_indirect_dma semaphore(%arg12 : memref<!tpu.dma_semaphore, #tpu.memory_space<semaphore_mem>>) src(%dma_wait3A_893 : memref<1000000x16xf32, #tpu.memory_space<hbm>>) dst(%dma_wait3A_883 : memref<128x16xf32, #tpu.memory_space<vmem>>)
        %dma_wait3A_894 = arith.constant 1 : i32
        %dma_wait3A_895 = arith.constant 19 : i32
        %dma_wait3A_896 = arith.constant 19 : i32
        %dma_wait3A_897 = arith.constant 0 : i32
        %dma_wait3A_898 = arith.constant 0 : i32
        %dma_wait3A_899 = tpu.memref_slice %arg11[%dma_wait3A_896, %dma_wait3A_897, %dma_wait3A_898] : memref<32x128x16xf32, #tpu.memory_space<vmem>> -> memref<1x128x16xf32, #tpu.memory_space<vmem>>
        %dma_wait3A_900 = tpu.memref_squeeze %dma_wait3A_899 : memref<1x128x16xf32, #tpu.memory_space<vmem>> -> memref<128x16xf32, #tpu.memory_space<vmem>>
        %dma_wait3A_901 = arith.constant 0 : i32
        %dma_wait3A_902 = tpu.memref_slice %arg10[%dma_wait3A_895, %dma_wait3A_901] : memref<32x128xi32, #tpu.memory_space<vmem>> -> memref<1x128xi32, #tpu.memory_space<vmem>>
        %dma_wait3A_903 = tpu.memref_squeeze %dma_wait3A_902 : memref<1x128xi32, #tpu.memory_space<vmem>> -> memref<128xi32, #tpu.memory_space<vmem>>
        %dma_wait3A_904 = arith.constant 0 : i32
        %dma_wait3A_905 = arith.constant 0 : i32
        %dma_wait3A_906 = tpu.memref_slice %arg2[%dma_wait3A_894, %dma_wait3A_904, %dma_wait3A_905] : memref<2x1000000x16xf32, #tpu.memory_space<hbm>> -> memref<1x1000000x16xf32, #tpu.memory_space<hbm>>
        %dma_wait3A_907 = tpu.memref_squeeze %dma_wait3A_906 : memref<1x1000000x16xf32, #tpu.memory_space<hbm>> -> memref<1000000x16xf32, #tpu.memory_space<hbm>>
        %dma_wait3A_908 = arith.constant 0 : i32
        %dma_wait3A_909 = arith.constant 0 : i32
        %dma_wait3A_910 = tpu.memref_slice %dma_wait3A_907[%dma_wait3A_908, %dma_wait3A_909] : memref<1000000x16xf32, #tpu.memory_space<hbm>> -> memref<1000000x16xf32, #tpu.memory_space<hbm>>
        tpu.wait_indirect_dma semaphore(%arg12 : memref<!tpu.dma_semaphore, #tpu.memory_space<semaphore_mem>>) src(%dma_wait3A_910 : memref<1000000x16xf32, #tpu.memory_space<hbm>>) dst(%dma_wait3A_900 : memref<128x16xf32, #tpu.memory_space<vmem>>)
        %dma_wait3A_911 = arith.constant 1 : i32
        %dma_wait3A_912 = arith.constant 20 : i32
        %dma_wait3A_913 = arith.constant 20 : i32
        %dma_wait3A_914 = arith.constant 0 : i32
        %dma_wait3A_915 = arith.constant 0 : i32
        %dma_wait3A_916 = tpu.memref_slice %arg11[%dma_wait3A_913, %dma_wait3A_914, %dma_wait3A_915] : memref<32x128x16xf32, #tpu.memory_space<vmem>> -> memref<1x128x16xf32, #tpu.memory_space<vmem>>
        %dma_wait3A_917 = tpu.memref_squeeze %dma_wait3A_916 : memref<1x128x16xf32, #tpu.memory_space<vmem>> -> memref<128x16xf32, #tpu.memory_space<vmem>>
        %dma_wait3A_918 = arith.constant 0 : i32
        %dma_wait3A_919 = tpu.memref_slice %arg10[%dma_wait3A_912, %dma_wait3A_918] : memref<32x128xi32, #tpu.memory_space<vmem>> -> memref<1x128xi32, #tpu.memory_space<vmem>>
        %dma_wait3A_920 = tpu.memref_squeeze %dma_wait3A_919 : memref<1x128xi32, #tpu.memory_space<vmem>> -> memref<128xi32, #tpu.memory_space<vmem>>
        %dma_wait3A_921 = arith.constant 0 : i32
        %dma_wait3A_922 = arith.constant 0 : i32
        %dma_wait3A_923 = tpu.memref_slice %arg2[%dma_wait3A_911, %dma_wait3A_921, %dma_wait3A_922] : memref<2x1000000x16xf32, #tpu.memory_space<hbm>> -> memref<1x1000000x16xf32, #tpu.memory_space<hbm>>
        %dma_wait3A_924 = tpu.memref_squeeze %dma_wait3A_923 : memref<1x1000000x16xf32, #tpu.memory_space<hbm>> -> memref<1000000x16xf32, #tpu.memory_space<hbm>>
        %dma_wait3A_925 = arith.constant 0 : i32
        %dma_wait3A_926 = arith.constant 0 : i32
        %dma_wait3A_927 = tpu.memref_slice %dma_wait3A_924[%dma_wait3A_925, %dma_wait3A_926] : memref<1000000x16xf32, #tpu.memory_space<hbm>> -> memref<1000000x16xf32, #tpu.memory_space<hbm>>
        tpu.wait_indirect_dma semaphore(%arg12 : memref<!tpu.dma_semaphore, #tpu.memory_space<semaphore_mem>>) src(%dma_wait3A_927 : memref<1000000x16xf32, #tpu.memory_space<hbm>>) dst(%dma_wait3A_917 : memref<128x16xf32, #tpu.memory_space<vmem>>)
        %dma_wait3A_928 = arith.constant 1 : i32
        %dma_wait3A_929 = arith.constant 21 : i32
        %dma_wait3A_930 = arith.constant 21 : i32
        %dma_wait3A_931 = arith.constant 0 : i32
        %dma_wait3A_932 = arith.constant 0 : i32
        %dma_wait3A_933 = tpu.memref_slice %arg11[%dma_wait3A_930, %dma_wait3A_931, %dma_wait3A_932] : memref<32x128x16xf32, #tpu.memory_space<vmem>> -> memref<1x128x16xf32, #tpu.memory_space<vmem>>
        %dma_wait3A_934 = tpu.memref_squeeze %dma_wait3A_933 : memref<1x128x16xf32, #tpu.memory_space<vmem>> -> memref<128x16xf32, #tpu.memory_space<vmem>>
        %dma_wait3A_935 = arith.constant 0 : i32
        %dma_wait3A_936 = tpu.memref_slice %arg10[%dma_wait3A_929, %dma_wait3A_935] : memref<32x128xi32, #tpu.memory_space<vmem>> -> memref<1x128xi32, #tpu.memory_space<vmem>>
        %dma_wait3A_937 = tpu.memref_squeeze %dma_wait3A_936 : memref<1x128xi32, #tpu.memory_space<vmem>> -> memref<128xi32, #tpu.memory_space<vmem>>
        %dma_wait3A_938 = arith.constant 0 : i32
        %dma_wait3A_939 = arith.constant 0 : i32
        %dma_wait3A_940 = tpu.memref_slice %arg2[%dma_wait3A_928, %dma_wait3A_938, %dma_wait3A_939] : memref<2x1000000x16xf32, #tpu.memory_space<hbm>> -> memref<1x1000000x16xf32, #tpu.memory_space<hbm>>
        %dma_wait3A_941 = tpu.memref_squeeze %dma_wait3A_940 : memref<1x1000000x16xf32, #tpu.memory_space<hbm>> -> memref<1000000x16xf32, #tpu.memory_space<hbm>>
        %dma_wait3A_942 = arith.constant 0 : i32
        %dma_wait3A_943 = arith.constant 0 : i32
        %dma_wait3A_944 = tpu.memref_slice %dma_wait3A_941[%dma_wait3A_942, %dma_wait3A_943] : memref<1000000x16xf32, #tpu.memory_space<hbm>> -> memref<1000000x16xf32, #tpu.memory_space<hbm>>
        tpu.wait_indirect_dma semaphore(%arg12 : memref<!tpu.dma_semaphore, #tpu.memory_space<semaphore_mem>>) src(%dma_wait3A_944 : memref<1000000x16xf32, #tpu.memory_space<hbm>>) dst(%dma_wait3A_934 : memref<128x16xf32, #tpu.memory_space<vmem>>)
        %dma_wait3A_945 = arith.constant 1 : i32
        %dma_wait3A_946 = arith.constant 22 : i32
        %dma_wait3A_947 = arith.constant 22 : i32
        %dma_wait3A_948 = arith.constant 0 : i32
        %dma_wait3A_949 = arith.constant 0 : i32
        %dma_wait3A_950 = tpu.memref_slice %arg11[%dma_wait3A_947, %dma_wait3A_948, %dma_wait3A_949] : memref<32x128x16xf32, #tpu.memory_space<vmem>> -> memref<1x128x16xf32, #tpu.memory_space<vmem>>
        %dma_wait3A_951 = tpu.memref_squeeze %dma_wait3A_950 : memref<1x128x16xf32, #tpu.memory_space<vmem>> -> memref<128x16xf32, #tpu.memory_space<vmem>>
        %dma_wait3A_952 = arith.constant 0 : i32
        %dma_wait3A_953 = tpu.memref_slice %arg10[%dma_wait3A_946, %dma_wait3A_952] : memref<32x128xi32, #tpu.memory_space<vmem>> -> memref<1x128xi32, #tpu.memory_space<vmem>>
        %dma_wait3A_954 = tpu.memref_squeeze %dma_wait3A_953 : memref<1x128xi32, #tpu.memory_space<vmem>> -> memref<128xi32, #tpu.memory_space<vmem>>
        %dma_wait3A_955 = arith.constant 0 : i32
        %dma_wait3A_956 = arith.constant 0 : i32
        %dma_wait3A_957 = tpu.memref_slice %arg2[%dma_wait3A_945, %dma_wait3A_955, %dma_wait3A_956] : memref<2x1000000x16xf32, #tpu.memory_space<hbm>> -> memref<1x1000000x16xf32, #tpu.memory_space<hbm>>
        %dma_wait3A_958 = tpu.memref_squeeze %dma_wait3A_957 : memref<1x1000000x16xf32, #tpu.memory_space<hbm>> -> memref<1000000x16xf32, #tpu.memory_space<hbm>>
        %dma_wait3A_959 = arith.constant 0 : i32
        %dma_wait3A_960 = arith.constant 0 : i32
        %dma_wait3A_961 = tpu.memref_slice %dma_wait3A_958[%dma_wait3A_959, %dma_wait3A_960] : memref<1000000x16xf32, #tpu.memory_space<hbm>> -> memref<1000000x16xf32, #tpu.memory_space<hbm>>
        tpu.wait_indirect_dma semaphore(%arg12 : memref<!tpu.dma_semaphore, #tpu.memory_space<semaphore_mem>>) src(%dma_wait3A_961 : memref<1000000x16xf32, #tpu.memory_space<hbm>>) dst(%dma_wait3A_951 : memref<128x16xf32, #tpu.memory_space<vmem>>)
        %dma_wait3A_962 = arith.constant 1 : i32
        %dma_wait3A_963 = arith.constant 23 : i32
        %dma_wait3A_964 = arith.constant 23 : i32
        %dma_wait3A_965 = arith.constant 0 : i32
        %dma_wait3A_966 = arith.constant 0 : i32
        %dma_wait3A_967 = tpu.memref_slice %arg11[%dma_wait3A_964, %dma_wait3A_965, %dma_wait3A_966] : memref<32x128x16xf32, #tpu.memory_space<vmem>> -> memref<1x128x16xf32, #tpu.memory_space<vmem>>
        %dma_wait3A_968 = tpu.memref_squeeze %dma_wait3A_967 : memref<1x128x16xf32, #tpu.memory_space<vmem>> -> memref<128x16xf32, #tpu.memory_space<vmem>>
        %dma_wait3A_969 = arith.constant 0 : i32
        %dma_wait3A_970 = tpu.memref_slice %arg10[%dma_wait3A_963, %dma_wait3A_969] : memref<32x128xi32, #tpu.memory_space<vmem>> -> memref<1x128xi32, #tpu.memory_space<vmem>>
        %dma_wait3A_971 = tpu.memref_squeeze %dma_wait3A_970 : memref<1x128xi32, #tpu.memory_space<vmem>> -> memref<128xi32, #tpu.memory_space<vmem>>
        %dma_wait3A_972 = arith.constant 0 : i32
        %dma_wait3A_973 = arith.constant 0 : i32
        %dma_wait3A_974 = tpu.memref_slice %arg2[%dma_wait3A_962, %dma_wait3A_972, %dma_wait3A_973] : memref<2x1000000x16xf32, #tpu.memory_space<hbm>> -> memref<1x1000000x16xf32, #tpu.memory_space<hbm>>
        %dma_wait3A_975 = tpu.memref_squeeze %dma_wait3A_974 : memref<1x1000000x16xf32, #tpu.memory_space<hbm>> -> memref<1000000x16xf32, #tpu.memory_space<hbm>>
        %dma_wait3A_976 = arith.constant 0 : i32
        %dma_wait3A_977 = arith.constant 0 : i32
        %dma_wait3A_978 = tpu.memref_slice %dma_wait3A_975[%dma_wait3A_976, %dma_wait3A_977] : memref<1000000x16xf32, #tpu.memory_space<hbm>> -> memref<1000000x16xf32, #tpu.memory_space<hbm>>
        tpu.wait_indirect_dma semaphore(%arg12 : memref<!tpu.dma_semaphore, #tpu.memory_space<semaphore_mem>>) src(%dma_wait3A_978 : memref<1000000x16xf32, #tpu.memory_space<hbm>>) dst(%dma_wait3A_968 : memref<128x16xf32, #tpu.memory_space<vmem>>)
        %dma_wait3A_979 = arith.constant 1 : i32
        %dma_wait3A_980 = arith.constant 24 : i32
        %dma_wait3A_981 = arith.constant 24 : i32
        %dma_wait3A_982 = arith.constant 0 : i32
        %dma_wait3A_983 = arith.constant 0 : i32
        %dma_wait3A_984 = tpu.memref_slice %arg11[%dma_wait3A_981, %dma_wait3A_982, %dma_wait3A_983] : memref<32x128x16xf32, #tpu.memory_space<vmem>> -> memref<1x128x16xf32, #tpu.memory_space<vmem>>
        %dma_wait3A_985 = tpu.memref_squeeze %dma_wait3A_984 : memref<1x128x16xf32, #tpu.memory_space<vmem>> -> memref<128x16xf32, #tpu.memory_space<vmem>>
        %dma_wait3A_986 = arith.constant 0 : i32
        %dma_wait3A_987 = tpu.memref_slice %arg10[%dma_wait3A_980, %dma_wait3A_986] : memref<32x128xi32, #tpu.memory_space<vmem>> -> memref<1x128xi32, #tpu.memory_space<vmem>>
        %dma_wait3A_988 = tpu.memref_squeeze %dma_wait3A_987 : memref<1x128xi32, #tpu.memory_space<vmem>> -> memref<128xi32, #tpu.memory_space<vmem>>
        %dma_wait3A_989 = arith.constant 0 : i32
        %dma_wait3A_990 = arith.constant 0 : i32
        %dma_wait3A_991 = tpu.memref_slice %arg2[%dma_wait3A_979, %dma_wait3A_989, %dma_wait3A_990] : memref<2x1000000x16xf32, #tpu.memory_space<hbm>> -> memref<1x1000000x16xf32, #tpu.memory_space<hbm>>
        %dma_wait3A_992 = tpu.memref_squeeze %dma_wait3A_991 : memref<1x1000000x16xf32, #tpu.memory_space<hbm>> -> memref<1000000x16xf32, #tpu.memory_space<hbm>>
        %dma_wait3A_993 = arith.constant 0 : i32
        %dma_wait3A_994 = arith.constant 0 : i32
        %dma_wait3A_995 = tpu.memref_slice %dma_wait3A_992[%dma_wait3A_993, %dma_wait3A_994] : memref<1000000x16xf32, #tpu.memory_space<hbm>> -> memref<1000000x16xf32, #tpu.memory_space<hbm>>
        tpu.wait_indirect_dma semaphore(%arg12 : memref<!tpu.dma_semaphore, #tpu.memory_space<semaphore_mem>>) src(%dma_wait3A_995 : memref<1000000x16xf32, #tpu.memory_space<hbm>>) dst(%dma_wait3A_985 : memref<128x16xf32, #tpu.memory_space<vmem>>)
        %dma_wait3A_996 = arith.constant 1 : i32
        %dma_wait3A_997 = arith.constant 25 : i32
        %dma_wait3A_998 = arith.constant 25 : i32
        %dma_wait3A_999 = arith.constant 0 : i32
        %dma_wait3A_1000 = arith.constant 0 : i32
        %dma_wait3A_1001 = tpu.memref_slice %arg11[%dma_wait3A_998, %dma_wait3A_999, %dma_wait3A_1000] : memref<32x128x16xf32, #tpu.memory_space<vmem>> -> memref<1x128x16xf32, #tpu.memory_space<vmem>>
        %dma_wait3A_1002 = tpu.memref_squeeze %dma_wait3A_1001 : memref<1x128x16xf32, #tpu.memory_space<vmem>> -> memref<128x16xf32, #tpu.memory_space<vmem>>
        %dma_wait3A_1003 = arith.constant 0 : i32
        %dma_wait3A_1004 = tpu.memref_slice %arg10[%dma_wait3A_997, %dma_wait3A_1003] : memref<32x128xi32, #tpu.memory_space<vmem>> -> memref<1x128xi32, #tpu.memory_space<vmem>>
        %dma_wait3A_1005 = tpu.memref_squeeze %dma_wait3A_1004 : memref<1x128xi32, #tpu.memory_space<vmem>> -> memref<128xi32, #tpu.memory_space<vmem>>
        %dma_wait3A_1006 = arith.constant 0 : i32
        %dma_wait3A_1007 = arith.constant 0 : i32
        %dma_wait3A_1008 = tpu.memref_slice %arg2[%dma_wait3A_996, %dma_wait3A_1006, %dma_wait3A_1007] : memref<2x1000000x16xf32, #tpu.memory_space<hbm>> -> memref<1x1000000x16xf32, #tpu.memory_space<hbm>>
        %dma_wait3A_1009 = tpu.memref_squeeze %dma_wait3A_1008 : memref<1x1000000x16xf32, #tpu.memory_space<hbm>> -> memref<1000000x16xf32, #tpu.memory_space<hbm>>
        %dma_wait3A_1010 = arith.constant 0 : i32
        %dma_wait3A_1011 = arith.constant 0 : i32
        %dma_wait3A_1012 = tpu.memref_slice %dma_wait3A_1009[%dma_wait3A_1010, %dma_wait3A_1011] : memref<1000000x16xf32, #tpu.memory_space<hbm>> -> memref<1000000x16xf32, #tpu.memory_space<hbm>>
        tpu.wait_indirect_dma semaphore(%arg12 : memref<!tpu.dma_semaphore, #tpu.memory_space<semaphore_mem>>) src(%dma_wait3A_1012 : memref<1000000x16xf32, #tpu.memory_space<hbm>>) dst(%dma_wait3A_1002 : memref<128x16xf32, #tpu.memory_space<vmem>>)
        %dma_wait3A_1013 = arith.constant 1 : i32
        %dma_wait3A_1014 = arith.constant 26 : i32
        %dma_wait3A_1015 = arith.constant 26 : i32
        %dma_wait3A_1016 = arith.constant 0 : i32
        %dma_wait3A_1017 = arith.constant 0 : i32
        %dma_wait3A_1018 = tpu.memref_slice %arg11[%dma_wait3A_1015, %dma_wait3A_1016, %dma_wait3A_1017] : memref<32x128x16xf32, #tpu.memory_space<vmem>> -> memref<1x128x16xf32, #tpu.memory_space<vmem>>
        %dma_wait3A_1019 = tpu.memref_squeeze %dma_wait3A_1018 : memref<1x128x16xf32, #tpu.memory_space<vmem>> -> memref<128x16xf32, #tpu.memory_space<vmem>>
        %dma_wait3A_1020 = arith.constant 0 : i32
        %dma_wait3A_1021 = tpu.memref_slice %arg10[%dma_wait3A_1014, %dma_wait3A_1020] : memref<32x128xi32, #tpu.memory_space<vmem>> -> memref<1x128xi32, #tpu.memory_space<vmem>>
        %dma_wait3A_1022 = tpu.memref_squeeze %dma_wait3A_1021 : memref<1x128xi32, #tpu.memory_space<vmem>> -> memref<128xi32, #tpu.memory_space<vmem>>
        %dma_wait3A_1023 = arith.constant 0 : i32
        %dma_wait3A_1024 = arith.constant 0 : i32
        %dma_wait3A_1025 = tpu.memref_slice %arg2[%dma_wait3A_1013, %dma_wait3A_1023, %dma_wait3A_1024] : memref<2x1000000x16xf32, #tpu.memory_space<hbm>> -> memref<1x1000000x16xf32, #tpu.memory_space<hbm>>
        %dma_wait3A_1026 = tpu.memref_squeeze %dma_wait3A_1025 : memref<1x1000000x16xf32, #tpu.memory_space<hbm>> -> memref<1000000x16xf32, #tpu.memory_space<hbm>>
        %dma_wait3A_1027 = arith.constant 0 : i32
        %dma_wait3A_1028 = arith.constant 0 : i32
        %dma_wait3A_1029 = tpu.memref_slice %dma_wait3A_1026[%dma_wait3A_1027, %dma_wait3A_1028] : memref<1000000x16xf32, #tpu.memory_space<hbm>> -> memref<1000000x16xf32, #tpu.memory_space<hbm>>
        tpu.wait_indirect_dma semaphore(%arg12 : memref<!tpu.dma_semaphore, #tpu.memory_space<semaphore_mem>>) src(%dma_wait3A_1029 : memref<1000000x16xf32, #tpu.memory_space<hbm>>) dst(%dma_wait3A_1019 : memref<128x16xf32, #tpu.memory_space<vmem>>)
        %dma_wait3A_1030 = arith.constant 1 : i32
        %dma_wait3A_1031 = arith.constant 27 : i32
        %dma_wait3A_1032 = arith.constant 27 : i32
        %dma_wait3A_1033 = arith.constant 0 : i32
        %dma_wait3A_1034 = arith.constant 0 : i32
        %dma_wait3A_1035 = tpu.memref_slice %arg11[%dma_wait3A_1032, %dma_wait3A_1033, %dma_wait3A_1034] : memref<32x128x16xf32, #tpu.memory_space<vmem>> -> memref<1x128x16xf32, #tpu.memory_space<vmem>>
        %dma_wait3A_1036 = tpu.memref_squeeze %dma_wait3A_1035 : memref<1x128x16xf32, #tpu.memory_space<vmem>> -> memref<128x16xf32, #tpu.memory_space<vmem>>
        %dma_wait3A_1037 = arith.constant 0 : i32
        %dma_wait3A_1038 = tpu.memref_slice %arg10[%dma_wait3A_1031, %dma_wait3A_1037] : memref<32x128xi32, #tpu.memory_space<vmem>> -> memref<1x128xi32, #tpu.memory_space<vmem>>
        %dma_wait3A_1039 = tpu.memref_squeeze %dma_wait3A_1038 : memref<1x128xi32, #tpu.memory_space<vmem>> -> memref<128xi32, #tpu.memory_space<vmem>>
        %dma_wait3A_1040 = arith.constant 0 : i32
        %dma_wait3A_1041 = arith.constant 0 : i32
        %dma_wait3A_1042 = tpu.memref_slice %arg2[%dma_wait3A_1030, %dma_wait3A_1040, %dma_wait3A_1041] : memref<2x1000000x16xf32, #tpu.memory_space<hbm>> -> memref<1x1000000x16xf32, #tpu.memory_space<hbm>>
        %dma_wait3A_1043 = tpu.memref_squeeze %dma_wait3A_1042 : memref<1x1000000x16xf32, #tpu.memory_space<hbm>> -> memref<1000000x16xf32, #tpu.memory_space<hbm>>
        %dma_wait3A_1044 = arith.constant 0 : i32
        %dma_wait3A_1045 = arith.constant 0 : i32
        %dma_wait3A_1046 = tpu.memref_slice %dma_wait3A_1043[%dma_wait3A_1044, %dma_wait3A_1045] : memref<1000000x16xf32, #tpu.memory_space<hbm>> -> memref<1000000x16xf32, #tpu.memory_space<hbm>>
        tpu.wait_indirect_dma semaphore(%arg12 : memref<!tpu.dma_semaphore, #tpu.memory_space<semaphore_mem>>) src(%dma_wait3A_1046 : memref<1000000x16xf32, #tpu.memory_space<hbm>>) dst(%dma_wait3A_1036 : memref<128x16xf32, #tpu.memory_space<vmem>>)
        %dma_wait3A_1047 = arith.constant 1 : i32
        %dma_wait3A_1048 = arith.constant 28 : i32
        %dma_wait3A_1049 = arith.constant 28 : i32
        %dma_wait3A_1050 = arith.constant 0 : i32
        %dma_wait3A_1051 = arith.constant 0 : i32
        %dma_wait3A_1052 = tpu.memref_slice %arg11[%dma_wait3A_1049, %dma_wait3A_1050, %dma_wait3A_1051] : memref<32x128x16xf32, #tpu.memory_space<vmem>> -> memref<1x128x16xf32, #tpu.memory_space<vmem>>
        %dma_wait3A_1053 = tpu.memref_squeeze %dma_wait3A_1052 : memref<1x128x16xf32, #tpu.memory_space<vmem>> -> memref<128x16xf32, #tpu.memory_space<vmem>>
        %dma_wait3A_1054 = arith.constant 0 : i32
        %dma_wait3A_1055 = tpu.memref_slice %arg10[%dma_wait3A_1048, %dma_wait3A_1054] : memref<32x128xi32, #tpu.memory_space<vmem>> -> memref<1x128xi32, #tpu.memory_space<vmem>>
        %dma_wait3A_1056 = tpu.memref_squeeze %dma_wait3A_1055 : memref<1x128xi32, #tpu.memory_space<vmem>> -> memref<128xi32, #tpu.memory_space<vmem>>
        %dma_wait3A_1057 = arith.constant 0 : i32
        %dma_wait3A_1058 = arith.constant 0 : i32
        %dma_wait3A_1059 = tpu.memref_slice %arg2[%dma_wait3A_1047, %dma_wait3A_1057, %dma_wait3A_1058] : memref<2x1000000x16xf32, #tpu.memory_space<hbm>> -> memref<1x1000000x16xf32, #tpu.memory_space<hbm>>
        %dma_wait3A_1060 = tpu.memref_squeeze %dma_wait3A_1059 : memref<1x1000000x16xf32, #tpu.memory_space<hbm>> -> memref<1000000x16xf32, #tpu.memory_space<hbm>>
        %dma_wait3A_1061 = arith.constant 0 : i32
        %dma_wait3A_1062 = arith.constant 0 : i32
        %dma_wait3A_1063 = tpu.memref_slice %dma_wait3A_1060[%dma_wait3A_1061, %dma_wait3A_1062] : memref<1000000x16xf32, #tpu.memory_space<hbm>> -> memref<1000000x16xf32, #tpu.memory_space<hbm>>
        tpu.wait_indirect_dma semaphore(%arg12 : memref<!tpu.dma_semaphore, #tpu.memory_space<semaphore_mem>>) src(%dma_wait3A_1063 : memref<1000000x16xf32, #tpu.memory_space<hbm>>) dst(%dma_wait3A_1053 : memref<128x16xf32, #tpu.memory_space<vmem>>)
        %dma_wait3A_1064 = arith.constant 1 : i32
        %dma_wait3A_1065 = arith.constant 29 : i32
        %dma_wait3A_1066 = arith.constant 29 : i32
        %dma_wait3A_1067 = arith.constant 0 : i32
        %dma_wait3A_1068 = arith.constant 0 : i32
        %dma_wait3A_1069 = tpu.memref_slice %arg11[%dma_wait3A_1066, %dma_wait3A_1067, %dma_wait3A_1068] : memref<32x128x16xf32, #tpu.memory_space<vmem>> -> memref<1x128x16xf32, #tpu.memory_space<vmem>>
        %dma_wait3A_1070 = tpu.memref_squeeze %dma_wait3A_1069 : memref<1x128x16xf32, #tpu.memory_space<vmem>> -> memref<128x16xf32, #tpu.memory_space<vmem>>
        %dma_wait3A_1071 = arith.constant 0 : i32
        %dma_wait3A_1072 = tpu.memref_slice %arg10[%dma_wait3A_1065, %dma_wait3A_1071] : memref<32x128xi32, #tpu.memory_space<vmem>> -> memref<1x128xi32, #tpu.memory_space<vmem>>
        %dma_wait3A_1073 = tpu.memref_squeeze %dma_wait3A_1072 : memref<1x128xi32, #tpu.memory_space<vmem>> -> memref<128xi32, #tpu.memory_space<vmem>>
        %dma_wait3A_1074 = arith.constant 0 : i32
        %dma_wait3A_1075 = arith.constant 0 : i32
        %dma_wait3A_1076 = tpu.memref_slice %arg2[%dma_wait3A_1064, %dma_wait3A_1074, %dma_wait3A_1075] : memref<2x1000000x16xf32, #tpu.memory_space<hbm>> -> memref<1x1000000x16xf32, #tpu.memory_space<hbm>>
        %dma_wait3A_1077 = tpu.memref_squeeze %dma_wait3A_1076 : memref<1x1000000x16xf32, #tpu.memory_space<hbm>> -> memref<1000000x16xf32, #tpu.memory_space<hbm>>
        %dma_wait3A_1078 = arith.constant 0 : i32
        %dma_wait3A_1079 = arith.constant 0 : i32
        %dma_wait3A_1080 = tpu.memref_slice %dma_wait3A_1077[%dma_wait3A_1078, %dma_wait3A_1079] : memref<1000000x16xf32, #tpu.memory_space<hbm>> -> memref<1000000x16xf32, #tpu.memory_space<hbm>>
        tpu.wait_indirect_dma semaphore(%arg12 : memref<!tpu.dma_semaphore, #tpu.memory_space<semaphore_mem>>) src(%dma_wait3A_1080 : memref<1000000x16xf32, #tpu.memory_space<hbm>>) dst(%dma_wait3A_1070 : memref<128x16xf32, #tpu.memory_space<vmem>>)
        %dma_wait3A_1081 = arith.constant 1 : i32
        %dma_wait3A_1082 = arith.constant 30 : i32
        %dma_wait3A_1083 = arith.constant 30 : i32
        %dma_wait3A_1084 = arith.constant 0 : i32
        %dma_wait3A_1085 = arith.constant 0 : i32
        %dma_wait3A_1086 = tpu.memref_slice %arg11[%dma_wait3A_1083, %dma_wait3A_1084, %dma_wait3A_1085] : memref<32x128x16xf32, #tpu.memory_space<vmem>> -> memref<1x128x16xf32, #tpu.memory_space<vmem>>
        %dma_wait3A_1087 = tpu.memref_squeeze %dma_wait3A_1086 : memref<1x128x16xf32, #tpu.memory_space<vmem>> -> memref<128x16xf32, #tpu.memory_space<vmem>>
        %dma_wait3A_1088 = arith.constant 0 : i32
        %dma_wait3A_1089 = tpu.memref_slice %arg10[%dma_wait3A_1082, %dma_wait3A_1088] : memref<32x128xi32, #tpu.memory_space<vmem>> -> memref<1x128xi32, #tpu.memory_space<vmem>>
        %dma_wait3A_1090 = tpu.memref_squeeze %dma_wait3A_1089 : memref<1x128xi32, #tpu.memory_space<vmem>> -> memref<128xi32, #tpu.memory_space<vmem>>
        %dma_wait3A_1091 = arith.constant 0 : i32
        %dma_wait3A_1092 = arith.constant 0 : i32
        %dma_wait3A_1093 = tpu.memref_slice %arg2[%dma_wait3A_1081, %dma_wait3A_1091, %dma_wait3A_1092] : memref<2x1000000x16xf32, #tpu.memory_space<hbm>> -> memref<1x1000000x16xf32, #tpu.memory_space<hbm>>
        %dma_wait3A_1094 = tpu.memref_squeeze %dma_wait3A_1093 : memref<1x1000000x16xf32, #tpu.memory_space<hbm>> -> memref<1000000x16xf32, #tpu.memory_space<hbm>>
        %dma_wait3A_1095 = arith.constant 0 : i32
        %dma_wait3A_1096 = arith.constant 0 : i32
        %dma_wait3A_1097 = tpu.memref_slice %dma_wait3A_1094[%dma_wait3A_1095, %dma_wait3A_1096] : memref<1000000x16xf32, #tpu.memory_space<hbm>> -> memref<1000000x16xf32, #tpu.memory_space<hbm>>
        tpu.wait_indirect_dma semaphore(%arg12 : memref<!tpu.dma_semaphore, #tpu.memory_space<semaphore_mem>>) src(%dma_wait3A_1097 : memref<1000000x16xf32, #tpu.memory_space<hbm>>) dst(%dma_wait3A_1087 : memref<128x16xf32, #tpu.memory_space<vmem>>)
        %dma_wait3A_1098 = arith.constant 1 : i32
        %dma_wait3A_1099 = arith.constant 31 : i32
        %dma_wait3A_1100 = arith.constant 31 : i32
        %dma_wait3A_1101 = arith.constant 0 : i32
        %dma_wait3A_1102 = arith.constant 0 : i32
        %dma_wait3A_1103 = tpu.memref_slice %arg11[%dma_wait3A_1100, %dma_wait3A_1101, %dma_wait3A_1102] : memref<32x128x16xf32, #tpu.memory_space<vmem>> -> memref<1x128x16xf32, #tpu.memory_space<vmem>>
        %dma_wait3A_1104 = tpu.memref_squeeze %dma_wait3A_1103 : memref<1x128x16xf32, #tpu.memory_space<vmem>> -> memref<128x16xf32, #tpu.memory_space<vmem>>
        %dma_wait3A_1105 = arith.constant 0 : i32
        %dma_wait3A_1106 = tpu.memref_slice %arg10[%dma_wait3A_1099, %dma_wait3A_1105] : memref<32x128xi32, #tpu.memory_space<vmem>> -> memref<1x128xi32, #tpu.memory_space<vmem>>
        %dma_wait3A_1107 = tpu.memref_squeeze %dma_wait3A_1106 : memref<1x128xi32, #tpu.memory_space<vmem>> -> memref<128xi32, #tpu.memory_space<vmem>>
        %dma_wait3A_1108 = arith.constant 0 : i32
        %dma_wait3A_1109 = arith.constant 0 : i32
        %dma_wait3A_1110 = tpu.memref_slice %arg2[%dma_wait3A_1098, %dma_wait3A_1108, %dma_wait3A_1109] : memref<2x1000000x16xf32, #tpu.memory_space<hbm>> -> memref<1x1000000x16xf32, #tpu.memory_space<hbm>>
        %dma_wait3A_1111 = tpu.memref_squeeze %dma_wait3A_1110 : memref<1x1000000x16xf32, #tpu.memory_space<hbm>> -> memref<1000000x16xf32, #tpu.memory_space<hbm>>
        %dma_wait3A_1112 = arith.constant 0 : i32
        %dma_wait3A_1113 = arith.constant 0 : i32
        %dma_wait3A_1114 = tpu.memref_slice %dma_wait3A_1111[%dma_wait3A_1112, %dma_wait3A_1113] : memref<1000000x16xf32, #tpu.memory_space<hbm>> -> memref<1000000x16xf32, #tpu.memory_space<hbm>>
        tpu.wait_indirect_dma semaphore(%arg12 : memref<!tpu.dma_semaphore, #tpu.memory_space<semaphore_mem>>) src(%dma_wait3A_1114 : memref<1000000x16xf32, #tpu.memory_space<hbm>>) dst(%dma_wait3A_1104 : memref<128x16xf32, #tpu.memory_space<vmem>>)
        %mul3A_1115 = arith.constant 32 : i32
        %mul3A_1116 = arith.muli %add3A_22, %mul3A_1115 : i32
        "tpu.region"() ({
          %run_scoped3A = tpu.sem_alloc : memref<!tpu.dma_semaphore, #tpu.memory_space<semaphore_mem>>
          %dma_start3A_1117 = arith.constant 0 : i32
          %dma_start3A_1118 = arith.constant 0 : i32
          %dma_start3A_1119 = tpu.memref_slice %arg8[%mul3A_1116, %dma_start3A_1117, %dma_start3A_1118] : memref<1632x128x16xf32, #tpu.memory_space<hbm>> -> memref<32x128x16xf32, #tpu.memory_space<hbm>>
          %dma_start3A_1120 = arith.constant 0 : i32
          %dma_start3A_1121 = arith.constant 0 : i32
          %dma_start3A_1122 = tpu.memref_slice %arg8[%mul3A_1116, %dma_start3A_1120, %dma_start3A_1121] : memref<1632x128x16xf32, #tpu.memory_space<hbm>> -> memref<32x128x16xf32, #tpu.memory_space<hbm>>
          tpu.enqueue_dma source(%arg11 : memref<32x128x16xf32, #tpu.memory_space<vmem>>) target(%dma_start3A_1122 : memref<32x128x16xf32, #tpu.memory_space<hbm>>) target_semaphore(%run_scoped3A : memref<!tpu.dma_semaphore, #tpu.memory_space<semaphore_mem>>)
          %dma_wait3A_1123 = arith.constant 0 : i32
          %dma_wait3A_1124 = arith.constant 0 : i32
          %dma_wait3A_1125 = tpu.memref_slice %arg8[%mul3A_1116, %dma_wait3A_1123, %dma_wait3A_1124] : memref<1632x128x16xf32, #tpu.memory_space<hbm>> -> memref<32x128x16xf32, #tpu.memory_space<hbm>>
          %dma_wait3A_1126 = arith.constant 0 : i32
          %dma_wait3A_1127 = arith.constant 0 : i32
          %dma_wait3A_1128 = tpu.memref_slice %arg8[%mul3A_1116, %dma_wait3A_1126, %dma_wait3A_1127] : memref<1632x128x16xf32, #tpu.memory_space<hbm>> -> memref<32x128x16xf32, #tpu.memory_space<hbm>>
          tpu.wait_dma2 semaphore(%run_scoped3A : memref<!tpu.dma_semaphore, #tpu.memory_space<semaphore_mem>>) src(%arg11 : memref<32x128x16xf32, #tpu.memory_space<vmem>>) dst(%dma_wait3A_1128 : memref<32x128x16xf32, #tpu.memory_space<hbm>>)
          tpu.yield
        }) : () -> ()
      } else {
      }
      %scan3A_28 = arith.constant 0 : i32
      scf.yield %scan3A_28 : i32
    }
    %scan3A_13 = arith.constant 2 : i32
    %add3A_14 = arith.constant 0 : i32
    %add3A_15 = arith.addi %add3A, %add3A_14 : i32
    %lt3A = arith.constant 24 : i32
    %lt3A_16 = arith.cmpi slt, %add3A_15, %lt3A : i32
    %convert_element_type3A = arith.extui %lt3A_16 : i1 to i32
    %cond3A = arith.constant 0 : i32
    %cond3A_17 = arith.cmpi ne, %convert_element_type3A, %cond3A : i32
    scf.if %cond3A_17 {
      %jit3A = arith.constant 1 : i32
      %div3A = arith.divsi %add3A_15, %jit3A : i32
      %sign3A = arith.constant 0 : i32
      %sign3A_18 = arith.cmpi sgt, %add3A_15, %sign3A : i32
      %sign3A_19 = arith.extui %sign3A_18 : i1 to i32
      %sign3A_20 = arith.constant 0 : i32
      %sign3A_21 = arith.cmpi slt, %add3A_15, %sign3A_20 : i32
      %sign3A_22 = arith.extui %sign3A_21 : i1 to i32
      %sign3A_23 = arith.subi %sign3A_19, %sign3A_22 : i32
      %sign3A_24 = arith.constant 0 : i32
      %sign3A_25 = arith.cmpi sgt, %jit3A, %sign3A_24 : i32
      %sign3A_26 = arith.extui %sign3A_25 : i1 to i32
      %sign3A_27 = arith.constant 0 : i32
      %sign3A_28 = arith.cmpi slt, %jit3A, %sign3A_27 : i32
      %sign3A_29 = arith.extui %sign3A_28 : i1 to i32
      %sign3A_30 = arith.subi %sign3A_26, %sign3A_29 : i32
      %ne3A = arith.cmpi ne, %sign3A_23, %sign3A_30 : i32
      %rem3A = arith.remsi %add3A_15, %jit3A : i32
      %ne3A_31 = arith.constant 0 : i32
      %ne3A_32 = arith.cmpi ne, %rem3A, %ne3A_31 : i32
      %and3A = arith.andi %ne3A, %ne3A_32 : i1
      %sub3A = arith.constant 1 : i32
      %sub3A_33 = arith.subi %div3A, %sub3A : i32
      %select_n3A = arith.select %and3A, %sub3A_33, %div3A : i32
      "tpu.region"() ({
        %run_scoped3A = tpu.sem_alloc : memref<!tpu.dma_semaphore, #tpu.memory_space<semaphore_mem>>
        %dma_start3A_1058 = arith.constant 0 : i32
        %dma_start3A_1059 = arith.constant 0 : i32
        %dma_start3A_1060 = tpu.memref_slice %arg6[%add3A_15, %dma_start3A_1058, %dma_start3A_1059] : memref<24x32x128xi32, #tpu.memory_space<hbm>> -> memref<1x32x128xi32, #tpu.memory_space<hbm>>
        %dma_start3A_1061 = tpu.memref_squeeze %dma_start3A_1060 : memref<1x32x128xi32, #tpu.memory_space<hbm>> -> memref<32x128xi32, #tpu.memory_space<hbm>>
        %dma_start3A_1062 = arith.constant 0 : i32
        %dma_start3A_1063 = arith.constant 0 : i32
        %dma_start3A_1064 = tpu.memref_slice %arg6[%add3A_15, %dma_start3A_1062, %dma_start3A_1063] : memref<24x32x128xi32, #tpu.memory_space<hbm>> -> memref<1x32x128xi32, #tpu.memory_space<hbm>>
        %dma_start3A_1065 = tpu.memref_squeeze %dma_start3A_1064 : memref<1x32x128xi32, #tpu.memory_space<hbm>> -> memref<32x128xi32, #tpu.memory_space<hbm>>
        tpu.enqueue_dma source(%dma_start3A_1065 : memref<32x128xi32, #tpu.memory_space<hbm>>) target(%arg10 : memref<32x128xi32, #tpu.memory_space<vmem>>) target_semaphore(%run_scoped3A : memref<!tpu.dma_semaphore, #tpu.memory_space<semaphore_mem>>)
        %dma_wait3A_1066 = arith.constant 0 : i32
        %dma_wait3A_1067 = arith.constant 0 : i32
        %dma_wait3A_1068 = tpu.memref_slice %arg6[%add3A_15, %dma_wait3A_1066, %dma_wait3A_1067] : memref<24x32x128xi32, #tpu.memory_space<hbm>> -> memref<1x32x128xi32, #tpu.memory_space<hbm>>
        %dma_wait3A_1069 = tpu.memref_squeeze %dma_wait3A_1068 : memref<1x32x128xi32, #tpu.memory_space<hbm>> -> memref<32x128xi32, #tpu.memory_space<hbm>>
        %dma_wait3A_1070 = arith.constant 0 : i32
        %dma_wait3A_1071 = arith.constant 0 : i32
        %dma_wait3A_1072 = tpu.memref_slice %arg6[%add3A_15, %dma_wait3A_1070, %dma_wait3A_1071] : memref<24x32x128xi32, #tpu.memory_space<hbm>> -> memref<1x32x128xi32, #tpu.memory_space<hbm>>
        %dma_wait3A_1073 = tpu.memref_squeeze %dma_wait3A_1072 : memref<1x32x128xi32, #tpu.memory_space<hbm>> -> memref<32x128xi32, #tpu.memory_space<hbm>>
        tpu.wait_dma2 semaphore(%run_scoped3A : memref<!tpu.dma_semaphore, #tpu.memory_space<semaphore_mem>>) src(%dma_wait3A_1073 : memref<32x128xi32, #tpu.memory_space<hbm>>) dst(%arg10 : memref<32x128xi32, #tpu.memory_space<vmem>>)
        tpu.yield
      }) : () -> ()
      %dma_start3A = arith.constant 0 : i32
      %dma_start3A_34 = arith.constant 0 : i32
      %dma_start3A_35 = arith.constant 0 : i32
      %dma_start3A_36 = arith.constant 0 : i32
      %dma_start3A_37 = tpu.memref_slice %arg11[%dma_start3A_34, %dma_start3A_35, %dma_start3A_36] : memref<32x128x16xf32, #tpu.memory_space<vmem>> -> memref<1x128x16xf32, #tpu.memory_space<vmem>>
      %dma_start3A_38 = tpu.memref_squeeze %dma_start3A_37 : memref<1x128x16xf32, #tpu.memory_space<vmem>> -> memref<128x16xf32, #tpu.memory_space<vmem>>
      %dma_start3A_39 = arith.constant 0 : i32
      %dma_start3A_40 = tpu.memref_slice %arg10[%dma_start3A, %dma_start3A_39] : memref<32x128xi32, #tpu.memory_space<vmem>> -> memref<1x128xi32, #tpu.memory_space<vmem>>
      %dma_start3A_41 = tpu.memref_squeeze %dma_start3A_40 : memref<1x128xi32, #tpu.memory_space<vmem>> -> memref<128xi32, #tpu.memory_space<vmem>>
      %dma_start3A_42 = arith.constant 0 : i32
      %dma_start3A_43 = arith.constant 0 : i32
      %dma_start3A_44 = tpu.memref_slice %arg3[%select_n3A, %dma_start3A_42, %dma_start3A_43] : memref<24x100000x16xf32, #tpu.memory_space<hbm>> -> memref<1x100000x16xf32, #tpu.memory_space<hbm>>
      %dma_start3A_45 = tpu.memref_squeeze %dma_start3A_44 : memref<1x100000x16xf32, #tpu.memory_space<hbm>> -> memref<100000x16xf32, #tpu.memory_space<hbm>>
      %dma_start3A_46 = arith.constant 0 : i32
      %dma_start3A_47 = arith.constant 0 : i32
      %dma_start3A_48 = tpu.memref_slice %dma_start3A_45[%dma_start3A_46, %dma_start3A_47] : memref<100000x16xf32, #tpu.memory_space<hbm>> -> memref<100000x16xf32, #tpu.memory_space<hbm>>
      tpu.enqueue_indirect_dma source(%dma_start3A_48 : memref<100000x16xf32, #tpu.memory_space<hbm>>) target(%dma_start3A_38 : memref<128x16xf32, #tpu.memory_space<vmem>>) offsets(%dma_start3A_41 : memref<128xi32, #tpu.memory_space<vmem>>) semaphore(%arg12 : memref<!tpu.dma_semaphore, #tpu.memory_space<semaphore_mem>>)
      %dma_start3A_49 = arith.constant 1 : i32
      %dma_start3A_50 = arith.constant 1 : i32
      %dma_start3A_51 = arith.constant 0 : i32
      %dma_start3A_52 = arith.constant 0 : i32
      %dma_start3A_53 = tpu.memref_slice %arg11[%dma_start3A_50, %dma_start3A_51, %dma_start3A_52] : memref<32x128x16xf32, #tpu.memory_space<vmem>> -> memref<1x128x16xf32, #tpu.memory_space<vmem>>
      %dma_start3A_54 = tpu.memref_squeeze %dma_start3A_53 : memref<1x128x16xf32, #tpu.memory_space<vmem>> -> memref<128x16xf32, #tpu.memory_space<vmem>>
      %dma_start3A_55 = arith.constant 0 : i32
      %dma_start3A_56 = tpu.memref_slice %arg10[%dma_start3A_49, %dma_start3A_55] : memref<32x128xi32, #tpu.memory_space<vmem>> -> memref<1x128xi32, #tpu.memory_space<vmem>>
      %dma_start3A_57 = tpu.memref_squeeze %dma_start3A_56 : memref<1x128xi32, #tpu.memory_space<vmem>> -> memref<128xi32, #tpu.memory_space<vmem>>
      %dma_start3A_58 = arith.constant 0 : i32
      %dma_start3A_59 = arith.constant 0 : i32
      %dma_start3A_60 = tpu.memref_slice %arg3[%select_n3A, %dma_start3A_58, %dma_start3A_59] : memref<24x100000x16xf32, #tpu.memory_space<hbm>> -> memref<1x100000x16xf32, #tpu.memory_space<hbm>>
      %dma_start3A_61 = tpu.memref_squeeze %dma_start3A_60 : memref<1x100000x16xf32, #tpu.memory_space<hbm>> -> memref<100000x16xf32, #tpu.memory_space<hbm>>
      %dma_start3A_62 = arith.constant 0 : i32
      %dma_start3A_63 = arith.constant 0 : i32
      %dma_start3A_64 = tpu.memref_slice %dma_start3A_61[%dma_start3A_62, %dma_start3A_63] : memref<100000x16xf32, #tpu.memory_space<hbm>> -> memref<100000x16xf32, #tpu.memory_space<hbm>>
      tpu.enqueue_indirect_dma source(%dma_start3A_64 : memref<100000x16xf32, #tpu.memory_space<hbm>>) target(%dma_start3A_54 : memref<128x16xf32, #tpu.memory_space<vmem>>) offsets(%dma_start3A_57 : memref<128xi32, #tpu.memory_space<vmem>>) semaphore(%arg12 : memref<!tpu.dma_semaphore, #tpu.memory_space<semaphore_mem>>)
      %dma_start3A_65 = arith.constant 2 : i32
      %dma_start3A_66 = arith.constant 2 : i32
      %dma_start3A_67 = arith.constant 0 : i32
      %dma_start3A_68 = arith.constant 0 : i32
      %dma_start3A_69 = tpu.memref_slice %arg11[%dma_start3A_66, %dma_start3A_67, %dma_start3A_68] : memref<32x128x16xf32, #tpu.memory_space<vmem>> -> memref<1x128x16xf32, #tpu.memory_space<vmem>>
      %dma_start3A_70 = tpu.memref_squeeze %dma_start3A_69 : memref<1x128x16xf32, #tpu.memory_space<vmem>> -> memref<128x16xf32, #tpu.memory_space<vmem>>
      %dma_start3A_71 = arith.constant 0 : i32
      %dma_start3A_72 = tpu.memref_slice %arg10[%dma_start3A_65, %dma_start3A_71] : memref<32x128xi32, #tpu.memory_space<vmem>> -> memref<1x128xi32, #tpu.memory_space<vmem>>
      %dma_start3A_73 = tpu.memref_squeeze %dma_start3A_72 : memref<1x128xi32, #tpu.memory_space<vmem>> -> memref<128xi32, #tpu.memory_space<vmem>>
      %dma_start3A_74 = arith.constant 0 : i32
      %dma_start3A_75 = arith.constant 0 : i32
      %dma_start3A_76 = tpu.memref_slice %arg3[%select_n3A, %dma_start3A_74, %dma_start3A_75] : memref<24x100000x16xf32, #tpu.memory_space<hbm>> -> memref<1x100000x16xf32, #tpu.memory_space<hbm>>
      %dma_start3A_77 = tpu.memref_squeeze %dma_start3A_76 : memref<1x100000x16xf32, #tpu.memory_space<hbm>> -> memref<100000x16xf32, #tpu.memory_space<hbm>>
      %dma_start3A_78 = arith.constant 0 : i32
      %dma_start3A_79 = arith.constant 0 : i32
      %dma_start3A_80 = tpu.memref_slice %dma_start3A_77[%dma_start3A_78, %dma_start3A_79] : memref<100000x16xf32, #tpu.memory_space<hbm>> -> memref<100000x16xf32, #tpu.memory_space<hbm>>
      tpu.enqueue_indirect_dma source(%dma_start3A_80 : memref<100000x16xf32, #tpu.memory_space<hbm>>) target(%dma_start3A_70 : memref<128x16xf32, #tpu.memory_space<vmem>>) offsets(%dma_start3A_73 : memref<128xi32, #tpu.memory_space<vmem>>) semaphore(%arg12 : memref<!tpu.dma_semaphore, #tpu.memory_space<semaphore_mem>>)
      %dma_start3A_81 = arith.constant 3 : i32
      %dma_start3A_82 = arith.constant 3 : i32
      %dma_start3A_83 = arith.constant 0 : i32
      %dma_start3A_84 = arith.constant 0 : i32
      %dma_start3A_85 = tpu.memref_slice %arg11[%dma_start3A_82, %dma_start3A_83, %dma_start3A_84] : memref<32x128x16xf32, #tpu.memory_space<vmem>> -> memref<1x128x16xf32, #tpu.memory_space<vmem>>
      %dma_start3A_86 = tpu.memref_squeeze %dma_start3A_85 : memref<1x128x16xf32, #tpu.memory_space<vmem>> -> memref<128x16xf32, #tpu.memory_space<vmem>>
      %dma_start3A_87 = arith.constant 0 : i32
      %dma_start3A_88 = tpu.memref_slice %arg10[%dma_start3A_81, %dma_start3A_87] : memref<32x128xi32, #tpu.memory_space<vmem>> -> memref<1x128xi32, #tpu.memory_space<vmem>>
      %dma_start3A_89 = tpu.memref_squeeze %dma_start3A_88 : memref<1x128xi32, #tpu.memory_space<vmem>> -> memref<128xi32, #tpu.memory_space<vmem>>
      %dma_start3A_90 = arith.constant 0 : i32
      %dma_start3A_91 = arith.constant 0 : i32
      %dma_start3A_92 = tpu.memref_slice %arg3[%select_n3A, %dma_start3A_90, %dma_start3A_91] : memref<24x100000x16xf32, #tpu.memory_space<hbm>> -> memref<1x100000x16xf32, #tpu.memory_space<hbm>>
      %dma_start3A_93 = tpu.memref_squeeze %dma_start3A_92 : memref<1x100000x16xf32, #tpu.memory_space<hbm>> -> memref<100000x16xf32, #tpu.memory_space<hbm>>
      %dma_start3A_94 = arith.constant 0 : i32
      %dma_start3A_95 = arith.constant 0 : i32
      %dma_start3A_96 = tpu.memref_slice %dma_start3A_93[%dma_start3A_94, %dma_start3A_95] : memref<100000x16xf32, #tpu.memory_space<hbm>> -> memref<100000x16xf32, #tpu.memory_space<hbm>>
      tpu.enqueue_indirect_dma source(%dma_start3A_96 : memref<100000x16xf32, #tpu.memory_space<hbm>>) target(%dma_start3A_86 : memref<128x16xf32, #tpu.memory_space<vmem>>) offsets(%dma_start3A_89 : memref<128xi32, #tpu.memory_space<vmem>>) semaphore(%arg12 : memref<!tpu.dma_semaphore, #tpu.memory_space<semaphore_mem>>)
      %dma_start3A_97 = arith.constant 4 : i32
      %dma_start3A_98 = arith.constant 4 : i32
      %dma_start3A_99 = arith.constant 0 : i32
      %dma_start3A_100 = arith.constant 0 : i32
      %dma_start3A_101 = tpu.memref_slice %arg11[%dma_start3A_98, %dma_start3A_99, %dma_start3A_100] : memref<32x128x16xf32, #tpu.memory_space<vmem>> -> memref<1x128x16xf32, #tpu.memory_space<vmem>>
      %dma_start3A_102 = tpu.memref_squeeze %dma_start3A_101 : memref<1x128x16xf32, #tpu.memory_space<vmem>> -> memref<128x16xf32, #tpu.memory_space<vmem>>
      %dma_start3A_103 = arith.constant 0 : i32
      %dma_start3A_104 = tpu.memref_slice %arg10[%dma_start3A_97, %dma_start3A_103] : memref<32x128xi32, #tpu.memory_space<vmem>> -> memref<1x128xi32, #tpu.memory_space<vmem>>
      %dma_start3A_105 = tpu.memref_squeeze %dma_start3A_104 : memref<1x128xi32, #tpu.memory_space<vmem>> -> memref<128xi32, #tpu.memory_space<vmem>>
      %dma_start3A_106 = arith.constant 0 : i32
      %dma_start3A_107 = arith.constant 0 : i32
      %dma_start3A_108 = tpu.memref_slice %arg3[%select_n3A, %dma_start3A_106, %dma_start3A_107] : memref<24x100000x16xf32, #tpu.memory_space<hbm>> -> memref<1x100000x16xf32, #tpu.memory_space<hbm>>
      %dma_start3A_109 = tpu.memref_squeeze %dma_start3A_108 : memref<1x100000x16xf32, #tpu.memory_space<hbm>> -> memref<100000x16xf32, #tpu.memory_space<hbm>>
      %dma_start3A_110 = arith.constant 0 : i32
      %dma_start3A_111 = arith.constant 0 : i32
      %dma_start3A_112 = tpu.memref_slice %dma_start3A_109[%dma_start3A_110, %dma_start3A_111] : memref<100000x16xf32, #tpu.memory_space<hbm>> -> memref<100000x16xf32, #tpu.memory_space<hbm>>
      tpu.enqueue_indirect_dma source(%dma_start3A_112 : memref<100000x16xf32, #tpu.memory_space<hbm>>) target(%dma_start3A_102 : memref<128x16xf32, #tpu.memory_space<vmem>>) offsets(%dma_start3A_105 : memref<128xi32, #tpu.memory_space<vmem>>) semaphore(%arg12 : memref<!tpu.dma_semaphore, #tpu.memory_space<semaphore_mem>>)
      %dma_start3A_113 = arith.constant 5 : i32
      %dma_start3A_114 = arith.constant 5 : i32
      %dma_start3A_115 = arith.constant 0 : i32
      %dma_start3A_116 = arith.constant 0 : i32
      %dma_start3A_117 = tpu.memref_slice %arg11[%dma_start3A_114, %dma_start3A_115, %dma_start3A_116] : memref<32x128x16xf32, #tpu.memory_space<vmem>> -> memref<1x128x16xf32, #tpu.memory_space<vmem>>
      %dma_start3A_118 = tpu.memref_squeeze %dma_start3A_117 : memref<1x128x16xf32, #tpu.memory_space<vmem>> -> memref<128x16xf32, #tpu.memory_space<vmem>>
      %dma_start3A_119 = arith.constant 0 : i32
      %dma_start3A_120 = tpu.memref_slice %arg10[%dma_start3A_113, %dma_start3A_119] : memref<32x128xi32, #tpu.memory_space<vmem>> -> memref<1x128xi32, #tpu.memory_space<vmem>>
      %dma_start3A_121 = tpu.memref_squeeze %dma_start3A_120 : memref<1x128xi32, #tpu.memory_space<vmem>> -> memref<128xi32, #tpu.memory_space<vmem>>
      %dma_start3A_122 = arith.constant 0 : i32
      %dma_start3A_123 = arith.constant 0 : i32
      %dma_start3A_124 = tpu.memref_slice %arg3[%select_n3A, %dma_start3A_122, %dma_start3A_123] : memref<24x100000x16xf32, #tpu.memory_space<hbm>> -> memref<1x100000x16xf32, #tpu.memory_space<hbm>>
      %dma_start3A_125 = tpu.memref_squeeze %dma_start3A_124 : memref<1x100000x16xf32, #tpu.memory_space<hbm>> -> memref<100000x16xf32, #tpu.memory_space<hbm>>
      %dma_start3A_126 = arith.constant 0 : i32
      %dma_start3A_127 = arith.constant 0 : i32
      %dma_start3A_128 = tpu.memref_slice %dma_start3A_125[%dma_start3A_126, %dma_start3A_127] : memref<100000x16xf32, #tpu.memory_space<hbm>> -> memref<100000x16xf32, #tpu.memory_space<hbm>>
      tpu.enqueue_indirect_dma source(%dma_start3A_128 : memref<100000x16xf32, #tpu.memory_space<hbm>>) target(%dma_start3A_118 : memref<128x16xf32, #tpu.memory_space<vmem>>) offsets(%dma_start3A_121 : memref<128xi32, #tpu.memory_space<vmem>>) semaphore(%arg12 : memref<!tpu.dma_semaphore, #tpu.memory_space<semaphore_mem>>)
      %dma_start3A_129 = arith.constant 6 : i32
      %dma_start3A_130 = arith.constant 6 : i32
      %dma_start3A_131 = arith.constant 0 : i32
      %dma_start3A_132 = arith.constant 0 : i32
      %dma_start3A_133 = tpu.memref_slice %arg11[%dma_start3A_130, %dma_start3A_131, %dma_start3A_132] : memref<32x128x16xf32, #tpu.memory_space<vmem>> -> memref<1x128x16xf32, #tpu.memory_space<vmem>>
      %dma_start3A_134 = tpu.memref_squeeze %dma_start3A_133 : memref<1x128x16xf32, #tpu.memory_space<vmem>> -> memref<128x16xf32, #tpu.memory_space<vmem>>
      %dma_start3A_135 = arith.constant 0 : i32
      %dma_start3A_136 = tpu.memref_slice %arg10[%dma_start3A_129, %dma_start3A_135] : memref<32x128xi32, #tpu.memory_space<vmem>> -> memref<1x128xi32, #tpu.memory_space<vmem>>
      %dma_start3A_137 = tpu.memref_squeeze %dma_start3A_136 : memref<1x128xi32, #tpu.memory_space<vmem>> -> memref<128xi32, #tpu.memory_space<vmem>>
      %dma_start3A_138 = arith.constant 0 : i32
      %dma_start3A_139 = arith.constant 0 : i32
      %dma_start3A_140 = tpu.memref_slice %arg3[%select_n3A, %dma_start3A_138, %dma_start3A_139] : memref<24x100000x16xf32, #tpu.memory_space<hbm>> -> memref<1x100000x16xf32, #tpu.memory_space<hbm>>
      %dma_start3A_141 = tpu.memref_squeeze %dma_start3A_140 : memref<1x100000x16xf32, #tpu.memory_space<hbm>> -> memref<100000x16xf32, #tpu.memory_space<hbm>>
      %dma_start3A_142 = arith.constant 0 : i32
      %dma_start3A_143 = arith.constant 0 : i32
      %dma_start3A_144 = tpu.memref_slice %dma_start3A_141[%dma_start3A_142, %dma_start3A_143] : memref<100000x16xf32, #tpu.memory_space<hbm>> -> memref<100000x16xf32, #tpu.memory_space<hbm>>
      tpu.enqueue_indirect_dma source(%dma_start3A_144 : memref<100000x16xf32, #tpu.memory_space<hbm>>) target(%dma_start3A_134 : memref<128x16xf32, #tpu.memory_space<vmem>>) offsets(%dma_start3A_137 : memref<128xi32, #tpu.memory_space<vmem>>) semaphore(%arg12 : memref<!tpu.dma_semaphore, #tpu.memory_space<semaphore_mem>>)
      %dma_start3A_145 = arith.constant 7 : i32
      %dma_start3A_146 = arith.constant 7 : i32
      %dma_start3A_147 = arith.constant 0 : i32
      %dma_start3A_148 = arith.constant 0 : i32
      %dma_start3A_149 = tpu.memref_slice %arg11[%dma_start3A_146, %dma_start3A_147, %dma_start3A_148] : memref<32x128x16xf32, #tpu.memory_space<vmem>> -> memref<1x128x16xf32, #tpu.memory_space<vmem>>
      %dma_start3A_150 = tpu.memref_squeeze %dma_start3A_149 : memref<1x128x16xf32, #tpu.memory_space<vmem>> -> memref<128x16xf32, #tpu.memory_space<vmem>>
      %dma_start3A_151 = arith.constant 0 : i32
      %dma_start3A_152 = tpu.memref_slice %arg10[%dma_start3A_145, %dma_start3A_151] : memref<32x128xi32, #tpu.memory_space<vmem>> -> memref<1x128xi32, #tpu.memory_space<vmem>>
      %dma_start3A_153 = tpu.memref_squeeze %dma_start3A_152 : memref<1x128xi32, #tpu.memory_space<vmem>> -> memref<128xi32, #tpu.memory_space<vmem>>
      %dma_start3A_154 = arith.constant 0 : i32
      %dma_start3A_155 = arith.constant 0 : i32
      %dma_start3A_156 = tpu.memref_slice %arg3[%select_n3A, %dma_start3A_154, %dma_start3A_155] : memref<24x100000x16xf32, #tpu.memory_space<hbm>> -> memref<1x100000x16xf32, #tpu.memory_space<hbm>>
      %dma_start3A_157 = tpu.memref_squeeze %dma_start3A_156 : memref<1x100000x16xf32, #tpu.memory_space<hbm>> -> memref<100000x16xf32, #tpu.memory_space<hbm>>
      %dma_start3A_158 = arith.constant 0 : i32
      %dma_start3A_159 = arith.constant 0 : i32
      %dma_start3A_160 = tpu.memref_slice %dma_start3A_157[%dma_start3A_158, %dma_start3A_159] : memref<100000x16xf32, #tpu.memory_space<hbm>> -> memref<100000x16xf32, #tpu.memory_space<hbm>>
      tpu.enqueue_indirect_dma source(%dma_start3A_160 : memref<100000x16xf32, #tpu.memory_space<hbm>>) target(%dma_start3A_150 : memref<128x16xf32, #tpu.memory_space<vmem>>) offsets(%dma_start3A_153 : memref<128xi32, #tpu.memory_space<vmem>>) semaphore(%arg12 : memref<!tpu.dma_semaphore, #tpu.memory_space<semaphore_mem>>)
      %dma_start3A_161 = arith.constant 8 : i32
      %dma_start3A_162 = arith.constant 8 : i32
      %dma_start3A_163 = arith.constant 0 : i32
      %dma_start3A_164 = arith.constant 0 : i32
      %dma_start3A_165 = tpu.memref_slice %arg11[%dma_start3A_162, %dma_start3A_163, %dma_start3A_164] : memref<32x128x16xf32, #tpu.memory_space<vmem>> -> memref<1x128x16xf32, #tpu.memory_space<vmem>>
      %dma_start3A_166 = tpu.memref_squeeze %dma_start3A_165 : memref<1x128x16xf32, #tpu.memory_space<vmem>> -> memref<128x16xf32, #tpu.memory_space<vmem>>
      %dma_start3A_167 = arith.constant 0 : i32
      %dma_start3A_168 = tpu.memref_slice %arg10[%dma_start3A_161, %dma_start3A_167] : memref<32x128xi32, #tpu.memory_space<vmem>> -> memref<1x128xi32, #tpu.memory_space<vmem>>
      %dma_start3A_169 = tpu.memref_squeeze %dma_start3A_168 : memref<1x128xi32, #tpu.memory_space<vmem>> -> memref<128xi32, #tpu.memory_space<vmem>>
      %dma_start3A_170 = arith.constant 0 : i32
      %dma_start3A_171 = arith.constant 0 : i32
      %dma_start3A_172 = tpu.memref_slice %arg3[%select_n3A, %dma_start3A_170, %dma_start3A_171] : memref<24x100000x16xf32, #tpu.memory_space<hbm>> -> memref<1x100000x16xf32, #tpu.memory_space<hbm>>
      %dma_start3A_173 = tpu.memref_squeeze %dma_start3A_172 : memref<1x100000x16xf32, #tpu.memory_space<hbm>> -> memref<100000x16xf32, #tpu.memory_space<hbm>>
      %dma_start3A_174 = arith.constant 0 : i32
      %dma_start3A_175 = arith.constant 0 : i32
      %dma_start3A_176 = tpu.memref_slice %dma_start3A_173[%dma_start3A_174, %dma_start3A_175] : memref<100000x16xf32, #tpu.memory_space<hbm>> -> memref<100000x16xf32, #tpu.memory_space<hbm>>
      tpu.enqueue_indirect_dma source(%dma_start3A_176 : memref<100000x16xf32, #tpu.memory_space<hbm>>) target(%dma_start3A_166 : memref<128x16xf32, #tpu.memory_space<vmem>>) offsets(%dma_start3A_169 : memref<128xi32, #tpu.memory_space<vmem>>) semaphore(%arg12 : memref<!tpu.dma_semaphore, #tpu.memory_space<semaphore_mem>>)
      %dma_start3A_177 = arith.constant 9 : i32
      %dma_start3A_178 = arith.constant 9 : i32
      %dma_start3A_179 = arith.constant 0 : i32
      %dma_start3A_180 = arith.constant 0 : i32
      %dma_start3A_181 = tpu.memref_slice %arg11[%dma_start3A_178, %dma_start3A_179, %dma_start3A_180] : memref<32x128x16xf32, #tpu.memory_space<vmem>> -> memref<1x128x16xf32, #tpu.memory_space<vmem>>
      %dma_start3A_182 = tpu.memref_squeeze %dma_start3A_181 : memref<1x128x16xf32, #tpu.memory_space<vmem>> -> memref<128x16xf32, #tpu.memory_space<vmem>>
      %dma_start3A_183 = arith.constant 0 : i32
      %dma_start3A_184 = tpu.memref_slice %arg10[%dma_start3A_177, %dma_start3A_183] : memref<32x128xi32, #tpu.memory_space<vmem>> -> memref<1x128xi32, #tpu.memory_space<vmem>>
      %dma_start3A_185 = tpu.memref_squeeze %dma_start3A_184 : memref<1x128xi32, #tpu.memory_space<vmem>> -> memref<128xi32, #tpu.memory_space<vmem>>
      %dma_start3A_186 = arith.constant 0 : i32
      %dma_start3A_187 = arith.constant 0 : i32
      %dma_start3A_188 = tpu.memref_slice %arg3[%select_n3A, %dma_start3A_186, %dma_start3A_187] : memref<24x100000x16xf32, #tpu.memory_space<hbm>> -> memref<1x100000x16xf32, #tpu.memory_space<hbm>>
      %dma_start3A_189 = tpu.memref_squeeze %dma_start3A_188 : memref<1x100000x16xf32, #tpu.memory_space<hbm>> -> memref<100000x16xf32, #tpu.memory_space<hbm>>
      %dma_start3A_190 = arith.constant 0 : i32
      %dma_start3A_191 = arith.constant 0 : i32
      %dma_start3A_192 = tpu.memref_slice %dma_start3A_189[%dma_start3A_190, %dma_start3A_191] : memref<100000x16xf32, #tpu.memory_space<hbm>> -> memref<100000x16xf32, #tpu.memory_space<hbm>>
      tpu.enqueue_indirect_dma source(%dma_start3A_192 : memref<100000x16xf32, #tpu.memory_space<hbm>>) target(%dma_start3A_182 : memref<128x16xf32, #tpu.memory_space<vmem>>) offsets(%dma_start3A_185 : memref<128xi32, #tpu.memory_space<vmem>>) semaphore(%arg12 : memref<!tpu.dma_semaphore, #tpu.memory_space<semaphore_mem>>)
      %dma_start3A_193 = arith.constant 10 : i32
      %dma_start3A_194 = arith.constant 10 : i32
      %dma_start3A_195 = arith.constant 0 : i32
      %dma_start3A_196 = arith.constant 0 : i32
      %dma_start3A_197 = tpu.memref_slice %arg11[%dma_start3A_194, %dma_start3A_195, %dma_start3A_196] : memref<32x128x16xf32, #tpu.memory_space<vmem>> -> memref<1x128x16xf32, #tpu.memory_space<vmem>>
      %dma_start3A_198 = tpu.memref_squeeze %dma_start3A_197 : memref<1x128x16xf32, #tpu.memory_space<vmem>> -> memref<128x16xf32, #tpu.memory_space<vmem>>
      %dma_start3A_199 = arith.constant 0 : i32
      %dma_start3A_200 = tpu.memref_slice %arg10[%dma_start3A_193, %dma_start3A_199] : memref<32x128xi32, #tpu.memory_space<vmem>> -> memref<1x128xi32, #tpu.memory_space<vmem>>
      %dma_start3A_201 = tpu.memref_squeeze %dma_start3A_200 : memref<1x128xi32, #tpu.memory_space<vmem>> -> memref<128xi32, #tpu.memory_space<vmem>>
      %dma_start3A_202 = arith.constant 0 : i32
      %dma_start3A_203 = arith.constant 0 : i32
      %dma_start3A_204 = tpu.memref_slice %arg3[%select_n3A, %dma_start3A_202, %dma_start3A_203] : memref<24x100000x16xf32, #tpu.memory_space<hbm>> -> memref<1x100000x16xf32, #tpu.memory_space<hbm>>
      %dma_start3A_205 = tpu.memref_squeeze %dma_start3A_204 : memref<1x100000x16xf32, #tpu.memory_space<hbm>> -> memref<100000x16xf32, #tpu.memory_space<hbm>>
      %dma_start3A_206 = arith.constant 0 : i32
      %dma_start3A_207 = arith.constant 0 : i32
      %dma_start3A_208 = tpu.memref_slice %dma_start3A_205[%dma_start3A_206, %dma_start3A_207] : memref<100000x16xf32, #tpu.memory_space<hbm>> -> memref<100000x16xf32, #tpu.memory_space<hbm>>
      tpu.enqueue_indirect_dma source(%dma_start3A_208 : memref<100000x16xf32, #tpu.memory_space<hbm>>) target(%dma_start3A_198 : memref<128x16xf32, #tpu.memory_space<vmem>>) offsets(%dma_start3A_201 : memref<128xi32, #tpu.memory_space<vmem>>) semaphore(%arg12 : memref<!tpu.dma_semaphore, #tpu.memory_space<semaphore_mem>>)
      %dma_start3A_209 = arith.constant 11 : i32
      %dma_start3A_210 = arith.constant 11 : i32
      %dma_start3A_211 = arith.constant 0 : i32
      %dma_start3A_212 = arith.constant 0 : i32
      %dma_start3A_213 = tpu.memref_slice %arg11[%dma_start3A_210, %dma_start3A_211, %dma_start3A_212] : memref<32x128x16xf32, #tpu.memory_space<vmem>> -> memref<1x128x16xf32, #tpu.memory_space<vmem>>
      %dma_start3A_214 = tpu.memref_squeeze %dma_start3A_213 : memref<1x128x16xf32, #tpu.memory_space<vmem>> -> memref<128x16xf32, #tpu.memory_space<vmem>>
      %dma_start3A_215 = arith.constant 0 : i32
      %dma_start3A_216 = tpu.memref_slice %arg10[%dma_start3A_209, %dma_start3A_215] : memref<32x128xi32, #tpu.memory_space<vmem>> -> memref<1x128xi32, #tpu.memory_space<vmem>>
      %dma_start3A_217 = tpu.memref_squeeze %dma_start3A_216 : memref<1x128xi32, #tpu.memory_space<vmem>> -> memref<128xi32, #tpu.memory_space<vmem>>
      %dma_start3A_218 = arith.constant 0 : i32
      %dma_start3A_219 = arith.constant 0 : i32
      %dma_start3A_220 = tpu.memref_slice %arg3[%select_n3A, %dma_start3A_218, %dma_start3A_219] : memref<24x100000x16xf32, #tpu.memory_space<hbm>> -> memref<1x100000x16xf32, #tpu.memory_space<hbm>>
      %dma_start3A_221 = tpu.memref_squeeze %dma_start3A_220 : memref<1x100000x16xf32, #tpu.memory_space<hbm>> -> memref<100000x16xf32, #tpu.memory_space<hbm>>
      %dma_start3A_222 = arith.constant 0 : i32
      %dma_start3A_223 = arith.constant 0 : i32
      %dma_start3A_224 = tpu.memref_slice %dma_start3A_221[%dma_start3A_222, %dma_start3A_223] : memref<100000x16xf32, #tpu.memory_space<hbm>> -> memref<100000x16xf32, #tpu.memory_space<hbm>>
      tpu.enqueue_indirect_dma source(%dma_start3A_224 : memref<100000x16xf32, #tpu.memory_space<hbm>>) target(%dma_start3A_214 : memref<128x16xf32, #tpu.memory_space<vmem>>) offsets(%dma_start3A_217 : memref<128xi32, #tpu.memory_space<vmem>>) semaphore(%arg12 : memref<!tpu.dma_semaphore, #tpu.memory_space<semaphore_mem>>)
      %dma_start3A_225 = arith.constant 12 : i32
      %dma_start3A_226 = arith.constant 12 : i32
      %dma_start3A_227 = arith.constant 0 : i32
      %dma_start3A_228 = arith.constant 0 : i32
      %dma_start3A_229 = tpu.memref_slice %arg11[%dma_start3A_226, %dma_start3A_227, %dma_start3A_228] : memref<32x128x16xf32, #tpu.memory_space<vmem>> -> memref<1x128x16xf32, #tpu.memory_space<vmem>>
      %dma_start3A_230 = tpu.memref_squeeze %dma_start3A_229 : memref<1x128x16xf32, #tpu.memory_space<vmem>> -> memref<128x16xf32, #tpu.memory_space<vmem>>
      %dma_start3A_231 = arith.constant 0 : i32
      %dma_start3A_232 = tpu.memref_slice %arg10[%dma_start3A_225, %dma_start3A_231] : memref<32x128xi32, #tpu.memory_space<vmem>> -> memref<1x128xi32, #tpu.memory_space<vmem>>
      %dma_start3A_233 = tpu.memref_squeeze %dma_start3A_232 : memref<1x128xi32, #tpu.memory_space<vmem>> -> memref<128xi32, #tpu.memory_space<vmem>>
      %dma_start3A_234 = arith.constant 0 : i32
      %dma_start3A_235 = arith.constant 0 : i32
      %dma_start3A_236 = tpu.memref_slice %arg3[%select_n3A, %dma_start3A_234, %dma_start3A_235] : memref<24x100000x16xf32, #tpu.memory_space<hbm>> -> memref<1x100000x16xf32, #tpu.memory_space<hbm>>
      %dma_start3A_237 = tpu.memref_squeeze %dma_start3A_236 : memref<1x100000x16xf32, #tpu.memory_space<hbm>> -> memref<100000x16xf32, #tpu.memory_space<hbm>>
      %dma_start3A_238 = arith.constant 0 : i32
      %dma_start3A_239 = arith.constant 0 : i32
      %dma_start3A_240 = tpu.memref_slice %dma_start3A_237[%dma_start3A_238, %dma_start3A_239] : memref<100000x16xf32, #tpu.memory_space<hbm>> -> memref<100000x16xf32, #tpu.memory_space<hbm>>
      tpu.enqueue_indirect_dma source(%dma_start3A_240 : memref<100000x16xf32, #tpu.memory_space<hbm>>) target(%dma_start3A_230 : memref<128x16xf32, #tpu.memory_space<vmem>>) offsets(%dma_start3A_233 : memref<128xi32, #tpu.memory_space<vmem>>) semaphore(%arg12 : memref<!tpu.dma_semaphore, #tpu.memory_space<semaphore_mem>>)
      %dma_start3A_241 = arith.constant 13 : i32
      %dma_start3A_242 = arith.constant 13 : i32
      %dma_start3A_243 = arith.constant 0 : i32
      %dma_start3A_244 = arith.constant 0 : i32
      %dma_start3A_245 = tpu.memref_slice %arg11[%dma_start3A_242, %dma_start3A_243, %dma_start3A_244] : memref<32x128x16xf32, #tpu.memory_space<vmem>> -> memref<1x128x16xf32, #tpu.memory_space<vmem>>
      %dma_start3A_246 = tpu.memref_squeeze %dma_start3A_245 : memref<1x128x16xf32, #tpu.memory_space<vmem>> -> memref<128x16xf32, #tpu.memory_space<vmem>>
      %dma_start3A_247 = arith.constant 0 : i32
      %dma_start3A_248 = tpu.memref_slice %arg10[%dma_start3A_241, %dma_start3A_247] : memref<32x128xi32, #tpu.memory_space<vmem>> -> memref<1x128xi32, #tpu.memory_space<vmem>>
      %dma_start3A_249 = tpu.memref_squeeze %dma_start3A_248 : memref<1x128xi32, #tpu.memory_space<vmem>> -> memref<128xi32, #tpu.memory_space<vmem>>
      %dma_start3A_250 = arith.constant 0 : i32
      %dma_start3A_251 = arith.constant 0 : i32
      %dma_start3A_252 = tpu.memref_slice %arg3[%select_n3A, %dma_start3A_250, %dma_start3A_251] : memref<24x100000x16xf32, #tpu.memory_space<hbm>> -> memref<1x100000x16xf32, #tpu.memory_space<hbm>>
      %dma_start3A_253 = tpu.memref_squeeze %dma_start3A_252 : memref<1x100000x16xf32, #tpu.memory_space<hbm>> -> memref<100000x16xf32, #tpu.memory_space<hbm>>
      %dma_start3A_254 = arith.constant 0 : i32
      %dma_start3A_255 = arith.constant 0 : i32
      %dma_start3A_256 = tpu.memref_slice %dma_start3A_253[%dma_start3A_254, %dma_start3A_255] : memref<100000x16xf32, #tpu.memory_space<hbm>> -> memref<100000x16xf32, #tpu.memory_space<hbm>>
      tpu.enqueue_indirect_dma source(%dma_start3A_256 : memref<100000x16xf32, #tpu.memory_space<hbm>>) target(%dma_start3A_246 : memref<128x16xf32, #tpu.memory_space<vmem>>) offsets(%dma_start3A_249 : memref<128xi32, #tpu.memory_space<vmem>>) semaphore(%arg12 : memref<!tpu.dma_semaphore, #tpu.memory_space<semaphore_mem>>)
      %dma_start3A_257 = arith.constant 14 : i32
      %dma_start3A_258 = arith.constant 14 : i32
      %dma_start3A_259 = arith.constant 0 : i32
      %dma_start3A_260 = arith.constant 0 : i32
      %dma_start3A_261 = tpu.memref_slice %arg11[%dma_start3A_258, %dma_start3A_259, %dma_start3A_260] : memref<32x128x16xf32, #tpu.memory_space<vmem>> -> memref<1x128x16xf32, #tpu.memory_space<vmem>>
      %dma_start3A_262 = tpu.memref_squeeze %dma_start3A_261 : memref<1x128x16xf32, #tpu.memory_space<vmem>> -> memref<128x16xf32, #tpu.memory_space<vmem>>
      %dma_start3A_263 = arith.constant 0 : i32
      %dma_start3A_264 = tpu.memref_slice %arg10[%dma_start3A_257, %dma_start3A_263] : memref<32x128xi32, #tpu.memory_space<vmem>> -> memref<1x128xi32, #tpu.memory_space<vmem>>
      %dma_start3A_265 = tpu.memref_squeeze %dma_start3A_264 : memref<1x128xi32, #tpu.memory_space<vmem>> -> memref<128xi32, #tpu.memory_space<vmem>>
      %dma_start3A_266 = arith.constant 0 : i32
      %dma_start3A_267 = arith.constant 0 : i32
      %dma_start3A_268 = tpu.memref_slice %arg3[%select_n3A, %dma_start3A_266, %dma_start3A_267] : memref<24x100000x16xf32, #tpu.memory_space<hbm>> -> memref<1x100000x16xf32, #tpu.memory_space<hbm>>
      %dma_start3A_269 = tpu.memref_squeeze %dma_start3A_268 : memref<1x100000x16xf32, #tpu.memory_space<hbm>> -> memref<100000x16xf32, #tpu.memory_space<hbm>>
      %dma_start3A_270 = arith.constant 0 : i32
      %dma_start3A_271 = arith.constant 0 : i32
      %dma_start3A_272 = tpu.memref_slice %dma_start3A_269[%dma_start3A_270, %dma_start3A_271] : memref<100000x16xf32, #tpu.memory_space<hbm>> -> memref<100000x16xf32, #tpu.memory_space<hbm>>
      tpu.enqueue_indirect_dma source(%dma_start3A_272 : memref<100000x16xf32, #tpu.memory_space<hbm>>) target(%dma_start3A_262 : memref<128x16xf32, #tpu.memory_space<vmem>>) offsets(%dma_start3A_265 : memref<128xi32, #tpu.memory_space<vmem>>) semaphore(%arg12 : memref<!tpu.dma_semaphore, #tpu.memory_space<semaphore_mem>>)
      %dma_start3A_273 = arith.constant 15 : i32
      %dma_start3A_274 = arith.constant 15 : i32
      %dma_start3A_275 = arith.constant 0 : i32
      %dma_start3A_276 = arith.constant 0 : i32
      %dma_start3A_277 = tpu.memref_slice %arg11[%dma_start3A_274, %dma_start3A_275, %dma_start3A_276] : memref<32x128x16xf32, #tpu.memory_space<vmem>> -> memref<1x128x16xf32, #tpu.memory_space<vmem>>
      %dma_start3A_278 = tpu.memref_squeeze %dma_start3A_277 : memref<1x128x16xf32, #tpu.memory_space<vmem>> -> memref<128x16xf32, #tpu.memory_space<vmem>>
      %dma_start3A_279 = arith.constant 0 : i32
      %dma_start3A_280 = tpu.memref_slice %arg10[%dma_start3A_273, %dma_start3A_279] : memref<32x128xi32, #tpu.memory_space<vmem>> -> memref<1x128xi32, #tpu.memory_space<vmem>>
      %dma_start3A_281 = tpu.memref_squeeze %dma_start3A_280 : memref<1x128xi32, #tpu.memory_space<vmem>> -> memref<128xi32, #tpu.memory_space<vmem>>
      %dma_start3A_282 = arith.constant 0 : i32
      %dma_start3A_283 = arith.constant 0 : i32
      %dma_start3A_284 = tpu.memref_slice %arg3[%select_n3A, %dma_start3A_282, %dma_start3A_283] : memref<24x100000x16xf32, #tpu.memory_space<hbm>> -> memref<1x100000x16xf32, #tpu.memory_space<hbm>>
      %dma_start3A_285 = tpu.memref_squeeze %dma_start3A_284 : memref<1x100000x16xf32, #tpu.memory_space<hbm>> -> memref<100000x16xf32, #tpu.memory_space<hbm>>
      %dma_start3A_286 = arith.constant 0 : i32
      %dma_start3A_287 = arith.constant 0 : i32
      %dma_start3A_288 = tpu.memref_slice %dma_start3A_285[%dma_start3A_286, %dma_start3A_287] : memref<100000x16xf32, #tpu.memory_space<hbm>> -> memref<100000x16xf32, #tpu.memory_space<hbm>>
      tpu.enqueue_indirect_dma source(%dma_start3A_288 : memref<100000x16xf32, #tpu.memory_space<hbm>>) target(%dma_start3A_278 : memref<128x16xf32, #tpu.memory_space<vmem>>) offsets(%dma_start3A_281 : memref<128xi32, #tpu.memory_space<vmem>>) semaphore(%arg12 : memref<!tpu.dma_semaphore, #tpu.memory_space<semaphore_mem>>)
      %dma_start3A_289 = arith.constant 16 : i32
      %dma_start3A_290 = arith.constant 16 : i32
      %dma_start3A_291 = arith.constant 0 : i32
      %dma_start3A_292 = arith.constant 0 : i32
      %dma_start3A_293 = tpu.memref_slice %arg11[%dma_start3A_290, %dma_start3A_291, %dma_start3A_292] : memref<32x128x16xf32, #tpu.memory_space<vmem>> -> memref<1x128x16xf32, #tpu.memory_space<vmem>>
      %dma_start3A_294 = tpu.memref_squeeze %dma_start3A_293 : memref<1x128x16xf32, #tpu.memory_space<vmem>> -> memref<128x16xf32, #tpu.memory_space<vmem>>
      %dma_start3A_295 = arith.constant 0 : i32
      %dma_start3A_296 = tpu.memref_slice %arg10[%dma_start3A_289, %dma_start3A_295] : memref<32x128xi32, #tpu.memory_space<vmem>> -> memref<1x128xi32, #tpu.memory_space<vmem>>
      %dma_start3A_297 = tpu.memref_squeeze %dma_start3A_296 : memref<1x128xi32, #tpu.memory_space<vmem>> -> memref<128xi32, #tpu.memory_space<vmem>>
      %dma_start3A_298 = arith.constant 0 : i32
      %dma_start3A_299 = arith.constant 0 : i32
      %dma_start3A_300 = tpu.memref_slice %arg3[%select_n3A, %dma_start3A_298, %dma_start3A_299] : memref<24x100000x16xf32, #tpu.memory_space<hbm>> -> memref<1x100000x16xf32, #tpu.memory_space<hbm>>
      %dma_start3A_301 = tpu.memref_squeeze %dma_start3A_300 : memref<1x100000x16xf32, #tpu.memory_space<hbm>> -> memref<100000x16xf32, #tpu.memory_space<hbm>>
      %dma_start3A_302 = arith.constant 0 : i32
      %dma_start3A_303 = arith.constant 0 : i32
      %dma_start3A_304 = tpu.memref_slice %dma_start3A_301[%dma_start3A_302, %dma_start3A_303] : memref<100000x16xf32, #tpu.memory_space<hbm>> -> memref<100000x16xf32, #tpu.memory_space<hbm>>
      tpu.enqueue_indirect_dma source(%dma_start3A_304 : memref<100000x16xf32, #tpu.memory_space<hbm>>) target(%dma_start3A_294 : memref<128x16xf32, #tpu.memory_space<vmem>>) offsets(%dma_start3A_297 : memref<128xi32, #tpu.memory_space<vmem>>) semaphore(%arg12 : memref<!tpu.dma_semaphore, #tpu.memory_space<semaphore_mem>>)
      %dma_start3A_305 = arith.constant 17 : i32
      %dma_start3A_306 = arith.constant 17 : i32
      %dma_start3A_307 = arith.constant 0 : i32
      %dma_start3A_308 = arith.constant 0 : i32
      %dma_start3A_309 = tpu.memref_slice %arg11[%dma_start3A_306, %dma_start3A_307, %dma_start3A_308] : memref<32x128x16xf32, #tpu.memory_space<vmem>> -> memref<1x128x16xf32, #tpu.memory_space<vmem>>
      %dma_start3A_310 = tpu.memref_squeeze %dma_start3A_309 : memref<1x128x16xf32, #tpu.memory_space<vmem>> -> memref<128x16xf32, #tpu.memory_space<vmem>>
      %dma_start3A_311 = arith.constant 0 : i32
      %dma_start3A_312 = tpu.memref_slice %arg10[%dma_start3A_305, %dma_start3A_311] : memref<32x128xi32, #tpu.memory_space<vmem>> -> memref<1x128xi32, #tpu.memory_space<vmem>>
      %dma_start3A_313 = tpu.memref_squeeze %dma_start3A_312 : memref<1x128xi32, #tpu.memory_space<vmem>> -> memref<128xi32, #tpu.memory_space<vmem>>
      %dma_start3A_314 = arith.constant 0 : i32
      %dma_start3A_315 = arith.constant 0 : i32
      %dma_start3A_316 = tpu.memref_slice %arg3[%select_n3A, %dma_start3A_314, %dma_start3A_315] : memref<24x100000x16xf32, #tpu.memory_space<hbm>> -> memref<1x100000x16xf32, #tpu.memory_space<hbm>>
      %dma_start3A_317 = tpu.memref_squeeze %dma_start3A_316 : memref<1x100000x16xf32, #tpu.memory_space<hbm>> -> memref<100000x16xf32, #tpu.memory_space<hbm>>
      %dma_start3A_318 = arith.constant 0 : i32
      %dma_start3A_319 = arith.constant 0 : i32
      %dma_start3A_320 = tpu.memref_slice %dma_start3A_317[%dma_start3A_318, %dma_start3A_319] : memref<100000x16xf32, #tpu.memory_space<hbm>> -> memref<100000x16xf32, #tpu.memory_space<hbm>>
      tpu.enqueue_indirect_dma source(%dma_start3A_320 : memref<100000x16xf32, #tpu.memory_space<hbm>>) target(%dma_start3A_310 : memref<128x16xf32, #tpu.memory_space<vmem>>) offsets(%dma_start3A_313 : memref<128xi32, #tpu.memory_space<vmem>>) semaphore(%arg12 : memref<!tpu.dma_semaphore, #tpu.memory_space<semaphore_mem>>)
      %dma_start3A_321 = arith.constant 18 : i32
      %dma_start3A_322 = arith.constant 18 : i32
      %dma_start3A_323 = arith.constant 0 : i32
      %dma_start3A_324 = arith.constant 0 : i32
      %dma_start3A_325 = tpu.memref_slice %arg11[%dma_start3A_322, %dma_start3A_323, %dma_start3A_324] : memref<32x128x16xf32, #tpu.memory_space<vmem>> -> memref<1x128x16xf32, #tpu.memory_space<vmem>>
      %dma_start3A_326 = tpu.memref_squeeze %dma_start3A_325 : memref<1x128x16xf32, #tpu.memory_space<vmem>> -> memref<128x16xf32, #tpu.memory_space<vmem>>
      %dma_start3A_327 = arith.constant 0 : i32
      %dma_start3A_328 = tpu.memref_slice %arg10[%dma_start3A_321, %dma_start3A_327] : memref<32x128xi32, #tpu.memory_space<vmem>> -> memref<1x128xi32, #tpu.memory_space<vmem>>
      %dma_start3A_329 = tpu.memref_squeeze %dma_start3A_328 : memref<1x128xi32, #tpu.memory_space<vmem>> -> memref<128xi32, #tpu.memory_space<vmem>>
      %dma_start3A_330 = arith.constant 0 : i32
      %dma_start3A_331 = arith.constant 0 : i32
      %dma_start3A_332 = tpu.memref_slice %arg3[%select_n3A, %dma_start3A_330, %dma_start3A_331] : memref<24x100000x16xf32, #tpu.memory_space<hbm>> -> memref<1x100000x16xf32, #tpu.memory_space<hbm>>
      %dma_start3A_333 = tpu.memref_squeeze %dma_start3A_332 : memref<1x100000x16xf32, #tpu.memory_space<hbm>> -> memref<100000x16xf32, #tpu.memory_space<hbm>>
      %dma_start3A_334 = arith.constant 0 : i32
      %dma_start3A_335 = arith.constant 0 : i32
      %dma_start3A_336 = tpu.memref_slice %dma_start3A_333[%dma_start3A_334, %dma_start3A_335] : memref<100000x16xf32, #tpu.memory_space<hbm>> -> memref<100000x16xf32, #tpu.memory_space<hbm>>
      tpu.enqueue_indirect_dma source(%dma_start3A_336 : memref<100000x16xf32, #tpu.memory_space<hbm>>) target(%dma_start3A_326 : memref<128x16xf32, #tpu.memory_space<vmem>>) offsets(%dma_start3A_329 : memref<128xi32, #tpu.memory_space<vmem>>) semaphore(%arg12 : memref<!tpu.dma_semaphore, #tpu.memory_space<semaphore_mem>>)
      %dma_start3A_337 = arith.constant 19 : i32
      %dma_start3A_338 = arith.constant 19 : i32
      %dma_start3A_339 = arith.constant 0 : i32
      %dma_start3A_340 = arith.constant 0 : i32
      %dma_start3A_341 = tpu.memref_slice %arg11[%dma_start3A_338, %dma_start3A_339, %dma_start3A_340] : memref<32x128x16xf32, #tpu.memory_space<vmem>> -> memref<1x128x16xf32, #tpu.memory_space<vmem>>
      %dma_start3A_342 = tpu.memref_squeeze %dma_start3A_341 : memref<1x128x16xf32, #tpu.memory_space<vmem>> -> memref<128x16xf32, #tpu.memory_space<vmem>>
      %dma_start3A_343 = arith.constant 0 : i32
      %dma_start3A_344 = tpu.memref_slice %arg10[%dma_start3A_337, %dma_start3A_343] : memref<32x128xi32, #tpu.memory_space<vmem>> -> memref<1x128xi32, #tpu.memory_space<vmem>>
      %dma_start3A_345 = tpu.memref_squeeze %dma_start3A_344 : memref<1x128xi32, #tpu.memory_space<vmem>> -> memref<128xi32, #tpu.memory_space<vmem>>
      %dma_start3A_346 = arith.constant 0 : i32
      %dma_start3A_347 = arith.constant 0 : i32
      %dma_start3A_348 = tpu.memref_slice %arg3[%select_n3A, %dma_start3A_346, %dma_start3A_347] : memref<24x100000x16xf32, #tpu.memory_space<hbm>> -> memref<1x100000x16xf32, #tpu.memory_space<hbm>>
      %dma_start3A_349 = tpu.memref_squeeze %dma_start3A_348 : memref<1x100000x16xf32, #tpu.memory_space<hbm>> -> memref<100000x16xf32, #tpu.memory_space<hbm>>
      %dma_start3A_350 = arith.constant 0 : i32
      %dma_start3A_351 = arith.constant 0 : i32
      %dma_start3A_352 = tpu.memref_slice %dma_start3A_349[%dma_start3A_350, %dma_start3A_351] : memref<100000x16xf32, #tpu.memory_space<hbm>> -> memref<100000x16xf32, #tpu.memory_space<hbm>>
      tpu.enqueue_indirect_dma source(%dma_start3A_352 : memref<100000x16xf32, #tpu.memory_space<hbm>>) target(%dma_start3A_342 : memref<128x16xf32, #tpu.memory_space<vmem>>) offsets(%dma_start3A_345 : memref<128xi32, #tpu.memory_space<vmem>>) semaphore(%arg12 : memref<!tpu.dma_semaphore, #tpu.memory_space<semaphore_mem>>)
      %dma_start3A_353 = arith.constant 20 : i32
      %dma_start3A_354 = arith.constant 20 : i32
      %dma_start3A_355 = arith.constant 0 : i32
      %dma_start3A_356 = arith.constant 0 : i32
      %dma_start3A_357 = tpu.memref_slice %arg11[%dma_start3A_354, %dma_start3A_355, %dma_start3A_356] : memref<32x128x16xf32, #tpu.memory_space<vmem>> -> memref<1x128x16xf32, #tpu.memory_space<vmem>>
      %dma_start3A_358 = tpu.memref_squeeze %dma_start3A_357 : memref<1x128x16xf32, #tpu.memory_space<vmem>> -> memref<128x16xf32, #tpu.memory_space<vmem>>
      %dma_start3A_359 = arith.constant 0 : i32
      %dma_start3A_360 = tpu.memref_slice %arg10[%dma_start3A_353, %dma_start3A_359] : memref<32x128xi32, #tpu.memory_space<vmem>> -> memref<1x128xi32, #tpu.memory_space<vmem>>
      %dma_start3A_361 = tpu.memref_squeeze %dma_start3A_360 : memref<1x128xi32, #tpu.memory_space<vmem>> -> memref<128xi32, #tpu.memory_space<vmem>>
      %dma_start3A_362 = arith.constant 0 : i32
      %dma_start3A_363 = arith.constant 0 : i32
      %dma_start3A_364 = tpu.memref_slice %arg3[%select_n3A, %dma_start3A_362, %dma_start3A_363] : memref<24x100000x16xf32, #tpu.memory_space<hbm>> -> memref<1x100000x16xf32, #tpu.memory_space<hbm>>
      %dma_start3A_365 = tpu.memref_squeeze %dma_start3A_364 : memref<1x100000x16xf32, #tpu.memory_space<hbm>> -> memref<100000x16xf32, #tpu.memory_space<hbm>>
      %dma_start3A_366 = arith.constant 0 : i32
      %dma_start3A_367 = arith.constant 0 : i32
      %dma_start3A_368 = tpu.memref_slice %dma_start3A_365[%dma_start3A_366, %dma_start3A_367] : memref<100000x16xf32, #tpu.memory_space<hbm>> -> memref<100000x16xf32, #tpu.memory_space<hbm>>
      tpu.enqueue_indirect_dma source(%dma_start3A_368 : memref<100000x16xf32, #tpu.memory_space<hbm>>) target(%dma_start3A_358 : memref<128x16xf32, #tpu.memory_space<vmem>>) offsets(%dma_start3A_361 : memref<128xi32, #tpu.memory_space<vmem>>) semaphore(%arg12 : memref<!tpu.dma_semaphore, #tpu.memory_space<semaphore_mem>>)
      %dma_start3A_369 = arith.constant 21 : i32
      %dma_start3A_370 = arith.constant 21 : i32
      %dma_start3A_371 = arith.constant 0 : i32
      %dma_start3A_372 = arith.constant 0 : i32
      %dma_start3A_373 = tpu.memref_slice %arg11[%dma_start3A_370, %dma_start3A_371, %dma_start3A_372] : memref<32x128x16xf32, #tpu.memory_space<vmem>> -> memref<1x128x16xf32, #tpu.memory_space<vmem>>
      %dma_start3A_374 = tpu.memref_squeeze %dma_start3A_373 : memref<1x128x16xf32, #tpu.memory_space<vmem>> -> memref<128x16xf32, #tpu.memory_space<vmem>>
      %dma_start3A_375 = arith.constant 0 : i32
      %dma_start3A_376 = tpu.memref_slice %arg10[%dma_start3A_369, %dma_start3A_375] : memref<32x128xi32, #tpu.memory_space<vmem>> -> memref<1x128xi32, #tpu.memory_space<vmem>>
      %dma_start3A_377 = tpu.memref_squeeze %dma_start3A_376 : memref<1x128xi32, #tpu.memory_space<vmem>> -> memref<128xi32, #tpu.memory_space<vmem>>
      %dma_start3A_378 = arith.constant 0 : i32
      %dma_start3A_379 = arith.constant 0 : i32
      %dma_start3A_380 = tpu.memref_slice %arg3[%select_n3A, %dma_start3A_378, %dma_start3A_379] : memref<24x100000x16xf32, #tpu.memory_space<hbm>> -> memref<1x100000x16xf32, #tpu.memory_space<hbm>>
      %dma_start3A_381 = tpu.memref_squeeze %dma_start3A_380 : memref<1x100000x16xf32, #tpu.memory_space<hbm>> -> memref<100000x16xf32, #tpu.memory_space<hbm>>
      %dma_start3A_382 = arith.constant 0 : i32
      %dma_start3A_383 = arith.constant 0 : i32
      %dma_start3A_384 = tpu.memref_slice %dma_start3A_381[%dma_start3A_382, %dma_start3A_383] : memref<100000x16xf32, #tpu.memory_space<hbm>> -> memref<100000x16xf32, #tpu.memory_space<hbm>>
      tpu.enqueue_indirect_dma source(%dma_start3A_384 : memref<100000x16xf32, #tpu.memory_space<hbm>>) target(%dma_start3A_374 : memref<128x16xf32, #tpu.memory_space<vmem>>) offsets(%dma_start3A_377 : memref<128xi32, #tpu.memory_space<vmem>>) semaphore(%arg12 : memref<!tpu.dma_semaphore, #tpu.memory_space<semaphore_mem>>)
      %dma_start3A_385 = arith.constant 22 : i32
      %dma_start3A_386 = arith.constant 22 : i32
      %dma_start3A_387 = arith.constant 0 : i32
      %dma_start3A_388 = arith.constant 0 : i32
      %dma_start3A_389 = tpu.memref_slice %arg11[%dma_start3A_386, %dma_start3A_387, %dma_start3A_388] : memref<32x128x16xf32, #tpu.memory_space<vmem>> -> memref<1x128x16xf32, #tpu.memory_space<vmem>>
      %dma_start3A_390 = tpu.memref_squeeze %dma_start3A_389 : memref<1x128x16xf32, #tpu.memory_space<vmem>> -> memref<128x16xf32, #tpu.memory_space<vmem>>
      %dma_start3A_391 = arith.constant 0 : i32
      %dma_start3A_392 = tpu.memref_slice %arg10[%dma_start3A_385, %dma_start3A_391] : memref<32x128xi32, #tpu.memory_space<vmem>> -> memref<1x128xi32, #tpu.memory_space<vmem>>
      %dma_start3A_393 = tpu.memref_squeeze %dma_start3A_392 : memref<1x128xi32, #tpu.memory_space<vmem>> -> memref<128xi32, #tpu.memory_space<vmem>>
      %dma_start3A_394 = arith.constant 0 : i32
      %dma_start3A_395 = arith.constant 0 : i32
      %dma_start3A_396 = tpu.memref_slice %arg3[%select_n3A, %dma_start3A_394, %dma_start3A_395] : memref<24x100000x16xf32, #tpu.memory_space<hbm>> -> memref<1x100000x16xf32, #tpu.memory_space<hbm>>
      %dma_start3A_397 = tpu.memref_squeeze %dma_start3A_396 : memref<1x100000x16xf32, #tpu.memory_space<hbm>> -> memref<100000x16xf32, #tpu.memory_space<hbm>>
      %dma_start3A_398 = arith.constant 0 : i32
      %dma_start3A_399 = arith.constant 0 : i32
      %dma_start3A_400 = tpu.memref_slice %dma_start3A_397[%dma_start3A_398, %dma_start3A_399] : memref<100000x16xf32, #tpu.memory_space<hbm>> -> memref<100000x16xf32, #tpu.memory_space<hbm>>
      tpu.enqueue_indirect_dma source(%dma_start3A_400 : memref<100000x16xf32, #tpu.memory_space<hbm>>) target(%dma_start3A_390 : memref<128x16xf32, #tpu.memory_space<vmem>>) offsets(%dma_start3A_393 : memref<128xi32, #tpu.memory_space<vmem>>) semaphore(%arg12 : memref<!tpu.dma_semaphore, #tpu.memory_space<semaphore_mem>>)
      %dma_start3A_401 = arith.constant 23 : i32
      %dma_start3A_402 = arith.constant 23 : i32
      %dma_start3A_403 = arith.constant 0 : i32
      %dma_start3A_404 = arith.constant 0 : i32
      %dma_start3A_405 = tpu.memref_slice %arg11[%dma_start3A_402, %dma_start3A_403, %dma_start3A_404] : memref<32x128x16xf32, #tpu.memory_space<vmem>> -> memref<1x128x16xf32, #tpu.memory_space<vmem>>
      %dma_start3A_406 = tpu.memref_squeeze %dma_start3A_405 : memref<1x128x16xf32, #tpu.memory_space<vmem>> -> memref<128x16xf32, #tpu.memory_space<vmem>>
      %dma_start3A_407 = arith.constant 0 : i32
      %dma_start3A_408 = tpu.memref_slice %arg10[%dma_start3A_401, %dma_start3A_407] : memref<32x128xi32, #tpu.memory_space<vmem>> -> memref<1x128xi32, #tpu.memory_space<vmem>>
      %dma_start3A_409 = tpu.memref_squeeze %dma_start3A_408 : memref<1x128xi32, #tpu.memory_space<vmem>> -> memref<128xi32, #tpu.memory_space<vmem>>
      %dma_start3A_410 = arith.constant 0 : i32
      %dma_start3A_411 = arith.constant 0 : i32
      %dma_start3A_412 = tpu.memref_slice %arg3[%select_n3A, %dma_start3A_410, %dma_start3A_411] : memref<24x100000x16xf32, #tpu.memory_space<hbm>> -> memref<1x100000x16xf32, #tpu.memory_space<hbm>>
      %dma_start3A_413 = tpu.memref_squeeze %dma_start3A_412 : memref<1x100000x16xf32, #tpu.memory_space<hbm>> -> memref<100000x16xf32, #tpu.memory_space<hbm>>
      %dma_start3A_414 = arith.constant 0 : i32
      %dma_start3A_415 = arith.constant 0 : i32
      %dma_start3A_416 = tpu.memref_slice %dma_start3A_413[%dma_start3A_414, %dma_start3A_415] : memref<100000x16xf32, #tpu.memory_space<hbm>> -> memref<100000x16xf32, #tpu.memory_space<hbm>>
      tpu.enqueue_indirect_dma source(%dma_start3A_416 : memref<100000x16xf32, #tpu.memory_space<hbm>>) target(%dma_start3A_406 : memref<128x16xf32, #tpu.memory_space<vmem>>) offsets(%dma_start3A_409 : memref<128xi32, #tpu.memory_space<vmem>>) semaphore(%arg12 : memref<!tpu.dma_semaphore, #tpu.memory_space<semaphore_mem>>)
      %dma_start3A_417 = arith.constant 24 : i32
      %dma_start3A_418 = arith.constant 24 : i32
      %dma_start3A_419 = arith.constant 0 : i32
      %dma_start3A_420 = arith.constant 0 : i32
      %dma_start3A_421 = tpu.memref_slice %arg11[%dma_start3A_418, %dma_start3A_419, %dma_start3A_420] : memref<32x128x16xf32, #tpu.memory_space<vmem>> -> memref<1x128x16xf32, #tpu.memory_space<vmem>>
      %dma_start3A_422 = tpu.memref_squeeze %dma_start3A_421 : memref<1x128x16xf32, #tpu.memory_space<vmem>> -> memref<128x16xf32, #tpu.memory_space<vmem>>
      %dma_start3A_423 = arith.constant 0 : i32
      %dma_start3A_424 = tpu.memref_slice %arg10[%dma_start3A_417, %dma_start3A_423] : memref<32x128xi32, #tpu.memory_space<vmem>> -> memref<1x128xi32, #tpu.memory_space<vmem>>
      %dma_start3A_425 = tpu.memref_squeeze %dma_start3A_424 : memref<1x128xi32, #tpu.memory_space<vmem>> -> memref<128xi32, #tpu.memory_space<vmem>>
      %dma_start3A_426 = arith.constant 0 : i32
      %dma_start3A_427 = arith.constant 0 : i32
      %dma_start3A_428 = tpu.memref_slice %arg3[%select_n3A, %dma_start3A_426, %dma_start3A_427] : memref<24x100000x16xf32, #tpu.memory_space<hbm>> -> memref<1x100000x16xf32, #tpu.memory_space<hbm>>
      %dma_start3A_429 = tpu.memref_squeeze %dma_start3A_428 : memref<1x100000x16xf32, #tpu.memory_space<hbm>> -> memref<100000x16xf32, #tpu.memory_space<hbm>>
      %dma_start3A_430 = arith.constant 0 : i32
      %dma_start3A_431 = arith.constant 0 : i32
      %dma_start3A_432 = tpu.memref_slice %dma_start3A_429[%dma_start3A_430, %dma_start3A_431] : memref<100000x16xf32, #tpu.memory_space<hbm>> -> memref<100000x16xf32, #tpu.memory_space<hbm>>
      tpu.enqueue_indirect_dma source(%dma_start3A_432 : memref<100000x16xf32, #tpu.memory_space<hbm>>) target(%dma_start3A_422 : memref<128x16xf32, #tpu.memory_space<vmem>>) offsets(%dma_start3A_425 : memref<128xi32, #tpu.memory_space<vmem>>) semaphore(%arg12 : memref<!tpu.dma_semaphore, #tpu.memory_space<semaphore_mem>>)
      %dma_start3A_433 = arith.constant 25 : i32
      %dma_start3A_434 = arith.constant 25 : i32
      %dma_start3A_435 = arith.constant 0 : i32
      %dma_start3A_436 = arith.constant 0 : i32
      %dma_start3A_437 = tpu.memref_slice %arg11[%dma_start3A_434, %dma_start3A_435, %dma_start3A_436] : memref<32x128x16xf32, #tpu.memory_space<vmem>> -> memref<1x128x16xf32, #tpu.memory_space<vmem>>
      %dma_start3A_438 = tpu.memref_squeeze %dma_start3A_437 : memref<1x128x16xf32, #tpu.memory_space<vmem>> -> memref<128x16xf32, #tpu.memory_space<vmem>>
      %dma_start3A_439 = arith.constant 0 : i32
      %dma_start3A_440 = tpu.memref_slice %arg10[%dma_start3A_433, %dma_start3A_439] : memref<32x128xi32, #tpu.memory_space<vmem>> -> memref<1x128xi32, #tpu.memory_space<vmem>>
      %dma_start3A_441 = tpu.memref_squeeze %dma_start3A_440 : memref<1x128xi32, #tpu.memory_space<vmem>> -> memref<128xi32, #tpu.memory_space<vmem>>
      %dma_start3A_442 = arith.constant 0 : i32
      %dma_start3A_443 = arith.constant 0 : i32
      %dma_start3A_444 = tpu.memref_slice %arg3[%select_n3A, %dma_start3A_442, %dma_start3A_443] : memref<24x100000x16xf32, #tpu.memory_space<hbm>> -> memref<1x100000x16xf32, #tpu.memory_space<hbm>>
      %dma_start3A_445 = tpu.memref_squeeze %dma_start3A_444 : memref<1x100000x16xf32, #tpu.memory_space<hbm>> -> memref<100000x16xf32, #tpu.memory_space<hbm>>
      %dma_start3A_446 = arith.constant 0 : i32
      %dma_start3A_447 = arith.constant 0 : i32
      %dma_start3A_448 = tpu.memref_slice %dma_start3A_445[%dma_start3A_446, %dma_start3A_447] : memref<100000x16xf32, #tpu.memory_space<hbm>> -> memref<100000x16xf32, #tpu.memory_space<hbm>>
      tpu.enqueue_indirect_dma source(%dma_start3A_448 : memref<100000x16xf32, #tpu.memory_space<hbm>>) target(%dma_start3A_438 : memref<128x16xf32, #tpu.memory_space<vmem>>) offsets(%dma_start3A_441 : memref<128xi32, #tpu.memory_space<vmem>>) semaphore(%arg12 : memref<!tpu.dma_semaphore, #tpu.memory_space<semaphore_mem>>)
      %dma_start3A_449 = arith.constant 26 : i32
      %dma_start3A_450 = arith.constant 26 : i32
      %dma_start3A_451 = arith.constant 0 : i32
      %dma_start3A_452 = arith.constant 0 : i32
      %dma_start3A_453 = tpu.memref_slice %arg11[%dma_start3A_450, %dma_start3A_451, %dma_start3A_452] : memref<32x128x16xf32, #tpu.memory_space<vmem>> -> memref<1x128x16xf32, #tpu.memory_space<vmem>>
      %dma_start3A_454 = tpu.memref_squeeze %dma_start3A_453 : memref<1x128x16xf32, #tpu.memory_space<vmem>> -> memref<128x16xf32, #tpu.memory_space<vmem>>
      %dma_start3A_455 = arith.constant 0 : i32
      %dma_start3A_456 = tpu.memref_slice %arg10[%dma_start3A_449, %dma_start3A_455] : memref<32x128xi32, #tpu.memory_space<vmem>> -> memref<1x128xi32, #tpu.memory_space<vmem>>
      %dma_start3A_457 = tpu.memref_squeeze %dma_start3A_456 : memref<1x128xi32, #tpu.memory_space<vmem>> -> memref<128xi32, #tpu.memory_space<vmem>>
      %dma_start3A_458 = arith.constant 0 : i32
      %dma_start3A_459 = arith.constant 0 : i32
      %dma_start3A_460 = tpu.memref_slice %arg3[%select_n3A, %dma_start3A_458, %dma_start3A_459] : memref<24x100000x16xf32, #tpu.memory_space<hbm>> -> memref<1x100000x16xf32, #tpu.memory_space<hbm>>
      %dma_start3A_461 = tpu.memref_squeeze %dma_start3A_460 : memref<1x100000x16xf32, #tpu.memory_space<hbm>> -> memref<100000x16xf32, #tpu.memory_space<hbm>>
      %dma_start3A_462 = arith.constant 0 : i32
      %dma_start3A_463 = arith.constant 0 : i32
      %dma_start3A_464 = tpu.memref_slice %dma_start3A_461[%dma_start3A_462, %dma_start3A_463] : memref<100000x16xf32, #tpu.memory_space<hbm>> -> memref<100000x16xf32, #tpu.memory_space<hbm>>
      tpu.enqueue_indirect_dma source(%dma_start3A_464 : memref<100000x16xf32, #tpu.memory_space<hbm>>) target(%dma_start3A_454 : memref<128x16xf32, #tpu.memory_space<vmem>>) offsets(%dma_start3A_457 : memref<128xi32, #tpu.memory_space<vmem>>) semaphore(%arg12 : memref<!tpu.dma_semaphore, #tpu.memory_space<semaphore_mem>>)
      %dma_start3A_465 = arith.constant 27 : i32
      %dma_start3A_466 = arith.constant 27 : i32
      %dma_start3A_467 = arith.constant 0 : i32
      %dma_start3A_468 = arith.constant 0 : i32
      %dma_start3A_469 = tpu.memref_slice %arg11[%dma_start3A_466, %dma_start3A_467, %dma_start3A_468] : memref<32x128x16xf32, #tpu.memory_space<vmem>> -> memref<1x128x16xf32, #tpu.memory_space<vmem>>
      %dma_start3A_470 = tpu.memref_squeeze %dma_start3A_469 : memref<1x128x16xf32, #tpu.memory_space<vmem>> -> memref<128x16xf32, #tpu.memory_space<vmem>>
      %dma_start3A_471 = arith.constant 0 : i32
      %dma_start3A_472 = tpu.memref_slice %arg10[%dma_start3A_465, %dma_start3A_471] : memref<32x128xi32, #tpu.memory_space<vmem>> -> memref<1x128xi32, #tpu.memory_space<vmem>>
      %dma_start3A_473 = tpu.memref_squeeze %dma_start3A_472 : memref<1x128xi32, #tpu.memory_space<vmem>> -> memref<128xi32, #tpu.memory_space<vmem>>
      %dma_start3A_474 = arith.constant 0 : i32
      %dma_start3A_475 = arith.constant 0 : i32
      %dma_start3A_476 = tpu.memref_slice %arg3[%select_n3A, %dma_start3A_474, %dma_start3A_475] : memref<24x100000x16xf32, #tpu.memory_space<hbm>> -> memref<1x100000x16xf32, #tpu.memory_space<hbm>>
      %dma_start3A_477 = tpu.memref_squeeze %dma_start3A_476 : memref<1x100000x16xf32, #tpu.memory_space<hbm>> -> memref<100000x16xf32, #tpu.memory_space<hbm>>
      %dma_start3A_478 = arith.constant 0 : i32
      %dma_start3A_479 = arith.constant 0 : i32
      %dma_start3A_480 = tpu.memref_slice %dma_start3A_477[%dma_start3A_478, %dma_start3A_479] : memref<100000x16xf32, #tpu.memory_space<hbm>> -> memref<100000x16xf32, #tpu.memory_space<hbm>>
      tpu.enqueue_indirect_dma source(%dma_start3A_480 : memref<100000x16xf32, #tpu.memory_space<hbm>>) target(%dma_start3A_470 : memref<128x16xf32, #tpu.memory_space<vmem>>) offsets(%dma_start3A_473 : memref<128xi32, #tpu.memory_space<vmem>>) semaphore(%arg12 : memref<!tpu.dma_semaphore, #tpu.memory_space<semaphore_mem>>)
      %dma_start3A_481 = arith.constant 28 : i32
      %dma_start3A_482 = arith.constant 28 : i32
      %dma_start3A_483 = arith.constant 0 : i32
      %dma_start3A_484 = arith.constant 0 : i32
      %dma_start3A_485 = tpu.memref_slice %arg11[%dma_start3A_482, %dma_start3A_483, %dma_start3A_484] : memref<32x128x16xf32, #tpu.memory_space<vmem>> -> memref<1x128x16xf32, #tpu.memory_space<vmem>>
      %dma_start3A_486 = tpu.memref_squeeze %dma_start3A_485 : memref<1x128x16xf32, #tpu.memory_space<vmem>> -> memref<128x16xf32, #tpu.memory_space<vmem>>
      %dma_start3A_487 = arith.constant 0 : i32
      %dma_start3A_488 = tpu.memref_slice %arg10[%dma_start3A_481, %dma_start3A_487] : memref<32x128xi32, #tpu.memory_space<vmem>> -> memref<1x128xi32, #tpu.memory_space<vmem>>
      %dma_start3A_489 = tpu.memref_squeeze %dma_start3A_488 : memref<1x128xi32, #tpu.memory_space<vmem>> -> memref<128xi32, #tpu.memory_space<vmem>>
      %dma_start3A_490 = arith.constant 0 : i32
      %dma_start3A_491 = arith.constant 0 : i32
      %dma_start3A_492 = tpu.memref_slice %arg3[%select_n3A, %dma_start3A_490, %dma_start3A_491] : memref<24x100000x16xf32, #tpu.memory_space<hbm>> -> memref<1x100000x16xf32, #tpu.memory_space<hbm>>
      %dma_start3A_493 = tpu.memref_squeeze %dma_start3A_492 : memref<1x100000x16xf32, #tpu.memory_space<hbm>> -> memref<100000x16xf32, #tpu.memory_space<hbm>>
      %dma_start3A_494 = arith.constant 0 : i32
      %dma_start3A_495 = arith.constant 0 : i32
      %dma_start3A_496 = tpu.memref_slice %dma_start3A_493[%dma_start3A_494, %dma_start3A_495] : memref<100000x16xf32, #tpu.memory_space<hbm>> -> memref<100000x16xf32, #tpu.memory_space<hbm>>
      tpu.enqueue_indirect_dma source(%dma_start3A_496 : memref<100000x16xf32, #tpu.memory_space<hbm>>) target(%dma_start3A_486 : memref<128x16xf32, #tpu.memory_space<vmem>>) offsets(%dma_start3A_489 : memref<128xi32, #tpu.memory_space<vmem>>) semaphore(%arg12 : memref<!tpu.dma_semaphore, #tpu.memory_space<semaphore_mem>>)
      %dma_start3A_497 = arith.constant 29 : i32
      %dma_start3A_498 = arith.constant 29 : i32
      %dma_start3A_499 = arith.constant 0 : i32
      %dma_start3A_500 = arith.constant 0 : i32
      %dma_start3A_501 = tpu.memref_slice %arg11[%dma_start3A_498, %dma_start3A_499, %dma_start3A_500] : memref<32x128x16xf32, #tpu.memory_space<vmem>> -> memref<1x128x16xf32, #tpu.memory_space<vmem>>
      %dma_start3A_502 = tpu.memref_squeeze %dma_start3A_501 : memref<1x128x16xf32, #tpu.memory_space<vmem>> -> memref<128x16xf32, #tpu.memory_space<vmem>>
      %dma_start3A_503 = arith.constant 0 : i32
      %dma_start3A_504 = tpu.memref_slice %arg10[%dma_start3A_497, %dma_start3A_503] : memref<32x128xi32, #tpu.memory_space<vmem>> -> memref<1x128xi32, #tpu.memory_space<vmem>>
      %dma_start3A_505 = tpu.memref_squeeze %dma_start3A_504 : memref<1x128xi32, #tpu.memory_space<vmem>> -> memref<128xi32, #tpu.memory_space<vmem>>
      %dma_start3A_506 = arith.constant 0 : i32
      %dma_start3A_507 = arith.constant 0 : i32
      %dma_start3A_508 = tpu.memref_slice %arg3[%select_n3A, %dma_start3A_506, %dma_start3A_507] : memref<24x100000x16xf32, #tpu.memory_space<hbm>> -> memref<1x100000x16xf32, #tpu.memory_space<hbm>>
      %dma_start3A_509 = tpu.memref_squeeze %dma_start3A_508 : memref<1x100000x16xf32, #tpu.memory_space<hbm>> -> memref<100000x16xf32, #tpu.memory_space<hbm>>
      %dma_start3A_510 = arith.constant 0 : i32
      %dma_start3A_511 = arith.constant 0 : i32
      %dma_start3A_512 = tpu.memref_slice %dma_start3A_509[%dma_start3A_510, %dma_start3A_511] : memref<100000x16xf32, #tpu.memory_space<hbm>> -> memref<100000x16xf32, #tpu.memory_space<hbm>>
      tpu.enqueue_indirect_dma source(%dma_start3A_512 : memref<100000x16xf32, #tpu.memory_space<hbm>>) target(%dma_start3A_502 : memref<128x16xf32, #tpu.memory_space<vmem>>) offsets(%dma_start3A_505 : memref<128xi32, #tpu.memory_space<vmem>>) semaphore(%arg12 : memref<!tpu.dma_semaphore, #tpu.memory_space<semaphore_mem>>)
      %dma_start3A_513 = arith.constant 30 : i32
      %dma_start3A_514 = arith.constant 30 : i32
      %dma_start3A_515 = arith.constant 0 : i32
      %dma_start3A_516 = arith.constant 0 : i32
      %dma_start3A_517 = tpu.memref_slice %arg11[%dma_start3A_514, %dma_start3A_515, %dma_start3A_516] : memref<32x128x16xf32, #tpu.memory_space<vmem>> -> memref<1x128x16xf32, #tpu.memory_space<vmem>>
      %dma_start3A_518 = tpu.memref_squeeze %dma_start3A_517 : memref<1x128x16xf32, #tpu.memory_space<vmem>> -> memref<128x16xf32, #tpu.memory_space<vmem>>
      %dma_start3A_519 = arith.constant 0 : i32
      %dma_start3A_520 = tpu.memref_slice %arg10[%dma_start3A_513, %dma_start3A_519] : memref<32x128xi32, #tpu.memory_space<vmem>> -> memref<1x128xi32, #tpu.memory_space<vmem>>
      %dma_start3A_521 = tpu.memref_squeeze %dma_start3A_520 : memref<1x128xi32, #tpu.memory_space<vmem>> -> memref<128xi32, #tpu.memory_space<vmem>>
      %dma_start3A_522 = arith.constant 0 : i32
      %dma_start3A_523 = arith.constant 0 : i32
      %dma_start3A_524 = tpu.memref_slice %arg3[%select_n3A, %dma_start3A_522, %dma_start3A_523] : memref<24x100000x16xf32, #tpu.memory_space<hbm>> -> memref<1x100000x16xf32, #tpu.memory_space<hbm>>
      %dma_start3A_525 = tpu.memref_squeeze %dma_start3A_524 : memref<1x100000x16xf32, #tpu.memory_space<hbm>> -> memref<100000x16xf32, #tpu.memory_space<hbm>>
      %dma_start3A_526 = arith.constant 0 : i32
      %dma_start3A_527 = arith.constant 0 : i32
      %dma_start3A_528 = tpu.memref_slice %dma_start3A_525[%dma_start3A_526, %dma_start3A_527] : memref<100000x16xf32, #tpu.memory_space<hbm>> -> memref<100000x16xf32, #tpu.memory_space<hbm>>
      tpu.enqueue_indirect_dma source(%dma_start3A_528 : memref<100000x16xf32, #tpu.memory_space<hbm>>) target(%dma_start3A_518 : memref<128x16xf32, #tpu.memory_space<vmem>>) offsets(%dma_start3A_521 : memref<128xi32, #tpu.memory_space<vmem>>) semaphore(%arg12 : memref<!tpu.dma_semaphore, #tpu.memory_space<semaphore_mem>>)
      %dma_start3A_529 = arith.constant 31 : i32
      %dma_start3A_530 = arith.constant 31 : i32
      %dma_start3A_531 = arith.constant 0 : i32
      %dma_start3A_532 = arith.constant 0 : i32
      %dma_start3A_533 = tpu.memref_slice %arg11[%dma_start3A_530, %dma_start3A_531, %dma_start3A_532] : memref<32x128x16xf32, #tpu.memory_space<vmem>> -> memref<1x128x16xf32, #tpu.memory_space<vmem>>
      %dma_start3A_534 = tpu.memref_squeeze %dma_start3A_533 : memref<1x128x16xf32, #tpu.memory_space<vmem>> -> memref<128x16xf32, #tpu.memory_space<vmem>>
      %dma_start3A_535 = arith.constant 0 : i32
      %dma_start3A_536 = tpu.memref_slice %arg10[%dma_start3A_529, %dma_start3A_535] : memref<32x128xi32, #tpu.memory_space<vmem>> -> memref<1x128xi32, #tpu.memory_space<vmem>>
      %dma_start3A_537 = tpu.memref_squeeze %dma_start3A_536 : memref<1x128xi32, #tpu.memory_space<vmem>> -> memref<128xi32, #tpu.memory_space<vmem>>
      %dma_start3A_538 = arith.constant 0 : i32
      %dma_start3A_539 = arith.constant 0 : i32
      %dma_start3A_540 = tpu.memref_slice %arg3[%select_n3A, %dma_start3A_538, %dma_start3A_539] : memref<24x100000x16xf32, #tpu.memory_space<hbm>> -> memref<1x100000x16xf32, #tpu.memory_space<hbm>>
      %dma_start3A_541 = tpu.memref_squeeze %dma_start3A_540 : memref<1x100000x16xf32, #tpu.memory_space<hbm>> -> memref<100000x16xf32, #tpu.memory_space<hbm>>
      %dma_start3A_542 = arith.constant 0 : i32
      %dma_start3A_543 = arith.constant 0 : i32
      %dma_start3A_544 = tpu.memref_slice %dma_start3A_541[%dma_start3A_542, %dma_start3A_543] : memref<100000x16xf32, #tpu.memory_space<hbm>> -> memref<100000x16xf32, #tpu.memory_space<hbm>>
      tpu.enqueue_indirect_dma source(%dma_start3A_544 : memref<100000x16xf32, #tpu.memory_space<hbm>>) target(%dma_start3A_534 : memref<128x16xf32, #tpu.memory_space<vmem>>) offsets(%dma_start3A_537 : memref<128xi32, #tpu.memory_space<vmem>>) semaphore(%arg12 : memref<!tpu.dma_semaphore, #tpu.memory_space<semaphore_mem>>)
      %dma_wait3A = arith.constant 0 : i32
      %dma_wait3A_545 = arith.constant 0 : i32
      %dma_wait3A_546 = arith.constant 0 : i32
      %dma_wait3A_547 = arith.constant 0 : i32
      %dma_wait3A_548 = tpu.memref_slice %arg11[%dma_wait3A_545, %dma_wait3A_546, %dma_wait3A_547] : memref<32x128x16xf32, #tpu.memory_space<vmem>> -> memref<1x128x16xf32, #tpu.memory_space<vmem>>
      %dma_wait3A_549 = tpu.memref_squeeze %dma_wait3A_548 : memref<1x128x16xf32, #tpu.memory_space<vmem>> -> memref<128x16xf32, #tpu.memory_space<vmem>>
      %dma_wait3A_550 = arith.constant 0 : i32
      %dma_wait3A_551 = tpu.memref_slice %arg10[%dma_wait3A, %dma_wait3A_550] : memref<32x128xi32, #tpu.memory_space<vmem>> -> memref<1x128xi32, #tpu.memory_space<vmem>>
      %dma_wait3A_552 = tpu.memref_squeeze %dma_wait3A_551 : memref<1x128xi32, #tpu.memory_space<vmem>> -> memref<128xi32, #tpu.memory_space<vmem>>
      %dma_wait3A_553 = arith.constant 0 : i32
      %dma_wait3A_554 = arith.constant 0 : i32
      %dma_wait3A_555 = tpu.memref_slice %arg3[%select_n3A, %dma_wait3A_553, %dma_wait3A_554] : memref<24x100000x16xf32, #tpu.memory_space<hbm>> -> memref<1x100000x16xf32, #tpu.memory_space<hbm>>
      %dma_wait3A_556 = tpu.memref_squeeze %dma_wait3A_555 : memref<1x100000x16xf32, #tpu.memory_space<hbm>> -> memref<100000x16xf32, #tpu.memory_space<hbm>>
      %dma_wait3A_557 = arith.constant 0 : i32
      %dma_wait3A_558 = arith.constant 0 : i32
      %dma_wait3A_559 = tpu.memref_slice %dma_wait3A_556[%dma_wait3A_557, %dma_wait3A_558] : memref<100000x16xf32, #tpu.memory_space<hbm>> -> memref<100000x16xf32, #tpu.memory_space<hbm>>
      tpu.wait_indirect_dma semaphore(%arg12 : memref<!tpu.dma_semaphore, #tpu.memory_space<semaphore_mem>>) src(%dma_wait3A_559 : memref<100000x16xf32, #tpu.memory_space<hbm>>) dst(%dma_wait3A_549 : memref<128x16xf32, #tpu.memory_space<vmem>>)
      %dma_wait3A_560 = arith.constant 1 : i32
      %dma_wait3A_561 = arith.constant 1 : i32
      %dma_wait3A_562 = arith.constant 0 : i32
      %dma_wait3A_563 = arith.constant 0 : i32
      %dma_wait3A_564 = tpu.memref_slice %arg11[%dma_wait3A_561, %dma_wait3A_562, %dma_wait3A_563] : memref<32x128x16xf32, #tpu.memory_space<vmem>> -> memref<1x128x16xf32, #tpu.memory_space<vmem>>
      %dma_wait3A_565 = tpu.memref_squeeze %dma_wait3A_564 : memref<1x128x16xf32, #tpu.memory_space<vmem>> -> memref<128x16xf32, #tpu.memory_space<vmem>>
      %dma_wait3A_566 = arith.constant 0 : i32
      %dma_wait3A_567 = tpu.memref_slice %arg10[%dma_wait3A_560, %dma_wait3A_566] : memref<32x128xi32, #tpu.memory_space<vmem>> -> memref<1x128xi32, #tpu.memory_space<vmem>>
      %dma_wait3A_568 = tpu.memref_squeeze %dma_wait3A_567 : memref<1x128xi32, #tpu.memory_space<vmem>> -> memref<128xi32, #tpu.memory_space<vmem>>
      %dma_wait3A_569 = arith.constant 0 : i32
      %dma_wait3A_570 = arith.constant 0 : i32
      %dma_wait3A_571 = tpu.memref_slice %arg3[%select_n3A, %dma_wait3A_569, %dma_wait3A_570] : memref<24x100000x16xf32, #tpu.memory_space<hbm>> -> memref<1x100000x16xf32, #tpu.memory_space<hbm>>
      %dma_wait3A_572 = tpu.memref_squeeze %dma_wait3A_571 : memref<1x100000x16xf32, #tpu.memory_space<hbm>> -> memref<100000x16xf32, #tpu.memory_space<hbm>>
      %dma_wait3A_573 = arith.constant 0 : i32
      %dma_wait3A_574 = arith.constant 0 : i32
      %dma_wait3A_575 = tpu.memref_slice %dma_wait3A_572[%dma_wait3A_573, %dma_wait3A_574] : memref<100000x16xf32, #tpu.memory_space<hbm>> -> memref<100000x16xf32, #tpu.memory_space<hbm>>
      tpu.wait_indirect_dma semaphore(%arg12 : memref<!tpu.dma_semaphore, #tpu.memory_space<semaphore_mem>>) src(%dma_wait3A_575 : memref<100000x16xf32, #tpu.memory_space<hbm>>) dst(%dma_wait3A_565 : memref<128x16xf32, #tpu.memory_space<vmem>>)
      %dma_wait3A_576 = arith.constant 2 : i32
      %dma_wait3A_577 = arith.constant 2 : i32
      %dma_wait3A_578 = arith.constant 0 : i32
      %dma_wait3A_579 = arith.constant 0 : i32
      %dma_wait3A_580 = tpu.memref_slice %arg11[%dma_wait3A_577, %dma_wait3A_578, %dma_wait3A_579] : memref<32x128x16xf32, #tpu.memory_space<vmem>> -> memref<1x128x16xf32, #tpu.memory_space<vmem>>
      %dma_wait3A_581 = tpu.memref_squeeze %dma_wait3A_580 : memref<1x128x16xf32, #tpu.memory_space<vmem>> -> memref<128x16xf32, #tpu.memory_space<vmem>>
      %dma_wait3A_582 = arith.constant 0 : i32
      %dma_wait3A_583 = tpu.memref_slice %arg10[%dma_wait3A_576, %dma_wait3A_582] : memref<32x128xi32, #tpu.memory_space<vmem>> -> memref<1x128xi32, #tpu.memory_space<vmem>>
      %dma_wait3A_584 = tpu.memref_squeeze %dma_wait3A_583 : memref<1x128xi32, #tpu.memory_space<vmem>> -> memref<128xi32, #tpu.memory_space<vmem>>
      %dma_wait3A_585 = arith.constant 0 : i32
      %dma_wait3A_586 = arith.constant 0 : i32
      %dma_wait3A_587 = tpu.memref_slice %arg3[%select_n3A, %dma_wait3A_585, %dma_wait3A_586] : memref<24x100000x16xf32, #tpu.memory_space<hbm>> -> memref<1x100000x16xf32, #tpu.memory_space<hbm>>
      %dma_wait3A_588 = tpu.memref_squeeze %dma_wait3A_587 : memref<1x100000x16xf32, #tpu.memory_space<hbm>> -> memref<100000x16xf32, #tpu.memory_space<hbm>>
      %dma_wait3A_589 = arith.constant 0 : i32
      %dma_wait3A_590 = arith.constant 0 : i32
      %dma_wait3A_591 = tpu.memref_slice %dma_wait3A_588[%dma_wait3A_589, %dma_wait3A_590] : memref<100000x16xf32, #tpu.memory_space<hbm>> -> memref<100000x16xf32, #tpu.memory_space<hbm>>
      tpu.wait_indirect_dma semaphore(%arg12 : memref<!tpu.dma_semaphore, #tpu.memory_space<semaphore_mem>>) src(%dma_wait3A_591 : memref<100000x16xf32, #tpu.memory_space<hbm>>) dst(%dma_wait3A_581 : memref<128x16xf32, #tpu.memory_space<vmem>>)
      %dma_wait3A_592 = arith.constant 3 : i32
      %dma_wait3A_593 = arith.constant 3 : i32
      %dma_wait3A_594 = arith.constant 0 : i32
      %dma_wait3A_595 = arith.constant 0 : i32
      %dma_wait3A_596 = tpu.memref_slice %arg11[%dma_wait3A_593, %dma_wait3A_594, %dma_wait3A_595] : memref<32x128x16xf32, #tpu.memory_space<vmem>> -> memref<1x128x16xf32, #tpu.memory_space<vmem>>
      %dma_wait3A_597 = tpu.memref_squeeze %dma_wait3A_596 : memref<1x128x16xf32, #tpu.memory_space<vmem>> -> memref<128x16xf32, #tpu.memory_space<vmem>>
      %dma_wait3A_598 = arith.constant 0 : i32
      %dma_wait3A_599 = tpu.memref_slice %arg10[%dma_wait3A_592, %dma_wait3A_598] : memref<32x128xi32, #tpu.memory_space<vmem>> -> memref<1x128xi32, #tpu.memory_space<vmem>>
      %dma_wait3A_600 = tpu.memref_squeeze %dma_wait3A_599 : memref<1x128xi32, #tpu.memory_space<vmem>> -> memref<128xi32, #tpu.memory_space<vmem>>
      %dma_wait3A_601 = arith.constant 0 : i32
      %dma_wait3A_602 = arith.constant 0 : i32
      %dma_wait3A_603 = tpu.memref_slice %arg3[%select_n3A, %dma_wait3A_601, %dma_wait3A_602] : memref<24x100000x16xf32, #tpu.memory_space<hbm>> -> memref<1x100000x16xf32, #tpu.memory_space<hbm>>
      %dma_wait3A_604 = tpu.memref_squeeze %dma_wait3A_603 : memref<1x100000x16xf32, #tpu.memory_space<hbm>> -> memref<100000x16xf32, #tpu.memory_space<hbm>>
      %dma_wait3A_605 = arith.constant 0 : i32
      %dma_wait3A_606 = arith.constant 0 : i32
      %dma_wait3A_607 = tpu.memref_slice %dma_wait3A_604[%dma_wait3A_605, %dma_wait3A_606] : memref<100000x16xf32, #tpu.memory_space<hbm>> -> memref<100000x16xf32, #tpu.memory_space<hbm>>
      tpu.wait_indirect_dma semaphore(%arg12 : memref<!tpu.dma_semaphore, #tpu.memory_space<semaphore_mem>>) src(%dma_wait3A_607 : memref<100000x16xf32, #tpu.memory_space<hbm>>) dst(%dma_wait3A_597 : memref<128x16xf32, #tpu.memory_space<vmem>>)
      %dma_wait3A_608 = arith.constant 4 : i32
      %dma_wait3A_609 = arith.constant 4 : i32
      %dma_wait3A_610 = arith.constant 0 : i32
      %dma_wait3A_611 = arith.constant 0 : i32
      %dma_wait3A_612 = tpu.memref_slice %arg11[%dma_wait3A_609, %dma_wait3A_610, %dma_wait3A_611] : memref<32x128x16xf32, #tpu.memory_space<vmem>> -> memref<1x128x16xf32, #tpu.memory_space<vmem>>
      %dma_wait3A_613 = tpu.memref_squeeze %dma_wait3A_612 : memref<1x128x16xf32, #tpu.memory_space<vmem>> -> memref<128x16xf32, #tpu.memory_space<vmem>>
      %dma_wait3A_614 = arith.constant 0 : i32
      %dma_wait3A_615 = tpu.memref_slice %arg10[%dma_wait3A_608, %dma_wait3A_614] : memref<32x128xi32, #tpu.memory_space<vmem>> -> memref<1x128xi32, #tpu.memory_space<vmem>>
      %dma_wait3A_616 = tpu.memref_squeeze %dma_wait3A_615 : memref<1x128xi32, #tpu.memory_space<vmem>> -> memref<128xi32, #tpu.memory_space<vmem>>
      %dma_wait3A_617 = arith.constant 0 : i32
      %dma_wait3A_618 = arith.constant 0 : i32
      %dma_wait3A_619 = tpu.memref_slice %arg3[%select_n3A, %dma_wait3A_617, %dma_wait3A_618] : memref<24x100000x16xf32, #tpu.memory_space<hbm>> -> memref<1x100000x16xf32, #tpu.memory_space<hbm>>
      %dma_wait3A_620 = tpu.memref_squeeze %dma_wait3A_619 : memref<1x100000x16xf32, #tpu.memory_space<hbm>> -> memref<100000x16xf32, #tpu.memory_space<hbm>>
      %dma_wait3A_621 = arith.constant 0 : i32
      %dma_wait3A_622 = arith.constant 0 : i32
      %dma_wait3A_623 = tpu.memref_slice %dma_wait3A_620[%dma_wait3A_621, %dma_wait3A_622] : memref<100000x16xf32, #tpu.memory_space<hbm>> -> memref<100000x16xf32, #tpu.memory_space<hbm>>
      tpu.wait_indirect_dma semaphore(%arg12 : memref<!tpu.dma_semaphore, #tpu.memory_space<semaphore_mem>>) src(%dma_wait3A_623 : memref<100000x16xf32, #tpu.memory_space<hbm>>) dst(%dma_wait3A_613 : memref<128x16xf32, #tpu.memory_space<vmem>>)
      %dma_wait3A_624 = arith.constant 5 : i32
      %dma_wait3A_625 = arith.constant 5 : i32
      %dma_wait3A_626 = arith.constant 0 : i32
      %dma_wait3A_627 = arith.constant 0 : i32
      %dma_wait3A_628 = tpu.memref_slice %arg11[%dma_wait3A_625, %dma_wait3A_626, %dma_wait3A_627] : memref<32x128x16xf32, #tpu.memory_space<vmem>> -> memref<1x128x16xf32, #tpu.memory_space<vmem>>
      %dma_wait3A_629 = tpu.memref_squeeze %dma_wait3A_628 : memref<1x128x16xf32, #tpu.memory_space<vmem>> -> memref<128x16xf32, #tpu.memory_space<vmem>>
      %dma_wait3A_630 = arith.constant 0 : i32
      %dma_wait3A_631 = tpu.memref_slice %arg10[%dma_wait3A_624, %dma_wait3A_630] : memref<32x128xi32, #tpu.memory_space<vmem>> -> memref<1x128xi32, #tpu.memory_space<vmem>>
      %dma_wait3A_632 = tpu.memref_squeeze %dma_wait3A_631 : memref<1x128xi32, #tpu.memory_space<vmem>> -> memref<128xi32, #tpu.memory_space<vmem>>
      %dma_wait3A_633 = arith.constant 0 : i32
      %dma_wait3A_634 = arith.constant 0 : i32
      %dma_wait3A_635 = tpu.memref_slice %arg3[%select_n3A, %dma_wait3A_633, %dma_wait3A_634] : memref<24x100000x16xf32, #tpu.memory_space<hbm>> -> memref<1x100000x16xf32, #tpu.memory_space<hbm>>
      %dma_wait3A_636 = tpu.memref_squeeze %dma_wait3A_635 : memref<1x100000x16xf32, #tpu.memory_space<hbm>> -> memref<100000x16xf32, #tpu.memory_space<hbm>>
      %dma_wait3A_637 = arith.constant 0 : i32
      %dma_wait3A_638 = arith.constant 0 : i32
      %dma_wait3A_639 = tpu.memref_slice %dma_wait3A_636[%dma_wait3A_637, %dma_wait3A_638] : memref<100000x16xf32, #tpu.memory_space<hbm>> -> memref<100000x16xf32, #tpu.memory_space<hbm>>
      tpu.wait_indirect_dma semaphore(%arg12 : memref<!tpu.dma_semaphore, #tpu.memory_space<semaphore_mem>>) src(%dma_wait3A_639 : memref<100000x16xf32, #tpu.memory_space<hbm>>) dst(%dma_wait3A_629 : memref<128x16xf32, #tpu.memory_space<vmem>>)
      %dma_wait3A_640 = arith.constant 6 : i32
      %dma_wait3A_641 = arith.constant 6 : i32
      %dma_wait3A_642 = arith.constant 0 : i32
      %dma_wait3A_643 = arith.constant 0 : i32
      %dma_wait3A_644 = tpu.memref_slice %arg11[%dma_wait3A_641, %dma_wait3A_642, %dma_wait3A_643] : memref<32x128x16xf32, #tpu.memory_space<vmem>> -> memref<1x128x16xf32, #tpu.memory_space<vmem>>
      %dma_wait3A_645 = tpu.memref_squeeze %dma_wait3A_644 : memref<1x128x16xf32, #tpu.memory_space<vmem>> -> memref<128x16xf32, #tpu.memory_space<vmem>>
      %dma_wait3A_646 = arith.constant 0 : i32
      %dma_wait3A_647 = tpu.memref_slice %arg10[%dma_wait3A_640, %dma_wait3A_646] : memref<32x128xi32, #tpu.memory_space<vmem>> -> memref<1x128xi32, #tpu.memory_space<vmem>>
      %dma_wait3A_648 = tpu.memref_squeeze %dma_wait3A_647 : memref<1x128xi32, #tpu.memory_space<vmem>> -> memref<128xi32, #tpu.memory_space<vmem>>
      %dma_wait3A_649 = arith.constant 0 : i32
      %dma_wait3A_650 = arith.constant 0 : i32
      %dma_wait3A_651 = tpu.memref_slice %arg3[%select_n3A, %dma_wait3A_649, %dma_wait3A_650] : memref<24x100000x16xf32, #tpu.memory_space<hbm>> -> memref<1x100000x16xf32, #tpu.memory_space<hbm>>
      %dma_wait3A_652 = tpu.memref_squeeze %dma_wait3A_651 : memref<1x100000x16xf32, #tpu.memory_space<hbm>> -> memref<100000x16xf32, #tpu.memory_space<hbm>>
      %dma_wait3A_653 = arith.constant 0 : i32
      %dma_wait3A_654 = arith.constant 0 : i32
      %dma_wait3A_655 = tpu.memref_slice %dma_wait3A_652[%dma_wait3A_653, %dma_wait3A_654] : memref<100000x16xf32, #tpu.memory_space<hbm>> -> memref<100000x16xf32, #tpu.memory_space<hbm>>
      tpu.wait_indirect_dma semaphore(%arg12 : memref<!tpu.dma_semaphore, #tpu.memory_space<semaphore_mem>>) src(%dma_wait3A_655 : memref<100000x16xf32, #tpu.memory_space<hbm>>) dst(%dma_wait3A_645 : memref<128x16xf32, #tpu.memory_space<vmem>>)
      %dma_wait3A_656 = arith.constant 7 : i32
      %dma_wait3A_657 = arith.constant 7 : i32
      %dma_wait3A_658 = arith.constant 0 : i32
      %dma_wait3A_659 = arith.constant 0 : i32
      %dma_wait3A_660 = tpu.memref_slice %arg11[%dma_wait3A_657, %dma_wait3A_658, %dma_wait3A_659] : memref<32x128x16xf32, #tpu.memory_space<vmem>> -> memref<1x128x16xf32, #tpu.memory_space<vmem>>
      %dma_wait3A_661 = tpu.memref_squeeze %dma_wait3A_660 : memref<1x128x16xf32, #tpu.memory_space<vmem>> -> memref<128x16xf32, #tpu.memory_space<vmem>>
      %dma_wait3A_662 = arith.constant 0 : i32
      %dma_wait3A_663 = tpu.memref_slice %arg10[%dma_wait3A_656, %dma_wait3A_662] : memref<32x128xi32, #tpu.memory_space<vmem>> -> memref<1x128xi32, #tpu.memory_space<vmem>>
      %dma_wait3A_664 = tpu.memref_squeeze %dma_wait3A_663 : memref<1x128xi32, #tpu.memory_space<vmem>> -> memref<128xi32, #tpu.memory_space<vmem>>
      %dma_wait3A_665 = arith.constant 0 : i32
      %dma_wait3A_666 = arith.constant 0 : i32
      %dma_wait3A_667 = tpu.memref_slice %arg3[%select_n3A, %dma_wait3A_665, %dma_wait3A_666] : memref<24x100000x16xf32, #tpu.memory_space<hbm>> -> memref<1x100000x16xf32, #tpu.memory_space<hbm>>
      %dma_wait3A_668 = tpu.memref_squeeze %dma_wait3A_667 : memref<1x100000x16xf32, #tpu.memory_space<hbm>> -> memref<100000x16xf32, #tpu.memory_space<hbm>>
      %dma_wait3A_669 = arith.constant 0 : i32
      %dma_wait3A_670 = arith.constant 0 : i32
      %dma_wait3A_671 = tpu.memref_slice %dma_wait3A_668[%dma_wait3A_669, %dma_wait3A_670] : memref<100000x16xf32, #tpu.memory_space<hbm>> -> memref<100000x16xf32, #tpu.memory_space<hbm>>
      tpu.wait_indirect_dma semaphore(%arg12 : memref<!tpu.dma_semaphore, #tpu.memory_space<semaphore_mem>>) src(%dma_wait3A_671 : memref<100000x16xf32, #tpu.memory_space<hbm>>) dst(%dma_wait3A_661 : memref<128x16xf32, #tpu.memory_space<vmem>>)
      %dma_wait3A_672 = arith.constant 8 : i32
      %dma_wait3A_673 = arith.constant 8 : i32
      %dma_wait3A_674 = arith.constant 0 : i32
      %dma_wait3A_675 = arith.constant 0 : i32
      %dma_wait3A_676 = tpu.memref_slice %arg11[%dma_wait3A_673, %dma_wait3A_674, %dma_wait3A_675] : memref<32x128x16xf32, #tpu.memory_space<vmem>> -> memref<1x128x16xf32, #tpu.memory_space<vmem>>
      %dma_wait3A_677 = tpu.memref_squeeze %dma_wait3A_676 : memref<1x128x16xf32, #tpu.memory_space<vmem>> -> memref<128x16xf32, #tpu.memory_space<vmem>>
      %dma_wait3A_678 = arith.constant 0 : i32
      %dma_wait3A_679 = tpu.memref_slice %arg10[%dma_wait3A_672, %dma_wait3A_678] : memref<32x128xi32, #tpu.memory_space<vmem>> -> memref<1x128xi32, #tpu.memory_space<vmem>>
      %dma_wait3A_680 = tpu.memref_squeeze %dma_wait3A_679 : memref<1x128xi32, #tpu.memory_space<vmem>> -> memref<128xi32, #tpu.memory_space<vmem>>
      %dma_wait3A_681 = arith.constant 0 : i32
      %dma_wait3A_682 = arith.constant 0 : i32
      %dma_wait3A_683 = tpu.memref_slice %arg3[%select_n3A, %dma_wait3A_681, %dma_wait3A_682] : memref<24x100000x16xf32, #tpu.memory_space<hbm>> -> memref<1x100000x16xf32, #tpu.memory_space<hbm>>
      %dma_wait3A_684 = tpu.memref_squeeze %dma_wait3A_683 : memref<1x100000x16xf32, #tpu.memory_space<hbm>> -> memref<100000x16xf32, #tpu.memory_space<hbm>>
      %dma_wait3A_685 = arith.constant 0 : i32
      %dma_wait3A_686 = arith.constant 0 : i32
      %dma_wait3A_687 = tpu.memref_slice %dma_wait3A_684[%dma_wait3A_685, %dma_wait3A_686] : memref<100000x16xf32, #tpu.memory_space<hbm>> -> memref<100000x16xf32, #tpu.memory_space<hbm>>
      tpu.wait_indirect_dma semaphore(%arg12 : memref<!tpu.dma_semaphore, #tpu.memory_space<semaphore_mem>>) src(%dma_wait3A_687 : memref<100000x16xf32, #tpu.memory_space<hbm>>) dst(%dma_wait3A_677 : memref<128x16xf32, #tpu.memory_space<vmem>>)
      %dma_wait3A_688 = arith.constant 9 : i32
      %dma_wait3A_689 = arith.constant 9 : i32
      %dma_wait3A_690 = arith.constant 0 : i32
      %dma_wait3A_691 = arith.constant 0 : i32
      %dma_wait3A_692 = tpu.memref_slice %arg11[%dma_wait3A_689, %dma_wait3A_690, %dma_wait3A_691] : memref<32x128x16xf32, #tpu.memory_space<vmem>> -> memref<1x128x16xf32, #tpu.memory_space<vmem>>
      %dma_wait3A_693 = tpu.memref_squeeze %dma_wait3A_692 : memref<1x128x16xf32, #tpu.memory_space<vmem>> -> memref<128x16xf32, #tpu.memory_space<vmem>>
      %dma_wait3A_694 = arith.constant 0 : i32
      %dma_wait3A_695 = tpu.memref_slice %arg10[%dma_wait3A_688, %dma_wait3A_694] : memref<32x128xi32, #tpu.memory_space<vmem>> -> memref<1x128xi32, #tpu.memory_space<vmem>>
      %dma_wait3A_696 = tpu.memref_squeeze %dma_wait3A_695 : memref<1x128xi32, #tpu.memory_space<vmem>> -> memref<128xi32, #tpu.memory_space<vmem>>
      %dma_wait3A_697 = arith.constant 0 : i32
      %dma_wait3A_698 = arith.constant 0 : i32
      %dma_wait3A_699 = tpu.memref_slice %arg3[%select_n3A, %dma_wait3A_697, %dma_wait3A_698] : memref<24x100000x16xf32, #tpu.memory_space<hbm>> -> memref<1x100000x16xf32, #tpu.memory_space<hbm>>
      %dma_wait3A_700 = tpu.memref_squeeze %dma_wait3A_699 : memref<1x100000x16xf32, #tpu.memory_space<hbm>> -> memref<100000x16xf32, #tpu.memory_space<hbm>>
      %dma_wait3A_701 = arith.constant 0 : i32
      %dma_wait3A_702 = arith.constant 0 : i32
      %dma_wait3A_703 = tpu.memref_slice %dma_wait3A_700[%dma_wait3A_701, %dma_wait3A_702] : memref<100000x16xf32, #tpu.memory_space<hbm>> -> memref<100000x16xf32, #tpu.memory_space<hbm>>
      tpu.wait_indirect_dma semaphore(%arg12 : memref<!tpu.dma_semaphore, #tpu.memory_space<semaphore_mem>>) src(%dma_wait3A_703 : memref<100000x16xf32, #tpu.memory_space<hbm>>) dst(%dma_wait3A_693 : memref<128x16xf32, #tpu.memory_space<vmem>>)
      %dma_wait3A_704 = arith.constant 10 : i32
      %dma_wait3A_705 = arith.constant 10 : i32
      %dma_wait3A_706 = arith.constant 0 : i32
      %dma_wait3A_707 = arith.constant 0 : i32
      %dma_wait3A_708 = tpu.memref_slice %arg11[%dma_wait3A_705, %dma_wait3A_706, %dma_wait3A_707] : memref<32x128x16xf32, #tpu.memory_space<vmem>> -> memref<1x128x16xf32, #tpu.memory_space<vmem>>
      %dma_wait3A_709 = tpu.memref_squeeze %dma_wait3A_708 : memref<1x128x16xf32, #tpu.memory_space<vmem>> -> memref<128x16xf32, #tpu.memory_space<vmem>>
      %dma_wait3A_710 = arith.constant 0 : i32
      %dma_wait3A_711 = tpu.memref_slice %arg10[%dma_wait3A_704, %dma_wait3A_710] : memref<32x128xi32, #tpu.memory_space<vmem>> -> memref<1x128xi32, #tpu.memory_space<vmem>>
      %dma_wait3A_712 = tpu.memref_squeeze %dma_wait3A_711 : memref<1x128xi32, #tpu.memory_space<vmem>> -> memref<128xi32, #tpu.memory_space<vmem>>
      %dma_wait3A_713 = arith.constant 0 : i32
      %dma_wait3A_714 = arith.constant 0 : i32
      %dma_wait3A_715 = tpu.memref_slice %arg3[%select_n3A, %dma_wait3A_713, %dma_wait3A_714] : memref<24x100000x16xf32, #tpu.memory_space<hbm>> -> memref<1x100000x16xf32, #tpu.memory_space<hbm>>
      %dma_wait3A_716 = tpu.memref_squeeze %dma_wait3A_715 : memref<1x100000x16xf32, #tpu.memory_space<hbm>> -> memref<100000x16xf32, #tpu.memory_space<hbm>>
      %dma_wait3A_717 = arith.constant 0 : i32
      %dma_wait3A_718 = arith.constant 0 : i32
      %dma_wait3A_719 = tpu.memref_slice %dma_wait3A_716[%dma_wait3A_717, %dma_wait3A_718] : memref<100000x16xf32, #tpu.memory_space<hbm>> -> memref<100000x16xf32, #tpu.memory_space<hbm>>
      tpu.wait_indirect_dma semaphore(%arg12 : memref<!tpu.dma_semaphore, #tpu.memory_space<semaphore_mem>>) src(%dma_wait3A_719 : memref<100000x16xf32, #tpu.memory_space<hbm>>) dst(%dma_wait3A_709 : memref<128x16xf32, #tpu.memory_space<vmem>>)
      %dma_wait3A_720 = arith.constant 11 : i32
      %dma_wait3A_721 = arith.constant 11 : i32
      %dma_wait3A_722 = arith.constant 0 : i32
      %dma_wait3A_723 = arith.constant 0 : i32
      %dma_wait3A_724 = tpu.memref_slice %arg11[%dma_wait3A_721, %dma_wait3A_722, %dma_wait3A_723] : memref<32x128x16xf32, #tpu.memory_space<vmem>> -> memref<1x128x16xf32, #tpu.memory_space<vmem>>
      %dma_wait3A_725 = tpu.memref_squeeze %dma_wait3A_724 : memref<1x128x16xf32, #tpu.memory_space<vmem>> -> memref<128x16xf32, #tpu.memory_space<vmem>>
      %dma_wait3A_726 = arith.constant 0 : i32
      %dma_wait3A_727 = tpu.memref_slice %arg10[%dma_wait3A_720, %dma_wait3A_726] : memref<32x128xi32, #tpu.memory_space<vmem>> -> memref<1x128xi32, #tpu.memory_space<vmem>>
      %dma_wait3A_728 = tpu.memref_squeeze %dma_wait3A_727 : memref<1x128xi32, #tpu.memory_space<vmem>> -> memref<128xi32, #tpu.memory_space<vmem>>
      %dma_wait3A_729 = arith.constant 0 : i32
      %dma_wait3A_730 = arith.constant 0 : i32
      %dma_wait3A_731 = tpu.memref_slice %arg3[%select_n3A, %dma_wait3A_729, %dma_wait3A_730] : memref<24x100000x16xf32, #tpu.memory_space<hbm>> -> memref<1x100000x16xf32, #tpu.memory_space<hbm>>
      %dma_wait3A_732 = tpu.memref_squeeze %dma_wait3A_731 : memref<1x100000x16xf32, #tpu.memory_space<hbm>> -> memref<100000x16xf32, #tpu.memory_space<hbm>>
      %dma_wait3A_733 = arith.constant 0 : i32
      %dma_wait3A_734 = arith.constant 0 : i32
      %dma_wait3A_735 = tpu.memref_slice %dma_wait3A_732[%dma_wait3A_733, %dma_wait3A_734] : memref<100000x16xf32, #tpu.memory_space<hbm>> -> memref<100000x16xf32, #tpu.memory_space<hbm>>
      tpu.wait_indirect_dma semaphore(%arg12 : memref<!tpu.dma_semaphore, #tpu.memory_space<semaphore_mem>>) src(%dma_wait3A_735 : memref<100000x16xf32, #tpu.memory_space<hbm>>) dst(%dma_wait3A_725 : memref<128x16xf32, #tpu.memory_space<vmem>>)
      %dma_wait3A_736 = arith.constant 12 : i32
      %dma_wait3A_737 = arith.constant 12 : i32
      %dma_wait3A_738 = arith.constant 0 : i32
      %dma_wait3A_739 = arith.constant 0 : i32
      %dma_wait3A_740 = tpu.memref_slice %arg11[%dma_wait3A_737, %dma_wait3A_738, %dma_wait3A_739] : memref<32x128x16xf32, #tpu.memory_space<vmem>> -> memref<1x128x16xf32, #tpu.memory_space<vmem>>
      %dma_wait3A_741 = tpu.memref_squeeze %dma_wait3A_740 : memref<1x128x16xf32, #tpu.memory_space<vmem>> -> memref<128x16xf32, #tpu.memory_space<vmem>>
      %dma_wait3A_742 = arith.constant 0 : i32
      %dma_wait3A_743 = tpu.memref_slice %arg10[%dma_wait3A_736, %dma_wait3A_742] : memref<32x128xi32, #tpu.memory_space<vmem>> -> memref<1x128xi32, #tpu.memory_space<vmem>>
      %dma_wait3A_744 = tpu.memref_squeeze %dma_wait3A_743 : memref<1x128xi32, #tpu.memory_space<vmem>> -> memref<128xi32, #tpu.memory_space<vmem>>
      %dma_wait3A_745 = arith.constant 0 : i32
      %dma_wait3A_746 = arith.constant 0 : i32
      %dma_wait3A_747 = tpu.memref_slice %arg3[%select_n3A, %dma_wait3A_745, %dma_wait3A_746] : memref<24x100000x16xf32, #tpu.memory_space<hbm>> -> memref<1x100000x16xf32, #tpu.memory_space<hbm>>
      %dma_wait3A_748 = tpu.memref_squeeze %dma_wait3A_747 : memref<1x100000x16xf32, #tpu.memory_space<hbm>> -> memref<100000x16xf32, #tpu.memory_space<hbm>>
      %dma_wait3A_749 = arith.constant 0 : i32
      %dma_wait3A_750 = arith.constant 0 : i32
      %dma_wait3A_751 = tpu.memref_slice %dma_wait3A_748[%dma_wait3A_749, %dma_wait3A_750] : memref<100000x16xf32, #tpu.memory_space<hbm>> -> memref<100000x16xf32, #tpu.memory_space<hbm>>
      tpu.wait_indirect_dma semaphore(%arg12 : memref<!tpu.dma_semaphore, #tpu.memory_space<semaphore_mem>>) src(%dma_wait3A_751 : memref<100000x16xf32, #tpu.memory_space<hbm>>) dst(%dma_wait3A_741 : memref<128x16xf32, #tpu.memory_space<vmem>>)
      %dma_wait3A_752 = arith.constant 13 : i32
      %dma_wait3A_753 = arith.constant 13 : i32
      %dma_wait3A_754 = arith.constant 0 : i32
      %dma_wait3A_755 = arith.constant 0 : i32
      %dma_wait3A_756 = tpu.memref_slice %arg11[%dma_wait3A_753, %dma_wait3A_754, %dma_wait3A_755] : memref<32x128x16xf32, #tpu.memory_space<vmem>> -> memref<1x128x16xf32, #tpu.memory_space<vmem>>
      %dma_wait3A_757 = tpu.memref_squeeze %dma_wait3A_756 : memref<1x128x16xf32, #tpu.memory_space<vmem>> -> memref<128x16xf32, #tpu.memory_space<vmem>>
      %dma_wait3A_758 = arith.constant 0 : i32
      %dma_wait3A_759 = tpu.memref_slice %arg10[%dma_wait3A_752, %dma_wait3A_758] : memref<32x128xi32, #tpu.memory_space<vmem>> -> memref<1x128xi32, #tpu.memory_space<vmem>>
      %dma_wait3A_760 = tpu.memref_squeeze %dma_wait3A_759 : memref<1x128xi32, #tpu.memory_space<vmem>> -> memref<128xi32, #tpu.memory_space<vmem>>
      %dma_wait3A_761 = arith.constant 0 : i32
      %dma_wait3A_762 = arith.constant 0 : i32
      %dma_wait3A_763 = tpu.memref_slice %arg3[%select_n3A, %dma_wait3A_761, %dma_wait3A_762] : memref<24x100000x16xf32, #tpu.memory_space<hbm>> -> memref<1x100000x16xf32, #tpu.memory_space<hbm>>
      %dma_wait3A_764 = tpu.memref_squeeze %dma_wait3A_763 : memref<1x100000x16xf32, #tpu.memory_space<hbm>> -> memref<100000x16xf32, #tpu.memory_space<hbm>>
      %dma_wait3A_765 = arith.constant 0 : i32
      %dma_wait3A_766 = arith.constant 0 : i32
      %dma_wait3A_767 = tpu.memref_slice %dma_wait3A_764[%dma_wait3A_765, %dma_wait3A_766] : memref<100000x16xf32, #tpu.memory_space<hbm>> -> memref<100000x16xf32, #tpu.memory_space<hbm>>
      tpu.wait_indirect_dma semaphore(%arg12 : memref<!tpu.dma_semaphore, #tpu.memory_space<semaphore_mem>>) src(%dma_wait3A_767 : memref<100000x16xf32, #tpu.memory_space<hbm>>) dst(%dma_wait3A_757 : memref<128x16xf32, #tpu.memory_space<vmem>>)
      %dma_wait3A_768 = arith.constant 14 : i32
      %dma_wait3A_769 = arith.constant 14 : i32
      %dma_wait3A_770 = arith.constant 0 : i32
      %dma_wait3A_771 = arith.constant 0 : i32
      %dma_wait3A_772 = tpu.memref_slice %arg11[%dma_wait3A_769, %dma_wait3A_770, %dma_wait3A_771] : memref<32x128x16xf32, #tpu.memory_space<vmem>> -> memref<1x128x16xf32, #tpu.memory_space<vmem>>
      %dma_wait3A_773 = tpu.memref_squeeze %dma_wait3A_772 : memref<1x128x16xf32, #tpu.memory_space<vmem>> -> memref<128x16xf32, #tpu.memory_space<vmem>>
      %dma_wait3A_774 = arith.constant 0 : i32
      %dma_wait3A_775 = tpu.memref_slice %arg10[%dma_wait3A_768, %dma_wait3A_774] : memref<32x128xi32, #tpu.memory_space<vmem>> -> memref<1x128xi32, #tpu.memory_space<vmem>>
      %dma_wait3A_776 = tpu.memref_squeeze %dma_wait3A_775 : memref<1x128xi32, #tpu.memory_space<vmem>> -> memref<128xi32, #tpu.memory_space<vmem>>
      %dma_wait3A_777 = arith.constant 0 : i32
      %dma_wait3A_778 = arith.constant 0 : i32
      %dma_wait3A_779 = tpu.memref_slice %arg3[%select_n3A, %dma_wait3A_777, %dma_wait3A_778] : memref<24x100000x16xf32, #tpu.memory_space<hbm>> -> memref<1x100000x16xf32, #tpu.memory_space<hbm>>
      %dma_wait3A_780 = tpu.memref_squeeze %dma_wait3A_779 : memref<1x100000x16xf32, #tpu.memory_space<hbm>> -> memref<100000x16xf32, #tpu.memory_space<hbm>>
      %dma_wait3A_781 = arith.constant 0 : i32
      %dma_wait3A_782 = arith.constant 0 : i32
      %dma_wait3A_783 = tpu.memref_slice %dma_wait3A_780[%dma_wait3A_781, %dma_wait3A_782] : memref<100000x16xf32, #tpu.memory_space<hbm>> -> memref<100000x16xf32, #tpu.memory_space<hbm>>
      tpu.wait_indirect_dma semaphore(%arg12 : memref<!tpu.dma_semaphore, #tpu.memory_space<semaphore_mem>>) src(%dma_wait3A_783 : memref<100000x16xf32, #tpu.memory_space<hbm>>) dst(%dma_wait3A_773 : memref<128x16xf32, #tpu.memory_space<vmem>>)
      %dma_wait3A_784 = arith.constant 15 : i32
      %dma_wait3A_785 = arith.constant 15 : i32
      %dma_wait3A_786 = arith.constant 0 : i32
      %dma_wait3A_787 = arith.constant 0 : i32
      %dma_wait3A_788 = tpu.memref_slice %arg11[%dma_wait3A_785, %dma_wait3A_786, %dma_wait3A_787] : memref<32x128x16xf32, #tpu.memory_space<vmem>> -> memref<1x128x16xf32, #tpu.memory_space<vmem>>
      %dma_wait3A_789 = tpu.memref_squeeze %dma_wait3A_788 : memref<1x128x16xf32, #tpu.memory_space<vmem>> -> memref<128x16xf32, #tpu.memory_space<vmem>>
      %dma_wait3A_790 = arith.constant 0 : i32
      %dma_wait3A_791 = tpu.memref_slice %arg10[%dma_wait3A_784, %dma_wait3A_790] : memref<32x128xi32, #tpu.memory_space<vmem>> -> memref<1x128xi32, #tpu.memory_space<vmem>>
      %dma_wait3A_792 = tpu.memref_squeeze %dma_wait3A_791 : memref<1x128xi32, #tpu.memory_space<vmem>> -> memref<128xi32, #tpu.memory_space<vmem>>
      %dma_wait3A_793 = arith.constant 0 : i32
      %dma_wait3A_794 = arith.constant 0 : i32
      %dma_wait3A_795 = tpu.memref_slice %arg3[%select_n3A, %dma_wait3A_793, %dma_wait3A_794] : memref<24x100000x16xf32, #tpu.memory_space<hbm>> -> memref<1x100000x16xf32, #tpu.memory_space<hbm>>
      %dma_wait3A_796 = tpu.memref_squeeze %dma_wait3A_795 : memref<1x100000x16xf32, #tpu.memory_space<hbm>> -> memref<100000x16xf32, #tpu.memory_space<hbm>>
      %dma_wait3A_797 = arith.constant 0 : i32
      %dma_wait3A_798 = arith.constant 0 : i32
      %dma_wait3A_799 = tpu.memref_slice %dma_wait3A_796[%dma_wait3A_797, %dma_wait3A_798] : memref<100000x16xf32, #tpu.memory_space<hbm>> -> memref<100000x16xf32, #tpu.memory_space<hbm>>
      tpu.wait_indirect_dma semaphore(%arg12 : memref<!tpu.dma_semaphore, #tpu.memory_space<semaphore_mem>>) src(%dma_wait3A_799 : memref<100000x16xf32, #tpu.memory_space<hbm>>) dst(%dma_wait3A_789 : memref<128x16xf32, #tpu.memory_space<vmem>>)
      %dma_wait3A_800 = arith.constant 16 : i32
      %dma_wait3A_801 = arith.constant 16 : i32
      %dma_wait3A_802 = arith.constant 0 : i32
      %dma_wait3A_803 = arith.constant 0 : i32
      %dma_wait3A_804 = tpu.memref_slice %arg11[%dma_wait3A_801, %dma_wait3A_802, %dma_wait3A_803] : memref<32x128x16xf32, #tpu.memory_space<vmem>> -> memref<1x128x16xf32, #tpu.memory_space<vmem>>
      %dma_wait3A_805 = tpu.memref_squeeze %dma_wait3A_804 : memref<1x128x16xf32, #tpu.memory_space<vmem>> -> memref<128x16xf32, #tpu.memory_space<vmem>>
      %dma_wait3A_806 = arith.constant 0 : i32
      %dma_wait3A_807 = tpu.memref_slice %arg10[%dma_wait3A_800, %dma_wait3A_806] : memref<32x128xi32, #tpu.memory_space<vmem>> -> memref<1x128xi32, #tpu.memory_space<vmem>>
      %dma_wait3A_808 = tpu.memref_squeeze %dma_wait3A_807 : memref<1x128xi32, #tpu.memory_space<vmem>> -> memref<128xi32, #tpu.memory_space<vmem>>
      %dma_wait3A_809 = arith.constant 0 : i32
      %dma_wait3A_810 = arith.constant 0 : i32
      %dma_wait3A_811 = tpu.memref_slice %arg3[%select_n3A, %dma_wait3A_809, %dma_wait3A_810] : memref<24x100000x16xf32, #tpu.memory_space<hbm>> -> memref<1x100000x16xf32, #tpu.memory_space<hbm>>
      %dma_wait3A_812 = tpu.memref_squeeze %dma_wait3A_811 : memref<1x100000x16xf32, #tpu.memory_space<hbm>> -> memref<100000x16xf32, #tpu.memory_space<hbm>>
      %dma_wait3A_813 = arith.constant 0 : i32
      %dma_wait3A_814 = arith.constant 0 : i32
      %dma_wait3A_815 = tpu.memref_slice %dma_wait3A_812[%dma_wait3A_813, %dma_wait3A_814] : memref<100000x16xf32, #tpu.memory_space<hbm>> -> memref<100000x16xf32, #tpu.memory_space<hbm>>
      tpu.wait_indirect_dma semaphore(%arg12 : memref<!tpu.dma_semaphore, #tpu.memory_space<semaphore_mem>>) src(%dma_wait3A_815 : memref<100000x16xf32, #tpu.memory_space<hbm>>) dst(%dma_wait3A_805 : memref<128x16xf32, #tpu.memory_space<vmem>>)
      %dma_wait3A_816 = arith.constant 17 : i32
      %dma_wait3A_817 = arith.constant 17 : i32
      %dma_wait3A_818 = arith.constant 0 : i32
      %dma_wait3A_819 = arith.constant 0 : i32
      %dma_wait3A_820 = tpu.memref_slice %arg11[%dma_wait3A_817, %dma_wait3A_818, %dma_wait3A_819] : memref<32x128x16xf32, #tpu.memory_space<vmem>> -> memref<1x128x16xf32, #tpu.memory_space<vmem>>
      %dma_wait3A_821 = tpu.memref_squeeze %dma_wait3A_820 : memref<1x128x16xf32, #tpu.memory_space<vmem>> -> memref<128x16xf32, #tpu.memory_space<vmem>>
      %dma_wait3A_822 = arith.constant 0 : i32
      %dma_wait3A_823 = tpu.memref_slice %arg10[%dma_wait3A_816, %dma_wait3A_822] : memref<32x128xi32, #tpu.memory_space<vmem>> -> memref<1x128xi32, #tpu.memory_space<vmem>>
      %dma_wait3A_824 = tpu.memref_squeeze %dma_wait3A_823 : memref<1x128xi32, #tpu.memory_space<vmem>> -> memref<128xi32, #tpu.memory_space<vmem>>
      %dma_wait3A_825 = arith.constant 0 : i32
      %dma_wait3A_826 = arith.constant 0 : i32
      %dma_wait3A_827 = tpu.memref_slice %arg3[%select_n3A, %dma_wait3A_825, %dma_wait3A_826] : memref<24x100000x16xf32, #tpu.memory_space<hbm>> -> memref<1x100000x16xf32, #tpu.memory_space<hbm>>
      %dma_wait3A_828 = tpu.memref_squeeze %dma_wait3A_827 : memref<1x100000x16xf32, #tpu.memory_space<hbm>> -> memref<100000x16xf32, #tpu.memory_space<hbm>>
      %dma_wait3A_829 = arith.constant 0 : i32
      %dma_wait3A_830 = arith.constant 0 : i32
      %dma_wait3A_831 = tpu.memref_slice %dma_wait3A_828[%dma_wait3A_829, %dma_wait3A_830] : memref<100000x16xf32, #tpu.memory_space<hbm>> -> memref<100000x16xf32, #tpu.memory_space<hbm>>
      tpu.wait_indirect_dma semaphore(%arg12 : memref<!tpu.dma_semaphore, #tpu.memory_space<semaphore_mem>>) src(%dma_wait3A_831 : memref<100000x16xf32, #tpu.memory_space<hbm>>) dst(%dma_wait3A_821 : memref<128x16xf32, #tpu.memory_space<vmem>>)
      %dma_wait3A_832 = arith.constant 18 : i32
      %dma_wait3A_833 = arith.constant 18 : i32
      %dma_wait3A_834 = arith.constant 0 : i32
      %dma_wait3A_835 = arith.constant 0 : i32
      %dma_wait3A_836 = tpu.memref_slice %arg11[%dma_wait3A_833, %dma_wait3A_834, %dma_wait3A_835] : memref<32x128x16xf32, #tpu.memory_space<vmem>> -> memref<1x128x16xf32, #tpu.memory_space<vmem>>
      %dma_wait3A_837 = tpu.memref_squeeze %dma_wait3A_836 : memref<1x128x16xf32, #tpu.memory_space<vmem>> -> memref<128x16xf32, #tpu.memory_space<vmem>>
      %dma_wait3A_838 = arith.constant 0 : i32
      %dma_wait3A_839 = tpu.memref_slice %arg10[%dma_wait3A_832, %dma_wait3A_838] : memref<32x128xi32, #tpu.memory_space<vmem>> -> memref<1x128xi32, #tpu.memory_space<vmem>>
      %dma_wait3A_840 = tpu.memref_squeeze %dma_wait3A_839 : memref<1x128xi32, #tpu.memory_space<vmem>> -> memref<128xi32, #tpu.memory_space<vmem>>
      %dma_wait3A_841 = arith.constant 0 : i32
      %dma_wait3A_842 = arith.constant 0 : i32
      %dma_wait3A_843 = tpu.memref_slice %arg3[%select_n3A, %dma_wait3A_841, %dma_wait3A_842] : memref<24x100000x16xf32, #tpu.memory_space<hbm>> -> memref<1x100000x16xf32, #tpu.memory_space<hbm>>
      %dma_wait3A_844 = tpu.memref_squeeze %dma_wait3A_843 : memref<1x100000x16xf32, #tpu.memory_space<hbm>> -> memref<100000x16xf32, #tpu.memory_space<hbm>>
      %dma_wait3A_845 = arith.constant 0 : i32
      %dma_wait3A_846 = arith.constant 0 : i32
      %dma_wait3A_847 = tpu.memref_slice %dma_wait3A_844[%dma_wait3A_845, %dma_wait3A_846] : memref<100000x16xf32, #tpu.memory_space<hbm>> -> memref<100000x16xf32, #tpu.memory_space<hbm>>
      tpu.wait_indirect_dma semaphore(%arg12 : memref<!tpu.dma_semaphore, #tpu.memory_space<semaphore_mem>>) src(%dma_wait3A_847 : memref<100000x16xf32, #tpu.memory_space<hbm>>) dst(%dma_wait3A_837 : memref<128x16xf32, #tpu.memory_space<vmem>>)
      %dma_wait3A_848 = arith.constant 19 : i32
      %dma_wait3A_849 = arith.constant 19 : i32
      %dma_wait3A_850 = arith.constant 0 : i32
      %dma_wait3A_851 = arith.constant 0 : i32
      %dma_wait3A_852 = tpu.memref_slice %arg11[%dma_wait3A_849, %dma_wait3A_850, %dma_wait3A_851] : memref<32x128x16xf32, #tpu.memory_space<vmem>> -> memref<1x128x16xf32, #tpu.memory_space<vmem>>
      %dma_wait3A_853 = tpu.memref_squeeze %dma_wait3A_852 : memref<1x128x16xf32, #tpu.memory_space<vmem>> -> memref<128x16xf32, #tpu.memory_space<vmem>>
      %dma_wait3A_854 = arith.constant 0 : i32
      %dma_wait3A_855 = tpu.memref_slice %arg10[%dma_wait3A_848, %dma_wait3A_854] : memref<32x128xi32, #tpu.memory_space<vmem>> -> memref<1x128xi32, #tpu.memory_space<vmem>>
      %dma_wait3A_856 = tpu.memref_squeeze %dma_wait3A_855 : memref<1x128xi32, #tpu.memory_space<vmem>> -> memref<128xi32, #tpu.memory_space<vmem>>
      %dma_wait3A_857 = arith.constant 0 : i32
      %dma_wait3A_858 = arith.constant 0 : i32
      %dma_wait3A_859 = tpu.memref_slice %arg3[%select_n3A, %dma_wait3A_857, %dma_wait3A_858] : memref<24x100000x16xf32, #tpu.memory_space<hbm>> -> memref<1x100000x16xf32, #tpu.memory_space<hbm>>
      %dma_wait3A_860 = tpu.memref_squeeze %dma_wait3A_859 : memref<1x100000x16xf32, #tpu.memory_space<hbm>> -> memref<100000x16xf32, #tpu.memory_space<hbm>>
      %dma_wait3A_861 = arith.constant 0 : i32
      %dma_wait3A_862 = arith.constant 0 : i32
      %dma_wait3A_863 = tpu.memref_slice %dma_wait3A_860[%dma_wait3A_861, %dma_wait3A_862] : memref<100000x16xf32, #tpu.memory_space<hbm>> -> memref<100000x16xf32, #tpu.memory_space<hbm>>
      tpu.wait_indirect_dma semaphore(%arg12 : memref<!tpu.dma_semaphore, #tpu.memory_space<semaphore_mem>>) src(%dma_wait3A_863 : memref<100000x16xf32, #tpu.memory_space<hbm>>) dst(%dma_wait3A_853 : memref<128x16xf32, #tpu.memory_space<vmem>>)
      %dma_wait3A_864 = arith.constant 20 : i32
      %dma_wait3A_865 = arith.constant 20 : i32
      %dma_wait3A_866 = arith.constant 0 : i32
      %dma_wait3A_867 = arith.constant 0 : i32
      %dma_wait3A_868 = tpu.memref_slice %arg11[%dma_wait3A_865, %dma_wait3A_866, %dma_wait3A_867] : memref<32x128x16xf32, #tpu.memory_space<vmem>> -> memref<1x128x16xf32, #tpu.memory_space<vmem>>
      %dma_wait3A_869 = tpu.memref_squeeze %dma_wait3A_868 : memref<1x128x16xf32, #tpu.memory_space<vmem>> -> memref<128x16xf32, #tpu.memory_space<vmem>>
      %dma_wait3A_870 = arith.constant 0 : i32
      %dma_wait3A_871 = tpu.memref_slice %arg10[%dma_wait3A_864, %dma_wait3A_870] : memref<32x128xi32, #tpu.memory_space<vmem>> -> memref<1x128xi32, #tpu.memory_space<vmem>>
      %dma_wait3A_872 = tpu.memref_squeeze %dma_wait3A_871 : memref<1x128xi32, #tpu.memory_space<vmem>> -> memref<128xi32, #tpu.memory_space<vmem>>
      %dma_wait3A_873 = arith.constant 0 : i32
      %dma_wait3A_874 = arith.constant 0 : i32
      %dma_wait3A_875 = tpu.memref_slice %arg3[%select_n3A, %dma_wait3A_873, %dma_wait3A_874] : memref<24x100000x16xf32, #tpu.memory_space<hbm>> -> memref<1x100000x16xf32, #tpu.memory_space<hbm>>
      %dma_wait3A_876 = tpu.memref_squeeze %dma_wait3A_875 : memref<1x100000x16xf32, #tpu.memory_space<hbm>> -> memref<100000x16xf32, #tpu.memory_space<hbm>>
      %dma_wait3A_877 = arith.constant 0 : i32
      %dma_wait3A_878 = arith.constant 0 : i32
      %dma_wait3A_879 = tpu.memref_slice %dma_wait3A_876[%dma_wait3A_877, %dma_wait3A_878] : memref<100000x16xf32, #tpu.memory_space<hbm>> -> memref<100000x16xf32, #tpu.memory_space<hbm>>
      tpu.wait_indirect_dma semaphore(%arg12 : memref<!tpu.dma_semaphore, #tpu.memory_space<semaphore_mem>>) src(%dma_wait3A_879 : memref<100000x16xf32, #tpu.memory_space<hbm>>) dst(%dma_wait3A_869 : memref<128x16xf32, #tpu.memory_space<vmem>>)
      %dma_wait3A_880 = arith.constant 21 : i32
      %dma_wait3A_881 = arith.constant 21 : i32
      %dma_wait3A_882 = arith.constant 0 : i32
      %dma_wait3A_883 = arith.constant 0 : i32
      %dma_wait3A_884 = tpu.memref_slice %arg11[%dma_wait3A_881, %dma_wait3A_882, %dma_wait3A_883] : memref<32x128x16xf32, #tpu.memory_space<vmem>> -> memref<1x128x16xf32, #tpu.memory_space<vmem>>
      %dma_wait3A_885 = tpu.memref_squeeze %dma_wait3A_884 : memref<1x128x16xf32, #tpu.memory_space<vmem>> -> memref<128x16xf32, #tpu.memory_space<vmem>>
      %dma_wait3A_886 = arith.constant 0 : i32
      %dma_wait3A_887 = tpu.memref_slice %arg10[%dma_wait3A_880, %dma_wait3A_886] : memref<32x128xi32, #tpu.memory_space<vmem>> -> memref<1x128xi32, #tpu.memory_space<vmem>>
      %dma_wait3A_888 = tpu.memref_squeeze %dma_wait3A_887 : memref<1x128xi32, #tpu.memory_space<vmem>> -> memref<128xi32, #tpu.memory_space<vmem>>
      %dma_wait3A_889 = arith.constant 0 : i32
      %dma_wait3A_890 = arith.constant 0 : i32
      %dma_wait3A_891 = tpu.memref_slice %arg3[%select_n3A, %dma_wait3A_889, %dma_wait3A_890] : memref<24x100000x16xf32, #tpu.memory_space<hbm>> -> memref<1x100000x16xf32, #tpu.memory_space<hbm>>
      %dma_wait3A_892 = tpu.memref_squeeze %dma_wait3A_891 : memref<1x100000x16xf32, #tpu.memory_space<hbm>> -> memref<100000x16xf32, #tpu.memory_space<hbm>>
      %dma_wait3A_893 = arith.constant 0 : i32
      %dma_wait3A_894 = arith.constant 0 : i32
      %dma_wait3A_895 = tpu.memref_slice %dma_wait3A_892[%dma_wait3A_893, %dma_wait3A_894] : memref<100000x16xf32, #tpu.memory_space<hbm>> -> memref<100000x16xf32, #tpu.memory_space<hbm>>
      tpu.wait_indirect_dma semaphore(%arg12 : memref<!tpu.dma_semaphore, #tpu.memory_space<semaphore_mem>>) src(%dma_wait3A_895 : memref<100000x16xf32, #tpu.memory_space<hbm>>) dst(%dma_wait3A_885 : memref<128x16xf32, #tpu.memory_space<vmem>>)
      %dma_wait3A_896 = arith.constant 22 : i32
      %dma_wait3A_897 = arith.constant 22 : i32
      %dma_wait3A_898 = arith.constant 0 : i32
      %dma_wait3A_899 = arith.constant 0 : i32
      %dma_wait3A_900 = tpu.memref_slice %arg11[%dma_wait3A_897, %dma_wait3A_898, %dma_wait3A_899] : memref<32x128x16xf32, #tpu.memory_space<vmem>> -> memref<1x128x16xf32, #tpu.memory_space<vmem>>
      %dma_wait3A_901 = tpu.memref_squeeze %dma_wait3A_900 : memref<1x128x16xf32, #tpu.memory_space<vmem>> -> memref<128x16xf32, #tpu.memory_space<vmem>>
      %dma_wait3A_902 = arith.constant 0 : i32
      %dma_wait3A_903 = tpu.memref_slice %arg10[%dma_wait3A_896, %dma_wait3A_902] : memref<32x128xi32, #tpu.memory_space<vmem>> -> memref<1x128xi32, #tpu.memory_space<vmem>>
      %dma_wait3A_904 = tpu.memref_squeeze %dma_wait3A_903 : memref<1x128xi32, #tpu.memory_space<vmem>> -> memref<128xi32, #tpu.memory_space<vmem>>
      %dma_wait3A_905 = arith.constant 0 : i32
      %dma_wait3A_906 = arith.constant 0 : i32
      %dma_wait3A_907 = tpu.memref_slice %arg3[%select_n3A, %dma_wait3A_905, %dma_wait3A_906] : memref<24x100000x16xf32, #tpu.memory_space<hbm>> -> memref<1x100000x16xf32, #tpu.memory_space<hbm>>
      %dma_wait3A_908 = tpu.memref_squeeze %dma_wait3A_907 : memref<1x100000x16xf32, #tpu.memory_space<hbm>> -> memref<100000x16xf32, #tpu.memory_space<hbm>>
      %dma_wait3A_909 = arith.constant 0 : i32
      %dma_wait3A_910 = arith.constant 0 : i32
      %dma_wait3A_911 = tpu.memref_slice %dma_wait3A_908[%dma_wait3A_909, %dma_wait3A_910] : memref<100000x16xf32, #tpu.memory_space<hbm>> -> memref<100000x16xf32, #tpu.memory_space<hbm>>
      tpu.wait_indirect_dma semaphore(%arg12 : memref<!tpu.dma_semaphore, #tpu.memory_space<semaphore_mem>>) src(%dma_wait3A_911 : memref<100000x16xf32, #tpu.memory_space<hbm>>) dst(%dma_wait3A_901 : memref<128x16xf32, #tpu.memory_space<vmem>>)
      %dma_wait3A_912 = arith.constant 23 : i32
      %dma_wait3A_913 = arith.constant 23 : i32
      %dma_wait3A_914 = arith.constant 0 : i32
      %dma_wait3A_915 = arith.constant 0 : i32
      %dma_wait3A_916 = tpu.memref_slice %arg11[%dma_wait3A_913, %dma_wait3A_914, %dma_wait3A_915] : memref<32x128x16xf32, #tpu.memory_space<vmem>> -> memref<1x128x16xf32, #tpu.memory_space<vmem>>
      %dma_wait3A_917 = tpu.memref_squeeze %dma_wait3A_916 : memref<1x128x16xf32, #tpu.memory_space<vmem>> -> memref<128x16xf32, #tpu.memory_space<vmem>>
      %dma_wait3A_918 = arith.constant 0 : i32
      %dma_wait3A_919 = tpu.memref_slice %arg10[%dma_wait3A_912, %dma_wait3A_918] : memref<32x128xi32, #tpu.memory_space<vmem>> -> memref<1x128xi32, #tpu.memory_space<vmem>>
      %dma_wait3A_920 = tpu.memref_squeeze %dma_wait3A_919 : memref<1x128xi32, #tpu.memory_space<vmem>> -> memref<128xi32, #tpu.memory_space<vmem>>
      %dma_wait3A_921 = arith.constant 0 : i32
      %dma_wait3A_922 = arith.constant 0 : i32
      %dma_wait3A_923 = tpu.memref_slice %arg3[%select_n3A, %dma_wait3A_921, %dma_wait3A_922] : memref<24x100000x16xf32, #tpu.memory_space<hbm>> -> memref<1x100000x16xf32, #tpu.memory_space<hbm>>
      %dma_wait3A_924 = tpu.memref_squeeze %dma_wait3A_923 : memref<1x100000x16xf32, #tpu.memory_space<hbm>> -> memref<100000x16xf32, #tpu.memory_space<hbm>>
      %dma_wait3A_925 = arith.constant 0 : i32
      %dma_wait3A_926 = arith.constant 0 : i32
      %dma_wait3A_927 = tpu.memref_slice %dma_wait3A_924[%dma_wait3A_925, %dma_wait3A_926] : memref<100000x16xf32, #tpu.memory_space<hbm>> -> memref<100000x16xf32, #tpu.memory_space<hbm>>
      tpu.wait_indirect_dma semaphore(%arg12 : memref<!tpu.dma_semaphore, #tpu.memory_space<semaphore_mem>>) src(%dma_wait3A_927 : memref<100000x16xf32, #tpu.memory_space<hbm>>) dst(%dma_wait3A_917 : memref<128x16xf32, #tpu.memory_space<vmem>>)
      %dma_wait3A_928 = arith.constant 24 : i32
      %dma_wait3A_929 = arith.constant 24 : i32
      %dma_wait3A_930 = arith.constant 0 : i32
      %dma_wait3A_931 = arith.constant 0 : i32
      %dma_wait3A_932 = tpu.memref_slice %arg11[%dma_wait3A_929, %dma_wait3A_930, %dma_wait3A_931] : memref<32x128x16xf32, #tpu.memory_space<vmem>> -> memref<1x128x16xf32, #tpu.memory_space<vmem>>
      %dma_wait3A_933 = tpu.memref_squeeze %dma_wait3A_932 : memref<1x128x16xf32, #tpu.memory_space<vmem>> -> memref<128x16xf32, #tpu.memory_space<vmem>>
      %dma_wait3A_934 = arith.constant 0 : i32
      %dma_wait3A_935 = tpu.memref_slice %arg10[%dma_wait3A_928, %dma_wait3A_934] : memref<32x128xi32, #tpu.memory_space<vmem>> -> memref<1x128xi32, #tpu.memory_space<vmem>>
      %dma_wait3A_936 = tpu.memref_squeeze %dma_wait3A_935 : memref<1x128xi32, #tpu.memory_space<vmem>> -> memref<128xi32, #tpu.memory_space<vmem>>
      %dma_wait3A_937 = arith.constant 0 : i32
      %dma_wait3A_938 = arith.constant 0 : i32
      %dma_wait3A_939 = tpu.memref_slice %arg3[%select_n3A, %dma_wait3A_937, %dma_wait3A_938] : memref<24x100000x16xf32, #tpu.memory_space<hbm>> -> memref<1x100000x16xf32, #tpu.memory_space<hbm>>
      %dma_wait3A_940 = tpu.memref_squeeze %dma_wait3A_939 : memref<1x100000x16xf32, #tpu.memory_space<hbm>> -> memref<100000x16xf32, #tpu.memory_space<hbm>>
      %dma_wait3A_941 = arith.constant 0 : i32
      %dma_wait3A_942 = arith.constant 0 : i32
      %dma_wait3A_943 = tpu.memref_slice %dma_wait3A_940[%dma_wait3A_941, %dma_wait3A_942] : memref<100000x16xf32, #tpu.memory_space<hbm>> -> memref<100000x16xf32, #tpu.memory_space<hbm>>
      tpu.wait_indirect_dma semaphore(%arg12 : memref<!tpu.dma_semaphore, #tpu.memory_space<semaphore_mem>>) src(%dma_wait3A_943 : memref<100000x16xf32, #tpu.memory_space<hbm>>) dst(%dma_wait3A_933 : memref<128x16xf32, #tpu.memory_space<vmem>>)
      %dma_wait3A_944 = arith.constant 25 : i32
      %dma_wait3A_945 = arith.constant 25 : i32
      %dma_wait3A_946 = arith.constant 0 : i32
      %dma_wait3A_947 = arith.constant 0 : i32
      %dma_wait3A_948 = tpu.memref_slice %arg11[%dma_wait3A_945, %dma_wait3A_946, %dma_wait3A_947] : memref<32x128x16xf32, #tpu.memory_space<vmem>> -> memref<1x128x16xf32, #tpu.memory_space<vmem>>
      %dma_wait3A_949 = tpu.memref_squeeze %dma_wait3A_948 : memref<1x128x16xf32, #tpu.memory_space<vmem>> -> memref<128x16xf32, #tpu.memory_space<vmem>>
      %dma_wait3A_950 = arith.constant 0 : i32
      %dma_wait3A_951 = tpu.memref_slice %arg10[%dma_wait3A_944, %dma_wait3A_950] : memref<32x128xi32, #tpu.memory_space<vmem>> -> memref<1x128xi32, #tpu.memory_space<vmem>>
      %dma_wait3A_952 = tpu.memref_squeeze %dma_wait3A_951 : memref<1x128xi32, #tpu.memory_space<vmem>> -> memref<128xi32, #tpu.memory_space<vmem>>
      %dma_wait3A_953 = arith.constant 0 : i32
      %dma_wait3A_954 = arith.constant 0 : i32
      %dma_wait3A_955 = tpu.memref_slice %arg3[%select_n3A, %dma_wait3A_953, %dma_wait3A_954] : memref<24x100000x16xf32, #tpu.memory_space<hbm>> -> memref<1x100000x16xf32, #tpu.memory_space<hbm>>
      %dma_wait3A_956 = tpu.memref_squeeze %dma_wait3A_955 : memref<1x100000x16xf32, #tpu.memory_space<hbm>> -> memref<100000x16xf32, #tpu.memory_space<hbm>>
      %dma_wait3A_957 = arith.constant 0 : i32
      %dma_wait3A_958 = arith.constant 0 : i32
      %dma_wait3A_959 = tpu.memref_slice %dma_wait3A_956[%dma_wait3A_957, %dma_wait3A_958] : memref<100000x16xf32, #tpu.memory_space<hbm>> -> memref<100000x16xf32, #tpu.memory_space<hbm>>
      tpu.wait_indirect_dma semaphore(%arg12 : memref<!tpu.dma_semaphore, #tpu.memory_space<semaphore_mem>>) src(%dma_wait3A_959 : memref<100000x16xf32, #tpu.memory_space<hbm>>) dst(%dma_wait3A_949 : memref<128x16xf32, #tpu.memory_space<vmem>>)
      %dma_wait3A_960 = arith.constant 26 : i32
      %dma_wait3A_961 = arith.constant 26 : i32
      %dma_wait3A_962 = arith.constant 0 : i32
      %dma_wait3A_963 = arith.constant 0 : i32
      %dma_wait3A_964 = tpu.memref_slice %arg11[%dma_wait3A_961, %dma_wait3A_962, %dma_wait3A_963] : memref<32x128x16xf32, #tpu.memory_space<vmem>> -> memref<1x128x16xf32, #tpu.memory_space<vmem>>
      %dma_wait3A_965 = tpu.memref_squeeze %dma_wait3A_964 : memref<1x128x16xf32, #tpu.memory_space<vmem>> -> memref<128x16xf32, #tpu.memory_space<vmem>>
      %dma_wait3A_966 = arith.constant 0 : i32
      %dma_wait3A_967 = tpu.memref_slice %arg10[%dma_wait3A_960, %dma_wait3A_966] : memref<32x128xi32, #tpu.memory_space<vmem>> -> memref<1x128xi32, #tpu.memory_space<vmem>>
      %dma_wait3A_968 = tpu.memref_squeeze %dma_wait3A_967 : memref<1x128xi32, #tpu.memory_space<vmem>> -> memref<128xi32, #tpu.memory_space<vmem>>
      %dma_wait3A_969 = arith.constant 0 : i32
      %dma_wait3A_970 = arith.constant 0 : i32
      %dma_wait3A_971 = tpu.memref_slice %arg3[%select_n3A, %dma_wait3A_969, %dma_wait3A_970] : memref<24x100000x16xf32, #tpu.memory_space<hbm>> -> memref<1x100000x16xf32, #tpu.memory_space<hbm>>
      %dma_wait3A_972 = tpu.memref_squeeze %dma_wait3A_971 : memref<1x100000x16xf32, #tpu.memory_space<hbm>> -> memref<100000x16xf32, #tpu.memory_space<hbm>>
      %dma_wait3A_973 = arith.constant 0 : i32
      %dma_wait3A_974 = arith.constant 0 : i32
      %dma_wait3A_975 = tpu.memref_slice %dma_wait3A_972[%dma_wait3A_973, %dma_wait3A_974] : memref<100000x16xf32, #tpu.memory_space<hbm>> -> memref<100000x16xf32, #tpu.memory_space<hbm>>
      tpu.wait_indirect_dma semaphore(%arg12 : memref<!tpu.dma_semaphore, #tpu.memory_space<semaphore_mem>>) src(%dma_wait3A_975 : memref<100000x16xf32, #tpu.memory_space<hbm>>) dst(%dma_wait3A_965 : memref<128x16xf32, #tpu.memory_space<vmem>>)
      %dma_wait3A_976 = arith.constant 27 : i32
      %dma_wait3A_977 = arith.constant 27 : i32
      %dma_wait3A_978 = arith.constant 0 : i32
      %dma_wait3A_979 = arith.constant 0 : i32
      %dma_wait3A_980 = tpu.memref_slice %arg11[%dma_wait3A_977, %dma_wait3A_978, %dma_wait3A_979] : memref<32x128x16xf32, #tpu.memory_space<vmem>> -> memref<1x128x16xf32, #tpu.memory_space<vmem>>
      %dma_wait3A_981 = tpu.memref_squeeze %dma_wait3A_980 : memref<1x128x16xf32, #tpu.memory_space<vmem>> -> memref<128x16xf32, #tpu.memory_space<vmem>>
      %dma_wait3A_982 = arith.constant 0 : i32
      %dma_wait3A_983 = tpu.memref_slice %arg10[%dma_wait3A_976, %dma_wait3A_982] : memref<32x128xi32, #tpu.memory_space<vmem>> -> memref<1x128xi32, #tpu.memory_space<vmem>>
      %dma_wait3A_984 = tpu.memref_squeeze %dma_wait3A_983 : memref<1x128xi32, #tpu.memory_space<vmem>> -> memref<128xi32, #tpu.memory_space<vmem>>
      %dma_wait3A_985 = arith.constant 0 : i32
      %dma_wait3A_986 = arith.constant 0 : i32
      %dma_wait3A_987 = tpu.memref_slice %arg3[%select_n3A, %dma_wait3A_985, %dma_wait3A_986] : memref<24x100000x16xf32, #tpu.memory_space<hbm>> -> memref<1x100000x16xf32, #tpu.memory_space<hbm>>
      %dma_wait3A_988 = tpu.memref_squeeze %dma_wait3A_987 : memref<1x100000x16xf32, #tpu.memory_space<hbm>> -> memref<100000x16xf32, #tpu.memory_space<hbm>>
      %dma_wait3A_989 = arith.constant 0 : i32
      %dma_wait3A_990 = arith.constant 0 : i32
      %dma_wait3A_991 = tpu.memref_slice %dma_wait3A_988[%dma_wait3A_989, %dma_wait3A_990] : memref<100000x16xf32, #tpu.memory_space<hbm>> -> memref<100000x16xf32, #tpu.memory_space<hbm>>
      tpu.wait_indirect_dma semaphore(%arg12 : memref<!tpu.dma_semaphore, #tpu.memory_space<semaphore_mem>>) src(%dma_wait3A_991 : memref<100000x16xf32, #tpu.memory_space<hbm>>) dst(%dma_wait3A_981 : memref<128x16xf32, #tpu.memory_space<vmem>>)
      %dma_wait3A_992 = arith.constant 28 : i32
      %dma_wait3A_993 = arith.constant 28 : i32
      %dma_wait3A_994 = arith.constant 0 : i32
      %dma_wait3A_995 = arith.constant 0 : i32
      %dma_wait3A_996 = tpu.memref_slice %arg11[%dma_wait3A_993, %dma_wait3A_994, %dma_wait3A_995] : memref<32x128x16xf32, #tpu.memory_space<vmem>> -> memref<1x128x16xf32, #tpu.memory_space<vmem>>
      %dma_wait3A_997 = tpu.memref_squeeze %dma_wait3A_996 : memref<1x128x16xf32, #tpu.memory_space<vmem>> -> memref<128x16xf32, #tpu.memory_space<vmem>>
      %dma_wait3A_998 = arith.constant 0 : i32
      %dma_wait3A_999 = tpu.memref_slice %arg10[%dma_wait3A_992, %dma_wait3A_998] : memref<32x128xi32, #tpu.memory_space<vmem>> -> memref<1x128xi32, #tpu.memory_space<vmem>>
      %dma_wait3A_1000 = tpu.memref_squeeze %dma_wait3A_999 : memref<1x128xi32, #tpu.memory_space<vmem>> -> memref<128xi32, #tpu.memory_space<vmem>>
      %dma_wait3A_1001 = arith.constant 0 : i32
      %dma_wait3A_1002 = arith.constant 0 : i32
      %dma_wait3A_1003 = tpu.memref_slice %arg3[%select_n3A, %dma_wait3A_1001, %dma_wait3A_1002] : memref<24x100000x16xf32, #tpu.memory_space<hbm>> -> memref<1x100000x16xf32, #tpu.memory_space<hbm>>
      %dma_wait3A_1004 = tpu.memref_squeeze %dma_wait3A_1003 : memref<1x100000x16xf32, #tpu.memory_space<hbm>> -> memref<100000x16xf32, #tpu.memory_space<hbm>>
      %dma_wait3A_1005 = arith.constant 0 : i32
      %dma_wait3A_1006 = arith.constant 0 : i32
      %dma_wait3A_1007 = tpu.memref_slice %dma_wait3A_1004[%dma_wait3A_1005, %dma_wait3A_1006] : memref<100000x16xf32, #tpu.memory_space<hbm>> -> memref<100000x16xf32, #tpu.memory_space<hbm>>
      tpu.wait_indirect_dma semaphore(%arg12 : memref<!tpu.dma_semaphore, #tpu.memory_space<semaphore_mem>>) src(%dma_wait3A_1007 : memref<100000x16xf32, #tpu.memory_space<hbm>>) dst(%dma_wait3A_997 : memref<128x16xf32, #tpu.memory_space<vmem>>)
      %dma_wait3A_1008 = arith.constant 29 : i32
      %dma_wait3A_1009 = arith.constant 29 : i32
      %dma_wait3A_1010 = arith.constant 0 : i32
      %dma_wait3A_1011 = arith.constant 0 : i32
      %dma_wait3A_1012 = tpu.memref_slice %arg11[%dma_wait3A_1009, %dma_wait3A_1010, %dma_wait3A_1011] : memref<32x128x16xf32, #tpu.memory_space<vmem>> -> memref<1x128x16xf32, #tpu.memory_space<vmem>>
      %dma_wait3A_1013 = tpu.memref_squeeze %dma_wait3A_1012 : memref<1x128x16xf32, #tpu.memory_space<vmem>> -> memref<128x16xf32, #tpu.memory_space<vmem>>
      %dma_wait3A_1014 = arith.constant 0 : i32
      %dma_wait3A_1015 = tpu.memref_slice %arg10[%dma_wait3A_1008, %dma_wait3A_1014] : memref<32x128xi32, #tpu.memory_space<vmem>> -> memref<1x128xi32, #tpu.memory_space<vmem>>
      %dma_wait3A_1016 = tpu.memref_squeeze %dma_wait3A_1015 : memref<1x128xi32, #tpu.memory_space<vmem>> -> memref<128xi32, #tpu.memory_space<vmem>>
      %dma_wait3A_1017 = arith.constant 0 : i32
      %dma_wait3A_1018 = arith.constant 0 : i32
      %dma_wait3A_1019 = tpu.memref_slice %arg3[%select_n3A, %dma_wait3A_1017, %dma_wait3A_1018] : memref<24x100000x16xf32, #tpu.memory_space<hbm>> -> memref<1x100000x16xf32, #tpu.memory_space<hbm>>
      %dma_wait3A_1020 = tpu.memref_squeeze %dma_wait3A_1019 : memref<1x100000x16xf32, #tpu.memory_space<hbm>> -> memref<100000x16xf32, #tpu.memory_space<hbm>>
      %dma_wait3A_1021 = arith.constant 0 : i32
      %dma_wait3A_1022 = arith.constant 0 : i32
      %dma_wait3A_1023 = tpu.memref_slice %dma_wait3A_1020[%dma_wait3A_1021, %dma_wait3A_1022] : memref<100000x16xf32, #tpu.memory_space<hbm>> -> memref<100000x16xf32, #tpu.memory_space<hbm>>
      tpu.wait_indirect_dma semaphore(%arg12 : memref<!tpu.dma_semaphore, #tpu.memory_space<semaphore_mem>>) src(%dma_wait3A_1023 : memref<100000x16xf32, #tpu.memory_space<hbm>>) dst(%dma_wait3A_1013 : memref<128x16xf32, #tpu.memory_space<vmem>>)
      %dma_wait3A_1024 = arith.constant 30 : i32
      %dma_wait3A_1025 = arith.constant 30 : i32
      %dma_wait3A_1026 = arith.constant 0 : i32
      %dma_wait3A_1027 = arith.constant 0 : i32
      %dma_wait3A_1028 = tpu.memref_slice %arg11[%dma_wait3A_1025, %dma_wait3A_1026, %dma_wait3A_1027] : memref<32x128x16xf32, #tpu.memory_space<vmem>> -> memref<1x128x16xf32, #tpu.memory_space<vmem>>
      %dma_wait3A_1029 = tpu.memref_squeeze %dma_wait3A_1028 : memref<1x128x16xf32, #tpu.memory_space<vmem>> -> memref<128x16xf32, #tpu.memory_space<vmem>>
      %dma_wait3A_1030 = arith.constant 0 : i32
      %dma_wait3A_1031 = tpu.memref_slice %arg10[%dma_wait3A_1024, %dma_wait3A_1030] : memref<32x128xi32, #tpu.memory_space<vmem>> -> memref<1x128xi32, #tpu.memory_space<vmem>>
      %dma_wait3A_1032 = tpu.memref_squeeze %dma_wait3A_1031 : memref<1x128xi32, #tpu.memory_space<vmem>> -> memref<128xi32, #tpu.memory_space<vmem>>
      %dma_wait3A_1033 = arith.constant 0 : i32
      %dma_wait3A_1034 = arith.constant 0 : i32
      %dma_wait3A_1035 = tpu.memref_slice %arg3[%select_n3A, %dma_wait3A_1033, %dma_wait3A_1034] : memref<24x100000x16xf32, #tpu.memory_space<hbm>> -> memref<1x100000x16xf32, #tpu.memory_space<hbm>>
      %dma_wait3A_1036 = tpu.memref_squeeze %dma_wait3A_1035 : memref<1x100000x16xf32, #tpu.memory_space<hbm>> -> memref<100000x16xf32, #tpu.memory_space<hbm>>
      %dma_wait3A_1037 = arith.constant 0 : i32
      %dma_wait3A_1038 = arith.constant 0 : i32
      %dma_wait3A_1039 = tpu.memref_slice %dma_wait3A_1036[%dma_wait3A_1037, %dma_wait3A_1038] : memref<100000x16xf32, #tpu.memory_space<hbm>> -> memref<100000x16xf32, #tpu.memory_space<hbm>>
      tpu.wait_indirect_dma semaphore(%arg12 : memref<!tpu.dma_semaphore, #tpu.memory_space<semaphore_mem>>) src(%dma_wait3A_1039 : memref<100000x16xf32, #tpu.memory_space<hbm>>) dst(%dma_wait3A_1029 : memref<128x16xf32, #tpu.memory_space<vmem>>)
      %dma_wait3A_1040 = arith.constant 31 : i32
      %dma_wait3A_1041 = arith.constant 31 : i32
      %dma_wait3A_1042 = arith.constant 0 : i32
      %dma_wait3A_1043 = arith.constant 0 : i32
      %dma_wait3A_1044 = tpu.memref_slice %arg11[%dma_wait3A_1041, %dma_wait3A_1042, %dma_wait3A_1043] : memref<32x128x16xf32, #tpu.memory_space<vmem>> -> memref<1x128x16xf32, #tpu.memory_space<vmem>>
      %dma_wait3A_1045 = tpu.memref_squeeze %dma_wait3A_1044 : memref<1x128x16xf32, #tpu.memory_space<vmem>> -> memref<128x16xf32, #tpu.memory_space<vmem>>
      %dma_wait3A_1046 = arith.constant 0 : i32
      %dma_wait3A_1047 = tpu.memref_slice %arg10[%dma_wait3A_1040, %dma_wait3A_1046] : memref<32x128xi32, #tpu.memory_space<vmem>> -> memref<1x128xi32, #tpu.memory_space<vmem>>
      %dma_wait3A_1048 = tpu.memref_squeeze %dma_wait3A_1047 : memref<1x128xi32, #tpu.memory_space<vmem>> -> memref<128xi32, #tpu.memory_space<vmem>>
      %dma_wait3A_1049 = arith.constant 0 : i32
      %dma_wait3A_1050 = arith.constant 0 : i32
      %dma_wait3A_1051 = tpu.memref_slice %arg3[%select_n3A, %dma_wait3A_1049, %dma_wait3A_1050] : memref<24x100000x16xf32, #tpu.memory_space<hbm>> -> memref<1x100000x16xf32, #tpu.memory_space<hbm>>
      %dma_wait3A_1052 = tpu.memref_squeeze %dma_wait3A_1051 : memref<1x100000x16xf32, #tpu.memory_space<hbm>> -> memref<100000x16xf32, #tpu.memory_space<hbm>>
      %dma_wait3A_1053 = arith.constant 0 : i32
      %dma_wait3A_1054 = arith.constant 0 : i32
      %dma_wait3A_1055 = tpu.memref_slice %dma_wait3A_1052[%dma_wait3A_1053, %dma_wait3A_1054] : memref<100000x16xf32, #tpu.memory_space<hbm>> -> memref<100000x16xf32, #tpu.memory_space<hbm>>
      tpu.wait_indirect_dma semaphore(%arg12 : memref<!tpu.dma_semaphore, #tpu.memory_space<semaphore_mem>>) src(%dma_wait3A_1055 : memref<100000x16xf32, #tpu.memory_space<hbm>>) dst(%dma_wait3A_1045 : memref<128x16xf32, #tpu.memory_space<vmem>>)
      %mul3A_1056 = arith.constant 32 : i32
      %mul3A_1057 = arith.muli %add3A_15, %mul3A_1056 : i32
      "tpu.region"() ({
        %run_scoped3A = tpu.sem_alloc : memref<!tpu.dma_semaphore, #tpu.memory_space<semaphore_mem>>
        %dma_start3A_1058 = arith.constant 0 : i32
        %dma_start3A_1059 = arith.constant 0 : i32
        %dma_start3A_1060 = tpu.memref_slice %arg9[%mul3A_1057, %dma_start3A_1058, %dma_start3A_1059] : memref<768x128x16xf32, #tpu.memory_space<hbm>> -> memref<32x128x16xf32, #tpu.memory_space<hbm>>
        %dma_start3A_1061 = arith.constant 0 : i32
        %dma_start3A_1062 = arith.constant 0 : i32
        %dma_start3A_1063 = tpu.memref_slice %arg9[%mul3A_1057, %dma_start3A_1061, %dma_start3A_1062] : memref<768x128x16xf32, #tpu.memory_space<hbm>> -> memref<32x128x16xf32, #tpu.memory_space<hbm>>
        tpu.enqueue_dma source(%arg11 : memref<32x128x16xf32, #tpu.memory_space<vmem>>) target(%dma_start3A_1063 : memref<32x128x16xf32, #tpu.memory_space<hbm>>) target_semaphore(%run_scoped3A : memref<!tpu.dma_semaphore, #tpu.memory_space<semaphore_mem>>)
        %dma_wait3A_1064 = arith.constant 0 : i32
        %dma_wait3A_1065 = arith.constant 0 : i32
        %dma_wait3A_1066 = tpu.memref_slice %arg9[%mul3A_1057, %dma_wait3A_1064, %dma_wait3A_1065] : memref<768x128x16xf32, #tpu.memory_space<hbm>> -> memref<32x128x16xf32, #tpu.memory_space<hbm>>
        %dma_wait3A_1067 = arith.constant 0 : i32
        %dma_wait3A_1068 = arith.constant 0 : i32
        %dma_wait3A_1069 = tpu.memref_slice %arg9[%mul3A_1057, %dma_wait3A_1067, %dma_wait3A_1068] : memref<768x128x16xf32, #tpu.memory_space<hbm>> -> memref<32x128x16xf32, #tpu.memory_space<hbm>>
        tpu.wait_dma2 semaphore(%run_scoped3A : memref<!tpu.dma_semaphore, #tpu.memory_space<semaphore_mem>>) src(%arg11 : memref<32x128x16xf32, #tpu.memory_space<vmem>>) dst(%dma_wait3A_1069 : memref<32x128x16xf32, #tpu.memory_space<hbm>>)
        tpu.yield
      }) : () -> ()
    } else {
    }
    return
  }
}

</mosaic_0001>

<sc_bundles>
// kernel: _sc_gather.3.cloned.1.call-start
scs
__scs_entry_jumppad:
0x0: {  	(pc) =	sbr.rel $0x88, $3  }
0x1: {  	(tag) =	ssettag $0x0;
	lr =	simm.s32 $0x1  }
0x2: {  	[smem:$0x3F9C] =	sst lr;
	_ =	strace $0xD0000000  }
0x3: {  	_ = 	snop  }
0x4: {  	_ = 	snop  }
0x5: {  	_ = 	snop  }
0x6: {  	_ = 	snop  }
0x7: {  	_ = 	snop  }
__scs_overlays_trampoline_lowered:
0x8: {  	[smem:$0x3FAB] =	sst s0  }
0x9: {  	[smem:$0x3FAC] =	sst s1  }
0xa: {  	[smem:$0x3FAD] =	sst s2  }
0xb: {  	[smem:$0x3FAE] =	sst s3  }
0xc: {  	[smem:$0x3FAF] =	sst s4  }
0xd: {  	[smem:$0x3FB0] =	sst s5  }
0xe: {  	[smem:$0x3FB1] =	sst s6  }
0xf: {  	[smem:$0x3FB2] =	sst s7  }
0x10: {  	[smem:$0x3FB3] =	sst s8  }
0x11: {  	[smem:$0x3FB4] =	sst s9;
	s0 =	simm.s32 @!p0 $0x0  }
0x12: {  	s1 =	sld [smem:$0x3F9A];
	s0 =	simm.s32 @p0 $0x1  }
0x13: {  	[smem:$0x3FB5] =	sst s0;
	s0 =	simm.s32 @!p1 $0x0  }
0x14: {  	s2 =	sld [smem:$0x3F99];
	s0 =	simm.s32 @p1 $0x1  }
0x15: {  	[smem:$0x3FB6] =	sst s0;
	s0 =	simm.s32 @!p2 $0x0  }
0x16: {  	s3 =	sld [smem:$0x3FDB];
	s0 =	simm.s32 @p2 $0x1  }
0x17: {  	s4 =	simm.s32 $0x1BF5;
	[smem:$0x3FB8] =	sst s0  }
0x18: {  	s0 =	sld [smem:$0x3F9B];
	_ =	swait.ge [sflag:s4], $0x0  }
0x19: {  	s7 =	sld [smem:$0x3F9C]  }
0x1a: {  	s8 =	sadd.s32 $0xFFFFE003, lr  }
0x1b: {  	s9 =	sadd.s32 $0xFFFFFEF7, lr;
	s5 =	simm.s32 $0xFFFFFFFF;
	p2 =	slt.u32 s8, $0xFFFFF086  }
0x1c: {  	p1 =	slt.u32 s9, $0xF7A;
	s5 =	simm.s32 @!p2 $0x0  }
0x1d: {  	s5 =	simm.s32 @p1 $0x1;
	p0 =	seq.s32 s7, s2  }
0x1e: {  	s7 =	smul.u32 @!p0 $0xF7A, s2;
	p2 =	seq.s32 @!p0 s5, $0x0  }
0x1f: {  	s9 =	smul.u32 $0xF7A, s1;
	s8 =	simm.s32 @!p0 $0x1BF5;
	p2 =	por !p2, p0  }
0x20: {  	[sflag:s8] =	ssyncset.s32 @!p0 $0xFFFFF086;
	s6 =	sadd.s32 @!p0 s3, s7;
	s7 =	simm.s32 @!p0 $0x108  }
0x21: {  	s3 =	sadd.s32 s3, s9;
	s6 =	sadd.s32 @!p0 $0x88, s6;
	s7 =	simm.s32 @p2 $0x1082  }
0x22: {  	[simem:s7], [sflag:s8] =	dma.local @!p0 [hbm:s6], $0xF7A  }
0x23: {  	s9 =	sor.u32 $0xD0000000, s2;
	s6 =	simm.s32 $0x108;
	_ =	swait.ge @!p0 [sflag:s8], $0x0  }
0x24: {  	s3 =	sadd.s32 $0x88, s3;
	s6 =	simm.s32 @!p1 $0x1082;
	[sflag:s4] =	ssyncset.s32 $0xFFFFF086  }
0x25: {  	[simem:s6], [sflag:s4] =	dma.local [hbm:s3], $0xF7A  }
0x26: {  	[smem:$0x3F9C] =	sst s1;
	(tag) =	ssettag s2;
	_ =	strace s9  }
0x27: {  	s1 =	sld [smem:$0x3FAC]  }
0x28: {  	s2 =	sld [smem:$0x3FAD]  }
0x29: {  	s4 =	sld [smem:$0x3FAF]  }
0x2a: {  	p0 =	seq.s32 s5, $0x0;
	s5 =	sld [smem:$0x3FB0]  }
0x2b: {  	s6 =	sld [smem:$0x3FB1]  }
0x2c: {  	s7 =	sld [smem:$0x3FB2]  }
0x2d: {  	s3 =	simm.s32 $0x108;
	s8 =	sld [smem:$0x3FB3]  }
0x2e: {  	s3 =	simm.s32 @!p0 $0x1082;
	s9 =	sld [smem:$0x3FB4]  }
0x2f: {  	lr =	sadd.s32 s0, s3;
	s0 =	sld [smem:$0x3FAB]  }
0x30: {  	s3 =	sld [smem:$0x3FAE]  }
0x31: {  	[smem:$0x3FB7] =	sst s10  }
0x32: {  	s10 =	sld [smem:$0x3FB5];
	_ =	sdelay $0x3  }
0x33: {  	p0 =	seq.s32 s10, $0x1;
	s10 =	sld [smem:$0x3FB7];
	_ =	sdelay $0x3  }
0x34: {  	[smem:$0x3FB7] =	sst s10  }
0x35: {  	s10 =	sld [smem:$0x3FB6];
	_ =	sdelay $0x3  }
0x36: {  	p1 =	seq.s32 s10, $0x1;
	s10 =	sld [smem:$0x3FB7];
	_ =	sdelay $0x3  }
0x37: {  	[smem:$0x3FB7] =	sst s10  }
0x38: {  	s10 =	sld [smem:$0x3FB8]  }
0x39: {  	_ = 	snop;
	(pc) =	sbr.ind lr, $3  }
0x3a: {  	_ = 	snop  }
0x3b: {  	_ = 	snop  }
0x3c: {  	p2 =	seq.s32 s10, $0x1;
	s10 =	sld [smem:$0x3FB7]  }
0x3d: {  	_ =	shalt  }
0x3e: {  	_ =	shalt  }
0x3f: {  	_ =	shalt  }
0x40: {  	_ =	shalt  }
0x41: {  	_ =	shalt  }
0x42: {  	_ =	shalt  }
0x43: {  	_ =	shalt  }
0x44: {  	_ =	shalt  }
0x45: {  	_ =	shalt  }
0x46: {  	_ =	shalt  }
0x47: {  	_ =	shalt  }
0x48: {  	_ =	shalt  }
0x49: {  	_ =	shalt  }
0x4a: {  	_ =	shalt  }
0x4b: {  	_ =	shalt  }
0x4c: {  	_ =	shalt  }
0x4d: {  	_ =	shalt  }
0x4e: {  	_ =	shalt  }
0x4f: {  	_ =	shalt  }
0x50: {  	_ =	shalt  }
0x51: {  	_ =	shalt  }
0x52: {  	_ =	shalt  }
0x53: {  	_ =	shalt  }
0x54: {  	_ =	shalt  }
0x55: {  	_ =	shalt  }
0x56: {  	_ =	shalt  }
0x57: {  	_ =	shalt  }
0x58: {  	_ =	shalt  }
0x59: {  	_ =	shalt  }
0x5a: {  	_ =	shalt  }
0x5b: {  	_ =	shalt  }
0x5c: {  	_ =	shalt  }
0x5d: {  	_ =	shalt  }
0x5e: {  	_ =	shalt  }
0x5f: {  	_ =	shalt  }
0x60: {  	_ =	shalt  }
0x61: {  	_ =	shalt  }
0x62: {  	_ =	shalt  }
0x63: {  	_ =	shalt  }
0x64: {  	_ =	shalt  }
0x65: {  	_ =	shalt  }
0x66: {  	_ =	shalt  }
0x67: {  	_ =	shalt  }
0x68: {  	_ =	shalt  }
0x69: {  	_ =	shalt  }
0x6a: {  	_ =	shalt  }
0x6b: {  	_ =	shalt  }
0x6c: {  	_ =	shalt  }
0x6d: {  	_ =	shalt  }
0x6e: {  	_ =	shalt  }
0x6f: {  	_ =	shalt  }
0x70: {  	_ =	shalt  }
0x71: {  	_ =	shalt  }
0x72: {  	_ =	shalt  }
0x73: {  	_ =	shalt  }
0x74: {  	_ =	shalt  }
0x75: {  	_ =	shalt  }
0x76: {  	_ =	shalt  }
0x77: {  	_ =	shalt  }
0x78: {  	_ =	shalt  }
0x79: {  	_ =	shalt  }
0x7a: {  	_ =	shalt  }
0x7b: {  	_ =	shalt  }
0x7c: {  	_ =	shalt  }
0x7d: {  	_ =	shalt  }
0x7e: {  	_ =	shalt  }
0x7f: {  	_ =	shalt  }
0x80: {  	_ =	shalt  }
0x81: {  	_ =	shalt  }
0x82: {  	_ =	shalt  }
0x83: {  	_ =	shalt  }
0x84: {  	_ =	shalt  }
0x85: {  	_ =	shalt  }
0x86: {  	_ =	shalt  }
0x87: {  	_ =	shalt  }
.Lfunc_end0:
.L_simem_size_0:
called_computation_lowered:
.L_overlay_start_0:
0x88: {  	s2 =	sld [smem:$0x3FD9]  }
0x89: {  	s3 =	sld [smem:$0x3FFE];
	_ =	sdelay $0x1  }
0x8a: {  	s1 =	srdreg.scid  }
0x8b: {  	s0 =	sand.u32 $0x1, s1  }
0x8c: {  	s14 =	sshll.u32 s0, $0xA;
	s2 =	sadd.s32 s3, s2  }
0x8d: {  	s2 =	sadd.s32 s2, s14  }
0x8e: {  	[smem:$0x3FC3] =	sst s2  }
0x8f: {  	_ = 	snop  }
0x90: {  	s2 =	sld [smem:$0x3FD0]  }
0x91: {  	s15 =	sld [smem:$0x3FC7]  }
0x92: {  	s4 =	sld [smem:$0x3FC6]  }
0x93: {  	s6 =	simm.s32 $0xA;
	s7 =	simm.s32 $0x10;
	s5 =	sld [smem:$0x3FC5]  }
0x94: {  	[smem:s7], [sflag:s6] =	dma.local [hbm:s2], $0x1  }
0x95: {  	_ =	swait.eq [sflag:s6], $0x1  }
0x96: {  	[sflag:s6] =	ssyncset.done $0x0  }
0x97: {  	s16 =	sld [smem:$0x11];
	[sflag:s6] =	ssyncadd.s32 $0xFFFFFFFF  }
0x98: {  	s17 =	sld [smem:$0x12];
	(tm) =	ssettm $0x1  }
0x99: {  	s18 =	sld [smem:$0x3FFB];
	_ =	sdelay $0x3  }
0x9a: {  	_ =	strace s18  }
0x9b: {  	s7 =	sld [smem:$0x3FFC];
	_ =	sdelay $0x3  }
0x9c: {  	_ =	strace s7  }
0x9d: {  	s7 =	sld [smem:$0x3FFD];
	_ =	sdelay $0x3  }
0x9e: {  	_ =	strace s7  }
0x9f: {  	_ =	strace $0x8FFFFFFF  }
0xa0: {  	s19 =	sld [smem:$0x3FDB];
	_ =	sdelay $0x1  }
0xa1: {  	s8 =	simm.s32 $_scs_section_size  }
0xa2: {  	s9 =	simm.s32 $_size__tile_overlayer_lowered;
	s10 =	simm.s32 $_tile_overlayer_lowered  }
0xa3: {  	s22 =	simm.s32 $0x1BFF;
	s21 =	sshll.u32 s10, $0x1;
	s7 =	sadd.s32 s8, s19  }
0xa4: {  	s11 =	simm.s32 $0x0;
	s20 =	sshll.u32 s9, $0x1;
	s9 =	sadd.s32 s21, s7  }
0xa5: {  	[timem:s11], [sflag:s22] =	dma.local [hbm:s9], s20  }
0xa6: {  	_ =	swait.ge [sflag:s22], s20  }
0xa7: {  	s8 =	ssub.s32 $0x0, s20;
	[sflag:s22] =	ssyncset.done $0x0  }
0xa8: {  	[sflag:s22] =	ssyncadd.s32 s8;
	_ =	sdelay $0x1  }
0xa9: {  	s23 =	simm.s32 $0x1B8B  }
0xaa: {  	_ =	swait.ge [sflag:s23], $0x1  }
0xab: {  	[sflag:s23] =	ssyncset.done $0x0  }
0xac: {  	s25 =	simm.s32 $0x1B8E;
	s24 =	sld [smem:$0x3FFE];
	[sflag:s23] =	ssyncadd.s32 $0xFFFFFFFF  }
0xad: {  	s26 =	simm.s32 $execute0_lowered;
	[smem:$0x3FD2] =	sst s25  }
0xae: {  	s9 =	sshll.u32 s26, $0x1;
	_ =	strace $0x80000046;
	[dreg:$0x1] =	wrdreg $0xFFFFFFFF  }
0xaf: {  	s28 =	simm.s32 $_size_execute0_lowered;
	s7 =	sadd.s32 s7, s9;
	[dreg:$0x0] =	wrdreg $0x0  }
0xb0: {  	s9 =	sshll.u32 s28, $0x1;
	[dreg:$0x2] =	wrdreg s7  }
0xb1: {  	[dreg:$0x3] =	wrdreg s9  }
0xb2: {  	[dreg:$0x4] =	wrdreg $0xC0  }
0xb3: {  	_ =	task [dreg:s11], $0x5FFFF  }
0xb4: {  	[dreg:$0x1] =	wrdreg $0xFFFFFFFF  }
0xb5: {  	[dreg:$0x0] =	wrdreg $0x60  }
0xb6: {  	[dreg:$0x2] =	wrdreg s24  }
0xb7: {  	[dreg:$0x3] =	wrdreg s15  }
0xb8: {  	[dreg:$0x4] =	wrdreg s4  }
0xb9: {  	[dreg:$0x5] =	wrdreg s5  }
0xba: {  	[dreg:$0x6] =	wrdreg s16  }
0xbb: {  	[dreg:$0x7] =	wrdreg s17  }
0xbc: {  	[dreg:$0x8] =	wrdreg $0x9  }
0xbd: {  	_ =	task.clear_ibuf [dreg:s11], $0x9FFFF;
	_ =	strace $0x90000046  }
0xbe: {  	s29 =	simm.s32 $0x9;
	_ =	strace $0x80000048  }
0xbf: {  	_ =	swait.ge [sflag:s29], $0x1  }
0xc0: {  	[sflag:s29] =	ssyncadd.s32 $0xFFFFFFFF  }
0xc1: {  	_ =	strace $0x90000048  }
0xc2: {  	_ =	sfence  }
0xc3: {  	s30 =	sld [smem:$0x0];
	_ =	sdelay $0x2  }
0xc4: {  	s31 =	sshll.u32 s1, $0xD;
	s1 =	sshrl.u32 s1, $0x2  }
0xc5: {  	s3 =	sand.u32 $0x4000, s31;
	s1 =	sadd.s32 s1, s30  }
0xc6: {  	s0 =	sor.u32 s3, s0;
	s1 =	sshll.u32 s1, $0x11  }
0xc7: {  	s0 =	sor.u32 s1, s0  }
0xc8: {  	s0 =	sadd.s32 $0x8F2B, s0  }
0xc9: {  	[sflag:s0] =	ssyncadd.remote.s32 $0x1  }
0xca: {  	_ =	sfence.sel $0xFFFF  }
0xcb: {  	[dreg:$0x0] =	wrdreg $0xFFFFFFFF;
	(pc) =	sbr.abs _section_cstart, $3  }
0xcc: {  	[dreg:$0x1] =	wrdreg $0xFFFFFFFF  }
0xcd: {  	_ =	task.clear_ibuf [dreg:s11], $0x2FFFF;
	_ =	strace $0x9FFFFFFF  }
0xce: {  	(tm) =	ssettm $0x7FFFFFFF  }
0xcf: {  	_ =	shalt  }
tec
execute0_lowered:
.L_overlay_start_1:
0x0: {  	(tag) =	ssettag $0x1  }
0x1: {  	s0 =	rddreg [dreg:$0x0]  }
0x2: {  	s1 =	rddreg [dreg:$0x3];
	s2 =	srdreg.scid  }
0x3: {  	s10 =	stileid.u32;
	s3 =	rddreg [dreg:$0x5];
	s5 =	simm.s32 $0x0  }
0x4: {  	s14 =	simm.s32 $0x3;
	s15 =	simm.s32 $0x80;
	s16 =	simm.s32 $0x1000  }
0x5: {  	s13 =	simm.s32 $0xC000;
	s11 =	simm.s32 $0xC80;
	s17 =	simm.s32 $0xD800  }
0x6: {  	s18 =	simm.s32 $0xD00;
	s19 =	simm.s32 $0xE000;
	s20 =	simm.s32 $0xD80  }
0x7: {  	s21 =	simm.s32 $0xE800;
	s28 =	simm.s32 $0x10000;
	s29 =	simm.s32 $0xF80  }
0x8: {  	s30 =	simm.s32 $0x10800;
	s31 =	simm.s32 $0x1;
	s2 =	sand.u32 $0x1, s2  }
0x9: {  	s4 =	sshll.u32 s10, $0x1;
	[smem:$0x7FF] =	sst s5;
	s7 =	sadd.s32 $0x1E85400, s0  }
0xa: {  	s9 =	sadd.s32 $0x2255E00, s0;
	p0 =	sgt.u32 s10, $0xB;
	s6 =	sor.u32 s2, s4  }
0xb: {  	s2 =	ssub.s32 $0x2, s2;
	_ =	strace $0x80000047;
	[dreg:$0x7] =	wrdreg s9  }
0xc: {  	s9 =	sadd.s32 $0x206D880, s0;
	s4 =	smul.u32 $0x30D40, s6;
	s8 =	sshrl.u32 s2, $0x1  }
0xd: {  	s22 =	sshll.u32 s6, $0x9;
	s23 =	sshll.u32 s6, $0xD;
	s2 =	ssub.s32 s2, s8  }
0xe: {  	s25 =	sadd.s32 s3, s23;
	s8 =	simm.s32 $0xD000;
	s23 =	simm.s32 $0xF000  }
0xf: {  	s3 =	simm.s32 $0x2;
	s4 =	sadd.s32 s4, s0;
	s0 =	sadd.s32 s1, s22  }
.Ltmp0:
0x10: {  	[dreg:$0xa] =	wrdreg s25;
	s26 =	smax.u32 s2, $0x1;
	(pc) =	sbr.rel .LBB2_1-.Ltmp0, $4  }
0x11: {  	s2 =	simm.s32 $0xC800;
	s22 =	simm.s32 $0xE00;
	s25 =	simm.s32 $0xF800  }
0x12: {  	s1 =	simm.s32 $0x0;
	[dreg:$0x8] =	wrdreg s0;
	s24 =	sadd.s32 $0x249FC00, s4  }
0x13: {  	[dreg:$0xb] =	wrdreg s26;
	s0 =	simm.s32 $0xB80;
	s4 =	simm.s32 $0xC00  }
0x14: {  	s26 =	simm.s32 $0xF00;
	[dreg:$0x9] =	wrdreg s24;
	s24 =	simm.s32 $0xE80  }
.LBB2_10:
0x15: {  	s10 =	sadd.s32 $0x1, s10;
	s1 =	rddreg [dreg:$0xb]  }
0x16: {  	p1 =	sne.s32 s10, s1  }
.Ltmp1:
0x17: {  	_ = 	snop;
	(pc) =	sbr.rel @!p1 .LBB2_11-.Ltmp1, $2  }
0x18: {  	_ =	sdelay $0x2  }
0x19: {  	s1 =	smov.u32 s10  }
.LBB2_1:
.Ltmp2:
0x1a: {  	(pc) =	sbr.rel .LBB2_2-.Ltmp2, $2  }
0x1b: {  	_ =	sdelay $0x2  }
0x1c: {  	[dreg:$0xc] =	wrdreg s1;
	p3 =	por $0x1, $0x1;
	s10 =	simm.s32 $0x0  }
.LBB2_4:
.Ltmp3:
0x1d: {  	(pc) =	sbr.rel @!p1 .LBB2_5-.Ltmp3, $3  }
0x1e: {  	_ =	sdelay $0x1  }
0x1f: {  	s1 =	simm.s32 $0x0  }
0x20: {  	p2 =	por $0x1, $0x1;
	s10 =	simm.s32 $0x20;
	p3 =	por $0x0, $0x0  }
.LBB2_2:
0x21: {  	s1 =	sor.u32 s6, s10  }
0x22: {  	p2 =	sgt.u32 s1, $0x32  }
.Ltmp4:
0x23: {  	_ = 	snop;
	(pc) =	sbr.rel @p2 .LBB2_4-.Ltmp4, $2  }
0x24: {  	_ =	sdelay $0x2  }
0x25: {  	p1 =	por p3, p3  }
0x26: {  	s10 =	sshll.u32 s1, $0x9;
	s12 =	rddreg [dreg:$0x1]  }
0x27: {  	s10 =	sadd.s32 s12, s10  }
0x28: {  	[tilespmem:s5], [sflag:$0x3] =	stream.linear.gather [hbm4b:s10+s5], $0x1000, $0x38;
	[tilespmem:$0x11000] =	vst v63  }
0x29: {  	_ =	swait.ge [sflag:s14], $0x1000  }
0x2a: {  	[sflag:s14] =	ssyncset.done $0x0  }
0x2b: {  	[sflag:s14] =	ssyncadd.s32 $0xFFFFF000  }
0x2c: {  	[tilespmem:s16], [sflag:$0x1] =	stream.indirect.gather [hbm4b:s7+s15], $0x10, s5, s15, $0xb8;
	[tilespmem:$0x11000] =	vst v63  }
0x2d: {  	s12 =	simm.s32 $0x1800  }
0x2e: {  	[tilespmem:s12], [sflag:$0x1] =	stream.indirect.gather [hbm4b:s7+s15], $0x10, s15, s15, $0xb8;
	[tilespmem:$0x11000] =	vst v63  }
0x2f: {  	s10 =	simm.s32 $0x100;
	s12 =	simm.s32 $0x2000  }
0x30: {  	[tilespmem:s12], [sflag:$0x1] =	stream.indirect.gather [hbm4b:s7+s15], $0x10, s10, s15, $0xb8;
	[tilespmem:$0x11000] =	vst v63  }
0x31: {  	s10 =	simm.s32 $0x180;
	s12 =	simm.s32 $0x2800  }
0x32: {  	[tilespmem:s12], [sflag:$0x1] =	stream.indirect.gather [hbm4b:s7+s15], $0x10, s10, s15, $0xb8;
	[tilespmem:$0x11000] =	vst v63  }
0x33: {  	s10 =	simm.s32 $0x200;
	s12 =	simm.s32 $0x3000  }
0x34: {  	[tilespmem:s12], [sflag:$0x1] =	stream.indirect.gather [hbm4b:s7+s15], $0x10, s10, s15, $0xb8;
	[tilespmem:$0x11000] =	vst v63  }
0x35: {  	s10 =	simm.s32 $0x280;
	s12 =	simm.s32 $0x3800  }
0x36: {  	[tilespmem:s12], [sflag:$0x1] =	stream.indirect.gather [hbm4b:s7+s15], $0x10, s10, s15, $0xb8;
	[tilespmem:$0x11000] =	vst v63  }
0x37: {  	s10 =	simm.s32 $0x300;
	s12 =	simm.s32 $0x4000  }
0x38: {  	[tilespmem:s12], [sflag:$0x1] =	stream.indirect.gather [hbm4b:s7+s15], $0x10, s10, s15, $0xb8;
	[tilespmem:$0x11000] =	vst v63  }
0x39: {  	s10 =	simm.s32 $0x380;
	s12 =	simm.s32 $0x4800  }
0x3a: {  	[tilespmem:s12], [sflag:$0x1] =	stream.indirect.gather [hbm4b:s7+s15], $0x10, s10, s15, $0xb8;
	[tilespmem:$0x11000] =	vst v63  }
0x3b: {  	s10 =	simm.s32 $0x400;
	s12 =	simm.s32 $0x5000  }
0x3c: {  	[tilespmem:s12], [sflag:$0x1] =	stream.indirect.gather [hbm4b:s7+s15], $0x10, s10, s15, $0xb8;
	[tilespmem:$0x11000] =	vst v63  }
0x3d: {  	s10 =	simm.s32 $0x480;
	s12 =	simm.s32 $0x5800  }
0x3e: {  	[tilespmem:s12], [sflag:$0x1] =	stream.indirect.gather [hbm4b:s7+s15], $0x10, s10, s15, $0xb8;
	[tilespmem:$0x11000] =	vst v63  }
0x3f: {  	s10 =	simm.s32 $0x500;
	s12 =	simm.s32 $0x6000  }
0x40: {  	[tilespmem:s12], [sflag:$0x1] =	stream.indirect.gather [hbm4b:s7+s15], $0x10, s10, s15, $0xb8;
	[tilespmem:$0x11000] =	vst v63  }
0x41: {  	s10 =	simm.s32 $0x580;
	s12 =	simm.s32 $0x6800  }
0x42: {  	[tilespmem:s12], [sflag:$0x1] =	stream.indirect.gather [hbm4b:s7+s15], $0x10, s10, s15, $0xb8;
	[tilespmem:$0x11000] =	vst v63  }
0x43: {  	s10 =	simm.s32 $0x600;
	s12 =	simm.s32 $0x7000  }
0x44: {  	[tilespmem:s12], [sflag:$0x1] =	stream.indirect.gather [hbm4b:s7+s15], $0x10, s10, s15, $0xb8;
	[tilespmem:$0x11000] =	vst v63  }
0x45: {  	s10 =	simm.s32 $0x680;
	s12 =	simm.s32 $0x7800  }
0x46: {  	[tilespmem:s12], [sflag:$0x1] =	stream.indirect.gather [hbm4b:s7+s15], $0x10, s10, s15, $0xb8;
	[tilespmem:$0x11000] =	vst v63  }
0x47: {  	s10 =	simm.s32 $0x700;
	s12 =	simm.s32 $0x8000  }
0x48: {  	[tilespmem:s12], [sflag:$0x1] =	stream.indirect.gather [hbm4b:s7+s15], $0x10, s10, s15, $0xb8;
	[tilespmem:$0x11000] =	vst v63  }
0x49: {  	s10 =	simm.s32 $0x780;
	s12 =	simm.s32 $0x8800  }
0x4a: {  	[tilespmem:s12], [sflag:$0x1] =	stream.indirect.gather [hbm4b:s7+s15], $0x10, s10, s15, $0xb8;
	[tilespmem:$0x11000] =	vst v63  }
0x4b: {  	s10 =	simm.s32 $0x800;
	s12 =	simm.s32 $0x9000  }
0x4c: {  	[tilespmem:s12], [sflag:$0x1] =	stream.indirect.gather [hbm4b:s7+s15], $0x10, s10, s15, $0xb8;
	[tilespmem:$0x11000] =	vst v63  }
0x4d: {  	s10 =	simm.s32 $0x880;
	s12 =	simm.s32 $0x9800  }
0x4e: {  	[tilespmem:s12], [sflag:$0x1] =	stream.indirect.gather [hbm4b:s7+s15], $0x10, s10, s15, $0xb8;
	[tilespmem:$0x11000] =	vst v63  }
0x4f: {  	s10 =	simm.s32 $0x900;
	s12 =	simm.s32 $0xA000  }
0x50: {  	[tilespmem:s12], [sflag:$0x1] =	stream.indirect.gather [hbm4b:s7+s15], $0x10, s10, s15, $0xb8;
	[tilespmem:$0x11000] =	vst v63  }
0x51: {  	s10 =	simm.s32 $0x980;
	s12 =	simm.s32 $0xA800  }
0x52: {  	[tilespmem:s12], [sflag:$0x1] =	stream.indirect.gather [hbm4b:s7+s15], $0x10, s10, s15, $0xb8;
	[tilespmem:$0x11000] =	vst v63  }
0x53: {  	s10 =	simm.s32 $0xA00;
	s12 =	simm.s32 $0xB000  }
0x54: {  	[tilespmem:s12], [sflag:$0x1] =	stream.indirect.gather [hbm4b:s7+s15], $0x10, s10, s15, $0xb8;
	[tilespmem:$0x11000] =	vst v63  }
0x55: {  	s10 =	simm.s32 $0xA80;
	s12 =	simm.s32 $0xB800  }
0x56: {  	[tilespmem:s12], [sflag:$0x1] =	stream.indirect.gather [hbm4b:s7+s15], $0x10, s10, s15, $0xb8;
	[tilespmem:$0x11000] =	vst v63  }
0x57: {  	s12 =	simm.s32 $0xB00  }
0x58: {  	[tilespmem:s13], [sflag:$0x1] =	stream.indirect.gather [hbm4b:s7+s15], $0x10, s12, s15, $0xb8;
	[tilespmem:$0x11000] =	vst v63  }
0x59: {  	_ = 	snop  }
0x5a: {  	[tilespmem:s2], [sflag:$0x1] =	stream.indirect.gather [hbm4b:s7+s15], $0x10, s0, s15, $0xb8;
	[tilespmem:$0x11000] =	vst v63  }
0x5b: {  	_ = 	snop  }
0x5c: {  	[tilespmem:s8], [sflag:$0x1] =	stream.indirect.gather [hbm4b:s7+s15], $0x10, s4, s15, $0xb8;
	[tilespmem:$0x11000] =	vst v63  }
0x5d: {  	_ = 	snop  }
0x5e: {  	[tilespmem:s17], [sflag:$0x1] =	stream.indirect.gather [hbm4b:s7+s15], $0x10, s11, s15, $0xb8;
	[tilespmem:$0x11000] =	vst v63  }
0x5f: {  	_ = 	snop  }
0x60: {  	[tilespmem:s19], [sflag:$0x1] =	stream.indirect.gather [hbm4b:s7+s15], $0x10, s18, s15, $0xb8;
	[tilespmem:$0x11000] =	vst v63  }
0x61: {  	_ = 	snop  }
0x62: {  	[tilespmem:s21], [sflag:$0x1] =	stream.indirect.gather [hbm4b:s7+s15], $0x10, s20, s15, $0xb8;
	[tilespmem:$0x11000] =	vst v63  }
0x63: {  	_ = 	snop  }
0x64: {  	[tilespmem:s23], [sflag:$0x1] =	stream.indirect.gather [hbm4b:s7+s15], $0x10, s22, s15, $0xb8;
	[tilespmem:$0x11000] =	vst v63  }
0x65: {  	_ = 	snop  }
0x66: {  	[tilespmem:s25], [sflag:$0x1] =	stream.indirect.gather [hbm4b:s7+s15], $0x10, s24, s15, $0xb8;
	[tilespmem:$0x11000] =	vst v63  }
0x67: {  	_ = 	snop  }
0x68: {  	[tilespmem:s28], [sflag:$0x1] =	stream.indirect.gather [hbm4b:s7+s15], $0x10, s26, s15, $0xb8;
	[tilespmem:$0x11000] =	vst v63  }
0x69: {  	_ = 	snop  }
0x6a: {  	[tilespmem:s30], [sflag:$0x1] =	stream.indirect.gather [hbm4b:s7+s15], $0x10, s29, s15, $0xb8;
	[tilespmem:$0x11000] =	vst v63  }
0x6b: {  	_ =	swait.ge [sflag:s31], $0x800  }
0x6c: {  	[sflag:s31] =	ssyncset.done $0x0  }
0x6d: {  	[sflag:s31] =	ssyncadd.s32 $0xFFFFF800  }
0x6e: {  	_ =	swait.ge [sflag:s31], $0x800  }
0x6f: {  	[sflag:s31] =	ssyncset.done $0x0  }
0x70: {  	[sflag:s31] =	ssyncadd.s32 $0xFFFFF800  }
0x71: {  	_ =	swait.ge [sflag:s31], $0x800  }
0x72: {  	[sflag:s31] =	ssyncset.done $0x0  }
0x73: {  	[sflag:s31] =	ssyncadd.s32 $0xFFFFF800  }
0x74: {  	_ =	swait.ge [sflag:s31], $0x800  }
0x75: {  	[sflag:s31] =	ssyncset.done $0x0  }
0x76: {  	[sflag:s31] =	ssyncadd.s32 $0xFFFFF800  }
0x77: {  	_ =	swait.ge [sflag:s31], $0x800  }
0x78: {  	[sflag:s31] =	ssyncset.done $0x0  }
0x79: {  	[sflag:s31] =	ssyncadd.s32 $0xFFFFF800  }
0x7a: {  	_ =	swait.ge [sflag:s31], $0x800  }
0x7b: {  	[sflag:s31] =	ssyncset.done $0x0  }
0x7c: {  	[sflag:s31] =	ssyncadd.s32 $0xFFFFF800  }
0x7d: {  	_ =	swait.ge [sflag:s31], $0x800  }
0x7e: {  	[sflag:s31] =	ssyncset.done $0x0  }
0x7f: {  	[sflag:s31] =	ssyncadd.s32 $0xFFFFF800  }
0x80: {  	_ =	swait.ge [sflag:s31], $0x800  }
0x81: {  	[sflag:s31] =	ssyncset.done $0x0  }
0x82: {  	[sflag:s31] =	ssyncadd.s32 $0xFFFFF800  }
0x83: {  	_ =	swait.ge [sflag:s31], $0x800  }
0x84: {  	[sflag:s31] =	ssyncset.done $0x0  }
0x85: {  	[sflag:s31] =	ssyncadd.s32 $0xFFFFF800  }
0x86: {  	_ =	swait.ge [sflag:s31], $0x800  }
0x87: {  	[sflag:s31] =	ssyncset.done $0x0  }
0x88: {  	[sflag:s31] =	ssyncadd.s32 $0xFFFFF800  }
0x89: {  	_ =	swait.ge [sflag:s31], $0x800  }
0x8a: {  	[sflag:s31] =	ssyncset.done $0x0  }
0x8b: {  	[sflag:s31] =	ssyncadd.s32 $0xFFFFF800  }
0x8c: {  	_ =	swait.ge [sflag:s31], $0x800  }
0x8d: {  	[sflag:s31] =	ssyncset.done $0x0  }
0x8e: {  	[sflag:s31] =	ssyncadd.s32 $0xFFFFF800  }
0x8f: {  	_ =	swait.ge [sflag:s31], $0x800  }
0x90: {  	[sflag:s31] =	ssyncset.done $0x0  }
0x91: {  	[sflag:s31] =	ssyncadd.s32 $0xFFFFF800  }
0x92: {  	_ =	swait.ge [sflag:s31], $0x800  }
0x93: {  	[sflag:s31] =	ssyncset.done $0x0  }
0x94: {  	[sflag:s31] =	ssyncadd.s32 $0xFFFFF800  }
0x95: {  	_ =	swait.ge [sflag:s31], $0x800  }
0x96: {  	[sflag:s31] =	ssyncset.done $0x0  }
0x97: {  	[sflag:s31] =	ssyncadd.s32 $0xFFFFF800  }
0x98: {  	_ =	swait.ge [sflag:s31], $0x800  }
0x99: {  	[sflag:s31] =	ssyncset.done $0x0  }
0x9a: {  	[sflag:s31] =	ssyncadd.s32 $0xFFFFF800  }
0x9b: {  	_ =	swait.ge [sflag:s31], $0x800  }
0x9c: {  	[sflag:s31] =	ssyncset.done $0x0  }
0x9d: {  	[sflag:s31] =	ssyncadd.s32 $0xFFFFF800  }
0x9e: {  	_ =	swait.ge [sflag:s31], $0x800  }
0x9f: {  	[sflag:s31] =	ssyncset.done $0x0  }
0xa0: {  	[sflag:s31] =	ssyncadd.s32 $0xFFFFF800  }
0xa1: {  	_ =	swait.ge [sflag:s31], $0x800  }
0xa2: {  	[sflag:s31] =	ssyncset.done $0x0  }
0xa3: {  	[sflag:s31] =	ssyncadd.s32 $0xFFFFF800  }
0xa4: {  	_ =	swait.ge [sflag:s31], $0x800  }
0xa5: {  	[sflag:s31] =	ssyncset.done $0x0  }
0xa6: {  	[sflag:s31] =	ssyncadd.s32 $0xFFFFF800  }
0xa7: {  	_ =	swait.ge [sflag:s31], $0x800  }
0xa8: {  	[sflag:s31] =	ssyncset.done $0x0  }
0xa9: {  	[sflag:s31] =	ssyncadd.s32 $0xFFFFF800  }
0xaa: {  	_ =	swait.ge [sflag:s31], $0x800  }
0xab: {  	[sflag:s31] =	ssyncset.done $0x0  }
0xac: {  	[sflag:s31] =	ssyncadd.s32 $0xFFFFF800  }
0xad: {  	_ =	swait.ge [sflag:s31], $0x800  }
0xae: {  	[sflag:s31] =	ssyncset.done $0x0  }
0xaf: {  	[sflag:s31] =	ssyncadd.s32 $0xFFFFF800  }
0xb0: {  	_ =	swait.ge [sflag:s31], $0x800  }
0xb1: {  	[sflag:s31] =	ssyncset.done $0x0  }
0xb2: {  	[sflag:s31] =	ssyncadd.s32 $0xFFFFF800  }
0xb3: {  	_ =	swait.ge [sflag:s31], $0x800  }
0xb4: {  	[sflag:s31] =	ssyncset.done $0x0  }
0xb5: {  	[sflag:s31] =	ssyncadd.s32 $0xFFFFF800  }
0xb6: {  	_ =	swait.ge [sflag:s31], $0x800  }
0xb7: {  	[sflag:s31] =	ssyncset.done $0x0  }
0xb8: {  	[sflag:s31] =	ssyncadd.s32 $0xFFFFF800  }
0xb9: {  	_ =	swait.ge [sflag:s31], $0x800  }
0xba: {  	[sflag:s31] =	ssyncset.done $0x0  }
0xbb: {  	[sflag:s31] =	ssyncadd.s32 $0xFFFFF800  }
0xbc: {  	_ =	swait.ge [sflag:s31], $0x800  }
0xbd: {  	[sflag:s31] =	ssyncset.done $0x0  }
0xbe: {  	[sflag:s31] =	ssyncadd.s32 $0xFFFFF800  }
0xbf: {  	_ =	swait.ge [sflag:s31], $0x800  }
0xc0: {  	[sflag:s31] =	ssyncset.done $0x0  }
0xc1: {  	[sflag:s31] =	ssyncadd.s32 $0xFFFFF800  }
0xc2: {  	_ =	swait.ge [sflag:s31], $0x800  }
0xc3: {  	[sflag:s31] =	ssyncset.done $0x0  }
0xc4: {  	[sflag:s31] =	ssyncadd.s32 $0xFFFFF800  }
0xc5: {  	_ =	swait.ge [sflag:s31], $0x800  }
0xc6: {  	[sflag:s31] =	ssyncset.done $0x0  }
0xc7: {  	[sflag:s31] =	ssyncadd.s32 $0xFFFFF800  }
0xc8: {  	_ =	swait.ge [sflag:s31], $0x800  }
0xc9: {  	[sflag:s31] =	ssyncset.done $0x0  }
0xca: {  	[sflag:s31] =	ssyncadd.s32 $0xFFFFF800  }
0xcb: {  	s10 =	sshll.u32 s1, $0xD;
	s12 =	rddreg [dreg:$0x4]  }
.Ltmp5:
0xcc: {  	s1 =	sadd.s32 s12, s10;
	(pc) =	sbr.rel .LBB2_4-.Ltmp5, $4  }
0xcd: {  	[hbm4b:s1+s5] =	stream.linear.scatter [tilespmem:s16], [sflag:$0x2], $0x10000, $0x38;
	[tilespmem:$0x11000] =	vst v63  }
0xce: {  	_ =	swait.ge [sflag:s3], $0x10000  }
0xcf: {  	[sflag:s3] =	ssyncset.done $0x0  }
0xd0: {  	[sflag:s3] =	ssyncadd.s32 $0xFFFF0000  }
.LBB2_7:
.Ltmp6:
0xd1: {  	(pc) =	sbr.rel @!p1 .LBB2_8-.Ltmp6, $2  }
0xd2: {  	_ =	sdelay $0x2  }
0xd3: {  	s1 =	simm.s32 $0x20;
	p2 =	por $0x0, $0x0  }
.LBB2_5:
0xd4: {  	s1 =	sor.u32 s6, s1  }
0xd5: {  	p3 =	sgt.u32 s1, $0x32  }
.Ltmp7:
0xd6: {  	_ = 	snop;
	(pc) =	sbr.rel @p3 .LBB2_7-.Ltmp7, $2  }
0xd7: {  	_ =	sdelay $0x2  }
0xd8: {  	p1 =	por p2, p2  }
0xd9: {  	s10 =	sshll.u32 s1, $0x9;
	s12 =	rddreg [dreg:$0x2]  }
0xda: {  	s10 =	sadd.s32 s12, s10  }
0xdb: {  	[tilespmem:s5], [sflag:$0x3] =	stream.linear.gather [hbm4b:s10+s5], $0x1000, $0x38;
	[tilespmem:$0x11000] =	vst v63  }
0xdc: {  	_ =	swait.ge [sflag:s14], $0x1000  }
0xdd: {  	[sflag:s14] =	ssyncset.done $0x0  }
0xde: {  	[sflag:s14] =	ssyncadd.s32 $0xFFFFF000  }
0xdf: {  	[tilespmem:s16], [sflag:$0x1] =	stream.indirect.gather [hbm4b:s9+s15], $0x10, s5, s15, $0xb8;
	[tilespmem:$0x11000] =	vst v63  }
0xe0: {  	s12 =	simm.s32 $0x1800  }
0xe1: {  	[tilespmem:s12], [sflag:$0x1] =	stream.indirect.gather [hbm4b:s9+s15], $0x10, s15, s15, $0xb8;
	[tilespmem:$0x11000] =	vst v63  }
0xe2: {  	s10 =	simm.s32 $0x100;
	s12 =	simm.s32 $0x2000  }
0xe3: {  	[tilespmem:s12], [sflag:$0x1] =	stream.indirect.gather [hbm4b:s9+s15], $0x10, s10, s15, $0xb8;
	[tilespmem:$0x11000] =	vst v63  }
0xe4: {  	s10 =	simm.s32 $0x180;
	s12 =	simm.s32 $0x2800  }
0xe5: {  	[tilespmem:s12], [sflag:$0x1] =	stream.indirect.gather [hbm4b:s9+s15], $0x10, s10, s15, $0xb8;
	[tilespmem:$0x11000] =	vst v63  }
0xe6: {  	s10 =	simm.s32 $0x200;
	s12 =	simm.s32 $0x3000  }
0xe7: {  	[tilespmem:s12], [sflag:$0x1] =	stream.indirect.gather [hbm4b:s9+s15], $0x10, s10, s15, $0xb8;
	[tilespmem:$0x11000] =	vst v63  }
0xe8: {  	s10 =	simm.s32 $0x280;
	s12 =	simm.s32 $0x3800  }
0xe9: {  	[tilespmem:s12], [sflag:$0x1] =	stream.indirect.gather [hbm4b:s9+s15], $0x10, s10, s15, $0xb8;
	[tilespmem:$0x11000] =	vst v63  }
0xea: {  	s10 =	simm.s32 $0x300;
	s12 =	simm.s32 $0x4000  }
0xeb: {  	[tilespmem:s12], [sflag:$0x1] =	stream.indirect.gather [hbm4b:s9+s15], $0x10, s10, s15, $0xb8;
	[tilespmem:$0x11000] =	vst v63  }
0xec: {  	s10 =	simm.s32 $0x380;
	s12 =	simm.s32 $0x4800  }
0xed: {  	[tilespmem:s12], [sflag:$0x1] =	stream.indirect.gather [hbm4b:s9+s15], $0x10, s10, s15, $0xb8;
	[tilespmem:$0x11000] =	vst v63  }
0xee: {  	s10 =	simm.s32 $0x400;
	s12 =	simm.s32 $0x5000  }
0xef: {  	[tilespmem:s12], [sflag:$0x1] =	stream.indirect.gather [hbm4b:s9+s15], $0x10, s10, s15, $0xb8;
	[tilespmem:$0x11000] =	vst v63  }
0xf0: {  	s10 =	simm.s32 $0x480;
	s12 =	simm.s32 $0x5800  }
0xf1: {  	[tilespmem:s12], [sflag:$0x1] =	stream.indirect.gather [hbm4b:s9+s15], $0x10, s10, s15, $0xb8;
	[tilespmem:$0x11000] =	vst v63  }
0xf2: {  	s10 =	simm.s32 $0x500;
	s12 =	simm.s32 $0x6000  }
0xf3: {  	[tilespmem:s12], [sflag:$0x1] =	stream.indirect.gather [hbm4b:s9+s15], $0x10, s10, s15, $0xb8;
	[tilespmem:$0x11000] =	vst v63  }
0xf4: {  	s10 =	simm.s32 $0x580;
	s12 =	simm.s32 $0x6800  }
0xf5: {  	[tilespmem:s12], [sflag:$0x1] =	stream.indirect.gather [hbm4b:s9+s15], $0x10, s10, s15, $0xb8;
	[tilespmem:$0x11000] =	vst v63  }
0xf6: {  	s10 =	simm.s32 $0x600;
	s12 =	simm.s32 $0x7000  }
0xf7: {  	[tilespmem:s12], [sflag:$0x1] =	stream.indirect.gather [hbm4b:s9+s15], $0x10, s10, s15, $0xb8;
	[tilespmem:$0x11000] =	vst v63  }
0xf8: {  	s10 =	simm.s32 $0x680;
	s12 =	simm.s32 $0x7800  }
0xf9: {  	[tilespmem:s12], [sflag:$0x1] =	stream.indirect.gather [hbm4b:s9+s15], $0x10, s10, s15, $0xb8;
	[tilespmem:$0x11000] =	vst v63  }
0xfa: {  	s10 =	simm.s32 $0x700;
	s12 =	simm.s32 $0x8000  }
0xfb: {  	[tilespmem:s12], [sflag:$0x1] =	stream.indirect.gather [hbm4b:s9+s15], $0x10, s10, s15, $0xb8;
	[tilespmem:$0x11000] =	vst v63  }
0xfc: {  	s10 =	simm.s32 $0x780;
	s12 =	simm.s32 $0x8800  }
0xfd: {  	[tilespmem:s12], [sflag:$0x1] =	stream.indirect.gather [hbm4b:s9+s15], $0x10, s10, s15, $0xb8;
	[tilespmem:$0x11000] =	vst v63  }
0xfe: {  	s10 =	simm.s32 $0x800;
	s12 =	simm.s32 $0x9000  }
0xff: {  	[tilespmem:s12], [sflag:$0x1] =	stream.indirect.gather [hbm4b:s9+s15], $0x10, s10, s15, $0xb8;
	[tilespmem:$0x11000] =	vst v63  }
0x100: {  	s10 =	simm.s32 $0x880;
	s12 =	simm.s32 $0x9800  }
0x101: {  	[tilespmem:s12], [sflag:$0x1] =	stream.indirect.gather [hbm4b:s9+s15], $0x10, s10, s15, $0xb8;
	[tilespmem:$0x11000] =	vst v63  }
0x102: {  	s10 =	simm.s32 $0x900;
	s12 =	simm.s32 $0xA000  }
0x103: {  	[tilespmem:s12], [sflag:$0x1] =	stream.indirect.gather [hbm4b:s9+s15], $0x10, s10, s15, $0xb8;
	[tilespmem:$0x11000] =	vst v63  }
0x104: {  	s10 =	simm.s32 $0x980;
	s12 =	simm.s32 $0xA800  }
0x105: {  	[tilespmem:s12], [sflag:$0x1] =	stream.indirect.gather [hbm4b:s9+s15], $0x10, s10, s15, $0xb8;
	[tilespmem:$0x11000] =	vst v63  }
0x106: {  	s10 =	simm.s32 $0xA00;
	s12 =	simm.s32 $0xB000  }
0x107: {  	[tilespmem:s12], [sflag:$0x1] =	stream.indirect.gather [hbm4b:s9+s15], $0x10, s10, s15, $0xb8;
	[tilespmem:$0x11000] =	vst v63  }
0x108: {  	s10 =	simm.s32 $0xA80;
	s12 =	simm.s32 $0xB800  }
0x109: {  	[tilespmem:s12], [sflag:$0x1] =	stream.indirect.gather [hbm4b:s9+s15], $0x10, s10, s15, $0xb8;
	[tilespmem:$0x11000] =	vst v63  }
0x10a: {  	s12 =	simm.s32 $0xB00  }
0x10b: {  	[tilespmem:s13], [sflag:$0x1] =	stream.indirect.gather [hbm4b:s9+s15], $0x10, s12, s15, $0xb8;
	[tilespmem:$0x11000] =	vst v63  }
0x10c: {  	_ = 	snop  }
0x10d: {  	[tilespmem:s2], [sflag:$0x1] =	stream.indirect.gather [hbm4b:s9+s15], $0x10, s0, s15, $0xb8;
	[tilespmem:$0x11000] =	vst v63  }
0x10e: {  	_ = 	snop  }
0x10f: {  	[tilespmem:s8], [sflag:$0x1] =	stream.indirect.gather [hbm4b:s9+s15], $0x10, s4, s15, $0xb8;
	[tilespmem:$0x11000] =	vst v63  }
0x110: {  	_ = 	snop  }
0x111: {  	[tilespmem:s17], [sflag:$0x1] =	stream.indirect.gather [hbm4b:s9+s15], $0x10, s11, s15, $0xb8;
	[tilespmem:$0x11000] =	vst v63  }
0x112: {  	_ = 	snop  }
0x113: {  	[tilespmem:s19], [sflag:$0x1] =	stream.indirect.gather [hbm4b:s9+s15], $0x10, s18, s15, $0xb8;
	[tilespmem:$0x11000] =	vst v63  }
0x114: {  	_ = 	snop  }
0x115: {  	[tilespmem:s21], [sflag:$0x1] =	stream.indirect.gather [hbm4b:s9+s15], $0x10, s20, s15, $0xb8;
	[tilespmem:$0x11000] =	vst v63  }
0x116: {  	_ = 	snop  }
0x117: {  	[tilespmem:s23], [sflag:$0x1] =	stream.indirect.gather [hbm4b:s9+s15], $0x10, s22, s15, $0xb8;
	[tilespmem:$0x11000] =	vst v63  }
0x118: {  	_ = 	snop  }
0x119: {  	[tilespmem:s25], [sflag:$0x1] =	stream.indirect.gather [hbm4b:s9+s15], $0x10, s24, s15, $0xb8;
	[tilespmem:$0x11000] =	vst v63  }
0x11a: {  	_ = 	snop  }
0x11b: {  	[tilespmem:s28], [sflag:$0x1] =	stream.indirect.gather [hbm4b:s9+s15], $0x10, s26, s15, $0xb8;
	[tilespmem:$0x11000] =	vst v63  }
0x11c: {  	_ = 	snop  }
0x11d: {  	[tilespmem:s30], [sflag:$0x1] =	stream.indirect.gather [hbm4b:s9+s15], $0x10, s29, s15, $0xb8;
	[tilespmem:$0x11000] =	vst v63  }
0x11e: {  	_ =	swait.ge [sflag:s31], $0x800  }
0x11f: {  	[sflag:s31] =	ssyncset.done $0x0  }
0x120: {  	[sflag:s31] =	ssyncadd.s32 $0xFFFFF800  }
0x121: {  	_ =	swait.ge [sflag:s31], $0x800  }
0x122: {  	[sflag:s31] =	ssyncset.done $0x0  }
0x123: {  	[sflag:s31] =	ssyncadd.s32 $0xFFFFF800  }
0x124: {  	_ =	swait.ge [sflag:s31], $0x800  }
0x125: {  	[sflag:s31] =	ssyncset.done $0x0  }
0x126: {  	[sflag:s31] =	ssyncadd.s32 $0xFFFFF800  }
0x127: {  	_ =	swait.ge [sflag:s31], $0x800  }
0x128: {  	[sflag:s31] =	ssyncset.done $0x0  }
0x129: {  	[sflag:s31] =	ssyncadd.s32 $0xFFFFF800  }
0x12a: {  	_ =	swait.ge [sflag:s31], $0x800  }
0x12b: {  	[sflag:s31] =	ssyncset.done $0x0  }
0x12c: {  	[sflag:s31] =	ssyncadd.s32 $0xFFFFF800  }
0x12d: {  	_ =	swait.ge [sflag:s31], $0x800  }
0x12e: {  	[sflag:s31] =	ssyncset.done $0x0  }
0x12f: {  	[sflag:s31] =	ssyncadd.s32 $0xFFFFF800  }
0x130: {  	_ =	swait.ge [sflag:s31], $0x800  }
0x131: {  	[sflag:s31] =	ssyncset.done $0x0  }
0x132: {  	[sflag:s31] =	ssyncadd.s32 $0xFFFFF800  }
0x133: {  	_ =	swait.ge [sflag:s31], $0x800  }
0x134: {  	[sflag:s31] =	ssyncset.done $0x0  }
0x135: {  	[sflag:s31] =	ssyncadd.s32 $0xFFFFF800  }
0x136: {  	_ =	swait.ge [sflag:s31], $0x800  }
0x137: {  	[sflag:s31] =	ssyncset.done $0x0  }
0x138: {  	[sflag:s31] =	ssyncadd.s32 $0xFFFFF800  }
0x139: {  	_ =	swait.ge [sflag:s31], $0x800  }
0x13a: {  	[sflag:s31] =	ssyncset.done $0x0  }
0x13b: {  	[sflag:s31] =	ssyncadd.s32 $0xFFFFF800  }
0x13c: {  	_ =	swait.ge [sflag:s31], $0x800  }
0x13d: {  	[sflag:s31] =	ssyncset.done $0x0  }
0x13e: {  	[sflag:s31] =	ssyncadd.s32 $0xFFFFF800  }
0x13f: {  	_ =	swait.ge [sflag:s31], $0x800  }
0x140: {  	[sflag:s31] =	ssyncset.done $0x0  }
0x141: {  	[sflag:s31] =	ssyncadd.s32 $0xFFFFF800  }
0x142: {  	_ =	swait.ge [sflag:s31], $0x800  }
0x143: {  	[sflag:s31] =	ssyncset.done $0x0  }
0x144: {  	[sflag:s31] =	ssyncadd.s32 $0xFFFFF800  }
0x145: {  	_ =	swait.ge [sflag:s31], $0x800  }
0x146: {  	[sflag:s31] =	ssyncset.done $0x0  }
0x147: {  	[sflag:s31] =	ssyncadd.s32 $0xFFFFF800  }
0x148: {  	_ =	swait.ge [sflag:s31], $0x800  }
0x149: {  	[sflag:s31] =	ssyncset.done $0x0  }
0x14a: {  	[sflag:s31] =	ssyncadd.s32 $0xFFFFF800  }
0x14b: {  	_ =	swait.ge [sflag:s31], $0x800  }
0x14c: {  	[sflag:s31] =	ssyncset.done $0x0  }
0x14d: {  	[sflag:s31] =	ssyncadd.s32 $0xFFFFF800  }
0x14e: {  	_ =	swait.ge [sflag:s31], $0x800  }
0x14f: {  	[sflag:s31] =	ssyncset.done $0x0  }
0x150: {  	[sflag:s31] =	ssyncadd.s32 $0xFFFFF800  }
0x151: {  	_ =	swait.ge [sflag:s31], $0x800  }
0x152: {  	[sflag:s31] =	ssyncset.done $0x0  }
0x153: {  	[sflag:s31] =	ssyncadd.s32 $0xFFFFF800  }
0x154: {  	_ =	swait.ge [sflag:s31], $0x800  }
0x155: {  	[sflag:s31] =	ssyncset.done $0x0  }
0x156: {  	[sflag:s31] =	ssyncadd.s32 $0xFFFFF800  }
0x157: {  	_ =	swait.ge [sflag:s31], $0x800  }
0x158: {  	[sflag:s31] =	ssyncset.done $0x0  }
0x159: {  	[sflag:s31] =	ssyncadd.s32 $0xFFFFF800  }
0x15a: {  	_ =	swait.ge [sflag:s31], $0x800  }
0x15b: {  	[sflag:s31] =	ssyncset.done $0x0  }
0x15c: {  	[sflag:s31] =	ssyncadd.s32 $0xFFFFF800  }
0x15d: {  	_ =	swait.ge [sflag:s31], $0x800  }
0x15e: {  	[sflag:s31] =	ssyncset.done $0x0  }
0x15f: {  	[sflag:s31] =	ssyncadd.s32 $0xFFFFF800  }
0x160: {  	_ =	swait.ge [sflag:s31], $0x800  }
0x161: {  	[sflag:s31] =	ssyncset.done $0x0  }
0x162: {  	[sflag:s31] =	ssyncadd.s32 $0xFFFFF800  }
0x163: {  	_ =	swait.ge [sflag:s31], $0x800  }
0x164: {  	[sflag:s31] =	ssyncset.done $0x0  }
0x165: {  	[sflag:s31] =	ssyncadd.s32 $0xFFFFF800  }
0x166: {  	_ =	swait.ge [sflag:s31], $0x800  }
0x167: {  	[sflag:s31] =	ssyncset.done $0x0  }
0x168: {  	[sflag:s31] =	ssyncadd.s32 $0xFFFFF800  }
0x169: {  	_ =	swait.ge [sflag:s31], $0x800  }
0x16a: {  	[sflag:s31] =	ssyncset.done $0x0  }
0x16b: {  	[sflag:s31] =	ssyncadd.s32 $0xFFFFF800  }
0x16c: {  	_ =	swait.ge [sflag:s31], $0x800  }
0x16d: {  	[sflag:s31] =	ssyncset.done $0x0  }
0x16e: {  	[sflag:s31] =	ssyncadd.s32 $0xFFFFF800  }
0x16f: {  	_ =	swait.ge [sflag:s31], $0x800  }
0x170: {  	[sflag:s31] =	ssyncset.done $0x0  }
0x171: {  	[sflag:s31] =	ssyncadd.s32 $0xFFFFF800  }
0x172: {  	_ =	swait.ge [sflag:s31], $0x800  }
0x173: {  	[sflag:s31] =	ssyncset.done $0x0  }
0x174: {  	[sflag:s31] =	ssyncadd.s32 $0xFFFFF800  }
0x175: {  	_ =	swait.ge [sflag:s31], $0x800  }
0x176: {  	[sflag:s31] =	ssyncset.done $0x0  }
0x177: {  	[sflag:s31] =	ssyncadd.s32 $0xFFFFF800  }
0x178: {  	_ =	swait.ge [sflag:s31], $0x800  }
0x179: {  	[sflag:s31] =	ssyncset.done $0x0  }
0x17a: {  	[sflag:s31] =	ssyncadd.s32 $0xFFFFF800  }
0x17b: {  	_ =	swait.ge [sflag:s31], $0x800  }
0x17c: {  	s10 =	sshll.u32 s1, $0xD;
	[sflag:s31] =	ssyncset.done $0x0;
	s12 =	rddreg [dreg:$0x7]  }
.Ltmp8:
0x17d: {  	[sflag:s31] =	ssyncadd.s32 $0xFFFFF800;
	s1 =	sadd.s32 s12, s10;
	(pc) =	sbr.rel .LBB2_7-.Ltmp8, $4  }
0x17e: {  	[hbm4b:s1+s5] =	stream.linear.scatter [tilespmem:s16], [sflag:$0x2], $0x10000, $0x38;
	[tilespmem:$0x11000] =	vst v63  }
0x17f: {  	_ =	swait.ge [sflag:s3], $0x10000  }
0x180: {  	[sflag:s3] =	ssyncset.done $0x0  }
0x181: {  	[sflag:s3] =	ssyncadd.s32 $0xFFFF0000  }
.LBB2_8:
.Ltmp9:
0x182: {  	(pc) =	sbr.rel @p0 .LBB2_10-.Ltmp9, $2  }
0x183: {  	_ =	sdelay $0x2  }
0x184: {  	s10 =	rddreg [dreg:$0xc]  }
0x185: {  	s1 =	rddreg [dreg:$0x8]  }
0x186: {  	[tilespmem:s5], [sflag:$0x2] =	stream.linear.gather [hbm4b:s1+s5], $0x1000, $0x38;
	[tilespmem:$0x11000] =	vst v63  }
0x187: {  	_ =	swait.ge [sflag:s3], $0x1000  }
0x188: {  	[sflag:s3] =	ssyncset.done $0x0  }
0x189: {  	s1 =	rddreg [dreg:$0x9];
	[sflag:s3] =	ssyncadd.s32 $0xFFFFF000  }
0x18a: {  	[tilespmem:s16], [sflag:$0x1] =	stream.indirect.gather [hbm4b:s1+s15], $0x10, s5, s15, $0xb8;
	[tilespmem:$0x11000] =	vst v63  }
0x18b: {  	s10 =	simm.s32 $0x1800  }
0x18c: {  	[tilespmem:s10], [sflag:$0x1] =	stream.indirect.gather [hbm4b:s1+s15], $0x10, s15, s15, $0xb8;
	[tilespmem:$0x11000] =	vst v63  }
0x18d: {  	s12 =	simm.s32 $0x2000;
	s10 =	simm.s32 $0x100  }
0x18e: {  	[tilespmem:s12], [sflag:$0x1] =	stream.indirect.gather [hbm4b:s1+s15], $0x10, s10, s15, $0xb8;
	[tilespmem:$0x11000] =	vst v63  }
0x18f: {  	s10 =	simm.s32 $0x180;
	s12 =	simm.s32 $0x2800  }
0x190: {  	[tilespmem:s12], [sflag:$0x1] =	stream.indirect.gather [hbm4b:s1+s15], $0x10, s10, s15, $0xb8;
	[tilespmem:$0x11000] =	vst v63  }
0x191: {  	s10 =	simm.s32 $0x200;
	s12 =	simm.s32 $0x3000  }
0x192: {  	[tilespmem:s12], [sflag:$0x1] =	stream.indirect.gather [hbm4b:s1+s15], $0x10, s10, s15, $0xb8;
	[tilespmem:$0x11000] =	vst v63  }
0x193: {  	s10 =	simm.s32 $0x280;
	s12 =	simm.s32 $0x3800  }
0x194: {  	[tilespmem:s12], [sflag:$0x1] =	stream.indirect.gather [hbm4b:s1+s15], $0x10, s10, s15, $0xb8;
	[tilespmem:$0x11000] =	vst v63  }
0x195: {  	s10 =	simm.s32 $0x300;
	s12 =	simm.s32 $0x4000  }
0x196: {  	[tilespmem:s12], [sflag:$0x1] =	stream.indirect.gather [hbm4b:s1+s15], $0x10, s10, s15, $0xb8;
	[tilespmem:$0x11000] =	vst v63  }
0x197: {  	s10 =	simm.s32 $0x380;
	s12 =	simm.s32 $0x4800  }
0x198: {  	[tilespmem:s12], [sflag:$0x1] =	stream.indirect.gather [hbm4b:s1+s15], $0x10, s10, s15, $0xb8;
	[tilespmem:$0x11000] =	vst v63  }
0x199: {  	s10 =	simm.s32 $0x400;
	s12 =	simm.s32 $0x5000  }
0x19a: {  	[tilespmem:s12], [sflag:$0x1] =	stream.indirect.gather [hbm4b:s1+s15], $0x10, s10, s15, $0xb8;
	[tilespmem:$0x11000] =	vst v63  }
0x19b: {  	s10 =	simm.s32 $0x480;
	s12 =	simm.s32 $0x5800  }
0x19c: {  	[tilespmem:s12], [sflag:$0x1] =	stream.indirect.gather [hbm4b:s1+s15], $0x10, s10, s15, $0xb8;
	[tilespmem:$0x11000] =	vst v63  }
0x19d: {  	s10 =	simm.s32 $0x500;
	s12 =	simm.s32 $0x6000  }
0x19e: {  	[tilespmem:s12], [sflag:$0x1] =	stream.indirect.gather [hbm4b:s1+s15], $0x10, s10, s15, $0xb8;
	[tilespmem:$0x11000] =	vst v63  }
0x19f: {  	s10 =	simm.s32 $0x580;
	s12 =	simm.s32 $0x6800  }
0x1a0: {  	[tilespmem:s12], [sflag:$0x1] =	stream.indirect.gather [hbm4b:s1+s15], $0x10, s10, s15, $0xb8;
	[tilespmem:$0x11000] =	vst v63  }
0x1a1: {  	s10 =	simm.s32 $0x600;
	s12 =	simm.s32 $0x7000  }
0x1a2: {  	[tilespmem:s12], [sflag:$0x1] =	stream.indirect.gather [hbm4b:s1+s15], $0x10, s10, s15, $0xb8;
	[tilespmem:$0x11000] =	vst v63  }
0x1a3: {  	s10 =	simm.s32 $0x680;
	s12 =	simm.s32 $0x7800  }
0x1a4: {  	[tilespmem:s12], [sflag:$0x1] =	stream.indirect.gather [hbm4b:s1+s15], $0x10, s10, s15, $0xb8;
	[tilespmem:$0x11000] =	vst v63  }
0x1a5: {  	s10 =	simm.s32 $0x700;
	s12 =	simm.s32 $0x8000  }
0x1a6: {  	[tilespmem:s12], [sflag:$0x1] =	stream.indirect.gather [hbm4b:s1+s15], $0x10, s10, s15, $0xb8;
	[tilespmem:$0x11000] =	vst v63  }
0x1a7: {  	s10 =	simm.s32 $0x780;
	s12 =	simm.s32 $0x8800  }
0x1a8: {  	[tilespmem:s12], [sflag:$0x1] =	stream.indirect.gather [hbm4b:s1+s15], $0x10, s10, s15, $0xb8;
	[tilespmem:$0x11000] =	vst v63  }
0x1a9: {  	s10 =	simm.s32 $0x800;
	s12 =	simm.s32 $0x9000  }
0x1aa: {  	[tilespmem:s12], [sflag:$0x1] =	stream.indirect.gather [hbm4b:s1+s15], $0x10, s10, s15, $0xb8;
	[tilespmem:$0x11000] =	vst v63  }
0x1ab: {  	s10 =	simm.s32 $0x880;
	s12 =	simm.s32 $0x9800  }
0x1ac: {  	[tilespmem:s12], [sflag:$0x1] =	stream.indirect.gather [hbm4b:s1+s15], $0x10, s10, s15, $0xb8;
	[tilespmem:$0x11000] =	vst v63  }
0x1ad: {  	s10 =	simm.s32 $0x900;
	s12 =	simm.s32 $0xA000  }
0x1ae: {  	[tilespmem:s12], [sflag:$0x1] =	stream.indirect.gather [hbm4b:s1+s15], $0x10, s10, s15, $0xb8;
	[tilespmem:$0x11000] =	vst v63  }
0x1af: {  	s10 =	simm.s32 $0x980;
	s12 =	simm.s32 $0xA800  }
0x1b0: {  	[tilespmem:s12], [sflag:$0x1] =	stream.indirect.gather [hbm4b:s1+s15], $0x10, s10, s15, $0xb8;
	[tilespmem:$0x11000] =	vst v63  }
0x1b1: {  	s10 =	simm.s32 $0xA00;
	s12 =	simm.s32 $0xB000  }
0x1b2: {  	[tilespmem:s12], [sflag:$0x1] =	stream.indirect.gather [hbm4b:s1+s15], $0x10, s10, s15, $0xb8;
	[tilespmem:$0x11000] =	vst v63  }
0x1b3: {  	s10 =	simm.s32 $0xA80;
	s12 =	simm.s32 $0xB800  }
0x1b4: {  	[tilespmem:s12], [sflag:$0x1] =	stream.indirect.gather [hbm4b:s1+s15], $0x10, s10, s15, $0xb8;
	[tilespmem:$0x11000] =	vst v63  }
0x1b5: {  	s12 =	simm.s32 $0xB00  }
0x1b6: {  	[tilespmem:s13], [sflag:$0x1] =	stream.indirect.gather [hbm4b:s1+s15], $0x10, s12, s15, $0xb8;
	[tilespmem:$0x11000] =	vst v63  }
0x1b7: {  	_ = 	snop  }
0x1b8: {  	[tilespmem:s2], [sflag:$0x1] =	stream.indirect.gather [hbm4b:s1+s15], $0x10, s0, s15, $0xb8;
	[tilespmem:$0x11000] =	vst v63  }
0x1b9: {  	_ = 	snop  }
0x1ba: {  	[tilespmem:s8], [sflag:$0x1] =	stream.indirect.gather [hbm4b:s1+s15], $0x10, s4, s15, $0xb8;
	[tilespmem:$0x11000] =	vst v63  }
0x1bb: {  	_ = 	snop  }
0x1bc: {  	[tilespmem:s17], [sflag:$0x1] =	stream.indirect.gather [hbm4b:s1+s15], $0x10, s11, s15, $0xb8;
	[tilespmem:$0x11000] =	vst v63  }
0x1bd: {  	_ = 	snop  }
0x1be: {  	[tilespmem:s19], [sflag:$0x1] =	stream.indirect.gather [hbm4b:s1+s15], $0x10, s18, s15, $0xb8;
	[tilespmem:$0x11000] =	vst v63  }
0x1bf: {  	_ = 	snop  }
0x1c0: {  	[tilespmem:s21], [sflag:$0x1] =	stream.indirect.gather [hbm4b:s1+s15], $0x10, s20, s15, $0xb8;
	[tilespmem:$0x11000] =	vst v63  }
0x1c1: {  	_ = 	snop  }
0x1c2: {  	[tilespmem:s23], [sflag:$0x1] =	stream.indirect.gather [hbm4b:s1+s15], $0x10, s22, s15, $0xb8;
	[tilespmem:$0x11000] =	vst v63  }
0x1c3: {  	_ = 	snop  }
0x1c4: {  	[tilespmem:s25], [sflag:$0x1] =	stream.indirect.gather [hbm4b:s1+s15], $0x10, s24, s15, $0xb8;
	[tilespmem:$0x11000] =	vst v63  }
0x1c5: {  	_ = 	snop  }
0x1c6: {  	[tilespmem:s28], [sflag:$0x1] =	stream.indirect.gather [hbm4b:s1+s15], $0x10, s26, s15, $0xb8;
	[tilespmem:$0x11000] =	vst v63  }
0x1c7: {  	_ = 	snop  }
0x1c8: {  	[tilespmem:s30], [sflag:$0x1] =	stream.indirect.gather [hbm4b:s1+s15], $0x10, s29, s15, $0xb8;
	[tilespmem:$0x11000] =	vst v63  }
0x1c9: {  	s10 =	rddreg [dreg:$0xc];
	_ =	swait.ge [sflag:s31], $0x800  }
0x1ca: {  	[sflag:s31] =	ssyncset.done $0x0  }
0x1cb: {  	[sflag:s31] =	ssyncadd.s32 $0xFFFFF800  }
0x1cc: {  	_ =	swait.ge [sflag:s31], $0x800  }
0x1cd: {  	[sflag:s31] =	ssyncset.done $0x0  }
0x1ce: {  	[sflag:s31] =	ssyncadd.s32 $0xFFFFF800  }
0x1cf: {  	_ =	swait.ge [sflag:s31], $0x800  }
0x1d0: {  	[sflag:s31] =	ssyncset.done $0x0  }
0x1d1: {  	[sflag:s31] =	ssyncadd.s32 $0xFFFFF800  }
0x1d2: {  	_ =	swait.ge [sflag:s31], $0x800  }
0x1d3: {  	[sflag:s31] =	ssyncset.done $0x0  }
0x1d4: {  	[sflag:s31] =	ssyncadd.s32 $0xFFFFF800  }
0x1d5: {  	_ =	swait.ge [sflag:s31], $0x800  }
0x1d6: {  	[sflag:s31] =	ssyncset.done $0x0  }
0x1d7: {  	[sflag:s31] =	ssyncadd.s32 $0xFFFFF800  }
0x1d8: {  	_ =	swait.ge [sflag:s31], $0x800  }
0x1d9: {  	[sflag:s31] =	ssyncset.done $0x0  }
0x1da: {  	[sflag:s31] =	ssyncadd.s32 $0xFFFFF800  }
0x1db: {  	_ =	swait.ge [sflag:s31], $0x800  }
0x1dc: {  	[sflag:s31] =	ssyncset.done $0x0  }
0x1dd: {  	[sflag:s31] =	ssyncadd.s32 $0xFFFFF800  }
0x1de: {  	_ =	swait.ge [sflag:s31], $0x800  }
0x1df: {  	[sflag:s31] =	ssyncset.done $0x0  }
0x1e0: {  	[sflag:s31] =	ssyncadd.s32 $0xFFFFF800  }
0x1e1: {  	_ =	swait.ge [sflag:s31], $0x800  }
0x1e2: {  	[sflag:s31] =	ssyncset.done $0x0  }
0x1e3: {  	[sflag:s31] =	ssyncadd.s32 $0xFFFFF800  }
0x1e4: {  	_ =	swait.ge [sflag:s31], $0x800  }
0x1e5: {  	[sflag:s31] =	ssyncset.done $0x0  }
0x1e6: {  	[sflag:s31] =	ssyncadd.s32 $0xFFFFF800  }
0x1e7: {  	_ =	swait.ge [sflag:s31], $0x800  }
0x1e8: {  	[sflag:s31] =	ssyncset.done $0x0  }
0x1e9: {  	[sflag:s31] =	ssyncadd.s32 $0xFFFFF800  }
0x1ea: {  	_ =	swait.ge [sflag:s31], $0x800  }
0x1eb: {  	[sflag:s31] =	ssyncset.done $0x0  }
0x1ec: {  	[sflag:s31] =	ssyncadd.s32 $0xFFFFF800  }
0x1ed: {  	_ =	swait.ge [sflag:s31], $0x800  }
0x1ee: {  	[sflag:s31] =	ssyncset.done $0x0  }
0x1ef: {  	[sflag:s31] =	ssyncadd.s32 $0xFFFFF800  }
0x1f0: {  	_ =	swait.ge [sflag:s31], $0x800  }
0x1f1: {  	[sflag:s31] =	ssyncset.done $0x0  }
0x1f2: {  	[sflag:s31] =	ssyncadd.s32 $0xFFFFF800  }
0x1f3: {  	_ =	swait.ge [sflag:s31], $0x800  }
0x1f4: {  	[sflag:s31] =	ssyncset.done $0x0  }
0x1f5: {  	[sflag:s31] =	ssyncadd.s32 $0xFFFFF800  }
0x1f6: {  	_ =	swait.ge [sflag:s31], $0x800  }
0x1f7: {  	[sflag:s31] =	ssyncset.done $0x0  }
0x1f8: {  	[sflag:s31] =	ssyncadd.s32 $0xFFFFF800  }
0x1f9: {  	_ =	swait.ge [sflag:s31], $0x800  }
0x1fa: {  	[sflag:s31] =	ssyncset.done $0x0  }
0x1fb: {  	[sflag:s31] =	ssyncadd.s32 $0xFFFFF800  }
0x1fc: {  	_ =	swait.ge [sflag:s31], $0x800  }
0x1fd: {  	[sflag:s31] =	ssyncset.done $0x0  }
0x1fe: {  	[sflag:s31] =	ssyncadd.s32 $0xFFFFF800  }
0x1ff: {  	_ =	swait.ge [sflag:s31], $0x800  }
0x200: {  	[sflag:s31] =	ssyncset.done $0x0  }
0x201: {  	[sflag:s31] =	ssyncadd.s32 $0xFFFFF800  }
0x202: {  	_ =	swait.ge [sflag:s31], $0x800  }
0x203: {  	[sflag:s31] =	ssyncset.done $0x0  }
0x204: {  	[sflag:s31] =	ssyncadd.s32 $0xFFFFF800  }
0x205: {  	_ =	swait.ge [sflag:s31], $0x800  }
0x206: {  	[sflag:s31] =	ssyncset.done $0x0  }
0x207: {  	[sflag:s31] =	ssyncadd.s32 $0xFFFFF800  }
0x208: {  	_ =	swait.ge [sflag:s31], $0x800  }
0x209: {  	[sflag:s31] =	ssyncset.done $0x0  }
0x20a: {  	[sflag:s31] =	ssyncadd.s32 $0xFFFFF800  }
0x20b: {  	_ =	swait.ge [sflag:s31], $0x800  }
0x20c: {  	[sflag:s31] =	ssyncset.done $0x0  }
0x20d: {  	[sflag:s31] =	ssyncadd.s32 $0xFFFFF800  }
0x20e: {  	_ =	swait.ge [sflag:s31], $0x800  }
0x20f: {  	[sflag:s31] =	ssyncset.done $0x0  }
0x210: {  	[sflag:s31] =	ssyncadd.s32 $0xFFFFF800  }
0x211: {  	_ =	swait.ge [sflag:s31], $0x800  }
0x212: {  	[sflag:s31] =	ssyncset.done $0x0  }
0x213: {  	[sflag:s31] =	ssyncadd.s32 $0xFFFFF800  }
0x214: {  	_ =	swait.ge [sflag:s31], $0x800  }
0x215: {  	[sflag:s31] =	ssyncset.done $0x0  }
0x216: {  	[sflag:s31] =	ssyncadd.s32 $0xFFFFF800  }
0x217: {  	_ =	swait.ge [sflag:s31], $0x800  }
0x218: {  	[sflag:s31] =	ssyncset.done $0x0  }
0x219: {  	[sflag:s31] =	ssyncadd.s32 $0xFFFFF800  }
0x21a: {  	_ =	swait.ge [sflag:s31], $0x800  }
0x21b: {  	[sflag:s31] =	ssyncset.done $0x0  }
0x21c: {  	[sflag:s31] =	ssyncadd.s32 $0xFFFFF800  }
0x21d: {  	_ =	swait.ge [sflag:s31], $0x800  }
0x21e: {  	[sflag:s31] =	ssyncset.done $0x0  }
0x21f: {  	[sflag:s31] =	ssyncadd.s32 $0xFFFFF800  }
0x220: {  	_ =	swait.ge [sflag:s31], $0x800  }
0x221: {  	[sflag:s31] =	ssyncset.done $0x0  }
0x222: {  	[sflag:s31] =	ssyncadd.s32 $0xFFFFF800  }
0x223: {  	_ =	swait.ge [sflag:s31], $0x800  }
0x224: {  	[sflag:s31] =	ssyncset.done $0x0  }
0x225: {  	[sflag:s31] =	ssyncadd.s32 $0xFFFFF800  }
0x226: {  	_ =	swait.ge [sflag:s31], $0x800  }
0x227: {  	[sflag:s31] =	ssyncset.done $0x0  }
.Ltmp10:
0x228: {  	s12 =	rddreg [dreg:$0xa];
	[sflag:s31] =	ssyncadd.s32 $0xFFFFF800;
	(pc) =	sbr.rel .LBB2_10-.Ltmp10, $4  }
0x229: {  	[hbm4b:s12+s5] =	stream.linear.scatter [tilespmem:s16], [sflag:$0x2], $0x10000, $0x38;
	[tilespmem:$0x11000] =	vst v63  }
0x22a: {  	_ =	swait.ge [sflag:s3], $0x10000  }
0x22b: {  	[sflag:s3] =	ssyncset.done $0x0  }
0x22c: {  	[sflag:s3] =	ssyncadd.s32 $0xFFFF0000  }
.LBB2_11:
0x22d: {  	_ =	sfence.sel $0x180000  }
0x22e: {  	[bflag:$0x0] =	sbarrier.arrive $0xFFFF  }
0x22f: {  	_ =	strace $0x90000047  }
0x230: {  	s0 =	stileid.u32;
	[bflag:$0x2] =	sbarrier.arrive $0xFFFF  }
0x231: {  	p0 =	sne.s32 s0, $0x0;
	s0 =	rddreg [dreg:$0x6]  }
0x232: {  	s0 =	sadd.s32 @!p0 $0x100000, s0  }
0x233: {  	[sflag:s0] =	ssyncadd.tile.s32 @!p0 $0x1;
	_ =	shalt  }
.Lfunc_end2:
_tile_overlayer_lowered:
.L_overlay_start_2:
0x234: {  	(tag) =	ssettag $0x2  }
0x235: {  	s0 =	rddreg [dreg:$0x0];
	s2 =	stileid.u32  }
0x236: {  	s1 =	rddreg [dreg:$0x1];
	p0 =	sne.s32 s2, $0x0  }
0x237: {  	s3 =	rddreg [dreg:$0x2];
	[bflag:$0x3] =	sbarrier.arrive $0xFFFF;
	s2 =	simm.s32 @!p0 $0x1C02  }
0x238: {  	[timem:s3], [sflag:s2] =	dma.local @!p0 [hbm:s0], s1  }
0x239: {  	s0 =	simm.s32 @!p0 $0x2  }
0x23a: {  	_ =	swait.ge @!p0 [sflag:s0], s1  }
0x23b: {  	s1 =	ssub.s32 @!p0 $0x0, s1;
	[sflag:s0] =	ssyncset.done @!p0 $0x0  }
0x23c: {  	[sflag:s0] =	ssyncadd.s32 @!p0 s1  }
0x23d: {  	[bflag:$0x3] =	sbarrier.arrive $0xFFFF  }
0x23e: {  	_ =	shalt  }

</sc_bundles>
